<compile_context>
chip_gen: v7x
topology: tpu7x:2x2x1
jax: 0.10.2.dev20260603
libtpu: 0.0.44.dev20260713+nightly
codegen_flags: <defaults>
</compile_context>

<pallas_src>
import jax
import jax.numpy as jnp
from jax import lax
from jax.experimental import pallas as pl
from jax.experimental.pallas import tpu as pltpu
from jax.experimental.pallas import tpu_sc as plsc

N_NODES = 10000
N_EDGES = 320000
PD = 128
HD = PD // 2
DE = 16

NC = 2
NS = 16
NW = NC * NS

CHUNK = 80
NB = 5

E_PER_TILE = N_EDGES // NS
N_CHUNKS = E_PER_TILE // CHUNK
NG = N_CHUNKS // NB
assert N_CHUNKS % NB == 0 and NG % 2 == 0

EB_PER_TILE = N_EDGES // NW
NB_CHUNKS = EB_PER_TILE // CHUNK
NGB = NB_CHUNKS // NB
assert NB_CHUNKS % NB == 0

NP = 10000
ROWS_PER_TILE = NP // NS
ROW_CHUNK = 125
N_ROW_CHUNKS = ROWS_PER_TILE // ROW_CHUNK


def _emb_body(embr_hbm, src_hbm, dst_hbm, o_emb_hbm, *scr):
    rows = scr[0:NB]
    ixs0, ixd0, ixs1, ixd1, ixt0, ixt1, obuf, acc_emb = scr[NB:NB + 8]
    gsem = scr[NB + 8:NB + 8 + NB]
    isem0, isem1 = scr[NB + 8 + NB:NB + 8 + NB + 2]

    cid = lax.axis_index("c")
    sid = lax.axis_index("s")

    def zero_row(i, carry):
        for v in range(HD // 16):
            obuf[i, pl.ds(v * 16, 16)] = jnp.zeros((16,), jnp.float32)
        return carry

    lax.fori_loop(0, ROW_CHUNK, zero_row, 0)
    r0 = sid * ROWS_PER_TILE
    for rc in range(N_ROW_CHUNKS):
        pltpu.sync_copy(obuf, acc_emb.at[pl.ds(r0 + rc * ROW_CHUNK, ROW_CHUNK), :])
    plsc.subcore_barrier()

    def transform(ixs, ixt):
        for k in range(NB):
            for v in range(CHUNK // 16):
                s = ixs[k, pl.ds(v * 16, 16)]
                ixt[k, pl.ds(v * 16, 16)] = s * 2 + cid

    def gather_start(ixt, k):
        pltpu.async_copy(embr_hbm.at[ixt.at[k]], rows[k], gsem[k])

    def gather_wait(k):
        pltpu.make_async_copy(embr_hbm.at[pl.ds(0, CHUNK), :], rows[k], gsem[k]).wait()

    def idx_load_start(ixs, ixd, g, sem):
        pltpu.async_copy(src_hbm.at[sid, g], ixs, sem)
        pltpu.async_copy(dst_hbm.at[sid, g], ixd, sem)

    def idx_load_wait(ixs, ixd, sem):
        pltpu.make_async_copy(src_hbm.at[sid, 0], ixs, sem).wait()
        pltpu.make_async_copy(dst_hbm.at[sid, 0], ixd, sem).wait()

    def process_group(ixd, ixt_n, gather_next):
        for k in range(NB):
            gather_wait(k)
            pltpu.sync_copy(rows[k], acc_emb.at[ixd.at[k]], add=True)

            @pl.when(gather_next)
            def _(k=k):
                gather_start(ixt_n, k)

    pltpu.sync_copy(src_hbm.at[sid, 0], ixs0)
    pltpu.sync_copy(dst_hbm.at[sid, 0], ixd0)
    idx_load_start(ixs1, ixd1, 1, isem1)
    transform(ixs0, ixt0)
    for k in range(NB):
        gather_start(ixt0, k)

    def body(t, carry):
        ga = 2 * t
        idx_load_wait(ixs1, ixd1, isem1)
        transform(ixs1, ixt1)
        process_group(ixd0, ixt1, True)

        @pl.when(ga + 2 < NG)
        def _():
            idx_load_start(ixs0, ixd0, ga + 2, isem0)
            idx_load_wait(ixs0, ixd0, isem0)
            transform(ixs0, ixt0)

        process_group(ixd1, ixt0, ga + 2 < NG)

        @pl.when(ga + 3 < NG)
        def _():
            idx_load_start(ixs1, ixd1, ga + 3, isem1)

        return carry

    lax.fori_loop(0, NG // 2, body, 0)
    plsc.subcore_barrier()

    for rc in range(N_ROW_CHUNKS):
        rr = r0 + rc * ROW_CHUNK
        pltpu.sync_copy(acc_emb.at[pl.ds(rr, ROW_CHUNK), :], obuf)
        pltpu.sync_copy(obuf, o_emb_hbm.at[cid, pl.ds(rr, ROW_CHUNK), :])


_emb_scatter = pl.kernel(
    _emb_body,
    out_type=jax.ShapeDtypeStruct((NC, NP, HD), jnp.float32),
    mesh=plsc.VectorSubcoreMesh(core_axis_name="c", subcore_axis_name="s"),
    scratch_types=(
        [pltpu.VMEM((CHUNK, HD), jnp.float32) for _ in range(NB)]
        + [pltpu.VMEM((NB, CHUNK), jnp.int32) for _ in range(6)]
        + [
            pltpu.VMEM((ROW_CHUNK, HD), jnp.float32),
            pltpu.VMEM_SHARED((NP, HD), jnp.float32),
        ]
        + [pltpu.SemaphoreType.DMA for _ in range(NB + 2)]
    ),
    compiler_params=pltpu.CompilerParams(use_tc_tiling_on_sc=False),
)


def _ef_body(ef_hbm, dstb_hbm, o_ef_hbm, *scr):
    efr = scr[0:NB]
    ixd0, ixd1, oebuf, acc_ef = scr[NB:NB + 4]
    esem = scr[NB + 4:NB + 4 + NB]
    isem0, isem1 = scr[NB + 4 + NB:NB + 4 + NB + 2]

    cid = lax.axis_index("c")
    sid = lax.axis_index("s")
    wid = cid * NS + sid

    def zero_row(i, carry):
        oebuf[i, pl.ds(0, 16)] = jnp.zeros((16,), jnp.float32)
        return carry

    lax.fori_loop(0, ROW_CHUNK, zero_row, 0)
    r0 = sid * ROWS_PER_TILE
    for rc in range(N_ROW_CHUNKS):
        pltpu.sync_copy(oebuf, acc_ef.at[pl.ds(r0 + rc * ROW_CHUNK, ROW_CHUNK), :])
    plsc.subcore_barrier()

    base0 = wid * EB_PER_TILE

    def ef_load_start(j, k):
        base = base0 + j * CHUNK
        pltpu.async_copy(ef_hbm.at[pl.ds(base, CHUNK), :], efr[k], esem[k])

    def ef_load_wait(k):
        pltpu.make_async_copy(ef_hbm.at[pl.ds(0, CHUNK), :], efr[k], esem[k]).wait()

    def idx_load_start(ixd, g, sem):
        pltpu.async_copy(dstb_hbm.at[wid, g], ixd, sem)

    def idx_load_wait(ixd, sem):
        pltpu.make_async_copy(dstb_hbm.at[wid, 0], ixd, sem).wait()

    def process_group(g, ixd, load_next):
        for k in range(NB):
            ef_load_wait(k)
            pltpu.sync_copy(efr[k], acc_ef.at[ixd.at[k]], add=True)

            @pl.when(load_next)
            def _(g=g, k=k):
                ef_load_start((g + 1) * NB + k, k)

    pltpu.sync_copy(dstb_hbm.at[wid, 0], ixd0)
    idx_load_start(ixd1, 1, isem1)
    for k in range(NB):
        ef_load_start(k, k)

    def body(t, carry):
        ga = 2 * t
        idx_load_wait(ixd1, isem1)
        process_group(ga, ixd0, True)

        @pl.when(ga + 2 < NGB)
        def _():
            idx_load_start(ixd0, ga + 2, isem0)
            idx_load_wait(ixd0, isem0)

        process_group(ga + 1, ixd1, ga + 2 < NGB)

        @pl.when(ga + 3 < NGB)
        def _():
            idx_load_start(ixd1, ga + 3, isem1)

        return carry

    lax.fori_loop(0, NGB // 2, body, 0)
    process_group(NGB - 1, ixd0, False)
    plsc.subcore_barrier()

    for rc in range(N_ROW_CHUNKS):
        rr = r0 + rc * ROW_CHUNK
        pltpu.sync_copy(acc_ef.at[pl.ds(rr, ROW_CHUNK), :], oebuf)
        pltpu.sync_copy(oebuf, o_ef_hbm.at[cid, pl.ds(rr, ROW_CHUNK), :])


_ef_scatter = pl.kernel(
    _ef_body,
    out_type=jax.ShapeDtypeStruct((NC, NP, DE), jnp.float32),
    mesh=plsc.VectorSubcoreMesh(core_axis_name="c", subcore_axis_name="s"),
    scratch_types=(
        [pltpu.VMEM((CHUNK, DE), jnp.float32) for _ in range(NB)]
        + [
            pltpu.VMEM((NB, CHUNK), jnp.int32),
            pltpu.VMEM((NB, CHUNK), jnp.int32),
            pltpu.VMEM((ROW_CHUNK, DE), jnp.float32),
            pltpu.VMEM_SHARED((NP, DE), jnp.float32),
        ]
        + [pltpu.SemaphoreType.DMA for _ in range(NB + 2)]
    ),
    compiler_params=pltpu.CompilerParams(use_tc_tiling_on_sc=False),
)


def _combine_body(pe_ref, pf_ref, w_ref, out_ref):
    emb = jnp.concatenate([pe_ref[0], pe_ref[1]], axis=1) * w_ref[0]
    out_ref[...] = jnp.concatenate([emb, pf_ref[0] + pf_ref[1]], axis=1)


_ROWS_BLK = 2000


def _combine(o_emb, o_ef, weight):
    return pl.pallas_call(
        _combine_body,
        out_shape=jax.ShapeDtypeStruct((N_NODES, PD + DE), jnp.float32),
        grid=(N_NODES // _ROWS_BLK,),
        in_specs=[
            pl.BlockSpec((NC, _ROWS_BLK, HD), lambda i: (0, i, 0)),
            pl.BlockSpec((NC, _ROWS_BLK, DE), lambda i: (0, i, 0)),
            pl.BlockSpec((1, PD), lambda i: (0, 0)),
        ],
        out_specs=pl.BlockSpec((_ROWS_BLK, PD + DE), lambda i: (i, 0)),
    )(o_emb, o_ef, weight)


def kernel(graph_embedding, edge_index, e_feat, weight, hetero_prompt):
    src32 = edge_index[0].astype(jnp.int32)
    dst32 = edge_index[1].astype(jnp.int32)
    src = src32.reshape(NS, NG, NB, CHUNK)
    dst = dst32.reshape(NS, NG, NB, CHUNK)
    dstb = dst32.reshape(NW, NGB, NB, CHUNK)
    embr = graph_embedding.reshape(2 * N_NODES, HD)
    o_emb = _emb_scatter(embr, src, dst)
    o_emb, dstb = lax.optimization_barrier((o_emb, dstb))
    o_ef = _ef_scatter(e_feat, dstb)
    return _combine(o_emb, o_ef, weight)

# --- scband reference (transcript-rebuilt; emitter-appended) ---
"""Pipeline reference for scband-hnode-prompt-layer-feature-cat-edge-21534966022316 (READ-ONLY COPY).

The authoritative reference and input builder live on the scoring server;
editing this copy changes nothing except your own understanding.
"""

import jax, jax.numpy as jnp
import numpy as np

N_NODES = 10000
N_EDGES = 320000
PROMPT_DIM = 128
HETERO_DIM = 16
D_EDGE = 16


def _xavier_uniform(key, shape):
    fan_in, fan_out = shape[1], shape[0]
    a = float(np.sqrt(6.0 / (fan_in + fan_out)))
    return jax.random.uniform(key, shape, dtype=jnp.float32, minval=-a, maxval=a)


def setup_inputs(seed: int = 0) -> dict:
    key = jax.random.key(seed)
    k1, k2, k3, k4, k5 = jax.random.split(key, 5)
    graph_embedding = jax.random.normal(k1, (N_NODES, PROMPT_DIM), dtype=jnp.float32)
    edge_index = jax.random.randint(k2, (2, N_EDGES), 0, N_NODES, dtype=jnp.int64)
    e_feat = jax.random.normal(k3, (N_EDGES, D_EDGE), dtype=jnp.float32)
    weight = _xavier_uniform(k4, (1, PROMPT_DIM))
    hetero_prompt = _xavier_uniform(k5, (1, HETERO_DIM))
    return {
        "graph_embedding": graph_embedding,
        "edge_index": edge_index,
        "e_feat": e_feat,
        "weight": weight,
        "hetero_prompt": hetero_prompt,
    }


def reference(graph_embedding, edge_index, e_feat, weight, hetero_prompt):
    # graph.srcdata['ft'] = graph_embedding
    # graph.edata['p'] = broadcast(weight, (E, prompt_dim))
    # graph.edata['hp'] = broadcast(hetero_prompt, (E, hetero_dim))  # unused in message
    # message m = cat(src_ft * p, e), then sum over incoming edges per dst node
    src = edge_index[0]
    dst = edge_index[1]
    ft_src = jnp.take(graph_embedding, src, axis=0)          # [E, prompt_dim] gather
    p = jnp.broadcast_to(weight, (ft_src.shape[0], weight.shape[1]))
    m = jnp.concatenate([ft_src * p, e_feat], axis=1)        # [E, prompt_dim + d_edge]
    res = jax.ops.segment_sum(m, dst, num_segments=N_NODES)  # scatter-add to dst nodes
    return res

if __name__ == "__main__":
    import jax
    _d = setup_inputs()
    print(jax.jit(kernel)(*tuple(_d.values())))

</pallas_src>

<mosaic_0001>
#map = affine_map<(d0, d1) -> (0, 0)>
#map1 = affine_map<(d0, d1) -> (0, 0, 0, 0)>
#map2 = affine_map<(d0, d1) -> (0, 0, 0)>
module attributes {stable_mosaic.version = 14 : i64} {
  func.func @_emb_body(%arg0: i32, %arg1: i32, %arg2: memref<20000x64xf32, #tpu.memory_space<hbm>>, %arg3: memref<16x50x5x80xi32, #tpu.memory_space<hbm>>, %arg4: memref<16x50x5x80xi32, #tpu.memory_space<hbm>>, %arg5: memref<2x10000x64xf32, #tpu.memory_space<hbm>>, %arg6: memref<80x64xf32, #tpu.memory_space<vmem>>, %arg7: memref<80x64xf32, #tpu.memory_space<vmem>>, %arg8: memref<80x64xf32, #tpu.memory_space<vmem>>, %arg9: memref<80x64xf32, #tpu.memory_space<vmem>>, %arg10: memref<80x64xf32, #tpu.memory_space<vmem>>, %arg11: memref<5x80xi32, #tpu.memory_space<vmem>>, %arg12: memref<5x80xi32, #tpu.memory_space<vmem>>, %arg13: memref<5x80xi32, #tpu.memory_space<vmem>>, %arg14: memref<5x80xi32, #tpu.memory_space<vmem>>, %arg15: memref<5x80xi32, #tpu.memory_space<vmem>>, %arg16: memref<5x80xi32, #tpu.memory_space<vmem>>, %arg17: memref<125x64xf32, #tpu.memory_space<vmem>>, %arg18: memref<10000x64xf32, #tpu.memory_space<vmem_shared>>, %arg19: memref<!tpu.dma_semaphore, #tpu.memory_space<semaphore_mem>>, %arg20: memref<!tpu.dma_semaphore, #tpu.memory_space<semaphore_mem>>, %arg21: memref<!tpu.dma_semaphore, #tpu.memory_space<semaphore_mem>>, %arg22: memref<!tpu.dma_semaphore, #tpu.memory_space<semaphore_mem>>, %arg23: memref<!tpu.dma_semaphore, #tpu.memory_space<semaphore_mem>>, %arg24: memref<!tpu.dma_semaphore, #tpu.memory_space<semaphore_mem>>, %arg25: memref<!tpu.dma_semaphore, #tpu.memory_space<semaphore_mem>>) attributes {dimension_semantics = [#tpu.dimension_semantics<core_parallel>, #tpu.dimension_semantics<subcore_parallel>], iteration_bounds = array<i64: 2, 16>, scalar_prefetch = 0 : i64, scratch_operands = 20 : i64, tpu.core_type = #tpu.core_type<sc_vector_subcore>, window_params = [{transform_indices = #map}, {transform_indices = #map1}, {transform_indices = #map1}, {transform_indices = #map2}]} {
    %scan3A = arith.constant 0 : i32
    %scan3A_0 = arith.constant 0 : i32
    %scan3A_1 = arith.constant 125 : i32
    %scan3A_2 = arith.addi %scan3A_0, %scan3A_1 : i32
    %scan3A_3 = arith.constant 1 : i32
    scf.for %scan3A_483 = %scan3A_0 to %scan3A_2 step %scan3A_3  : i32 {
      %broadcast_in_dim3A = arith.constant 0.000000e+00 : f32
      %broadcast_in_dim3A_484 = vector.broadcast %broadcast_in_dim3A : f32 to vector<16xf32>
      %swap3A_485 = arith.index_cast %scan3A_483 : i32 to index
      %swap3A_486 = arith.constant 0 : index
      %swap3A_487 = tpu.vector_load %arg17[%swap3A_485, %swap3A_486] {strides = array<i32>} : memref<125x64xf32, #tpu.memory_space<vmem>>, vector<1x16xf32>,
      %swap3A_488 = vector.shape_cast %swap3A_487 : vector<1x16xf32> to vector<16xf32>
      %swap3A_489 = vector.shape_cast %broadcast_in_dim3A_484 : vector<16xf32> to vector<1x16xf32>
      tpu.vector_store %arg17[%swap3A_485, %swap3A_486], %swap3A_489 {strides = array<i32>} : memref<125x64xf32, #tpu.memory_space<vmem>>, vector<1x16xf32>,
      %broadcast_in_dim3A_490 = arith.constant 0.000000e+00 : f32
      %broadcast_in_dim3A_491 = vector.broadcast %broadcast_in_dim3A_490 : f32 to vector<16xf32>
      %swap3A_492 = arith.index_cast %scan3A_483 : i32 to index
      %swap3A_493 = arith.constant 16 : index
      %swap3A_494 = tpu.vector_load %arg17[%swap3A_492, %swap3A_493] {strides = array<i32>} : memref<125x64xf32, #tpu.memory_space<vmem>>, vector<1x16xf32>,
      %swap3A_495 = vector.shape_cast %swap3A_494 : vector<1x16xf32> to vector<16xf32>
      %swap3A_496 = vector.shape_cast %broadcast_in_dim3A_491 : vector<16xf32> to vector<1x16xf32>
      tpu.vector_store %arg17[%swap3A_492, %swap3A_493], %swap3A_496 {strides = array<i32>} : memref<125x64xf32, #tpu.memory_space<vmem>>, vector<1x16xf32>,
      %broadcast_in_dim3A_497 = arith.constant 0.000000e+00 : f32
      %broadcast_in_dim3A_498 = vector.broadcast %broadcast_in_dim3A_497 : f32 to vector<16xf32>
      %swap3A_499 = arith.index_cast %scan3A_483 : i32 to index
      %swap3A_500 = arith.constant 32 : index
      %swap3A_501 = tpu.vector_load %arg17[%swap3A_499, %swap3A_500] {strides = array<i32>} : memref<125x64xf32, #tpu.memory_space<vmem>>, vector<1x16xf32>,
      %swap3A_502 = vector.shape_cast %swap3A_501 : vector<1x16xf32> to vector<16xf32>
      %swap3A_503 = vector.shape_cast %broadcast_in_dim3A_498 : vector<16xf32> to vector<1x16xf32>
      tpu.vector_store %arg17[%swap3A_499, %swap3A_500], %swap3A_503 {strides = array<i32>} : memref<125x64xf32, #tpu.memory_space<vmem>>, vector<1x16xf32>,
      %broadcast_in_dim3A_504 = arith.constant 0.000000e+00 : f32
      %broadcast_in_dim3A_505 = vector.broadcast %broadcast_in_dim3A_504 : f32 to vector<16xf32>
      %swap3A_506 = arith.index_cast %scan3A_483 : i32 to index
      %swap3A_507 = arith.constant 48 : index
      %swap3A_508 = tpu.vector_load %arg17[%swap3A_506, %swap3A_507] {strides = array<i32>} : memref<125x64xf32, #tpu.memory_space<vmem>>, vector<1x16xf32>,
      %swap3A_509 = vector.shape_cast %swap3A_508 : vector<1x16xf32> to vector<16xf32>
      %swap3A_510 = vector.shape_cast %broadcast_in_dim3A_505 : vector<16xf32> to vector<1x16xf32>
      tpu.vector_store %arg17[%swap3A_506, %swap3A_507], %swap3A_510 {strides = array<i32>} : memref<125x64xf32, #tpu.memory_space<vmem>>, vector<1x16xf32>,
    }
    %scan3A_4 = arith.constant 125 : i32
    %mul3A = arith.constant 625 : i32
    %mul3A_5 = arith.muli %arg1, %mul3A : i32
    %add3A = arith.constant 0 : i32
    %add3A_6 = arith.addi %mul3A_5, %add3A : i32
    "tpu.region"() ({
      %run_scoped3A_483 = tpu.sem_alloc : memref<!tpu.dma_semaphore, #tpu.memory_space<semaphore_mem>>
      %dma_start3A_484 = arith.constant 0 : i32
      %dma_start3A_485 = tpu.memref_slice %arg18[%add3A_6, %dma_start3A_484] : memref<10000x64xf32, #tpu.memory_space<vmem_shared>> -> memref<125x64xf32, #tpu.memory_space<vmem_shared>>
      %dma_start3A_486 = arith.constant 0 : i32
      %dma_start3A_487 = tpu.memref_slice %arg18[%add3A_6, %dma_start3A_486] : memref<10000x64xf32, #tpu.memory_space<vmem_shared>> -> memref<125x64xf32, #tpu.memory_space<vmem_shared>>
      tpu.enqueue_dma source(%arg17 : memref<125x64xf32, #tpu.memory_space<vmem>>) target(%dma_start3A_487 : memref<125x64xf32, #tpu.memory_space<vmem_shared>>) target_semaphore(%run_scoped3A_483 : memref<!tpu.dma_semaphore, #tpu.memory_space<semaphore_mem>>)
      %dma_wait3A = arith.constant 0 : i32
      %dma_wait3A_488 = tpu.memref_slice %arg18[%add3A_6, %dma_wait3A] : memref<10000x64xf32, #tpu.memory_space<vmem_shared>> -> memref<125x64xf32, #tpu.memory_space<vmem_shared>>
      %dma_wait3A_489 = arith.constant 0 : i32
      %dma_wait3A_490 = tpu.memref_slice %arg18[%add3A_6, %dma_wait3A_489] : memref<10000x64xf32, #tpu.memory_space<vmem_shared>> -> memref<125x64xf32, #tpu.memory_space<vmem_shared>>
      tpu.wait_dma2 semaphore(%run_scoped3A_483 : memref<!tpu.dma_semaphore, #tpu.memory_space<semaphore_mem>>) src(%arg17 : memref<125x64xf32, #tpu.memory_space<vmem>>) dst(%dma_wait3A_490 : memref<125x64xf32, #tpu.memory_space<vmem_shared>>)
      tpu.yield
    }) : () -> ()
    %add3A_7 = arith.constant 125 : i32
    %add3A_8 = arith.addi %mul3A_5, %add3A_7 : i32
    "tpu.region"() ({
      %run_scoped3A_483 = tpu.sem_alloc : memref<!tpu.dma_semaphore, #tpu.memory_space<semaphore_mem>>
      %dma_start3A_484 = arith.constant 0 : i32
      %dma_start3A_485 = tpu.memref_slice %arg18[%add3A_8, %dma_start3A_484] : memref<10000x64xf32, #tpu.memory_space<vmem_shared>> -> memref<125x64xf32, #tpu.memory_space<vmem_shared>>
      %dma_start3A_486 = arith.constant 0 : i32
      %dma_start3A_487 = tpu.memref_slice %arg18[%add3A_8, %dma_start3A_486] : memref<10000x64xf32, #tpu.memory_space<vmem_shared>> -> memref<125x64xf32, #tpu.memory_space<vmem_shared>>
      tpu.enqueue_dma source(%arg17 : memref<125x64xf32, #tpu.memory_space<vmem>>) target(%dma_start3A_487 : memref<125x64xf32, #tpu.memory_space<vmem_shared>>) target_semaphore(%run_scoped3A_483 : memref<!tpu.dma_semaphore, #tpu.memory_space<semaphore_mem>>)
      %dma_wait3A = arith.constant 0 : i32
      %dma_wait3A_488 = tpu.memref_slice %arg18[%add3A_8, %dma_wait3A] : memref<10000x64xf32, #tpu.memory_space<vmem_shared>> -> memref<125x64xf32, #tpu.memory_space<vmem_shared>>
      %dma_wait3A_489 = arith.constant 0 : i32
      %dma_wait3A_490 = tpu.memref_slice %arg18[%add3A_8, %dma_wait3A_489] : memref<10000x64xf32, #tpu.memory_space<vmem_shared>> -> memref<125x64xf32, #tpu.memory_space<vmem_shared>>
      tpu.wait_dma2 semaphore(%run_scoped3A_483 : memref<!tpu.dma_semaphore, #tpu.memory_space<semaphore_mem>>) src(%arg17 : memref<125x64xf32, #tpu.memory_space<vmem>>) dst(%dma_wait3A_490 : memref<125x64xf32, #tpu.memory_space<vmem_shared>>)
      tpu.yield
    }) : () -> ()
    %add3A_9 = arith.constant 250 : i32
    %add3A_10 = arith.addi %mul3A_5, %add3A_9 : i32
    "tpu.region"() ({
      %run_scoped3A_483 = tpu.sem_alloc : memref<!tpu.dma_semaphore, #tpu.memory_space<semaphore_mem>>
      %dma_start3A_484 = arith.constant 0 : i32
      %dma_start3A_485 = tpu.memref_slice %arg18[%add3A_10, %dma_start3A_484] : memref<10000x64xf32, #tpu.memory_space<vmem_shared>> -> memref<125x64xf32, #tpu.memory_space<vmem_shared>>
      %dma_start3A_486 = arith.constant 0 : i32
      %dma_start3A_487 = tpu.memref_slice %arg18[%add3A_10, %dma_start3A_486] : memref<10000x64xf32, #tpu.memory_space<vmem_shared>> -> memref<125x64xf32, #tpu.memory_space<vmem_shared>>
      tpu.enqueue_dma source(%arg17 : memref<125x64xf32, #tpu.memory_space<vmem>>) target(%dma_start3A_487 : memref<125x64xf32, #tpu.memory_space<vmem_shared>>) target_semaphore(%run_scoped3A_483 : memref<!tpu.dma_semaphore, #tpu.memory_space<semaphore_mem>>)
      %dma_wait3A = arith.constant 0 : i32
      %dma_wait3A_488 = tpu.memref_slice %arg18[%add3A_10, %dma_wait3A] : memref<10000x64xf32, #tpu.memory_space<vmem_shared>> -> memref<125x64xf32, #tpu.memory_space<vmem_shared>>
      %dma_wait3A_489 = arith.constant 0 : i32
      %dma_wait3A_490 = tpu.memref_slice %arg18[%add3A_10, %dma_wait3A_489] : memref<10000x64xf32, #tpu.memory_space<vmem_shared>> -> memref<125x64xf32, #tpu.memory_space<vmem_shared>>
      tpu.wait_dma2 semaphore(%run_scoped3A_483 : memref<!tpu.dma_semaphore, #tpu.memory_space<semaphore_mem>>) src(%arg17 : memref<125x64xf32, #tpu.memory_space<vmem>>) dst(%dma_wait3A_490 : memref<125x64xf32, #tpu.memory_space<vmem_shared>>)
      tpu.yield
    }) : () -> ()
    %add3A_11 = arith.constant 375 : i32
    %add3A_12 = arith.addi %mul3A_5, %add3A_11 : i32
    "tpu.region"() ({
      %run_scoped3A_483 = tpu.sem_alloc : memref<!tpu.dma_semaphore, #tpu.memory_space<semaphore_mem>>
      %dma_start3A_484 = arith.constant 0 : i32
      %dma_start3A_485 = tpu.memref_slice %arg18[%add3A_12, %dma_start3A_484] : memref<10000x64xf32, #tpu.memory_space<vmem_shared>> -> memref<125x64xf32, #tpu.memory_space<vmem_shared>>
      %dma_start3A_486 = arith.constant 0 : i32
      %dma_start3A_487 = tpu.memref_slice %arg18[%add3A_12, %dma_start3A_486] : memref<10000x64xf32, #tpu.memory_space<vmem_shared>> -> memref<125x64xf32, #tpu.memory_space<vmem_shared>>
      tpu.enqueue_dma source(%arg17 : memref<125x64xf32, #tpu.memory_space<vmem>>) target(%dma_start3A_487 : memref<125x64xf32, #tpu.memory_space<vmem_shared>>) target_semaphore(%run_scoped3A_483 : memref<!tpu.dma_semaphore, #tpu.memory_space<semaphore_mem>>)
      %dma_wait3A = arith.constant 0 : i32
      %dma_wait3A_488 = tpu.memref_slice %arg18[%add3A_12, %dma_wait3A] : memref<10000x64xf32, #tpu.memory_space<vmem_shared>> -> memref<125x64xf32, #tpu.memory_space<vmem_shared>>
      %dma_wait3A_489 = arith.constant 0 : i32
      %dma_wait3A_490 = tpu.memref_slice %arg18[%add3A_12, %dma_wait3A_489] : memref<10000x64xf32, #tpu.memory_space<vmem_shared>> -> memref<125x64xf32, #tpu.memory_space<vmem_shared>>
      tpu.wait_dma2 semaphore(%run_scoped3A_483 : memref<!tpu.dma_semaphore, #tpu.memory_space<semaphore_mem>>) src(%arg17 : memref<125x64xf32, #tpu.memory_space<vmem>>) dst(%dma_wait3A_490 : memref<125x64xf32, #tpu.memory_space<vmem_shared>>)
      tpu.yield
    }) : () -> ()
    %add3A_13 = arith.constant 500 : i32
    %add3A_14 = arith.addi %mul3A_5, %add3A_13 : i32
    "tpu.region"() ({
      %run_scoped3A_483 = tpu.sem_alloc : memref<!tpu.dma_semaphore, #tpu.memory_space<semaphore_mem>>
      %dma_start3A_484 = arith.constant 0 : i32
      %dma_start3A_485 = tpu.memref_slice %arg18[%add3A_14, %dma_start3A_484] : memref<10000x64xf32, #tpu.memory_space<vmem_shared>> -> memref<125x64xf32, #tpu.memory_space<vmem_shared>>
      %dma_start3A_486 = arith.constant 0 : i32
      %dma_start3A_487 = tpu.memref_slice %arg18[%add3A_14, %dma_start3A_486] : memref<10000x64xf32, #tpu.memory_space<vmem_shared>> -> memref<125x64xf32, #tpu.memory_space<vmem_shared>>
      tpu.enqueue_dma source(%arg17 : memref<125x64xf32, #tpu.memory_space<vmem>>) target(%dma_start3A_487 : memref<125x64xf32, #tpu.memory_space<vmem_shared>>) target_semaphore(%run_scoped3A_483 : memref<!tpu.dma_semaphore, #tpu.memory_space<semaphore_mem>>)
      %dma_wait3A = arith.constant 0 : i32
      %dma_wait3A_488 = tpu.memref_slice %arg18[%add3A_14, %dma_wait3A] : memref<10000x64xf32, #tpu.memory_space<vmem_shared>> -> memref<125x64xf32, #tpu.memory_space<vmem_shared>>
      %dma_wait3A_489 = arith.constant 0 : i32
      %dma_wait3A_490 = tpu.memref_slice %arg18[%add3A_14, %dma_wait3A_489] : memref<10000x64xf32, #tpu.memory_space<vmem_shared>> -> memref<125x64xf32, #tpu.memory_space<vmem_shared>>
      tpu.wait_dma2 semaphore(%run_scoped3A_483 : memref<!tpu.dma_semaphore, #tpu.memory_space<semaphore_mem>>) src(%arg17 : memref<125x64xf32, #tpu.memory_space<vmem>>) dst(%dma_wait3A_490 : memref<125x64xf32, #tpu.memory_space<vmem_shared>>)
      tpu.yield
    }) : () -> ()
    %barrier3A = arith.constant 0 : index
    tpu.barrier barrier_id(%barrier3A)
    %run_scoped3A = arith.constant 0 : i32
    "tpu.region"() ({
      %run_scoped3A_483 = tpu.sem_alloc : memref<!tpu.dma_semaphore, #tpu.memory_space<semaphore_mem>>
      %dma_start3A_484 = arith.constant 0 : i32
      %dma_start3A_485 = arith.constant 0 : i32
      %dma_start3A_486 = tpu.memref_slice %arg3[%arg1, %run_scoped3A, %dma_start3A_484, %dma_start3A_485] : memref<16x50x5x80xi32, #tpu.memory_space<hbm>> -> memref<1x1x5x80xi32, #tpu.memory_space<hbm>>
      %dma_start3A_487 = tpu.memref_squeeze %dma_start3A_486 : memref<1x1x5x80xi32, #tpu.memory_space<hbm>> -> memref<5x80xi32, #tpu.memory_space<hbm>>
      %dma_start3A_488 = arith.constant 0 : i32
      %dma_start3A_489 = arith.constant 0 : i32
      %dma_start3A_490 = tpu.memref_slice %arg3[%arg1, %run_scoped3A, %dma_start3A_488, %dma_start3A_489] : memref<16x50x5x80xi32, #tpu.memory_space<hbm>> -> memref<1x1x5x80xi32, #tpu.memory_space<hbm>>
      %dma_start3A_491 = tpu.memref_squeeze %dma_start3A_490 : memref<1x1x5x80xi32, #tpu.memory_space<hbm>> -> memref<5x80xi32, #tpu.memory_space<hbm>>
      tpu.enqueue_dma source(%dma_start3A_491 : memref<5x80xi32, #tpu.memory_space<hbm>>) target(%arg11 : memref<5x80xi32, #tpu.memory_space<vmem>>) target_semaphore(%run_scoped3A_483 : memref<!tpu.dma_semaphore, #tpu.memory_space<semaphore_mem>>)
      %dma_wait3A = arith.constant 0 : i32
      %dma_wait3A_492 = arith.constant 0 : i32
      %dma_wait3A_493 = tpu.memref_slice %arg3[%arg1, %run_scoped3A, %dma_wait3A, %dma_wait3A_492] : memref<16x50x5x80xi32, #tpu.memory_space<hbm>> -> memref<1x1x5x80xi32, #tpu.memory_space<hbm>>
      %dma_wait3A_494 = tpu.memref_squeeze %dma_wait3A_493 : memref<1x1x5x80xi32, #tpu.memory_space<hbm>> -> memref<5x80xi32, #tpu.memory_space<hbm>>
      %dma_wait3A_495 = arith.constant 0 : i32
      %dma_wait3A_496 = arith.constant 0 : i32
      %dma_wait3A_497 = tpu.memref_slice %arg3[%arg1, %run_scoped3A, %dma_wait3A_495, %dma_wait3A_496] : memref<16x50x5x80xi32, #tpu.memory_space<hbm>> -> memref<1x1x5x80xi32, #tpu.memory_space<hbm>>
      %dma_wait3A_498 = tpu.memref_squeeze %dma_wait3A_497 : memref<1x1x5x80xi32, #tpu.memory_space<hbm>> -> memref<5x80xi32, #tpu.memory_space<hbm>>
      tpu.wait_dma2 semaphore(%run_scoped3A_483 : memref<!tpu.dma_semaphore, #tpu.memory_space<semaphore_mem>>) src(%dma_wait3A_498 : memref<5x80xi32, #tpu.memory_space<hbm>>) dst(%arg11 : memref<5x80xi32, #tpu.memory_space<vmem>>)
      tpu.yield
    }) : () -> ()
    %run_scoped3A_15 = arith.constant 0 : i32
    "tpu.region"() ({
      %run_scoped3A_483 = tpu.sem_alloc : memref<!tpu.dma_semaphore, #tpu.memory_space<semaphore_mem>>
      %dma_start3A_484 = arith.constant 0 : i32
      %dma_start3A_485 = arith.constant 0 : i32
      %dma_start3A_486 = tpu.memref_slice %arg4[%arg1, %run_scoped3A_15, %dma_start3A_484, %dma_start3A_485] : memref<16x50x5x80xi32, #tpu.memory_space<hbm>> -> memref<1x1x5x80xi32, #tpu.memory_space<hbm>>
      %dma_start3A_487 = tpu.memref_squeeze %dma_start3A_486 : memref<1x1x5x80xi32, #tpu.memory_space<hbm>> -> memref<5x80xi32, #tpu.memory_space<hbm>>
      %dma_start3A_488 = arith.constant 0 : i32
      %dma_start3A_489 = arith.constant 0 : i32
      %dma_start3A_490 = tpu.memref_slice %arg4[%arg1, %run_scoped3A_15, %dma_start3A_488, %dma_start3A_489] : memref<16x50x5x80xi32, #tpu.memory_space<hbm>> -> memref<1x1x5x80xi32, #tpu.memory_space<hbm>>
      %dma_start3A_491 = tpu.memref_squeeze %dma_start3A_490 : memref<1x1x5x80xi32, #tpu.memory_space<hbm>> -> memref<5x80xi32, #tpu.memory_space<hbm>>
      tpu.enqueue_dma source(%dma_start3A_491 : memref<5x80xi32, #tpu.memory_space<hbm>>) target(%arg12 : memref<5x80xi32, #tpu.memory_space<vmem>>) target_semaphore(%run_scoped3A_483 : memref<!tpu.dma_semaphore, #tpu.memory_space<semaphore_mem>>)
      %dma_wait3A = arith.constant 0 : i32
      %dma_wait3A_492 = arith.constant 0 : i32
      %dma_wait3A_493 = tpu.memref_slice %arg4[%arg1, %run_scoped3A_15, %dma_wait3A, %dma_wait3A_492] : memref<16x50x5x80xi32, #tpu.memory_space<hbm>> -> memref<1x1x5x80xi32, #tpu.memory_space<hbm>>
      %dma_wait3A_494 = tpu.memref_squeeze %dma_wait3A_493 : memref<1x1x5x80xi32, #tpu.memory_space<hbm>> -> memref<5x80xi32, #tpu.memory_space<hbm>>
      %dma_wait3A_495 = arith.constant 0 : i32
      %dma_wait3A_496 = arith.constant 0 : i32
      %dma_wait3A_497 = tpu.memref_slice %arg4[%arg1, %run_scoped3A_15, %dma_wait3A_495, %dma_wait3A_496] : memref<16x50x5x80xi32, #tpu.memory_space<hbm>> -> memref<1x1x5x80xi32, #tpu.memory_space<hbm>>
      %dma_wait3A_498 = tpu.memref_squeeze %dma_wait3A_497 : memref<1x1x5x80xi32, #tpu.memory_space<hbm>> -> memref<5x80xi32, #tpu.memory_space<hbm>>
      tpu.wait_dma2 semaphore(%run_scoped3A_483 : memref<!tpu.dma_semaphore, #tpu.memory_space<semaphore_mem>>) src(%dma_wait3A_498 : memref<5x80xi32, #tpu.memory_space<hbm>>) dst(%arg12 : memref<5x80xi32, #tpu.memory_space<vmem>>)
      tpu.yield
    }) : () -> ()
    %dma_start3A = arith.constant 1 : i32
    %dma_start3A_16 = arith.constant 0 : i32
    %dma_start3A_17 = arith.constant 0 : i32
    %dma_start3A_18 = tpu.memref_slice %arg3[%arg1, %dma_start3A, %dma_start3A_16, %dma_start3A_17] : memref<16x50x5x80xi32, #tpu.memory_space<hbm>> -> memref<1x1x5x80xi32, #tpu.memory_space<hbm>>
    %dma_start3A_19 = tpu.memref_squeeze %dma_start3A_18 : memref<1x1x5x80xi32, #tpu.memory_space<hbm>> -> memref<5x80xi32, #tpu.memory_space<hbm>>
    %dma_start3A_20 = arith.constant 0 : i32
    %dma_start3A_21 = arith.constant 0 : i32
    %dma_start3A_22 = tpu.memref_slice %arg3[%arg1, %dma_start3A, %dma_start3A_20, %dma_start3A_21] : memref<16x50x5x80xi32, #tpu.memory_space<hbm>> -> memref<1x1x5x80xi32, #tpu.memory_space<hbm>>
    %dma_start3A_23 = tpu.memref_squeeze %dma_start3A_22 : memref<1x1x5x80xi32, #tpu.memory_space<hbm>> -> memref<5x80xi32, #tpu.memory_space<hbm>>
    tpu.enqueue_dma source(%dma_start3A_23 : memref<5x80xi32, #tpu.memory_space<hbm>>) target(%arg13 : memref<5x80xi32, #tpu.memory_space<vmem>>) target_semaphore(%arg25 : memref<!tpu.dma_semaphore, #tpu.memory_space<semaphore_mem>>)
    %dma_start3A_24 = arith.constant 1 : i32
    %dma_start3A_25 = arith.constant 0 : i32
    %dma_start3A_26 = arith.constant 0 : i32
    %dma_start3A_27 = tpu.memref_slice %arg4[%arg1, %dma_start3A_24, %dma_start3A_25, %dma_start3A_26] : memref<16x50x5x80xi32, #tpu.memory_space<hbm>> -> memref<1x1x5x80xi32, #tpu.memory_space<hbm>>
    %dma_start3A_28 = tpu.memref_squeeze %dma_start3A_27 : memref<1x1x5x80xi32, #tpu.memory_space<hbm>> -> memref<5x80xi32, #tpu.memory_space<hbm>>
    %dma_start3A_29 = arith.constant 0 : i32
    %dma_start3A_30 = arith.constant 0 : i32
    %dma_start3A_31 = tpu.memref_slice %arg4[%arg1, %dma_start3A_24, %dma_start3A_29, %dma_start3A_30] : memref<16x50x5x80xi32, #tpu.memory_space<hbm>> -> memref<1x1x5x80xi32, #tpu.memory_space<hbm>>
    %dma_start3A_32 = tpu.memref_squeeze %dma_start3A_31 : memref<1x1x5x80xi32, #tpu.memory_space<hbm>> -> memref<5x80xi32, #tpu.memory_space<hbm>>
    tpu.enqueue_dma source(%dma_start3A_32 : memref<5x80xi32, #tpu.memory_space<hbm>>) target(%arg14 : memref<5x80xi32, #tpu.memory_space<vmem>>) target_semaphore(%arg25 : memref<!tpu.dma_semaphore, #tpu.memory_space<semaphore_mem>>)
    %get3A = arith.constant 0 : i32
    %get3A_33 = arith.index_cast %get3A : i32 to index
    %get3A_34 = arith.constant 0 : index
    %get3A_35 = tpu.vector_load %arg11[%get3A_33, %get3A_34] {strides = array<i32>} : memref<5x80xi32, #tpu.memory_space<vmem>>, vector<1x16xi32>,
    %get3A_36 = vector.shape_cast %get3A_35 : vector<1x16xi32> to vector<16xi32>
    %mul3A_37 = arith.constant 2 : i32
    %mul3A_38 = vector.broadcast %mul3A_37 : i32 to vector<16xi32>
    %mul3A_39 = arith.muli %get3A_36, %mul3A_38 : vector<16xi32>
    %add3A_40 = vector.broadcast %arg0 : i32 to vector<16xi32>
    %add3A_41 = arith.addi %mul3A_39, %add3A_40 : vector<16xi32>
    %swap3A = arith.constant 0 : i32
    %swap3A_42 = arith.index_cast %swap3A : i32 to index
    %swap3A_43 = arith.constant 0 : index
    %swap3A_44 = tpu.vector_load %arg15[%swap3A_42, %swap3A_43] {strides = array<i32>} : memref<5x80xi32, #tpu.memory_space<vmem>>, vector<1x16xi32>,
    %swap3A_45 = vector.shape_cast %swap3A_44 : vector<1x16xi32> to vector<16xi32>
    %swap3A_46 = vector.shape_cast %add3A_41 : vector<16xi32> to vector<1x16xi32>
    tpu.vector_store %arg15[%swap3A_42, %swap3A_43], %swap3A_46 {strides = array<i32>} : memref<5x80xi32, #tpu.memory_space<vmem>>, vector<1x16xi32>,
    %get3A_47 = arith.constant 0 : i32
    %get3A_48 = arith.index_cast %get3A_47 : i32 to index
    %get3A_49 = arith.constant 16 : index
    %get3A_50 = tpu.vector_load %arg11[%get3A_48, %get3A_49] {strides = array<i32>} : memref<5x80xi32, #tpu.memory_space<vmem>>, vector<1x16xi32>,
    %get3A_51 = vector.shape_cast %get3A_50 : vector<1x16xi32> to vector<16xi32>
    %mul3A_52 = arith.constant 2 : i32
    %mul3A_53 = vector.broadcast %mul3A_52 : i32 to vector<16xi32>
    %mul3A_54 = arith.muli %get3A_51, %mul3A_53 : vector<16xi32>
    %add3A_55 = vector.broadcast %arg0 : i32 to vector<16xi32>
    %add3A_56 = arith.addi %mul3A_54, %add3A_55 : vector<16xi32>
    %swap3A_57 = arith.constant 0 : i32
    %swap3A_58 = arith.index_cast %swap3A_57 : i32 to index
    %swap3A_59 = arith.constant 16 : index
    %swap3A_60 = tpu.vector_load %arg15[%swap3A_58, %swap3A_59] {strides = array<i32>} : memref<5x80xi32, #tpu.memory_space<vmem>>, vector<1x16xi32>,
    %swap3A_61 = vector.shape_cast %swap3A_60 : vector<1x16xi32> to vector<16xi32>
    %swap3A_62 = vector.shape_cast %add3A_56 : vector<16xi32> to vector<1x16xi32>
    tpu.vector_store %arg15[%swap3A_58, %swap3A_59], %swap3A_62 {strides = array<i32>} : memref<5x80xi32, #tpu.memory_space<vmem>>, vector<1x16xi32>,
    %get3A_63 = arith.constant 0 : i32
    %get3A_64 = arith.index_cast %get3A_63 : i32 to index
    %get3A_65 = arith.constant 32 : index
    %get3A_66 = tpu.vector_load %arg11[%get3A_64, %get3A_65] {strides = array<i32>} : memref<5x80xi32, #tpu.memory_space<vmem>>, vector<1x16xi32>,
    %get3A_67 = vector.shape_cast %get3A_66 : vector<1x16xi32> to vector<16xi32>
    %mul3A_68 = arith.constant 2 : i32
    %mul3A_69 = vector.broadcast %mul3A_68 : i32 to vector<16xi32>
    %mul3A_70 = arith.muli %get3A_67, %mul3A_69 : vector<16xi32>
    %add3A_71 = vector.broadcast %arg0 : i32 to vector<16xi32>
    %add3A_72 = arith.addi %mul3A_70, %add3A_71 : vector<16xi32>
    %swap3A_73 = arith.constant 0 : i32
    %swap3A_74 = arith.index_cast %swap3A_73 : i32 to index
    %swap3A_75 = arith.constant 32 : index
    %swap3A_76 = tpu.vector_load %arg15[%swap3A_74, %swap3A_75] {strides = array<i32>} : memref<5x80xi32, #tpu.memory_space<vmem>>, vector<1x16xi32>,
    %swap3A_77 = vector.shape_cast %swap3A_76 : vector<1x16xi32> to vector<16xi32>
    %swap3A_78 = vector.shape_cast %add3A_72 : vector<16xi32> to vector<1x16xi32>
    tpu.vector_store %arg15[%swap3A_74, %swap3A_75], %swap3A_78 {strides = array<i32>} : memref<5x80xi32, #tpu.memory_space<vmem>>, vector<1x16xi32>,
    %get3A_79 = arith.constant 0 : i32
    %get3A_80 = arith.index_cast %get3A_79 : i32 to index
    %get3A_81 = arith.constant 48 : index
    %get3A_82 = tpu.vector_load %arg11[%get3A_80, %get3A_81] {strides = array<i32>} : memref<5x80xi32, #tpu.memory_space<vmem>>, vector<1x16xi32>,
    %get3A_83 = vector.shape_cast %get3A_82 : vector<1x16xi32> to vector<16xi32>
    %mul3A_84 = arith.constant 2 : i32
    %mul3A_85 = vector.broadcast %mul3A_84 : i32 to vector<16xi32>
    %mul3A_86 = arith.muli %get3A_83, %mul3A_85 : vector<16xi32>
    %add3A_87 = vector.broadcast %arg0 : i32 to vector<16xi32>
    %add3A_88 = arith.addi %mul3A_86, %add3A_87 : vector<16xi32>
    %swap3A_89 = arith.constant 0 : i32
    %swap3A_90 = arith.index_cast %swap3A_89 : i32 to index
    %swap3A_91 = arith.constant 48 : index
    %swap3A_92 = tpu.vector_load %arg15[%swap3A_90, %swap3A_91] {strides = array<i32>} : memref<5x80xi32, #tpu.memory_space<vmem>>, vector<1x16xi32>,
    %swap3A_93 = vector.shape_cast %swap3A_92 : vector<1x16xi32> to vector<16xi32>
    %swap3A_94 = vector.shape_cast %add3A_88 : vector<16xi32> to vector<1x16xi32>
    tpu.vector_store %arg15[%swap3A_90, %swap3A_91], %swap3A_94 {strides = array<i32>} : memref<5x80xi32, #tpu.memory_space<vmem>>, vector<1x16xi32>,
    %get3A_95 = arith.constant 0 : i32
    %get3A_96 = arith.index_cast %get3A_95 : i32 to index
    %get3A_97 = arith.constant 64 : index
    %get3A_98 = tpu.vector_load %arg11[%get3A_96, %get3A_97] {strides = array<i32>} : memref<5x80xi32, #tpu.memory_space<vmem>>, vector<1x16xi32>,
    %get3A_99 = vector.shape_cast %get3A_98 : vector<1x16xi32> to vector<16xi32>
    %mul3A_100 = arith.constant 2 : i32
    %mul3A_101 = vector.broadcast %mul3A_100 : i32 to vector<16xi32>
    %mul3A_102 = arith.muli %get3A_99, %mul3A_101 : vector<16xi32>
    %add3A_103 = vector.broadcast %arg0 : i32 to vector<16xi32>
    %add3A_104 = arith.addi %mul3A_102, %add3A_103 : vector<16xi32>
    %swap3A_105 = arith.constant 0 : i32
    %swap3A_106 = arith.index_cast %swap3A_105 : i32 to index
    %swap3A_107 = arith.constant 64 : index
    %swap3A_108 = tpu.vector_load %arg15[%swap3A_106, %swap3A_107] {strides = array<i32>} : memref<5x80xi32, #tpu.memory_space<vmem>>, vector<1x16xi32>,
    %swap3A_109 = vector.shape_cast %swap3A_108 : vector<1x16xi32> to vector<16xi32>
    %swap3A_110 = vector.shape_cast %add3A_104 : vector<16xi32> to vector<1x16xi32>
    tpu.vector_store %arg15[%swap3A_106, %swap3A_107], %swap3A_110 {strides = array<i32>} : memref<5x80xi32, #tpu.memory_space<vmem>>, vector<1x16xi32>,
    %get3A_111 = arith.constant 1 : i32
    %get3A_112 = arith.index_cast %get3A_111 : i32 to index
    %get3A_113 = arith.constant 0 : index
    %get3A_114 = tpu.vector_load %arg11[%get3A_112, %get3A_113] {strides = array<i32>} : memref<5x80xi32, #tpu.memory_space<vmem>>, vector<1x16xi32>,
    %get3A_115 = vector.shape_cast %get3A_114 : vector<1x16xi32> to vector<16xi32>
    %mul3A_116 = arith.constant 2 : i32
    %mul3A_117 = vector.broadcast %mul3A_116 : i32 to vector<16xi32>
    %mul3A_118 = arith.muli %get3A_115, %mul3A_117 : vector<16xi32>
    %add3A_119 = vector.broadcast %arg0 : i32 to vector<16xi32>
    %add3A_120 = arith.addi %mul3A_118, %add3A_119 : vector<16xi32>
    %swap3A_121 = arith.constant 1 : i32
    %swap3A_122 = arith.index_cast %swap3A_121 : i32 to index
    %swap3A_123 = arith.constant 0 : index
    %swap3A_124 = tpu.vector_load %arg15[%swap3A_122, %swap3A_123] {strides = array<i32>} : memref<5x80xi32, #tpu.memory_space<vmem>>, vector<1x16xi32>,
    %swap3A_125 = vector.shape_cast %swap3A_124 : vector<1x16xi32> to vector<16xi32>
    %swap3A_126 = vector.shape_cast %add3A_120 : vector<16xi32> to vector<1x16xi32>
    tpu.vector_store %arg15[%swap3A_122, %swap3A_123], %swap3A_126 {strides = array<i32>} : memref<5x80xi32, #tpu.memory_space<vmem>>, vector<1x16xi32>,
    %get3A_127 = arith.constant 1 : i32
    %get3A_128 = arith.index_cast %get3A_127 : i32 to index
    %get3A_129 = arith.constant 16 : index
    %get3A_130 = tpu.vector_load %arg11[%get3A_128, %get3A_129] {strides = array<i32>} : memref<5x80xi32, #tpu.memory_space<vmem>>, vector<1x16xi32>,
    %get3A_131 = vector.shape_cast %get3A_130 : vector<1x16xi32> to vector<16xi32>
    %mul3A_132 = arith.constant 2 : i32
    %mul3A_133 = vector.broadcast %mul3A_132 : i32 to vector<16xi32>
    %mul3A_134 = arith.muli %get3A_131, %mul3A_133 : vector<16xi32>
    %add3A_135 = vector.broadcast %arg0 : i32 to vector<16xi32>
    %add3A_136 = arith.addi %mul3A_134, %add3A_135 : vector<16xi32>
    %swap3A_137 = arith.constant 1 : i32
    %swap3A_138 = arith.index_cast %swap3A_137 : i32 to index
    %swap3A_139 = arith.constant 16 : index
    %swap3A_140 = tpu.vector_load %arg15[%swap3A_138, %swap3A_139] {strides = array<i32>} : memref<5x80xi32, #tpu.memory_space<vmem>>, vector<1x16xi32>,
    %swap3A_141 = vector.shape_cast %swap3A_140 : vector<1x16xi32> to vector<16xi32>
    %swap3A_142 = vector.shape_cast %add3A_136 : vector<16xi32> to vector<1x16xi32>
    tpu.vector_store %arg15[%swap3A_138, %swap3A_139], %swap3A_142 {strides = array<i32>} : memref<5x80xi32, #tpu.memory_space<vmem>>, vector<1x16xi32>,
    %get3A_143 = arith.constant 1 : i32
    %get3A_144 = arith.index_cast %get3A_143 : i32 to index
    %get3A_145 = arith.constant 32 : index
    %get3A_146 = tpu.vector_load %arg11[%get3A_144, %get3A_145] {strides = array<i32>} : memref<5x80xi32, #tpu.memory_space<vmem>>, vector<1x16xi32>,
    %get3A_147 = vector.shape_cast %get3A_146 : vector<1x16xi32> to vector<16xi32>
    %mul3A_148 = arith.constant 2 : i32
    %mul3A_149 = vector.broadcast %mul3A_148 : i32 to vector<16xi32>
    %mul3A_150 = arith.muli %get3A_147, %mul3A_149 : vector<16xi32>
    %add3A_151 = vector.broadcast %arg0 : i32 to vector<16xi32>
    %add3A_152 = arith.addi %mul3A_150, %add3A_151 : vector<16xi32>
    %swap3A_153 = arith.constant 1 : i32
    %swap3A_154 = arith.index_cast %swap3A_153 : i32 to index
    %swap3A_155 = arith.constant 32 : index
    %swap3A_156 = tpu.vector_load %arg15[%swap3A_154, %swap3A_155] {strides = array<i32>} : memref<5x80xi32, #tpu.memory_space<vmem>>, vector<1x16xi32>,
    %swap3A_157 = vector.shape_cast %swap3A_156 : vector<1x16xi32> to vector<16xi32>
    %swap3A_158 = vector.shape_cast %add3A_152 : vector<16xi32> to vector<1x16xi32>
    tpu.vector_store %arg15[%swap3A_154, %swap3A_155], %swap3A_158 {strides = array<i32>} : memref<5x80xi32, #tpu.memory_space<vmem>>, vector<1x16xi32>,
    %get3A_159 = arith.constant 1 : i32
    %get3A_160 = arith.index_cast %get3A_159 : i32 to index
    %get3A_161 = arith.constant 48 : index
    %get3A_162 = tpu.vector_load %arg11[%get3A_160, %get3A_161] {strides = array<i32>} : memref<5x80xi32, #tpu.memory_space<vmem>>, vector<1x16xi32>,
    %get3A_163 = vector.shape_cast %get3A_162 : vector<1x16xi32> to vector<16xi32>
    %mul3A_164 = arith.constant 2 : i32
    %mul3A_165 = vector.broadcast %mul3A_164 : i32 to vector<16xi32>
    %mul3A_166 = arith.muli %get3A_163, %mul3A_165 : vector<16xi32>
    %add3A_167 = vector.broadcast %arg0 : i32 to vector<16xi32>
    %add3A_168 = arith.addi %mul3A_166, %add3A_167 : vector<16xi32>
    %swap3A_169 = arith.constant 1 : i32
    %swap3A_170 = arith.index_cast %swap3A_169 : i32 to index
    %swap3A_171 = arith.constant 48 : index
    %swap3A_172 = tpu.vector_load %arg15[%swap3A_170, %swap3A_171] {strides = array<i32>} : memref<5x80xi32, #tpu.memory_space<vmem>>, vector<1x16xi32>,
    %swap3A_173 = vector.shape_cast %swap3A_172 : vector<1x16xi32> to vector<16xi32>
    %swap3A_174 = vector.shape_cast %add3A_168 : vector<16xi32> to vector<1x16xi32>
    tpu.vector_store %arg15[%swap3A_170, %swap3A_171], %swap3A_174 {strides = array<i32>} : memref<5x80xi32, #tpu.memory_space<vmem>>, vector<1x16xi32>,
    %get3A_175 = arith.constant 1 : i32
    %get3A_176 = arith.index_cast %get3A_175 : i32 to index
    %get3A_177 = arith.constant 64 : index
    %get3A_178 = tpu.vector_load %arg11[%get3A_176, %get3A_177] {strides = array<i32>} : memref<5x80xi32, #tpu.memory_space<vmem>>, vector<1x16xi32>,
    %get3A_179 = vector.shape_cast %get3A_178 : vector<1x16xi32> to vector<16xi32>
    %mul3A_180 = arith.constant 2 : i32
    %mul3A_181 = vector.broadcast %mul3A_180 : i32 to vector<16xi32>
    %mul3A_182 = arith.muli %get3A_179, %mul3A_181 : vector<16xi32>
    %add3A_183 = vector.broadcast %arg0 : i32 to vector<16xi32>
    %add3A_184 = arith.addi %mul3A_182, %add3A_183 : vector<16xi32>
    %swap3A_185 = arith.constant 1 : i32
    %swap3A_186 = arith.index_cast %swap3A_185 : i32 to index
    %swap3A_187 = arith.constant 64 : index
    %swap3A_188 = tpu.vector_load %arg15[%swap3A_186, %swap3A_187] {strides = array<i32>} : memref<5x80xi32, #tpu.memory_space<vmem>>, vector<1x16xi32>,
    %swap3A_189 = vector.shape_cast %swap3A_188 : vector<1x16xi32> to vector<16xi32>
    %swap3A_190 = vector.shape_cast %add3A_184 : vector<16xi32> to vector<1x16xi32>
    tpu.vector_store %arg15[%swap3A_186, %swap3A_187], %swap3A_190 {strides = array<i32>} : memref<5x80xi32, #tpu.memory_space<vmem>>, vector<1x16xi32>,
    %get3A_191 = arith.constant 2 : i32
    %get3A_192 = arith.index_cast %get3A_191 : i32 to index
    %get3A_193 = arith.constant 0 : index
    %get3A_194 = tpu.vector_load %arg11[%get3A_192, %get3A_193] {strides = array<i32>} : memref<5x80xi32, #tpu.memory_space<vmem>>, vector<1x16xi32>,
    %get3A_195 = vector.shape_cast %get3A_194 : vector<1x16xi32> to vector<16xi32>
    %mul3A_196 = arith.constant 2 : i32
    %mul3A_197 = vector.broadcast %mul3A_196 : i32 to vector<16xi32>
    %mul3A_198 = arith.muli %get3A_195, %mul3A_197 : vector<16xi32>
    %add3A_199 = vector.broadcast %arg0 : i32 to vector<16xi32>
    %add3A_200 = arith.addi %mul3A_198, %add3A_199 : vector<16xi32>
    %swap3A_201 = arith.constant 2 : i32
    %swap3A_202 = arith.index_cast %swap3A_201 : i32 to index
    %swap3A_203 = arith.constant 0 : index
    %swap3A_204 = tpu.vector_load %arg15[%swap3A_202, %swap3A_203] {strides = array<i32>} : memref<5x80xi32, #tpu.memory_space<vmem>>, vector<1x16xi32>,
    %swap3A_205 = vector.shape_cast %swap3A_204 : vector<1x16xi32> to vector<16xi32>
    %swap3A_206 = vector.shape_cast %add3A_200 : vector<16xi32> to vector<1x16xi32>
    tpu.vector_store %arg15[%swap3A_202, %swap3A_203], %swap3A_206 {strides = array<i32>} : memref<5x80xi32, #tpu.memory_space<vmem>>, vector<1x16xi32>,
    %get3A_207 = arith.constant 2 : i32
    %get3A_208 = arith.index_cast %get3A_207 : i32 to index
    %get3A_209 = arith.constant 16 : index
    %get3A_210 = tpu.vector_load %arg11[%get3A_208, %get3A_209] {strides = array<i32>} : memref<5x80xi32, #tpu.memory_space<vmem>>, vector<1x16xi32>,
    %get3A_211 = vector.shape_cast %get3A_210 : vector<1x16xi32> to vector<16xi32>
    %mul3A_212 = arith.constant 2 : i32
    %mul3A_213 = vector.broadcast %mul3A_212 : i32 to vector<16xi32>
    %mul3A_214 = arith.muli %get3A_211, %mul3A_213 : vector<16xi32>
    %add3A_215 = vector.broadcast %arg0 : i32 to vector<16xi32>
    %add3A_216 = arith.addi %mul3A_214, %add3A_215 : vector<16xi32>
    %swap3A_217 = arith.constant 2 : i32
    %swap3A_218 = arith.index_cast %swap3A_217 : i32 to index
    %swap3A_219 = arith.constant 16 : index
    %swap3A_220 = tpu.vector_load %arg15[%swap3A_218, %swap3A_219] {strides = array<i32>} : memref<5x80xi32, #tpu.memory_space<vmem>>, vector<1x16xi32>,
    %swap3A_221 = vector.shape_cast %swap3A_220 : vector<1x16xi32> to vector<16xi32>
    %swap3A_222 = vector.shape_cast %add3A_216 : vector<16xi32> to vector<1x16xi32>
    tpu.vector_store %arg15[%swap3A_218, %swap3A_219], %swap3A_222 {strides = array<i32>} : memref<5x80xi32, #tpu.memory_space<vmem>>, vector<1x16xi32>,
    %get3A_223 = arith.constant 2 : i32
    %get3A_224 = arith.index_cast %get3A_223 : i32 to index
    %get3A_225 = arith.constant 32 : index
    %get3A_226 = tpu.vector_load %arg11[%get3A_224, %get3A_225] {strides = array<i32>} : memref<5x80xi32, #tpu.memory_space<vmem>>, vector<1x16xi32>,
    %get3A_227 = vector.shape_cast %get3A_226 : vector<1x16xi32> to vector<16xi32>
    %mul3A_228 = arith.constant 2 : i32
    %mul3A_229 = vector.broadcast %mul3A_228 : i32 to vector<16xi32>
    %mul3A_230 = arith.muli %get3A_227, %mul3A_229 : vector<16xi32>
    %add3A_231 = vector.broadcast %arg0 : i32 to vector<16xi32>
    %add3A_232 = arith.addi %mul3A_230, %add3A_231 : vector<16xi32>
    %swap3A_233 = arith.constant 2 : i32
    %swap3A_234 = arith.index_cast %swap3A_233 : i32 to index
    %swap3A_235 = arith.constant 32 : index
    %swap3A_236 = tpu.vector_load %arg15[%swap3A_234, %swap3A_235] {strides = array<i32>} : memref<5x80xi32, #tpu.memory_space<vmem>>, vector<1x16xi32>,
    %swap3A_237 = vector.shape_cast %swap3A_236 : vector<1x16xi32> to vector<16xi32>
    %swap3A_238 = vector.shape_cast %add3A_232 : vector<16xi32> to vector<1x16xi32>
    tpu.vector_store %arg15[%swap3A_234, %swap3A_235], %swap3A_238 {strides = array<i32>} : memref<5x80xi32, #tpu.memory_space<vmem>>, vector<1x16xi32>,
    %get3A_239 = arith.constant 2 : i32
    %get3A_240 = arith.index_cast %get3A_239 : i32 to index
    %get3A_241 = arith.constant 48 : index
    %get3A_242 = tpu.vector_load %arg11[%get3A_240, %get3A_241] {strides = array<i32>} : memref<5x80xi32, #tpu.memory_space<vmem>>, vector<1x16xi32>,
    %get3A_243 = vector.shape_cast %get3A_242 : vector<1x16xi32> to vector<16xi32>
    %mul3A_244 = arith.constant 2 : i32
    %mul3A_245 = vector.broadcast %mul3A_244 : i32 to vector<16xi32>
    %mul3A_246 = arith.muli %get3A_243, %mul3A_245 : vector<16xi32>
    %add3A_247 = vector.broadcast %arg0 : i32 to vector<16xi32>
    %add3A_248 = arith.addi %mul3A_246, %add3A_247 : vector<16xi32>
    %swap3A_249 = arith.constant 2 : i32
    %swap3A_250 = arith.index_cast %swap3A_249 : i32 to index
    %swap3A_251 = arith.constant 48 : index
    %swap3A_252 = tpu.vector_load %arg15[%swap3A_250, %swap3A_251] {strides = array<i32>} : memref<5x80xi32, #tpu.memory_space<vmem>>, vector<1x16xi32>,
    %swap3A_253 = vector.shape_cast %swap3A_252 : vector<1x16xi32> to vector<16xi32>
    %swap3A_254 = vector.shape_cast %add3A_248 : vector<16xi32> to vector<1x16xi32>
    tpu.vector_store %arg15[%swap3A_250, %swap3A_251], %swap3A_254 {strides = array<i32>} : memref<5x80xi32, #tpu.memory_space<vmem>>, vector<1x16xi32>,
    %get3A_255 = arith.constant 2 : i32
    %get3A_256 = arith.index_cast %get3A_255 : i32 to index
    %get3A_257 = arith.constant 64 : index
    %get3A_258 = tpu.vector_load %arg11[%get3A_256, %get3A_257] {strides = array<i32>} : memref<5x80xi32, #tpu.memory_space<vmem>>, vector<1x16xi32>,
    %get3A_259 = vector.shape_cast %get3A_258 : vector<1x16xi32> to vector<16xi32>
    %mul3A_260 = arith.constant 2 : i32
    %mul3A_261 = vector.broadcast %mul3A_260 : i32 to vector<16xi32>
    %mul3A_262 = arith.muli %get3A_259, %mul3A_261 : vector<16xi32>
    %add3A_263 = vector.broadcast %arg0 : i32 to vector<16xi32>
    %add3A_264 = arith.addi %mul3A_262, %add3A_263 : vector<16xi32>
    %swap3A_265 = arith.constant 2 : i32
    %swap3A_266 = arith.index_cast %swap3A_265 : i32 to index
    %swap3A_267 = arith.constant 64 : index
    %swap3A_268 = tpu.vector_load %arg15[%swap3A_266, %swap3A_267] {strides = array<i32>} : memref<5x80xi32, #tpu.memory_space<vmem>>, vector<1x16xi32>,
    %swap3A_269 = vector.shape_cast %swap3A_268 : vector<1x16xi32> to vector<16xi32>
    %swap3A_270 = vector.shape_cast %add3A_264 : vector<16xi32> to vector<1x16xi32>
    tpu.vector_store %arg15[%swap3A_266, %swap3A_267], %swap3A_270 {strides = array<i32>} : memref<5x80xi32, #tpu.memory_space<vmem>>, vector<1x16xi32>,
    %get3A_271 = arith.constant 3 : i32
    %get3A_272 = arith.index_cast %get3A_271 : i32 to index
    %get3A_273 = arith.constant 0 : index
    %get3A_274 = tpu.vector_load %arg11[%get3A_272, %get3A_273] {strides = array<i32>} : memref<5x80xi32, #tpu.memory_space<vmem>>, vector<1x16xi32>,
    %get3A_275 = vector.shape_cast %get3A_274 : vector<1x16xi32> to vector<16xi32>
    %mul3A_276 = arith.constant 2 : i32
    %mul3A_277 = vector.broadcast %mul3A_276 : i32 to vector<16xi32>
    %mul3A_278 = arith.muli %get3A_275, %mul3A_277 : vector<16xi32>
    %add3A_279 = vector.broadcast %arg0 : i32 to vector<16xi32>
    %add3A_280 = arith.addi %mul3A_278, %add3A_279 : vector<16xi32>
    %swap3A_281 = arith.constant 3 : i32
    %swap3A_282 = arith.index_cast %swap3A_281 : i32 to index
    %swap3A_283 = arith.constant 0 : index
    %swap3A_284 = tpu.vector_load %arg15[%swap3A_282, %swap3A_283] {strides = array<i32>} : memref<5x80xi32, #tpu.memory_space<vmem>>, vector<1x16xi32>,
    %swap3A_285 = vector.shape_cast %swap3A_284 : vector<1x16xi32> to vector<16xi32>
    %swap3A_286 = vector.shape_cast %add3A_280 : vector<16xi32> to vector<1x16xi32>
    tpu.vector_store %arg15[%swap3A_282, %swap3A_283], %swap3A_286 {strides = array<i32>} : memref<5x80xi32, #tpu.memory_space<vmem>>, vector<1x16xi32>,
    %get3A_287 = arith.constant 3 : i32
    %get3A_288 = arith.index_cast %get3A_287 : i32 to index
    %get3A_289 = arith.constant 16 : index
    %get3A_290 = tpu.vector_load %arg11[%get3A_288, %get3A_289] {strides = array<i32>} : memref<5x80xi32, #tpu.memory_space<vmem>>, vector<1x16xi32>,
    %get3A_291 = vector.shape_cast %get3A_290 : vector<1x16xi32> to vector<16xi32>
    %mul3A_292 = arith.constant 2 : i32
    %mul3A_293 = vector.broadcast %mul3A_292 : i32 to vector<16xi32>
    %mul3A_294 = arith.muli %get3A_291, %mul3A_293 : vector<16xi32>
    %add3A_295 = vector.broadcast %arg0 : i32 to vector<16xi32>
    %add3A_296 = arith.addi %mul3A_294, %add3A_295 : vector<16xi32>
    %swap3A_297 = arith.constant 3 : i32
    %swap3A_298 = arith.index_cast %swap3A_297 : i32 to index
    %swap3A_299 = arith.constant 16 : index
    %swap3A_300 = tpu.vector_load %arg15[%swap3A_298, %swap3A_299] {strides = array<i32>} : memref<5x80xi32, #tpu.memory_space<vmem>>, vector<1x16xi32>,
    %swap3A_301 = vector.shape_cast %swap3A_300 : vector<1x16xi32> to vector<16xi32>
    %swap3A_302 = vector.shape_cast %add3A_296 : vector<16xi32> to vector<1x16xi32>
    tpu.vector_store %arg15[%swap3A_298, %swap3A_299], %swap3A_302 {strides = array<i32>} : memref<5x80xi32, #tpu.memory_space<vmem>>, vector<1x16xi32>,
    %get3A_303 = arith.constant 3 : i32
    %get3A_304 = arith.index_cast %get3A_303 : i32 to index
    %get3A_305 = arith.constant 32 : index
    %get3A_306 = tpu.vector_load %arg11[%get3A_304, %get3A_305] {strides = array<i32>} : memref<5x80xi32, #tpu.memory_space<vmem>>, vector<1x16xi32>,
    %get3A_307 = vector.shape_cast %get3A_306 : vector<1x16xi32> to vector<16xi32>
    %mul3A_308 = arith.constant 2 : i32
    %mul3A_309 = vector.broadcast %mul3A_308 : i32 to vector<16xi32>
    %mul3A_310 = arith.muli %get3A_307, %mul3A_309 : vector<16xi32>
    %add3A_311 = vector.broadcast %arg0 : i32 to vector<16xi32>
    %add3A_312 = arith.addi %mul3A_310, %add3A_311 : vector<16xi32>
    %swap3A_313 = arith.constant 3 : i32
    %swap3A_314 = arith.index_cast %swap3A_313 : i32 to index
    %swap3A_315 = arith.constant 32 : index
    %swap3A_316 = tpu.vector_load %arg15[%swap3A_314, %swap3A_315] {strides = array<i32>} : memref<5x80xi32, #tpu.memory_space<vmem>>, vector<1x16xi32>,
    %swap3A_317 = vector.shape_cast %swap3A_316 : vector<1x16xi32> to vector<16xi32>
    %swap3A_318 = vector.shape_cast %add3A_312 : vector<16xi32> to vector<1x16xi32>
    tpu.vector_store %arg15[%swap3A_314, %swap3A_315], %swap3A_318 {strides = array<i32>} : memref<5x80xi32, #tpu.memory_space<vmem>>, vector<1x16xi32>,
    %get3A_319 = arith.constant 3 : i32
    %get3A_320 = arith.index_cast %get3A_319 : i32 to index
    %get3A_321 = arith.constant 48 : index
    %get3A_322 = tpu.vector_load %arg11[%get3A_320, %get3A_321] {strides = array<i32>} : memref<5x80xi32, #tpu.memory_space<vmem>>, vector<1x16xi32>,
    %get3A_323 = vector.shape_cast %get3A_322 : vector<1x16xi32> to vector<16xi32>
    %mul3A_324 = arith.constant 2 : i32
    %mul3A_325 = vector.broadcast %mul3A_324 : i32 to vector<16xi32>
    %mul3A_326 = arith.muli %get3A_323, %mul3A_325 : vector<16xi32>
    %add3A_327 = vector.broadcast %arg0 : i32 to vector<16xi32>
    %add3A_328 = arith.addi %mul3A_326, %add3A_327 : vector<16xi32>
    %swap3A_329 = arith.constant 3 : i32
    %swap3A_330 = arith.index_cast %swap3A_329 : i32 to index
    %swap3A_331 = arith.constant 48 : index
    %swap3A_332 = tpu.vector_load %arg15[%swap3A_330, %swap3A_331] {strides = array<i32>} : memref<5x80xi32, #tpu.memory_space<vmem>>, vector<1x16xi32>,
    %swap3A_333 = vector.shape_cast %swap3A_332 : vector<1x16xi32> to vector<16xi32>
    %swap3A_334 = vector.shape_cast %add3A_328 : vector<16xi32> to vector<1x16xi32>
    tpu.vector_store %arg15[%swap3A_330, %swap3A_331], %swap3A_334 {strides = array<i32>} : memref<5x80xi32, #tpu.memory_space<vmem>>, vector<1x16xi32>,
    %get3A_335 = arith.constant 3 : i32
    %get3A_336 = arith.index_cast %get3A_335 : i32 to index
    %get3A_337 = arith.constant 64 : index
    %get3A_338 = tpu.vector_load %arg11[%get3A_336, %get3A_337] {strides = array<i32>} : memref<5x80xi32, #tpu.memory_space<vmem>>, vector<1x16xi32>,
    %get3A_339 = vector.shape_cast %get3A_338 : vector<1x16xi32> to vector<16xi32>
    %mul3A_340 = arith.constant 2 : i32
    %mul3A_341 = vector.broadcast %mul3A_340 : i32 to vector<16xi32>
    %mul3A_342 = arith.muli %get3A_339, %mul3A_341 : vector<16xi32>
    %add3A_343 = vector.broadcast %arg0 : i32 to vector<16xi32>
    %add3A_344 = arith.addi %mul3A_342, %add3A_343 : vector<16xi32>
    %swap3A_345 = arith.constant 3 : i32
    %swap3A_346 = arith.index_cast %swap3A_345 : i32 to index
    %swap3A_347 = arith.constant 64 : index
    %swap3A_348 = tpu.vector_load %arg15[%swap3A_346, %swap3A_347] {strides = array<i32>} : memref<5x80xi32, #tpu.memory_space<vmem>>, vector<1x16xi32>,
    %swap3A_349 = vector.shape_cast %swap3A_348 : vector<1x16xi32> to vector<16xi32>
    %swap3A_350 = vector.shape_cast %add3A_344 : vector<16xi32> to vector<1x16xi32>
    tpu.vector_store %arg15[%swap3A_346, %swap3A_347], %swap3A_350 {strides = array<i32>} : memref<5x80xi32, #tpu.memory_space<vmem>>, vector<1x16xi32>,
    %get3A_351 = arith.constant 4 : i32
    %get3A_352 = arith.index_cast %get3A_351 : i32 to index
    %get3A_353 = arith.constant 0 : index
    %get3A_354 = tpu.vector_load %arg11[%get3A_352, %get3A_353] {strides = array<i32>} : memref<5x80xi32, #tpu.memory_space<vmem>>, vector<1x16xi32>,
    %get3A_355 = vector.shape_cast %get3A_354 : vector<1x16xi32> to vector<16xi32>
    %mul3A_356 = arith.constant 2 : i32
    %mul3A_357 = vector.broadcast %mul3A_356 : i32 to vector<16xi32>
    %mul3A_358 = arith.muli %get3A_355, %mul3A_357 : vector<16xi32>
    %add3A_359 = vector.broadcast %arg0 : i32 to vector<16xi32>
    %add3A_360 = arith.addi %mul3A_358, %add3A_359 : vector<16xi32>
    %swap3A_361 = arith.constant 4 : i32
    %swap3A_362 = arith.index_cast %swap3A_361 : i32 to index
    %swap3A_363 = arith.constant 0 : index
    %swap3A_364 = tpu.vector_load %arg15[%swap3A_362, %swap3A_363] {strides = array<i32>} : memref<5x80xi32, #tpu.memory_space<vmem>>, vector<1x16xi32>,
    %swap3A_365 = vector.shape_cast %swap3A_364 : vector<1x16xi32> to vector<16xi32>
    %swap3A_366 = vector.shape_cast %add3A_360 : vector<16xi32> to vector<1x16xi32>
    tpu.vector_store %arg15[%swap3A_362, %swap3A_363], %swap3A_366 {strides = array<i32>} : memref<5x80xi32, #tpu.memory_space<vmem>>, vector<1x16xi32>,
    %get3A_367 = arith.constant 4 : i32
    %get3A_368 = arith.index_cast %get3A_367 : i32 to index
    %get3A_369 = arith.constant 16 : index
    %get3A_370 = tpu.vector_load %arg11[%get3A_368, %get3A_369] {strides = array<i32>} : memref<5x80xi32, #tpu.memory_space<vmem>>, vector<1x16xi32>,
    %get3A_371 = vector.shape_cast %get3A_370 : vector<1x16xi32> to vector<16xi32>
    %mul3A_372 = arith.constant 2 : i32
    %mul3A_373 = vector.broadcast %mul3A_372 : i32 to vector<16xi32>
    %mul3A_374 = arith.muli %get3A_371, %mul3A_373 : vector<16xi32>
    %add3A_375 = vector.broadcast %arg0 : i32 to vector<16xi32>
    %add3A_376 = arith.addi %mul3A_374, %add3A_375 : vector<16xi32>
    %swap3A_377 = arith.constant 4 : i32
    %swap3A_378 = arith.index_cast %swap3A_377 : i32 to index
    %swap3A_379 = arith.constant 16 : index
    %swap3A_380 = tpu.vector_load %arg15[%swap3A_378, %swap3A_379] {strides = array<i32>} : memref<5x80xi32, #tpu.memory_space<vmem>>, vector<1x16xi32>,
    %swap3A_381 = vector.shape_cast %swap3A_380 : vector<1x16xi32> to vector<16xi32>
    %swap3A_382 = vector.shape_cast %add3A_376 : vector<16xi32> to vector<1x16xi32>
    tpu.vector_store %arg15[%swap3A_378, %swap3A_379], %swap3A_382 {strides = array<i32>} : memref<5x80xi32, #tpu.memory_space<vmem>>, vector<1x16xi32>,
    %get3A_383 = arith.constant 4 : i32
    %get3A_384 = arith.index_cast %get3A_383 : i32 to index
    %get3A_385 = arith.constant 32 : index
    %get3A_386 = tpu.vector_load %arg11[%get3A_384, %get3A_385] {strides = array<i32>} : memref<5x80xi32, #tpu.memory_space<vmem>>, vector<1x16xi32>,
    %get3A_387 = vector.shape_cast %get3A_386 : vector<1x16xi32> to vector<16xi32>
    %mul3A_388 = arith.constant 2 : i32
    %mul3A_389 = vector.broadcast %mul3A_388 : i32 to vector<16xi32>
    %mul3A_390 = arith.muli %get3A_387, %mul3A_389 : vector<16xi32>
    %add3A_391 = vector.broadcast %arg0 : i32 to vector<16xi32>
    %add3A_392 = arith.addi %mul3A_390, %add3A_391 : vector<16xi32>
    %swap3A_393 = arith.constant 4 : i32
    %swap3A_394 = arith.index_cast %swap3A_393 : i32 to index
    %swap3A_395 = arith.constant 32 : index
    %swap3A_396 = tpu.vector_load %arg15[%swap3A_394, %swap3A_395] {strides = array<i32>} : memref<5x80xi32, #tpu.memory_space<vmem>>, vector<1x16xi32>,
    %swap3A_397 = vector.shape_cast %swap3A_396 : vector<1x16xi32> to vector<16xi32>
    %swap3A_398 = vector.shape_cast %add3A_392 : vector<16xi32> to vector<1x16xi32>
    tpu.vector_store %arg15[%swap3A_394, %swap3A_395], %swap3A_398 {strides = array<i32>} : memref<5x80xi32, #tpu.memory_space<vmem>>, vector<1x16xi32>,
    %get3A_399 = arith.constant 4 : i32
    %get3A_400 = arith.index_cast %get3A_399 : i32 to index
    %get3A_401 = arith.constant 48 : index
    %get3A_402 = tpu.vector_load %arg11[%get3A_400, %get3A_401] {strides = array<i32>} : memref<5x80xi32, #tpu.memory_space<vmem>>, vector<1x16xi32>,
    %get3A_403 = vector.shape_cast %get3A_402 : vector<1x16xi32> to vector<16xi32>
    %mul3A_404 = arith.constant 2 : i32
    %mul3A_405 = vector.broadcast %mul3A_404 : i32 to vector<16xi32>
    %mul3A_406 = arith.muli %get3A_403, %mul3A_405 : vector<16xi32>
    %add3A_407 = vector.broadcast %arg0 : i32 to vector<16xi32>
    %add3A_408 = arith.addi %mul3A_406, %add3A_407 : vector<16xi32>
    %swap3A_409 = arith.constant 4 : i32
    %swap3A_410 = arith.index_cast %swap3A_409 : i32 to index
    %swap3A_411 = arith.constant 48 : index
    %swap3A_412 = tpu.vector_load %arg15[%swap3A_410, %swap3A_411] {strides = array<i32>} : memref<5x80xi32, #tpu.memory_space<vmem>>, vector<1x16xi32>,
    %swap3A_413 = vector.shape_cast %swap3A_412 : vector<1x16xi32> to vector<16xi32>
    %swap3A_414 = vector.shape_cast %add3A_408 : vector<16xi32> to vector<1x16xi32>
    tpu.vector_store %arg15[%swap3A_410, %swap3A_411], %swap3A_414 {strides = array<i32>} : memref<5x80xi32, #tpu.memory_space<vmem>>, vector<1x16xi32>,
    %get3A_415 = arith.constant 4 : i32
    %get3A_416 = arith.index_cast %get3A_415 : i32 to index
    %get3A_417 = arith.constant 64 : index
    %get3A_418 = tpu.vector_load %arg11[%get3A_416, %get3A_417] {strides = array<i32>} : memref<5x80xi32, #tpu.memory_space<vmem>>, vector<1x16xi32>,
    %get3A_419 = vector.shape_cast %get3A_418 : vector<1x16xi32> to vector<16xi32>
    %mul3A_420 = arith.constant 2 : i32
    %mul3A_421 = vector.broadcast %mul3A_420 : i32 to vector<16xi32>
    %mul3A_422 = arith.muli %get3A_419, %mul3A_421 : vector<16xi32>
    %add3A_423 = vector.broadcast %arg0 : i32 to vector<16xi32>
    %add3A_424 = arith.addi %mul3A_422, %add3A_423 : vector<16xi32>
    %swap3A_425 = arith.constant 4 : i32
    %swap3A_426 = arith.index_cast %swap3A_425 : i32 to index
    %swap3A_427 = arith.constant 64 : index
    %swap3A_428 = tpu.vector_load %arg15[%swap3A_426, %swap3A_427] {strides = array<i32>} : memref<5x80xi32, #tpu.memory_space<vmem>>, vector<1x16xi32>,
    %swap3A_429 = vector.shape_cast %swap3A_428 : vector<1x16xi32> to vector<16xi32>
    %swap3A_430 = vector.shape_cast %add3A_424 : vector<16xi32> to vector<1x16xi32>
    tpu.vector_store %arg15[%swap3A_426, %swap3A_427], %swap3A_430 {strides = array<i32>} : memref<5x80xi32, #tpu.memory_space<vmem>>, vector<1x16xi32>,
    %dma_start3A_431 = arith.constant 0 : i32
    %dma_start3A_432 = arith.constant 0 : i32
    %dma_start3A_433 = tpu.memref_slice %arg15[%dma_start3A_431, %dma_start3A_432] : memref<5x80xi32, #tpu.memory_space<vmem>> -> memref<1x80xi32, #tpu.memory_space<vmem>>
    %dma_start3A_434 = tpu.memref_squeeze %dma_start3A_433 : memref<1x80xi32, #tpu.memory_space<vmem>> -> memref<80xi32, #tpu.memory_space<vmem>>
    %dma_start3A_435 = arith.constant 0 : i32
    %dma_start3A_436 = arith.constant 0 : i32
    %dma_start3A_437 = tpu.memref_slice %arg2[%dma_start3A_435, %dma_start3A_436] : memref<20000x64xf32, #tpu.memory_space<hbm>> -> memref<20000x64xf32, #tpu.memory_space<hbm>>
    tpu.enqueue_indirect_dma source(%dma_start3A_437 : memref<20000x64xf32, #tpu.memory_space<hbm>>) target(%arg6 : memref<80x64xf32, #tpu.memory_space<vmem>>) offsets(%dma_start3A_434 : memref<80xi32, #tpu.memory_space<vmem>>) semaphore(%arg19 : memref<!tpu.dma_semaphore, #tpu.memory_space<semaphore_mem>>)
    %dma_start3A_438 = arith.constant 1 : i32
    %dma_start3A_439 = arith.constant 0 : i32
    %dma_start3A_440 = tpu.memref_slice %arg15[%dma_start3A_438, %dma_start3A_439] : memref<5x80xi32, #tpu.memory_space<vmem>> -> memref<1x80xi32, #tpu.memory_space<vmem>>
    %dma_start3A_441 = tpu.memref_squeeze %dma_start3A_440 : memref<1x80xi32, #tpu.memory_space<vmem>> -> memref<80xi32, #tpu.memory_space<vmem>>
    %dma_start3A_442 = arith.constant 0 : i32
    %dma_start3A_443 = arith.constant 0 : i32
    %dma_start3A_444 = tpu.memref_slice %arg2[%dma_start3A_442, %dma_start3A_443] : memref<20000x64xf32, #tpu.memory_space<hbm>> -> memref<20000x64xf32, #tpu.memory_space<hbm>>
    tpu.enqueue_indirect_dma source(%dma_start3A_444 : memref<20000x64xf32, #tpu.memory_space<hbm>>) target(%arg7 : memref<80x64xf32, #tpu.memory_space<vmem>>) offsets(%dma_start3A_441 : memref<80xi32, #tpu.memory_space<vmem>>) semaphore(%arg20 : memref<!tpu.dma_semaphore, #tpu.memory_space<semaphore_mem>>)
    %dma_start3A_445 = arith.constant 2 : i32
    %dma_start3A_446 = arith.constant 0 : i32
    %dma_start3A_447 = tpu.memref_slice %arg15[%dma_start3A_445, %dma_start3A_446] : memref<5x80xi32, #tpu.memory_space<vmem>> -> memref<1x80xi32, #tpu.memory_space<vmem>>
    %dma_start3A_448 = tpu.memref_squeeze %dma_start3A_447 : memref<1x80xi32, #tpu.memory_space<vmem>> -> memref<80xi32, #tpu.memory_space<vmem>>
    %dma_start3A_449 = arith.constant 0 : i32
    %dma_start3A_450 = arith.constant 0 : i32
    %dma_start3A_451 = tpu.memref_slice %arg2[%dma_start3A_449, %dma_start3A_450] : memref<20000x64xf32, #tpu.memory_space<hbm>> -> memref<20000x64xf32, #tpu.memory_space<hbm>>
    tpu.enqueue_indirect_dma source(%dma_start3A_451 : memref<20000x64xf32, #tpu.memory_space<hbm>>) target(%arg8 : memref<80x64xf32, #tpu.memory_space<vmem>>) offsets(%dma_start3A_448 : memref<80xi32, #tpu.memory_space<vmem>>) semaphore(%arg21 : memref<!tpu.dma_semaphore, #tpu.memory_space<semaphore_mem>>)
    %dma_start3A_452 = arith.constant 3 : i32
    %dma_start3A_453 = arith.constant 0 : i32
    %dma_start3A_454 = tpu.memref_slice %arg15[%dma_start3A_452, %dma_start3A_453] : memref<5x80xi32, #tpu.memory_space<vmem>> -> memref<1x80xi32, #tpu.memory_space<vmem>>
    %dma_start3A_455 = tpu.memref_squeeze %dma_start3A_454 : memref<1x80xi32, #tpu.memory_space<vmem>> -> memref<80xi32, #tpu.memory_space<vmem>>
    %dma_start3A_456 = arith.constant 0 : i32
    %dma_start3A_457 = arith.constant 0 : i32
    %dma_start3A_458 = tpu.memref_slice %arg2[%dma_start3A_456, %dma_start3A_457] : memref<20000x64xf32, #tpu.memory_space<hbm>> -> memref<20000x64xf32, #tpu.memory_space<hbm>>
    tpu.enqueue_indirect_dma source(%dma_start3A_458 : memref<20000x64xf32, #tpu.memory_space<hbm>>) target(%arg9 : memref<80x64xf32, #tpu.memory_space<vmem>>) offsets(%dma_start3A_455 : memref<80xi32, #tpu.memory_space<vmem>>) semaphore(%arg22 : memref<!tpu.dma_semaphore, #tpu.memory_space<semaphore_mem>>)
    %dma_start3A_459 = arith.constant 4 : i32
    %dma_start3A_460 = arith.constant 0 : i32
    %dma_start3A_461 = tpu.memref_slice %arg15[%dma_start3A_459, %dma_start3A_460] : memref<5x80xi32, #tpu.memory_space<vmem>> -> memref<1x80xi32, #tpu.memory_space<vmem>>
    %dma_start3A_462 = tpu.memref_squeeze %dma_start3A_461 : memref<1x80xi32, #tpu.memory_space<vmem>> -> memref<80xi32, #tpu.memory_space<vmem>>
    %dma_start3A_463 = arith.constant 0 : i32
    %dma_start3A_464 = arith.constant 0 : i32
    %dma_start3A_465 = tpu.memref_slice %arg2[%dma_start3A_463, %dma_start3A_464] : memref<20000x64xf32, #tpu.memory_space<hbm>> -> memref<20000x64xf32, #tpu.memory_space<hbm>>
    tpu.enqueue_indirect_dma source(%dma_start3A_465 : memref<20000x64xf32, #tpu.memory_space<hbm>>) target(%arg10 : memref<80x64xf32, #tpu.memory_space<vmem>>) offsets(%dma_start3A_462 : memref<80xi32, #tpu.memory_space<vmem>>) semaphore(%arg23 : memref<!tpu.dma_semaphore, #tpu.memory_space<semaphore_mem>>)
    %scan3A_466 = arith.constant 0 : i32
    %scan3A_467 = arith.constant 0 : i32
    %scan3A_468 = arith.constant 25 : i32
    %scan3A_469 = arith.addi %scan3A_467, %scan3A_468 : i32
    %scan3A_470 = arith.constant 1 : i32
    scf.for %scan3A_483 = %scan3A_467 to %scan3A_469 step %scan3A_470  : i32 {
      %mul3A_484 = arith.constant 2 : i32
      %mul3A_485 = arith.muli %mul3A_484, %scan3A_483 : i32
      %dma_wait3A = arith.constant 0 : i32
      %dma_wait3A_486 = arith.constant 0 : i32
      %dma_wait3A_487 = arith.constant 0 : i32
      %dma_wait3A_488 = tpu.memref_slice %arg3[%arg1, %dma_wait3A, %dma_wait3A_486, %dma_wait3A_487] : memref<16x50x5x80xi32, #tpu.memory_space<hbm>> -> memref<1x1x5x80xi32, #tpu.memory_space<hbm>>
      %dma_wait3A_489 = tpu.memref_squeeze %dma_wait3A_488 : memref<1x1x5x80xi32, #tpu.memory_space<hbm>> -> memref<5x80xi32, #tpu.memory_space<hbm>>
      %dma_wait3A_490 = arith.constant 0 : i32
      %dma_wait3A_491 = arith.constant 0 : i32
      %dma_wait3A_492 = tpu.memref_slice %arg3[%arg1, %dma_wait3A, %dma_wait3A_490, %dma_wait3A_491] : memref<16x50x5x80xi32, #tpu.memory_space<hbm>> -> memref<1x1x5x80xi32, #tpu.memory_space<hbm>>
      %dma_wait3A_493 = tpu.memref_squeeze %dma_wait3A_492 : memref<1x1x5x80xi32, #tpu.memory_space<hbm>> -> memref<5x80xi32, #tpu.memory_space<hbm>>
      tpu.wait_dma2 semaphore(%arg25 : memref<!tpu.dma_semaphore, #tpu.memory_space<semaphore_mem>>) src(%dma_wait3A_493 : memref<5x80xi32, #tpu.memory_space<hbm>>) dst(%arg13 : memref<5x80xi32, #tpu.memory_space<vmem>>)
      %dma_wait3A_494 = arith.constant 0 : i32
      %dma_wait3A_495 = arith.constant 0 : i32
      %dma_wait3A_496 = arith.constant 0 : i32
      %dma_wait3A_497 = tpu.memref_slice %arg4[%arg1, %dma_wait3A_494, %dma_wait3A_495, %dma_wait3A_496] : memref<16x50x5x80xi32, #tpu.memory_space<hbm>> -> memref<1x1x5x80xi32, #tpu.memory_space<hbm>>
      %dma_wait3A_498 = tpu.memref_squeeze %dma_wait3A_497 : memref<1x1x5x80xi32, #tpu.memory_space<hbm>> -> memref<5x80xi32, #tpu.memory_space<hbm>>
      %dma_wait3A_499 = arith.constant 0 : i32
      %dma_wait3A_500 = arith.constant 0 : i32
      %dma_wait3A_501 = tpu.memref_slice %arg4[%arg1, %dma_wait3A_494, %dma_wait3A_499, %dma_wait3A_500] : memref<16x50x5x80xi32, #tpu.memory_space<hbm>> -> memref<1x1x5x80xi32, #tpu.memory_space<hbm>>
      %dma_wait3A_502 = tpu.memref_squeeze %dma_wait3A_501 : memref<1x1x5x80xi32, #tpu.memory_space<hbm>> -> memref<5x80xi32, #tpu.memory_space<hbm>>
      tpu.wait_dma2 semaphore(%arg25 : memref<!tpu.dma_semaphore, #tpu.memory_space<semaphore_mem>>) src(%dma_wait3A_502 : memref<5x80xi32, #tpu.memory_space<hbm>>) dst(%arg14 : memref<5x80xi32, #tpu.memory_space<vmem>>)
      %get3A_503 = arith.constant 0 : i32
      %get3A_504 = arith.index_cast %get3A_503 : i32 to index
      %get3A_505 = arith.constant 0 : index
      %get3A_506 = tpu.vector_load %arg13[%get3A_504, %get3A_505] {strides = array<i32>} : memref<5x80xi32, #tpu.memory_space<vmem>>, vector<1x16xi32>,
      %get3A_507 = vector.shape_cast %get3A_506 : vector<1x16xi32> to vector<16xi32>
      %mul3A_508 = arith.constant 2 : i32
      %mul3A_509 = vector.broadcast %mul3A_508 : i32 to vector<16xi32>
      %mul3A_510 = arith.muli %get3A_507, %mul3A_509 : vector<16xi32>
      %add3A_511 = vector.broadcast %arg0 : i32 to vector<16xi32>
      %add3A_512 = arith.addi %mul3A_510, %add3A_511 : vector<16xi32>
      %swap3A_513 = arith.constant 0 : i32
      %swap3A_514 = arith.index_cast %swap3A_513 : i32 to index
      %swap3A_515 = arith.constant 0 : index
      %swap3A_516 = tpu.vector_load %arg16[%swap3A_514, %swap3A_515] {strides = array<i32>} : memref<5x80xi32, #tpu.memory_space<vmem>>, vector<1x16xi32>,
      %swap3A_517 = vector.shape_cast %swap3A_516 : vector<1x16xi32> to vector<16xi32>
      %swap3A_518 = vector.shape_cast %add3A_512 : vector<16xi32> to vector<1x16xi32>
      tpu.vector_store %arg16[%swap3A_514, %swap3A_515], %swap3A_518 {strides = array<i32>} : memref<5x80xi32, #tpu.memory_space<vmem>>, vector<1x16xi32>,
      %get3A_519 = arith.constant 0 : i32
      %get3A_520 = arith.index_cast %get3A_519 : i32 to index
      %get3A_521 = arith.constant 16 : index
      %get3A_522 = tpu.vector_load %arg13[%get3A_520, %get3A_521] {strides = array<i32>} : memref<5x80xi32, #tpu.memory_space<vmem>>, vector<1x16xi32>,
      %get3A_523 = vector.shape_cast %get3A_522 : vector<1x16xi32> to vector<16xi32>
      %mul3A_524 = arith.constant 2 : i32
      %mul3A_525 = vector.broadcast %mul3A_524 : i32 to vector<16xi32>
      %mul3A_526 = arith.muli %get3A_523, %mul3A_525 : vector<16xi32>
      %add3A_527 = vector.broadcast %arg0 : i32 to vector<16xi32>
      %add3A_528 = arith.addi %mul3A_526, %add3A_527 : vector<16xi32>
      %swap3A_529 = arith.constant 0 : i32
      %swap3A_530 = arith.index_cast %swap3A_529 : i32 to index
      %swap3A_531 = arith.constant 16 : index
      %swap3A_532 = tpu.vector_load %arg16[%swap3A_530, %swap3A_531] {strides = array<i32>} : memref<5x80xi32, #tpu.memory_space<vmem>>, vector<1x16xi32>,
      %swap3A_533 = vector.shape_cast %swap3A_532 : vector<1x16xi32> to vector<16xi32>
      %swap3A_534 = vector.shape_cast %add3A_528 : vector<16xi32> to vector<1x16xi32>
      tpu.vector_store %arg16[%swap3A_530, %swap3A_531], %swap3A_534 {strides = array<i32>} : memref<5x80xi32, #tpu.memory_space<vmem>>, vector<1x16xi32>,
      %get3A_535 = arith.constant 0 : i32
      %get3A_536 = arith.index_cast %get3A_535 : i32 to index
      %get3A_537 = arith.constant 32 : index
      %get3A_538 = tpu.vector_load %arg13[%get3A_536, %get3A_537] {strides = array<i32>} : memref<5x80xi32, #tpu.memory_space<vmem>>, vector<1x16xi32>,
      %get3A_539 = vector.shape_cast %get3A_538 : vector<1x16xi32> to vector<16xi32>
      %mul3A_540 = arith.constant 2 : i32
      %mul3A_541 = vector.broadcast %mul3A_540 : i32 to vector<16xi32>
      %mul3A_542 = arith.muli %get3A_539, %mul3A_541 : vector<16xi32>
      %add3A_543 = vector.broadcast %arg0 : i32 to vector<16xi32>
      %add3A_544 = arith.addi %mul3A_542, %add3A_543 : vector<16xi32>
      %swap3A_545 = arith.constant 0 : i32
      %swap3A_546 = arith.index_cast %swap3A_545 : i32 to index
      %swap3A_547 = arith.constant 32 : index
      %swap3A_548 = tpu.vector_load %arg16[%swap3A_546, %swap3A_547] {strides = array<i32>} : memref<5x80xi32, #tpu.memory_space<vmem>>, vector<1x16xi32>,
      %swap3A_549 = vector.shape_cast %swap3A_548 : vector<1x16xi32> to vector<16xi32>
      %swap3A_550 = vector.shape_cast %add3A_544 : vector<16xi32> to vector<1x16xi32>
      tpu.vector_store %arg16[%swap3A_546, %swap3A_547], %swap3A_550 {strides = array<i32>} : memref<5x80xi32, #tpu.memory_space<vmem>>, vector<1x16xi32>,
      %get3A_551 = arith.constant 0 : i32
      %get3A_552 = arith.index_cast %get3A_551 : i32 to index
      %get3A_553 = arith.constant 48 : index
      %get3A_554 = tpu.vector_load %arg13[%get3A_552, %get3A_553] {strides = array<i32>} : memref<5x80xi32, #tpu.memory_space<vmem>>, vector<1x16xi32>,
      %get3A_555 = vector.shape_cast %get3A_554 : vector<1x16xi32> to vector<16xi32>
      %mul3A_556 = arith.constant 2 : i32
      %mul3A_557 = vector.broadcast %mul3A_556 : i32 to vector<16xi32>
      %mul3A_558 = arith.muli %get3A_555, %mul3A_557 : vector<16xi32>
      %add3A_559 = vector.broadcast %arg0 : i32 to vector<16xi32>
      %add3A_560 = arith.addi %mul3A_558, %add3A_559 : vector<16xi32>
      %swap3A_561 = arith.constant 0 : i32
      %swap3A_562 = arith.index_cast %swap3A_561 : i32 to index
      %swap3A_563 = arith.constant 48 : index
      %swap3A_564 = tpu.vector_load %arg16[%swap3A_562, %swap3A_563] {strides = array<i32>} : memref<5x80xi32, #tpu.memory_space<vmem>>, vector<1x16xi32>,
      %swap3A_565 = vector.shape_cast %swap3A_564 : vector<1x16xi32> to vector<16xi32>
      %swap3A_566 = vector.shape_cast %add3A_560 : vector<16xi32> to vector<1x16xi32>
      tpu.vector_store %arg16[%swap3A_562, %swap3A_563], %swap3A_566 {strides = array<i32>} : memref<5x80xi32, #tpu.memory_space<vmem>>, vector<1x16xi32>,
      %get3A_567 = arith.constant 0 : i32
      %get3A_568 = arith.index_cast %get3A_567 : i32 to index
      %get3A_569 = arith.constant 64 : index
      %get3A_570 = tpu.vector_load %arg13[%get3A_568, %get3A_569] {strides = array<i32>} : memref<5x80xi32, #tpu.memory_space<vmem>>, vector<1x16xi32>,
      %get3A_571 = vector.shape_cast %get3A_570 : vector<1x16xi32> to vector<16xi32>
      %mul3A_572 = arith.constant 2 : i32
      %mul3A_573 = vector.broadcast %mul3A_572 : i32 to vector<16xi32>
      %mul3A_574 = arith.muli %get3A_571, %mul3A_573 : vector<16xi32>
      %add3A_575 = vector.broadcast %arg0 : i32 to vector<16xi32>
      %add3A_576 = arith.addi %mul3A_574, %add3A_575 : vector<16xi32>
      %swap3A_577 = arith.constant 0 : i32
      %swap3A_578 = arith.index_cast %swap3A_577 : i32 to index
      %swap3A_579 = arith.constant 64 : index
      %swap3A_580 = tpu.vector_load %arg16[%swap3A_578, %swap3A_579] {strides = array<i32>} : memref<5x80xi32, #tpu.memory_space<vmem>>, vector<1x16xi32>,
      %swap3A_581 = vector.shape_cast %swap3A_580 : vector<1x16xi32> to vector<16xi32>
      %swap3A_582 = vector.shape_cast %add3A_576 : vector<16xi32> to vector<1x16xi32>
      tpu.vector_store %arg16[%swap3A_578, %swap3A_579], %swap3A_582 {strides = array<i32>} : memref<5x80xi32, #tpu.memory_space<vmem>>, vector<1x16xi32>,
      %get3A_583 = arith.constant 1 : i32
      %get3A_584 = arith.index_cast %get3A_583 : i32 to index
      %get3A_585 = arith.constant 0 : index
      %get3A_586 = tpu.vector_load %arg13[%get3A_584, %get3A_585] {strides = array<i32>} : memref<5x80xi32, #tpu.memory_space<vmem>>, vector<1x16xi32>,
      %get3A_587 = vector.shape_cast %get3A_586 : vector<1x16xi32> to vector<16xi32>
      %mul3A_588 = arith.constant 2 : i32
      %mul3A_589 = vector.broadcast %mul3A_588 : i32 to vector<16xi32>
      %mul3A_590 = arith.muli %get3A_587, %mul3A_589 : vector<16xi32>
      %add3A_591 = vector.broadcast %arg0 : i32 to vector<16xi32>
      %add3A_592 = arith.addi %mul3A_590, %add3A_591 : vector<16xi32>
      %swap3A_593 = arith.constant 1 : i32
      %swap3A_594 = arith.index_cast %swap3A_593 : i32 to index
      %swap3A_595 = arith.constant 0 : index
      %swap3A_596 = tpu.vector_load %arg16[%swap3A_594, %swap3A_595] {strides = array<i32>} : memref<5x80xi32, #tpu.memory_space<vmem>>, vector<1x16xi32>,
      %swap3A_597 = vector.shape_cast %swap3A_596 : vector<1x16xi32> to vector<16xi32>
      %swap3A_598 = vector.shape_cast %add3A_592 : vector<16xi32> to vector<1x16xi32>
      tpu.vector_store %arg16[%swap3A_594, %swap3A_595], %swap3A_598 {strides = array<i32>} : memref<5x80xi32, #tpu.memory_space<vmem>>, vector<1x16xi32>,
      %get3A_599 = arith.constant 1 : i32
      %get3A_600 = arith.index_cast %get3A_599 : i32 to index
      %get3A_601 = arith.constant 16 : index
      %get3A_602 = tpu.vector_load %arg13[%get3A_600, %get3A_601] {strides = array<i32>} : memref<5x80xi32, #tpu.memory_space<vmem>>, vector<1x16xi32>,
      %get3A_603 = vector.shape_cast %get3A_602 : vector<1x16xi32> to vector<16xi32>
      %mul3A_604 = arith.constant 2 : i32
      %mul3A_605 = vector.broadcast %mul3A_604 : i32 to vector<16xi32>
      %mul3A_606 = arith.muli %get3A_603, %mul3A_605 : vector<16xi32>
      %add3A_607 = vector.broadcast %arg0 : i32 to vector<16xi32>
      %add3A_608 = arith.addi %mul3A_606, %add3A_607 : vector<16xi32>
      %swap3A_609 = arith.constant 1 : i32
      %swap3A_610 = arith.index_cast %swap3A_609 : i32 to index
      %swap3A_611 = arith.constant 16 : index
      %swap3A_612 = tpu.vector_load %arg16[%swap3A_610, %swap3A_611] {strides = array<i32>} : memref<5x80xi32, #tpu.memory_space<vmem>>, vector<1x16xi32>,
      %swap3A_613 = vector.shape_cast %swap3A_612 : vector<1x16xi32> to vector<16xi32>
      %swap3A_614 = vector.shape_cast %add3A_608 : vector<16xi32> to vector<1x16xi32>
      tpu.vector_store %arg16[%swap3A_610, %swap3A_611], %swap3A_614 {strides = array<i32>} : memref<5x80xi32, #tpu.memory_space<vmem>>, vector<1x16xi32>,
      %get3A_615 = arith.constant 1 : i32
      %get3A_616 = arith.index_cast %get3A_615 : i32 to index
      %get3A_617 = arith.constant 32 : index
      %get3A_618 = tpu.vector_load %arg13[%get3A_616, %get3A_617] {strides = array<i32>} : memref<5x80xi32, #tpu.memory_space<vmem>>, vector<1x16xi32>,
      %get3A_619 = vector.shape_cast %get3A_618 : vector<1x16xi32> to vector<16xi32>
      %mul3A_620 = arith.constant 2 : i32
      %mul3A_621 = vector.broadcast %mul3A_620 : i32 to vector<16xi32>
      %mul3A_622 = arith.muli %get3A_619, %mul3A_621 : vector<16xi32>
      %add3A_623 = vector.broadcast %arg0 : i32 to vector<16xi32>
      %add3A_624 = arith.addi %mul3A_622, %add3A_623 : vector<16xi32>
      %swap3A_625 = arith.constant 1 : i32
      %swap3A_626 = arith.index_cast %swap3A_625 : i32 to index
      %swap3A_627 = arith.constant 32 : index
      %swap3A_628 = tpu.vector_load %arg16[%swap3A_626, %swap3A_627] {strides = array<i32>} : memref<5x80xi32, #tpu.memory_space<vmem>>, vector<1x16xi32>,
      %swap3A_629 = vector.shape_cast %swap3A_628 : vector<1x16xi32> to vector<16xi32>
      %swap3A_630 = vector.shape_cast %add3A_624 : vector<16xi32> to vector<1x16xi32>
      tpu.vector_store %arg16[%swap3A_626, %swap3A_627], %swap3A_630 {strides = array<i32>} : memref<5x80xi32, #tpu.memory_space<vmem>>, vector<1x16xi32>,
      %get3A_631 = arith.constant 1 : i32
      %get3A_632 = arith.index_cast %get3A_631 : i32 to index
      %get3A_633 = arith.constant 48 : index
      %get3A_634 = tpu.vector_load %arg13[%get3A_632, %get3A_633] {strides = array<i32>} : memref<5x80xi32, #tpu.memory_space<vmem>>, vector<1x16xi32>,
      %get3A_635 = vector.shape_cast %get3A_634 : vector<1x16xi32> to vector<16xi32>
      %mul3A_636 = arith.constant 2 : i32
      %mul3A_637 = vector.broadcast %mul3A_636 : i32 to vector<16xi32>
      %mul3A_638 = arith.muli %get3A_635, %mul3A_637 : vector<16xi32>
      %add3A_639 = vector.broadcast %arg0 : i32 to vector<16xi32>
      %add3A_640 = arith.addi %mul3A_638, %add3A_639 : vector<16xi32>
      %swap3A_641 = arith.constant 1 : i32
      %swap3A_642 = arith.index_cast %swap3A_641 : i32 to index
      %swap3A_643 = arith.constant 48 : index
      %swap3A_644 = tpu.vector_load %arg16[%swap3A_642, %swap3A_643] {strides = array<i32>} : memref<5x80xi32, #tpu.memory_space<vmem>>, vector<1x16xi32>,
      %swap3A_645 = vector.shape_cast %swap3A_644 : vector<1x16xi32> to vector<16xi32>
      %swap3A_646 = vector.shape_cast %add3A_640 : vector<16xi32> to vector<1x16xi32>
      tpu.vector_store %arg16[%swap3A_642, %swap3A_643], %swap3A_646 {strides = array<i32>} : memref<5x80xi32, #tpu.memory_space<vmem>>, vector<1x16xi32>,
      %get3A_647 = arith.constant 1 : i32
      %get3A_648 = arith.index_cast %get3A_647 : i32 to index
      %get3A_649 = arith.constant 64 : index
      %get3A_650 = tpu.vector_load %arg13[%get3A_648, %get3A_649] {strides = array<i32>} : memref<5x80xi32, #tpu.memory_space<vmem>>, vector<1x16xi32>,
      %get3A_651 = vector.shape_cast %get3A_650 : vector<1x16xi32> to vector<16xi32>
      %mul3A_652 = arith.constant 2 : i32
      %mul3A_653 = vector.broadcast %mul3A_652 : i32 to vector<16xi32>
      %mul3A_654 = arith.muli %get3A_651, %mul3A_653 : vector<16xi32>
      %add3A_655 = vector.broadcast %arg0 : i32 to vector<16xi32>
      %add3A_656 = arith.addi %mul3A_654, %add3A_655 : vector<16xi32>
      %swap3A_657 = arith.constant 1 : i32
      %swap3A_658 = arith.index_cast %swap3A_657 : i32 to index
      %swap3A_659 = arith.constant 64 : index
      %swap3A_660 = tpu.vector_load %arg16[%swap3A_658, %swap3A_659] {strides = array<i32>} : memref<5x80xi32, #tpu.memory_space<vmem>>, vector<1x16xi32>,
      %swap3A_661 = vector.shape_cast %swap3A_660 : vector<1x16xi32> to vector<16xi32>
      %swap3A_662 = vector.shape_cast %add3A_656 : vector<16xi32> to vector<1x16xi32>
      tpu.vector_store %arg16[%swap3A_658, %swap3A_659], %swap3A_662 {strides = array<i32>} : memref<5x80xi32, #tpu.memory_space<vmem>>, vector<1x16xi32>,
      %get3A_663 = arith.constant 2 : i32
      %get3A_664 = arith.index_cast %get3A_663 : i32 to index
      %get3A_665 = arith.constant 0 : index
      %get3A_666 = tpu.vector_load %arg13[%get3A_664, %get3A_665] {strides = array<i32>} : memref<5x80xi32, #tpu.memory_space<vmem>>, vector<1x16xi32>,
      %get3A_667 = vector.shape_cast %get3A_666 : vector<1x16xi32> to vector<16xi32>
      %mul3A_668 = arith.constant 2 : i32
      %mul3A_669 = vector.broadcast %mul3A_668 : i32 to vector<16xi32>
      %mul3A_670 = arith.muli %get3A_667, %mul3A_669 : vector<16xi32>
      %add3A_671 = vector.broadcast %arg0 : i32 to vector<16xi32>
      %add3A_672 = arith.addi %mul3A_670, %add3A_671 : vector<16xi32>
      %swap3A_673 = arith.constant 2 : i32
      %swap3A_674 = arith.index_cast %swap3A_673 : i32 to index
      %swap3A_675 = arith.constant 0 : index
      %swap3A_676 = tpu.vector_load %arg16[%swap3A_674, %swap3A_675] {strides = array<i32>} : memref<5x80xi32, #tpu.memory_space<vmem>>, vector<1x16xi32>,
      %swap3A_677 = vector.shape_cast %swap3A_676 : vector<1x16xi32> to vector<16xi32>
      %swap3A_678 = vector.shape_cast %add3A_672 : vector<16xi32> to vector<1x16xi32>
      tpu.vector_store %arg16[%swap3A_674, %swap3A_675], %swap3A_678 {strides = array<i32>} : memref<5x80xi32, #tpu.memory_space<vmem>>, vector<1x16xi32>,
      %get3A_679 = arith.constant 2 : i32
      %get3A_680 = arith.index_cast %get3A_679 : i32 to index
      %get3A_681 = arith.constant 16 : index
      %get3A_682 = tpu.vector_load %arg13[%get3A_680, %get3A_681] {strides = array<i32>} : memref<5x80xi32, #tpu.memory_space<vmem>>, vector<1x16xi32>,
      %get3A_683 = vector.shape_cast %get3A_682 : vector<1x16xi32> to vector<16xi32>
      %mul3A_684 = arith.constant 2 : i32
      %mul3A_685 = vector.broadcast %mul3A_684 : i32 to vector<16xi32>
      %mul3A_686 = arith.muli %get3A_683, %mul3A_685 : vector<16xi32>
      %add3A_687 = vector.broadcast %arg0 : i32 to vector<16xi32>
      %add3A_688 = arith.addi %mul3A_686, %add3A_687 : vector<16xi32>
      %swap3A_689 = arith.constant 2 : i32
      %swap3A_690 = arith.index_cast %swap3A_689 : i32 to index
      %swap3A_691 = arith.constant 16 : index
      %swap3A_692 = tpu.vector_load %arg16[%swap3A_690, %swap3A_691] {strides = array<i32>} : memref<5x80xi32, #tpu.memory_space<vmem>>, vector<1x16xi32>,
      %swap3A_693 = vector.shape_cast %swap3A_692 : vector<1x16xi32> to vector<16xi32>
      %swap3A_694 = vector.shape_cast %add3A_688 : vector<16xi32> to vector<1x16xi32>
      tpu.vector_store %arg16[%swap3A_690, %swap3A_691], %swap3A_694 {strides = array<i32>} : memref<5x80xi32, #tpu.memory_space<vmem>>, vector<1x16xi32>,
      %get3A_695 = arith.constant 2 : i32
      %get3A_696 = arith.index_cast %get3A_695 : i32 to index
      %get3A_697 = arith.constant 32 : index
      %get3A_698 = tpu.vector_load %arg13[%get3A_696, %get3A_697] {strides = array<i32>} : memref<5x80xi32, #tpu.memory_space<vmem>>, vector<1x16xi32>,
      %get3A_699 = vector.shape_cast %get3A_698 : vector<1x16xi32> to vector<16xi32>
      %mul3A_700 = arith.constant 2 : i32
      %mul3A_701 = vector.broadcast %mul3A_700 : i32 to vector<16xi32>
      %mul3A_702 = arith.muli %get3A_699, %mul3A_701 : vector<16xi32>
      %add3A_703 = vector.broadcast %arg0 : i32 to vector<16xi32>
      %add3A_704 = arith.addi %mul3A_702, %add3A_703 : vector<16xi32>
      %swap3A_705 = arith.constant 2 : i32
      %swap3A_706 = arith.index_cast %swap3A_705 : i32 to index
      %swap3A_707 = arith.constant 32 : index
      %swap3A_708 = tpu.vector_load %arg16[%swap3A_706, %swap3A_707] {strides = array<i32>} : memref<5x80xi32, #tpu.memory_space<vmem>>, vector<1x16xi32>,
      %swap3A_709 = vector.shape_cast %swap3A_708 : vector<1x16xi32> to vector<16xi32>
      %swap3A_710 = vector.shape_cast %add3A_704 : vector<16xi32> to vector<1x16xi32>
      tpu.vector_store %arg16[%swap3A_706, %swap3A_707], %swap3A_710 {strides = array<i32>} : memref<5x80xi32, #tpu.memory_space<vmem>>, vector<1x16xi32>,
      %get3A_711 = arith.constant 2 : i32
      %get3A_712 = arith.index_cast %get3A_711 : i32 to index
      %get3A_713 = arith.constant 48 : index
      %get3A_714 = tpu.vector_load %arg13[%get3A_712, %get3A_713] {strides = array<i32>} : memref<5x80xi32, #tpu.memory_space<vmem>>, vector<1x16xi32>,
      %get3A_715 = vector.shape_cast %get3A_714 : vector<1x16xi32> to vector<16xi32>
      %mul3A_716 = arith.constant 2 : i32
      %mul3A_717 = vector.broadcast %mul3A_716 : i32 to vector<16xi32>
      %mul3A_718 = arith.muli %get3A_715, %mul3A_717 : vector<16xi32>
      %add3A_719 = vector.broadcast %arg0 : i32 to vector<16xi32>
      %add3A_720 = arith.addi %mul3A_718, %add3A_719 : vector<16xi32>
      %swap3A_721 = arith.constant 2 : i32
      %swap3A_722 = arith.index_cast %swap3A_721 : i32 to index
      %swap3A_723 = arith.constant 48 : index
      %swap3A_724 = tpu.vector_load %arg16[%swap3A_722, %swap3A_723] {strides = array<i32>} : memref<5x80xi32, #tpu.memory_space<vmem>>, vector<1x16xi32>,
      %swap3A_725 = vector.shape_cast %swap3A_724 : vector<1x16xi32> to vector<16xi32>
      %swap3A_726 = vector.shape_cast %add3A_720 : vector<16xi32> to vector<1x16xi32>
      tpu.vector_store %arg16[%swap3A_722, %swap3A_723], %swap3A_726 {strides = array<i32>} : memref<5x80xi32, #tpu.memory_space<vmem>>, vector<1x16xi32>,
      %get3A_727 = arith.constant 2 : i32
      %get3A_728 = arith.index_cast %get3A_727 : i32 to index
      %get3A_729 = arith.constant 64 : index
      %get3A_730 = tpu.vector_load %arg13[%get3A_728, %get3A_729] {strides = array<i32>} : memref<5x80xi32, #tpu.memory_space<vmem>>, vector<1x16xi32>,
      %get3A_731 = vector.shape_cast %get3A_730 : vector<1x16xi32> to vector<16xi32>
      %mul3A_732 = arith.constant 2 : i32
      %mul3A_733 = vector.broadcast %mul3A_732 : i32 to vector<16xi32>
      %mul3A_734 = arith.muli %get3A_731, %mul3A_733 : vector<16xi32>
      %add3A_735 = vector.broadcast %arg0 : i32 to vector<16xi32>
      %add3A_736 = arith.addi %mul3A_734, %add3A_735 : vector<16xi32>
      %swap3A_737 = arith.constant 2 : i32
      %swap3A_738 = arith.index_cast %swap3A_737 : i32 to index
      %swap3A_739 = arith.constant 64 : index
      %swap3A_740 = tpu.vector_load %arg16[%swap3A_738, %swap3A_739] {strides = array<i32>} : memref<5x80xi32, #tpu.memory_space<vmem>>, vector<1x16xi32>,
      %swap3A_741 = vector.shape_cast %swap3A_740 : vector<1x16xi32> to vector<16xi32>
      %swap3A_742 = vector.shape_cast %add3A_736 : vector<16xi32> to vector<1x16xi32>
      tpu.vector_store %arg16[%swap3A_738, %swap3A_739], %swap3A_742 {strides = array<i32>} : memref<5x80xi32, #tpu.memory_space<vmem>>, vector<1x16xi32>,
      %get3A_743 = arith.constant 3 : i32
      %get3A_744 = arith.index_cast %get3A_743 : i32 to index
      %get3A_745 = arith.constant 0 : index
      %get3A_746 = tpu.vector_load %arg13[%get3A_744, %get3A_745] {strides = array<i32>} : memref<5x80xi32, #tpu.memory_space<vmem>>, vector<1x16xi32>,
      %get3A_747 = vector.shape_cast %get3A_746 : vector<1x16xi32> to vector<16xi32>
      %mul3A_748 = arith.constant 2 : i32
      %mul3A_749 = vector.broadcast %mul3A_748 : i32 to vector<16xi32>
      %mul3A_750 = arith.muli %get3A_747, %mul3A_749 : vector<16xi32>
      %add3A_751 = vector.broadcast %arg0 : i32 to vector<16xi32>
      %add3A_752 = arith.addi %mul3A_750, %add3A_751 : vector<16xi32>
      %swap3A_753 = arith.constant 3 : i32
      %swap3A_754 = arith.index_cast %swap3A_753 : i32 to index
      %swap3A_755 = arith.constant 0 : index
      %swap3A_756 = tpu.vector_load %arg16[%swap3A_754, %swap3A_755] {strides = array<i32>} : memref<5x80xi32, #tpu.memory_space<vmem>>, vector<1x16xi32>,
      %swap3A_757 = vector.shape_cast %swap3A_756 : vector<1x16xi32> to vector<16xi32>
      %swap3A_758 = vector.shape_cast %add3A_752 : vector<16xi32> to vector<1x16xi32>
      tpu.vector_store %arg16[%swap3A_754, %swap3A_755], %swap3A_758 {strides = array<i32>} : memref<5x80xi32, #tpu.memory_space<vmem>>, vector<1x16xi32>,
      %get3A_759 = arith.constant 3 : i32
      %get3A_760 = arith.index_cast %get3A_759 : i32 to index
      %get3A_761 = arith.constant 16 : index
      %get3A_762 = tpu.vector_load %arg13[%get3A_760, %get3A_761] {strides = array<i32>} : memref<5x80xi32, #tpu.memory_space<vmem>>, vector<1x16xi32>,
      %get3A_763 = vector.shape_cast %get3A_762 : vector<1x16xi32> to vector<16xi32>
      %mul3A_764 = arith.constant 2 : i32
      %mul3A_765 = vector.broadcast %mul3A_764 : i32 to vector<16xi32>
      %mul3A_766 = arith.muli %get3A_763, %mul3A_765 : vector<16xi32>
      %add3A_767 = vector.broadcast %arg0 : i32 to vector<16xi32>
      %add3A_768 = arith.addi %mul3A_766, %add3A_767 : vector<16xi32>
      %swap3A_769 = arith.constant 3 : i32
      %swap3A_770 = arith.index_cast %swap3A_769 : i32 to index
      %swap3A_771 = arith.constant 16 : index
      %swap3A_772 = tpu.vector_load %arg16[%swap3A_770, %swap3A_771] {strides = array<i32>} : memref<5x80xi32, #tpu.memory_space<vmem>>, vector<1x16xi32>,
      %swap3A_773 = vector.shape_cast %swap3A_772 : vector<1x16xi32> to vector<16xi32>
      %swap3A_774 = vector.shape_cast %add3A_768 : vector<16xi32> to vector<1x16xi32>
      tpu.vector_store %arg16[%swap3A_770, %swap3A_771], %swap3A_774 {strides = array<i32>} : memref<5x80xi32, #tpu.memory_space<vmem>>, vector<1x16xi32>,
      %get3A_775 = arith.constant 3 : i32
      %get3A_776 = arith.index_cast %get3A_775 : i32 to index
      %get3A_777 = arith.constant 32 : index
      %get3A_778 = tpu.vector_load %arg13[%get3A_776, %get3A_777] {strides = array<i32>} : memref<5x80xi32, #tpu.memory_space<vmem>>, vector<1x16xi32>,
      %get3A_779 = vector.shape_cast %get3A_778 : vector<1x16xi32> to vector<16xi32>
      %mul3A_780 = arith.constant 2 : i32
      %mul3A_781 = vector.broadcast %mul3A_780 : i32 to vector<16xi32>
      %mul3A_782 = arith.muli %get3A_779, %mul3A_781 : vector<16xi32>
      %add3A_783 = vector.broadcast %arg0 : i32 to vector<16xi32>
      %add3A_784 = arith.addi %mul3A_782, %add3A_783 : vector<16xi32>
      %swap3A_785 = arith.constant 3 : i32
      %swap3A_786 = arith.index_cast %swap3A_785 : i32 to index
      %swap3A_787 = arith.constant 32 : index
      %swap3A_788 = tpu.vector_load %arg16[%swap3A_786, %swap3A_787] {strides = array<i32>} : memref<5x80xi32, #tpu.memory_space<vmem>>, vector<1x16xi32>,
      %swap3A_789 = vector.shape_cast %swap3A_788 : vector<1x16xi32> to vector<16xi32>
      %swap3A_790 = vector.shape_cast %add3A_784 : vector<16xi32> to vector<1x16xi32>
      tpu.vector_store %arg16[%swap3A_786, %swap3A_787], %swap3A_790 {strides = array<i32>} : memref<5x80xi32, #tpu.memory_space<vmem>>, vector<1x16xi32>,
      %get3A_791 = arith.constant 3 : i32
      %get3A_792 = arith.index_cast %get3A_791 : i32 to index
      %get3A_793 = arith.constant 48 : index
      %get3A_794 = tpu.vector_load %arg13[%get3A_792, %get3A_793] {strides = array<i32>} : memref<5x80xi32, #tpu.memory_space<vmem>>, vector<1x16xi32>,
      %get3A_795 = vector.shape_cast %get3A_794 : vector<1x16xi32> to vector<16xi32>
      %mul3A_796 = arith.constant 2 : i32
      %mul3A_797 = vector.broadcast %mul3A_796 : i32 to vector<16xi32>
      %mul3A_798 = arith.muli %get3A_795, %mul3A_797 : vector<16xi32>
      %add3A_799 = vector.broadcast %arg0 : i32 to vector<16xi32>
      %add3A_800 = arith.addi %mul3A_798, %add3A_799 : vector<16xi32>
      %swap3A_801 = arith.constant 3 : i32
      %swap3A_802 = arith.index_cast %swap3A_801 : i32 to index
      %swap3A_803 = arith.constant 48 : index
      %swap3A_804 = tpu.vector_load %arg16[%swap3A_802, %swap3A_803] {strides = array<i32>} : memref<5x80xi32, #tpu.memory_space<vmem>>, vector<1x16xi32>,
      %swap3A_805 = vector.shape_cast %swap3A_804 : vector<1x16xi32> to vector<16xi32>
      %swap3A_806 = vector.shape_cast %add3A_800 : vector<16xi32> to vector<1x16xi32>
      tpu.vector_store %arg16[%swap3A_802, %swap3A_803], %swap3A_806 {strides = array<i32>} : memref<5x80xi32, #tpu.memory_space<vmem>>, vector<1x16xi32>,
      %get3A_807 = arith.constant 3 : i32
      %get3A_808 = arith.index_cast %get3A_807 : i32 to index
      %get3A_809 = arith.constant 64 : index
      %get3A_810 = tpu.vector_load %arg13[%get3A_808, %get3A_809] {strides = array<i32>} : memref<5x80xi32, #tpu.memory_space<vmem>>, vector<1x16xi32>,
      %get3A_811 = vector.shape_cast %get3A_810 : vector<1x16xi32> to vector<16xi32>
      %mul3A_812 = arith.constant 2 : i32
      %mul3A_813 = vector.broadcast %mul3A_812 : i32 to vector<16xi32>
      %mul3A_814 = arith.muli %get3A_811, %mul3A_813 : vector<16xi32>
      %add3A_815 = vector.broadcast %arg0 : i32 to vector<16xi32>
      %add3A_816 = arith.addi %mul3A_814, %add3A_815 : vector<16xi32>
      %swap3A_817 = arith.constant 3 : i32
      %swap3A_818 = arith.index_cast %swap3A_817 : i32 to index
      %swap3A_819 = arith.constant 64 : index
      %swap3A_820 = tpu.vector_load %arg16[%swap3A_818, %swap3A_819] {strides = array<i32>} : memref<5x80xi32, #tpu.memory_space<vmem>>, vector<1x16xi32>,
      %swap3A_821 = vector.shape_cast %swap3A_820 : vector<1x16xi32> to vector<16xi32>
      %swap3A_822 = vector.shape_cast %add3A_816 : vector<16xi32> to vector<1x16xi32>
      tpu.vector_store %arg16[%swap3A_818, %swap3A_819], %swap3A_822 {strides = array<i32>} : memref<5x80xi32, #tpu.memory_space<vmem>>, vector<1x16xi32>,
      %get3A_823 = arith.constant 4 : i32
      %get3A_824 = arith.index_cast %get3A_823 : i32 to index
      %get3A_825 = arith.constant 0 : index
      %get3A_826 = tpu.vector_load %arg13[%get3A_824, %get3A_825] {strides = array<i32>} : memref<5x80xi32, #tpu.memory_space<vmem>>, vector<1x16xi32>,
      %get3A_827 = vector.shape_cast %get3A_826 : vector<1x16xi32> to vector<16xi32>
      %mul3A_828 = arith.constant 2 : i32
      %mul3A_829 = vector.broadcast %mul3A_828 : i32 to vector<16xi32>
      %mul3A_830 = arith.muli %get3A_827, %mul3A_829 : vector<16xi32>
      %add3A_831 = vector.broadcast %arg0 : i32 to vector<16xi32>
      %add3A_832 = arith.addi %mul3A_830, %add3A_831 : vector<16xi32>
      %swap3A_833 = arith.constant 4 : i32
      %swap3A_834 = arith.index_cast %swap3A_833 : i32 to index
      %swap3A_835 = arith.constant 0 : index
      %swap3A_836 = tpu.vector_load %arg16[%swap3A_834, %swap3A_835] {strides = array<i32>} : memref<5x80xi32, #tpu.memory_space<vmem>>, vector<1x16xi32>,
      %swap3A_837 = vector.shape_cast %swap3A_836 : vector<1x16xi32> to vector<16xi32>
      %swap3A_838 = vector.shape_cast %add3A_832 : vector<16xi32> to vector<1x16xi32>
      tpu.vector_store %arg16[%swap3A_834, %swap3A_835], %swap3A_838 {strides = array<i32>} : memref<5x80xi32, #tpu.memory_space<vmem>>, vector<1x16xi32>,
      %get3A_839 = arith.constant 4 : i32
      %get3A_840 = arith.index_cast %get3A_839 : i32 to index
      %get3A_841 = arith.constant 16 : index
      %get3A_842 = tpu.vector_load %arg13[%get3A_840, %get3A_841] {strides = array<i32>} : memref<5x80xi32, #tpu.memory_space<vmem>>, vector<1x16xi32>,
      %get3A_843 = vector.shape_cast %get3A_842 : vector<1x16xi32> to vector<16xi32>
      %mul3A_844 = arith.constant 2 : i32
      %mul3A_845 = vector.broadcast %mul3A_844 : i32 to vector<16xi32>
      %mul3A_846 = arith.muli %get3A_843, %mul3A_845 : vector<16xi32>
      %add3A_847 = vector.broadcast %arg0 : i32 to vector<16xi32>
      %add3A_848 = arith.addi %mul3A_846, %add3A_847 : vector<16xi32>
      %swap3A_849 = arith.constant 4 : i32
      %swap3A_850 = arith.index_cast %swap3A_849 : i32 to index
      %swap3A_851 = arith.constant 16 : index
      %swap3A_852 = tpu.vector_load %arg16[%swap3A_850, %swap3A_851] {strides = array<i32>} : memref<5x80xi32, #tpu.memory_space<vmem>>, vector<1x16xi32>,
      %swap3A_853 = vector.shape_cast %swap3A_852 : vector<1x16xi32> to vector<16xi32>
      %swap3A_854 = vector.shape_cast %add3A_848 : vector<16xi32> to vector<1x16xi32>
      tpu.vector_store %arg16[%swap3A_850, %swap3A_851], %swap3A_854 {strides = array<i32>} : memref<5x80xi32, #tpu.memory_space<vmem>>, vector<1x16xi32>,
      %get3A_855 = arith.constant 4 : i32
      %get3A_856 = arith.index_cast %get3A_855 : i32 to index
      %get3A_857 = arith.constant 32 : index
      %get3A_858 = tpu.vector_load %arg13[%get3A_856, %get3A_857] {strides = array<i32>} : memref<5x80xi32, #tpu.memory_space<vmem>>, vector<1x16xi32>,
      %get3A_859 = vector.shape_cast %get3A_858 : vector<1x16xi32> to vector<16xi32>
      %mul3A_860 = arith.constant 2 : i32
      %mul3A_861 = vector.broadcast %mul3A_860 : i32 to vector<16xi32>
      %mul3A_862 = arith.muli %get3A_859, %mul3A_861 : vector<16xi32>
      %add3A_863 = vector.broadcast %arg0 : i32 to vector<16xi32>
      %add3A_864 = arith.addi %mul3A_862, %add3A_863 : vector<16xi32>
      %swap3A_865 = arith.constant 4 : i32
      %swap3A_866 = arith.index_cast %swap3A_865 : i32 to index
      %swap3A_867 = arith.constant 32 : index
      %swap3A_868 = tpu.vector_load %arg16[%swap3A_866, %swap3A_867] {strides = array<i32>} : memref<5x80xi32, #tpu.memory_space<vmem>>, vector<1x16xi32>,
      %swap3A_869 = vector.shape_cast %swap3A_868 : vector<1x16xi32> to vector<16xi32>
      %swap3A_870 = vector.shape_cast %add3A_864 : vector<16xi32> to vector<1x16xi32>
      tpu.vector_store %arg16[%swap3A_866, %swap3A_867], %swap3A_870 {strides = array<i32>} : memref<5x80xi32, #tpu.memory_space<vmem>>, vector<1x16xi32>,
      %get3A_871 = arith.constant 4 : i32
      %get3A_872 = arith.index_cast %get3A_871 : i32 to index
      %get3A_873 = arith.constant 48 : index
      %get3A_874 = tpu.vector_load %arg13[%get3A_872, %get3A_873] {strides = array<i32>} : memref<5x80xi32, #tpu.memory_space<vmem>>, vector<1x16xi32>,
      %get3A_875 = vector.shape_cast %get3A_874 : vector<1x16xi32> to vector<16xi32>
      %mul3A_876 = arith.constant 2 : i32
      %mul3A_877 = vector.broadcast %mul3A_876 : i32 to vector<16xi32>
      %mul3A_878 = arith.muli %get3A_875, %mul3A_877 : vector<16xi32>
      %add3A_879 = vector.broadcast %arg0 : i32 to vector<16xi32>
      %add3A_880 = arith.addi %mul3A_878, %add3A_879 : vector<16xi32>
      %swap3A_881 = arith.constant 4 : i32
      %swap3A_882 = arith.index_cast %swap3A_881 : i32 to index
      %swap3A_883 = arith.constant 48 : index
      %swap3A_884 = tpu.vector_load %arg16[%swap3A_882, %swap3A_883] {strides = array<i32>} : memref<5x80xi32, #tpu.memory_space<vmem>>, vector<1x16xi32>,
      %swap3A_885 = vector.shape_cast %swap3A_884 : vector<1x16xi32> to vector<16xi32>
      %swap3A_886 = vector.shape_cast %add3A_880 : vector<16xi32> to vector<1x16xi32>
      tpu.vector_store %arg16[%swap3A_882, %swap3A_883], %swap3A_886 {strides = array<i32>} : memref<5x80xi32, #tpu.memory_space<vmem>>, vector<1x16xi32>,
      %get3A_887 = arith.constant 4 : i32
      %get3A_888 = arith.index_cast %get3A_887 : i32 to index
      %get3A_889 = arith.constant 64 : index
      %get3A_890 = tpu.vector_load %arg13[%get3A_888, %get3A_889] {strides = array<i32>} : memref<5x80xi32, #tpu.memory_space<vmem>>, vector<1x16xi32>,
      %get3A_891 = vector.shape_cast %get3A_890 : vector<1x16xi32> to vector<16xi32>
      %mul3A_892 = arith.constant 2 : i32
      %mul3A_893 = vector.broadcast %mul3A_892 : i32 to vector<16xi32>
      %mul3A_894 = arith.muli %get3A_891, %mul3A_893 : vector<16xi32>
      %add3A_895 = vector.broadcast %arg0 : i32 to vector<16xi32>
      %add3A_896 = arith.addi %mul3A_894, %add3A_895 : vector<16xi32>
      %swap3A_897 = arith.constant 4 : i32
      %swap3A_898 = arith.index_cast %swap3A_897 : i32 to index
      %swap3A_899 = arith.constant 64 : index
      %swap3A_900 = tpu.vector_load %arg16[%swap3A_898, %swap3A_899] {strides = array<i32>} : memref<5x80xi32, #tpu.memory_space<vmem>>, vector<1x16xi32>,
      %swap3A_901 = vector.shape_cast %swap3A_900 : vector<1x16xi32> to vector<16xi32>
      %swap3A_902 = vector.shape_cast %add3A_896 : vector<16xi32> to vector<1x16xi32>
      tpu.vector_store %arg16[%swap3A_898, %swap3A_899], %swap3A_902 {strides = array<i32>} : memref<5x80xi32, #tpu.memory_space<vmem>>, vector<1x16xi32>,
      %dma_wait3A_903 = arith.constant 0 : i32
      %dma_wait3A_904 = arith.constant 0 : i32
      %dma_wait3A_905 = tpu.memref_slice %arg2[%dma_wait3A_903, %dma_wait3A_904] : memref<20000x64xf32, #tpu.memory_space<hbm>> -> memref<80x64xf32, #tpu.memory_space<hbm>>
      %dma_wait3A_906 = arith.constant 0 : i32
      %dma_wait3A_907 = arith.constant 0 : i32
      %dma_wait3A_908 = tpu.memref_slice %arg2[%dma_wait3A_906, %dma_wait3A_907] : memref<20000x64xf32, #tpu.memory_space<hbm>> -> memref<80x64xf32, #tpu.memory_space<hbm>>
      tpu.wait_dma2 semaphore(%arg19 : memref<!tpu.dma_semaphore, #tpu.memory_space<semaphore_mem>>) src(%dma_wait3A_908 : memref<80x64xf32, #tpu.memory_space<hbm>>) dst(%arg6 : memref<80x64xf32, #tpu.memory_space<vmem>>)
      %run_scoped3A_909 = arith.constant 0 : i32
      "tpu.region"() ({
        %run_scoped3A_1038 = tpu.sem_alloc : memref<!tpu.dma_semaphore, #tpu.memory_space<semaphore_mem>>
        %dma_start3A_1039 = arith.constant 0 : i32
        %dma_start3A_1040 = tpu.memref_slice %arg12[%run_scoped3A_909, %dma_start3A_1039] : memref<5x80xi32, #tpu.memory_space<vmem>> -> memref<1x80xi32, #tpu.memory_space<vmem>>
        %dma_start3A_1041 = tpu.memref_squeeze %dma_start3A_1040 : memref<1x80xi32, #tpu.memory_space<vmem>> -> memref<80xi32, #tpu.memory_space<vmem>>
        %dma_start3A_1042 = arith.constant 0 : i32
        %dma_start3A_1043 = arith.constant 0 : i32
        %dma_start3A_1044 = tpu.memref_slice %arg18[%dma_start3A_1042, %dma_start3A_1043] : memref<10000x64xf32, #tpu.memory_space<vmem_shared>> -> memref<10000x64xf32, #tpu.memory_space<vmem_shared>>
        tpu.enqueue_indirect_dma source(%arg6 : memref<80x64xf32, #tpu.memory_space<vmem>>) target(%dma_start3A_1044 : memref<10000x64xf32, #tpu.memory_space<vmem_shared>>) offsets(%dma_start3A_1041 : memref<80xi32, #tpu.memory_space<vmem>>) semaphore(%run_scoped3A_1038 : memref<!tpu.dma_semaphore, #tpu.memory_space<semaphore_mem>>) {add = true}
        %dma_wait3A_1045 = arith.constant 0 : i32
        %dma_wait3A_1046 = tpu.memref_slice %arg12[%run_scoped3A_909, %dma_wait3A_1045] : memref<5x80xi32, #tpu.memory_space<vmem>> -> memref<1x80xi32, #tpu.memory_space<vmem>>
        %dma_wait3A_1047 = tpu.memref_squeeze %dma_wait3A_1046 : memref<1x80xi32, #tpu.memory_space<vmem>> -> memref<80xi32, #tpu.memory_space<vmem>>
        %dma_wait3A_1048 = arith.constant 0 : i32
        %dma_wait3A_1049 = arith.constant 0 : i32
        %dma_wait3A_1050 = tpu.memref_slice %arg18[%dma_wait3A_1048, %dma_wait3A_1049] : memref<10000x64xf32, #tpu.memory_space<vmem_shared>> -> memref<10000x64xf32, #tpu.memory_space<vmem_shared>>
        tpu.wait_indirect_dma semaphore(%run_scoped3A_1038 : memref<!tpu.dma_semaphore, #tpu.memory_space<semaphore_mem>>) src(%arg6 : memref<80x64xf32, #tpu.memory_space<vmem>>) dst(%dma_wait3A_1050 : memref<10000x64xf32, #tpu.memory_space<vmem_shared>>)
        tpu.yield
      }) : () -> ()
      %dma_start3A_910 = arith.constant 0 : i32
      %dma_start3A_911 = arith.constant 0 : i32
      %dma_start3A_912 = tpu.memref_slice %arg16[%dma_start3A_910, %dma_start3A_911] : memref<5x80xi32, #tpu.memory_space<vmem>> -> memref<1x80xi32, #tpu.memory_space<vmem>>
      %dma_start3A_913 = tpu.memref_squeeze %dma_start3A_912 : memref<1x80xi32, #tpu.memory_space<vmem>> -> memref<80xi32, #tpu.memory_space<vmem>>
      %dma_start3A_914 = arith.constant 0 : i32
      %dma_start3A_915 = arith.constant 0 : i32
      %dma_start3A_916 = tpu.memref_slice %arg2[%dma_start3A_914, %dma_start3A_915] : memref<20000x64xf32, #tpu.memory_space<hbm>> -> memref<20000x64xf32, #tpu.memory_space<hbm>>
      tpu.enqueue_indirect_dma source(%dma_start3A_916 : memref<20000x64xf32, #tpu.memory_space<hbm>>) target(%arg6 : memref<80x64xf32, #tpu.memory_space<vmem>>) offsets(%dma_start3A_913 : memref<80xi32, #tpu.memory_space<vmem>>) semaphore(%arg19 : memref<!tpu.dma_semaphore, #tpu.memory_space<semaphore_mem>>)
      %dma_wait3A_917 = arith.constant 0 : i32
      %dma_wait3A_918 = arith.constant 0 : i32
      %dma_wait3A_919 = tpu.memref_slice %arg2[%dma_wait3A_917, %dma_wait3A_918] : memref<20000x64xf32, #tpu.memory_space<hbm>> -> memref<80x64xf32, #tpu.memory_space<hbm>>
      %dma_wait3A_920 = arith.constant 0 : i32
      %dma_wait3A_921 = arith.constant 0 : i32
      %dma_wait3A_922 = tpu.memref_slice %arg2[%dma_wait3A_920, %dma_wait3A_921] : memref<20000x64xf32, #tpu.memory_space<hbm>> -> memref<80x64xf32, #tpu.memory_space<hbm>>
      tpu.wait_dma2 semaphore(%arg20 : memref<!tpu.dma_semaphore, #tpu.memory_space<semaphore_mem>>) src(%dma_wait3A_922 : memref<80x64xf32, #tpu.memory_space<hbm>>) dst(%arg7 : memref<80x64xf32, #tpu.memory_space<vmem>>)
      %run_scoped3A_923 = arith.constant 1 : i32
      "tpu.region"() ({
        %run_scoped3A_1038 = tpu.sem_alloc : memref<!tpu.dma_semaphore, #tpu.memory_space<semaphore_mem>>
        %dma_start3A_1039 = arith.constant 0 : i32
        %dma_start3A_1040 = tpu.memref_slice %arg12[%run_scoped3A_923, %dma_start3A_1039] : memref<5x80xi32, #tpu.memory_space<vmem>> -> memref<1x80xi32, #tpu.memory_space<vmem>>
        %dma_start3A_1041 = tpu.memref_squeeze %dma_start3A_1040 : memref<1x80xi32, #tpu.memory_space<vmem>> -> memref<80xi32, #tpu.memory_space<vmem>>
        %dma_start3A_1042 = arith.constant 0 : i32
        %dma_start3A_1043 = arith.constant 0 : i32
        %dma_start3A_1044 = tpu.memref_slice %arg18[%dma_start3A_1042, %dma_start3A_1043] : memref<10000x64xf32, #tpu.memory_space<vmem_shared>> -> memref<10000x64xf32, #tpu.memory_space<vmem_shared>>
        tpu.enqueue_indirect_dma source(%arg7 : memref<80x64xf32, #tpu.memory_space<vmem>>) target(%dma_start3A_1044 : memref<10000x64xf32, #tpu.memory_space<vmem_shared>>) offsets(%dma_start3A_1041 : memref<80xi32, #tpu.memory_space<vmem>>) semaphore(%run_scoped3A_1038 : memref<!tpu.dma_semaphore, #tpu.memory_space<semaphore_mem>>) {add = true}
        %dma_wait3A_1045 = arith.constant 0 : i32
        %dma_wait3A_1046 = tpu.memref_slice %arg12[%run_scoped3A_923, %dma_wait3A_1045] : memref<5x80xi32, #tpu.memory_space<vmem>> -> memref<1x80xi32, #tpu.memory_space<vmem>>
        %dma_wait3A_1047 = tpu.memref_squeeze %dma_wait3A_1046 : memref<1x80xi32, #tpu.memory_space<vmem>> -> memref<80xi32, #tpu.memory_space<vmem>>
        %dma_wait3A_1048 = arith.constant 0 : i32
        %dma_wait3A_1049 = arith.constant 0 : i32
        %dma_wait3A_1050 = tpu.memref_slice %arg18[%dma_wait3A_1048, %dma_wait3A_1049] : memref<10000x64xf32, #tpu.memory_space<vmem_shared>> -> memref<10000x64xf32, #tpu.memory_space<vmem_shared>>
        tpu.wait_indirect_dma semaphore(%run_scoped3A_1038 : memref<!tpu.dma_semaphore, #tpu.memory_space<semaphore_mem>>) src(%arg7 : memref<80x64xf32, #tpu.memory_space<vmem>>) dst(%dma_wait3A_1050 : memref<10000x64xf32, #tpu.memory_space<vmem_shared>>)
        tpu.yield
      }) : () -> ()
      %dma_start3A_924 = arith.constant 1 : i32
      %dma_start3A_925 = arith.constant 0 : i32
      %dma_start3A_926 = tpu.memref_slice %arg16[%dma_start3A_924, %dma_start3A_925] : memref<5x80xi32, #tpu.memory_space<vmem>> -> memref<1x80xi32, #tpu.memory_space<vmem>>
      %dma_start3A_927 = tpu.memref_squeeze %dma_start3A_926 : memref<1x80xi32, #tpu.memory_space<vmem>> -> memref<80xi32, #tpu.memory_space<vmem>>
      %dma_start3A_928 = arith.constant 0 : i32
      %dma_start3A_929 = arith.constant 0 : i32
      %dma_start3A_930 = tpu.memref_slice %arg2[%dma_start3A_928, %dma_start3A_929] : memref<20000x64xf32, #tpu.memory_space<hbm>> -> memref<20000x64xf32, #tpu.memory_space<hbm>>
      tpu.enqueue_indirect_dma source(%dma_start3A_930 : memref<20000x64xf32, #tpu.memory_space<hbm>>) target(%arg7 : memref<80x64xf32, #tpu.memory_space<vmem>>) offsets(%dma_start3A_927 : memref<80xi32, #tpu.memory_space<vmem>>) semaphore(%arg20 : memref<!tpu.dma_semaphore, #tpu.memory_space<semaphore_mem>>)
      %dma_wait3A_931 = arith.constant 0 : i32
      %dma_wait3A_932 = arith.constant 0 : i32
      %dma_wait3A_933 = tpu.memref_slice %arg2[%dma_wait3A_931, %dma_wait3A_932] : memref<20000x64xf32, #tpu.memory_space<hbm>> -> memref<80x64xf32, #tpu.memory_space<hbm>>
      %dma_wait3A_934 = arith.constant 0 : i32
      %dma_wait3A_935 = arith.constant 0 : i32
      %dma_wait3A_936 = tpu.memref_slice %arg2[%dma_wait3A_934, %dma_wait3A_935] : memref<20000x64xf32, #tpu.memory_space<hbm>> -> memref<80x64xf32, #tpu.memory_space<hbm>>
      tpu.wait_dma2 semaphore(%arg21 : memref<!tpu.dma_semaphore, #tpu.memory_space<semaphore_mem>>) src(%dma_wait3A_936 : memref<80x64xf32, #tpu.memory_space<hbm>>) dst(%arg8 : memref<80x64xf32, #tpu.memory_space<vmem>>)
      %run_scoped3A_937 = arith.constant 2 : i32
      "tpu.region"() ({
        %run_scoped3A_1038 = tpu.sem_alloc : memref<!tpu.dma_semaphore, #tpu.memory_space<semaphore_mem>>
        %dma_start3A_1039 = arith.constant 0 : i32
        %dma_start3A_1040 = tpu.memref_slice %arg12[%run_scoped3A_937, %dma_start3A_1039] : memref<5x80xi32, #tpu.memory_space<vmem>> -> memref<1x80xi32, #tpu.memory_space<vmem>>
        %dma_start3A_1041 = tpu.memref_squeeze %dma_start3A_1040 : memref<1x80xi32, #tpu.memory_space<vmem>> -> memref<80xi32, #tpu.memory_space<vmem>>
        %dma_start3A_1042 = arith.constant 0 : i32
        %dma_start3A_1043 = arith.constant 0 : i32
        %dma_start3A_1044 = tpu.memref_slice %arg18[%dma_start3A_1042, %dma_start3A_1043] : memref<10000x64xf32, #tpu.memory_space<vmem_shared>> -> memref<10000x64xf32, #tpu.memory_space<vmem_shared>>
        tpu.enqueue_indirect_dma source(%arg8 : memref<80x64xf32, #tpu.memory_space<vmem>>) target(%dma_start3A_1044 : memref<10000x64xf32, #tpu.memory_space<vmem_shared>>) offsets(%dma_start3A_1041 : memref<80xi32, #tpu.memory_space<vmem>>) semaphore(%run_scoped3A_1038 : memref<!tpu.dma_semaphore, #tpu.memory_space<semaphore_mem>>) {add = true}
        %dma_wait3A_1045 = arith.constant 0 : i32
        %dma_wait3A_1046 = tpu.memref_slice %arg12[%run_scoped3A_937, %dma_wait3A_1045] : memref<5x80xi32, #tpu.memory_space<vmem>> -> memref<1x80xi32, #tpu.memory_space<vmem>>
        %dma_wait3A_1047 = tpu.memref_squeeze %dma_wait3A_1046 : memref<1x80xi32, #tpu.memory_space<vmem>> -> memref<80xi32, #tpu.memory_space<vmem>>
        %dma_wait3A_1048 = arith.constant 0 : i32
        %dma_wait3A_1049 = arith.constant 0 : i32
        %dma_wait3A_1050 = tpu.memref_slice %arg18[%dma_wait3A_1048, %dma_wait3A_1049] : memref<10000x64xf32, #tpu.memory_space<vmem_shared>> -> memref<10000x64xf32, #tpu.memory_space<vmem_shared>>
        tpu.wait_indirect_dma semaphore(%run_scoped3A_1038 : memref<!tpu.dma_semaphore, #tpu.memory_space<semaphore_mem>>) src(%arg8 : memref<80x64xf32, #tpu.memory_space<vmem>>) dst(%dma_wait3A_1050 : memref<10000x64xf32, #tpu.memory_space<vmem_shared>>)
        tpu.yield
      }) : () -> ()
      %dma_start3A_938 = arith.constant 2 : i32
      %dma_start3A_939 = arith.constant 0 : i32
      %dma_start3A_940 = tpu.memref_slice %arg16[%dma_start3A_938, %dma_start3A_939] : memref<5x80xi32, #tpu.memory_space<vmem>> -> memref<1x80xi32, #tpu.memory_space<vmem>>
      %dma_start3A_941 = tpu.memref_squeeze %dma_start3A_940 : memref<1x80xi32, #tpu.memory_space<vmem>> -> memref<80xi32, #tpu.memory_space<vmem>>
      %dma_start3A_942 = arith.constant 0 : i32
      %dma_start3A_943 = arith.constant 0 : i32
      %dma_start3A_944 = tpu.memref_slice %arg2[%dma_start3A_942, %dma_start3A_943] : memref<20000x64xf32, #tpu.memory_space<hbm>> -> memref<20000x64xf32, #tpu.memory_space<hbm>>
      tpu.enqueue_indirect_dma source(%dma_start3A_944 : memref<20000x64xf32, #tpu.memory_space<hbm>>) target(%arg8 : memref<80x64xf32, #tpu.memory_space<vmem>>) offsets(%dma_start3A_941 : memref<80xi32, #tpu.memory_space<vmem>>) semaphore(%arg21 : memref<!tpu.dma_semaphore, #tpu.memory_space<semaphore_mem>>)
      %dma_wait3A_945 = arith.constant 0 : i32
      %dma_wait3A_946 = arith.constant 0 : i32
      %dma_wait3A_947 = tpu.memref_slice %arg2[%dma_wait3A_945, %dma_wait3A_946] : memref<20000x64xf32, #tpu.memory_space<hbm>> -> memref<80x64xf32, #tpu.memory_space<hbm>>
      %dma_wait3A_948 = arith.constant 0 : i32
      %dma_wait3A_949 = arith.constant 0 : i32
      %dma_wait3A_950 = tpu.memref_slice %arg2[%dma_wait3A_948, %dma_wait3A_949] : memref<20000x64xf32, #tpu.memory_space<hbm>> -> memref<80x64xf32, #tpu.memory_space<hbm>>
      tpu.wait_dma2 semaphore(%arg22 : memref<!tpu.dma_semaphore, #tpu.memory_space<semaphore_mem>>) src(%dma_wait3A_950 : memref<80x64xf32, #tpu.memory_space<hbm>>) dst(%arg9 : memref<80x64xf32, #tpu.memory_space<vmem>>)
      %run_scoped3A_951 = arith.constant 3 : i32
      "tpu.region"() ({
        %run_scoped3A_1038 = tpu.sem_alloc : memref<!tpu.dma_semaphore, #tpu.memory_space<semaphore_mem>>
        %dma_start3A_1039 = arith.constant 0 : i32
        %dma_start3A_1040 = tpu.memref_slice %arg12[%run_scoped3A_951, %dma_start3A_1039] : memref<5x80xi32, #tpu.memory_space<vmem>> -> memref<1x80xi32, #tpu.memory_space<vmem>>
        %dma_start3A_1041 = tpu.memref_squeeze %dma_start3A_1040 : memref<1x80xi32, #tpu.memory_space<vmem>> -> memref<80xi32, #tpu.memory_space<vmem>>
        %dma_start3A_1042 = arith.constant 0 : i32
        %dma_start3A_1043 = arith.constant 0 : i32
        %dma_start3A_1044 = tpu.memref_slice %arg18[%dma_start3A_1042, %dma_start3A_1043] : memref<10000x64xf32, #tpu.memory_space<vmem_shared>> -> memref<10000x64xf32, #tpu.memory_space<vmem_shared>>
        tpu.enqueue_indirect_dma source(%arg9 : memref<80x64xf32, #tpu.memory_space<vmem>>) target(%dma_start3A_1044 : memref<10000x64xf32, #tpu.memory_space<vmem_shared>>) offsets(%dma_start3A_1041 : memref<80xi32, #tpu.memory_space<vmem>>) semaphore(%run_scoped3A_1038 : memref<!tpu.dma_semaphore, #tpu.memory_space<semaphore_mem>>) {add = true}
        %dma_wait3A_1045 = arith.constant 0 : i32
        %dma_wait3A_1046 = tpu.memref_slice %arg12[%run_scoped3A_951, %dma_wait3A_1045] : memref<5x80xi32, #tpu.memory_space<vmem>> -> memref<1x80xi32, #tpu.memory_space<vmem>>
        %dma_wait3A_1047 = tpu.memref_squeeze %dma_wait3A_1046 : memref<1x80xi32, #tpu.memory_space<vmem>> -> memref<80xi32, #tpu.memory_space<vmem>>
        %dma_wait3A_1048 = arith.constant 0 : i32
        %dma_wait3A_1049 = arith.constant 0 : i32
        %dma_wait3A_1050 = tpu.memref_slice %arg18[%dma_wait3A_1048, %dma_wait3A_1049] : memref<10000x64xf32, #tpu.memory_space<vmem_shared>> -> memref<10000x64xf32, #tpu.memory_space<vmem_shared>>
        tpu.wait_indirect_dma semaphore(%run_scoped3A_1038 : memref<!tpu.dma_semaphore, #tpu.memory_space<semaphore_mem>>) src(%arg9 : memref<80x64xf32, #tpu.memory_space<vmem>>) dst(%dma_wait3A_1050 : memref<10000x64xf32, #tpu.memory_space<vmem_shared>>)
        tpu.yield
      }) : () -> ()
      %dma_start3A_952 = arith.constant 3 : i32
      %dma_start3A_953 = arith.constant 0 : i32
      %dma_start3A_954 = tpu.memref_slice %arg16[%dma_start3A_952, %dma_start3A_953] : memref<5x80xi32, #tpu.memory_space<vmem>> -> memref<1x80xi32, #tpu.memory_space<vmem>>
      %dma_start3A_955 = tpu.memref_squeeze %dma_start3A_954 : memref<1x80xi32, #tpu.memory_space<vmem>> -> memref<80xi32, #tpu.memory_space<vmem>>
      %dma_start3A_956 = arith.constant 0 : i32
      %dma_start3A_957 = arith.constant 0 : i32
      %dma_start3A_958 = tpu.memref_slice %arg2[%dma_start3A_956, %dma_start3A_957] : memref<20000x64xf32, #tpu.memory_space<hbm>> -> memref<20000x64xf32, #tpu.memory_space<hbm>>
      tpu.enqueue_indirect_dma source(%dma_start3A_958 : memref<20000x64xf32, #tpu.memory_space<hbm>>) target(%arg9 : memref<80x64xf32, #tpu.memory_space<vmem>>) offsets(%dma_start3A_955 : memref<80xi32, #tpu.memory_space<vmem>>) semaphore(%arg22 : memref<!tpu.dma_semaphore, #tpu.memory_space<semaphore_mem>>)
      %dma_wait3A_959 = arith.constant 0 : i32
      %dma_wait3A_960 = arith.constant 0 : i32
      %dma_wait3A_961 = tpu.memref_slice %arg2[%dma_wait3A_959, %dma_wait3A_960] : memref<20000x64xf32, #tpu.memory_space<hbm>> -> memref<80x64xf32, #tpu.memory_space<hbm>>
      %dma_wait3A_962 = arith.constant 0 : i32
      %dma_wait3A_963 = arith.constant 0 : i32
      %dma_wait3A_964 = tpu.memref_slice %arg2[%dma_wait3A_962, %dma_wait3A_963] : memref<20000x64xf32, #tpu.memory_space<hbm>> -> memref<80x64xf32, #tpu.memory_space<hbm>>
      tpu.wait_dma2 semaphore(%arg23 : memref<!tpu.dma_semaphore, #tpu.memory_space<semaphore_mem>>) src(%dma_wait3A_964 : memref<80x64xf32, #tpu.memory_space<hbm>>) dst(%arg10 : memref<80x64xf32, #tpu.memory_space<vmem>>)
      %run_scoped3A_965 = arith.constant 4 : i32
      "tpu.region"() ({
        %run_scoped3A_1038 = tpu.sem_alloc : memref<!tpu.dma_semaphore, #tpu.memory_space<semaphore_mem>>
        %dma_start3A_1039 = arith.constant 0 : i32
        %dma_start3A_1040 = tpu.memref_slice %arg12[%run_scoped3A_965, %dma_start3A_1039] : memref<5x80xi32, #tpu.memory_space<vmem>> -> memref<1x80xi32, #tpu.memory_space<vmem>>
        %dma_start3A_1041 = tpu.memref_squeeze %dma_start3A_1040 : memref<1x80xi32, #tpu.memory_space<vmem>> -> memref<80xi32, #tpu.memory_space<vmem>>
        %dma_start3A_1042 = arith.constant 0 : i32
        %dma_start3A_1043 = arith.constant 0 : i32
        %dma_start3A_1044 = tpu.memref_slice %arg18[%dma_start3A_1042, %dma_start3A_1043] : memref<10000x64xf32, #tpu.memory_space<vmem_shared>> -> memref<10000x64xf32, #tpu.memory_space<vmem_shared>>
        tpu.enqueue_indirect_dma source(%arg10 : memref<80x64xf32, #tpu.memory_space<vmem>>) target(%dma_start3A_1044 : memref<10000x64xf32, #tpu.memory_space<vmem_shared>>) offsets(%dma_start3A_1041 : memref<80xi32, #tpu.memory_space<vmem>>) semaphore(%run_scoped3A_1038 : memref<!tpu.dma_semaphore, #tpu.memory_space<semaphore_mem>>) {add = true}
        %dma_wait3A_1045 = arith.constant 0 : i32
        %dma_wait3A_1046 = tpu.memref_slice %arg12[%run_scoped3A_965, %dma_wait3A_1045] : memref<5x80xi32, #tpu.memory_space<vmem>> -> memref<1x80xi32, #tpu.memory_space<vmem>>
        %dma_wait3A_1047 = tpu.memref_squeeze %dma_wait3A_1046 : memref<1x80xi32, #tpu.memory_space<vmem>> -> memref<80xi32, #tpu.memory_space<vmem>>
        %dma_wait3A_1048 = arith.constant 0 : i32
        %dma_wait3A_1049 = arith.constant 0 : i32
        %dma_wait3A_1050 = tpu.memref_slice %arg18[%dma_wait3A_1048, %dma_wait3A_1049] : memref<10000x64xf32, #tpu.memory_space<vmem_shared>> -> memref<10000x64xf32, #tpu.memory_space<vmem_shared>>
        tpu.wait_indirect_dma semaphore(%run_scoped3A_1038 : memref<!tpu.dma_semaphore, #tpu.memory_space<semaphore_mem>>) src(%arg10 : memref<80x64xf32, #tpu.memory_space<vmem>>) dst(%dma_wait3A_1050 : memref<10000x64xf32, #tpu.memory_space<vmem_shared>>)
        tpu.yield
      }) : () -> ()
      %dma_start3A_966 = arith.constant 4 : i32
      %dma_start3A_967 = arith.constant 0 : i32
      %dma_start3A_968 = tpu.memref_slice %arg16[%dma_start3A_966, %dma_start3A_967] : memref<5x80xi32, #tpu.memory_space<vmem>> -> memref<1x80xi32, #tpu.memory_space<vmem>>
      %dma_start3A_969 = tpu.memref_squeeze %dma_start3A_968 : memref<1x80xi32, #tpu.memory_space<vmem>> -> memref<80xi32, #tpu.memory_space<vmem>>
      %dma_start3A_970 = arith.constant 0 : i32
      %dma_start3A_971 = arith.constant 0 : i32
      %dma_start3A_972 = tpu.memref_slice %arg2[%dma_start3A_970, %dma_start3A_971] : memref<20000x64xf32, #tpu.memory_space<hbm>> -> memref<20000x64xf32, #tpu.memory_space<hbm>>
      tpu.enqueue_indirect_dma source(%dma_start3A_972 : memref<20000x64xf32, #tpu.memory_space<hbm>>) target(%arg10 : memref<80x64xf32, #tpu.memory_space<vmem>>) offsets(%dma_start3A_969 : memref<80xi32, #tpu.memory_space<vmem>>) semaphore(%arg23 : memref<!tpu.dma_semaphore, #tpu.memory_space<semaphore_mem>>)
      %add3A_973 = arith.constant 2 : i32
      %add3A_974 = arith.addi %mul3A_485, %add3A_973 : i32
      %lt3A = arith.constant 50 : i32
      %lt3A_975 = arith.cmpi slt, %add3A_974, %lt3A : i32
      %convert_element_type3A = arith.extui %lt3A_975 : i1 to i32
      %cond3A = arith.constant 0 : i32
      %cond3A_976 = arith.cmpi ne, %convert_element_type3A, %cond3A : i32
      scf.if %cond3A_976 {
        %add3A_1038 = arith.constant 2 : i32
        %add3A_1039 = arith.addi %mul3A_485, %add3A_1038 : i32
        %dma_start3A_1040 = arith.constant 0 : i32
        %dma_start3A_1041 = arith.constant 0 : i32
        %dma_start3A_1042 = tpu.memref_slice %arg3[%arg1, %add3A_1039, %dma_start3A_1040, %dma_start3A_1041] : memref<16x50x5x80xi32, #tpu.memory_space<hbm>> -> memref<1x1x5x80xi32, #tpu.memory_space<hbm>>
        %dma_start3A_1043 = tpu.memref_squeeze %dma_start3A_1042 : memref<1x1x5x80xi32, #tpu.memory_space<hbm>> -> memref<5x80xi32, #tpu.memory_space<hbm>>
        %dma_start3A_1044 = arith.constant 0 : i32
        %dma_start3A_1045 = arith.constant 0 : i32
        %dma_start3A_1046 = tpu.memref_slice %arg3[%arg1, %add3A_1039, %dma_start3A_1044, %dma_start3A_1045] : memref<16x50x5x80xi32, #tpu.memory_space<hbm>> -> memref<1x1x5x80xi32, #tpu.memory_space<hbm>>
        %dma_start3A_1047 = tpu.memref_squeeze %dma_start3A_1046 : memref<1x1x5x80xi32, #tpu.memory_space<hbm>> -> memref<5x80xi32, #tpu.memory_space<hbm>>
        tpu.enqueue_dma source(%dma_start3A_1047 : memref<5x80xi32, #tpu.memory_space<hbm>>) target(%arg11 : memref<5x80xi32, #tpu.memory_space<vmem>>) target_semaphore(%arg24 : memref<!tpu.dma_semaphore, #tpu.memory_space<semaphore_mem>>)
        %dma_start3A_1048 = arith.constant 0 : i32
        %dma_start3A_1049 = arith.constant 0 : i32
        %dma_start3A_1050 = tpu.memref_slice %arg4[%arg1, %add3A_1039, %dma_start3A_1048, %dma_start3A_1049] : memref<16x50x5x80xi32, #tpu.memory_space<hbm>> -> memref<1x1x5x80xi32, #tpu.memory_space<hbm>>
        %dma_start3A_1051 = tpu.memref_squeeze %dma_start3A_1050 : memref<1x1x5x80xi32, #tpu.memory_space<hbm>> -> memref<5x80xi32, #tpu.memory_space<hbm>>
        %dma_start3A_1052 = arith.constant 0 : i32
        %dma_start3A_1053 = arith.constant 0 : i32
        %dma_start3A_1054 = tpu.memref_slice %arg4[%arg1, %add3A_1039, %dma_start3A_1052, %dma_start3A_1053] : memref<16x50x5x80xi32, #tpu.memory_space<hbm>> -> memref<1x1x5x80xi32, #tpu.memory_space<hbm>>
        %dma_start3A_1055 = tpu.memref_squeeze %dma_start3A_1054 : memref<1x1x5x80xi32, #tpu.memory_space<hbm>> -> memref<5x80xi32, #tpu.memory_space<hbm>>
        tpu.enqueue_dma source(%dma_start3A_1055 : memref<5x80xi32, #tpu.memory_space<hbm>>) target(%arg12 : memref<5x80xi32, #tpu.memory_space<vmem>>) target_semaphore(%arg24 : memref<!tpu.dma_semaphore, #tpu.memory_space<semaphore_mem>>)
        %dma_wait3A_1056 = arith.constant 0 : i32
        %dma_wait3A_1057 = arith.constant 0 : i32
        %dma_wait3A_1058 = arith.constant 0 : i32
        %dma_wait3A_1059 = tpu.memref_slice %arg3[%arg1, %dma_wait3A_1056, %dma_wait3A_1057, %dma_wait3A_1058] : memref<16x50x5x80xi32, #tpu.memory_space<hbm>> -> memref<1x1x5x80xi32, #tpu.memory_space<hbm>>
        %dma_wait3A_1060 = tpu.memref_squeeze %dma_wait3A_1059 : memref<1x1x5x80xi32, #tpu.memory_space<hbm>> -> memref<5x80xi32, #tpu.memory_space<hbm>>
        %dma_wait3A_1061 = arith.constant 0 : i32
        %dma_wait3A_1062 = arith.constant 0 : i32
        %dma_wait3A_1063 = tpu.memref_slice %arg3[%arg1, %dma_wait3A_1056, %dma_wait3A_1061, %dma_wait3A_1062] : memref<16x50x5x80xi32, #tpu.memory_space<hbm>> -> memref<1x1x5x80xi32, #tpu.memory_space<hbm>>
        %dma_wait3A_1064 = tpu.memref_squeeze %dma_wait3A_1063 : memref<1x1x5x80xi32, #tpu.memory_space<hbm>> -> memref<5x80xi32, #tpu.memory_space<hbm>>
        tpu.wait_dma2 semaphore(%arg24 : memref<!tpu.dma_semaphore, #tpu.memory_space<semaphore_mem>>) src(%dma_wait3A_1064 : memref<5x80xi32, #tpu.memory_space<hbm>>) dst(%arg11 : memref<5x80xi32, #tpu.memory_space<vmem>>)
        %dma_wait3A_1065 = arith.constant 0 : i32
        %dma_wait3A_1066 = arith.constant 0 : i32
        %dma_wait3A_1067 = arith.constant 0 : i32
        %dma_wait3A_1068 = tpu.memref_slice %arg4[%arg1, %dma_wait3A_1065, %dma_wait3A_1066, %dma_wait3A_1067] : memref<16x50x5x80xi32, #tpu.memory_space<hbm>> -> memref<1x1x5x80xi32, #tpu.memory_space<hbm>>
        %dma_wait3A_1069 = tpu.memref_squeeze %dma_wait3A_1068 : memref<1x1x5x80xi32, #tpu.memory_space<hbm>> -> memref<5x80xi32, #tpu.memory_space<hbm>>
        %dma_wait3A_1070 = arith.constant 0 : i32
        %dma_wait3A_1071 = arith.constant 0 : i32
        %dma_wait3A_1072 = tpu.memref_slice %arg4[%arg1, %dma_wait3A_1065, %dma_wait3A_1070, %dma_wait3A_1071] : memref<16x50x5x80xi32, #tpu.memory_space<hbm>> -> memref<1x1x5x80xi32, #tpu.memory_space<hbm>>
        %dma_wait3A_1073 = tpu.memref_squeeze %dma_wait3A_1072 : memref<1x1x5x80xi32, #tpu.memory_space<hbm>> -> memref<5x80xi32, #tpu.memory_space<hbm>>
        tpu.wait_dma2 semaphore(%arg24 : memref<!tpu.dma_semaphore, #tpu.memory_space<semaphore_mem>>) src(%dma_wait3A_1073 : memref<5x80xi32, #tpu.memory_space<hbm>>) dst(%arg12 : memref<5x80xi32, #tpu.memory_space<vmem>>)
        %get3A_1074 = arith.constant 0 : i32
        %get3A_1075 = arith.index_cast %get3A_1074 : i32 to index
        %get3A_1076 = arith.constant 0 : index
        %get3A_1077 = tpu.vector_load %arg11[%get3A_1075, %get3A_1076] {strides = array<i32>} : memref<5x80xi32, #tpu.memory_space<vmem>>, vector<1x16xi32>,
        %get3A_1078 = vector.shape_cast %get3A_1077 : vector<1x16xi32> to vector<16xi32>
        %mul3A_1079 = arith.constant 2 : i32
        %mul3A_1080 = vector.broadcast %mul3A_1079 : i32 to vector<16xi32>
        %mul3A_1081 = arith.muli %get3A_1078, %mul3A_1080 : vector<16xi32>
        %add3A_1082 = vector.broadcast %arg0 : i32 to vector<16xi32>
        %add3A_1083 = arith.addi %mul3A_1081, %add3A_1082 : vector<16xi32>
        %swap3A_1084 = arith.constant 0 : i32
        %swap3A_1085 = arith.index_cast %swap3A_1084 : i32 to index
        %swap3A_1086 = arith.constant 0 : index
        %swap3A_1087 = tpu.vector_load %arg15[%swap3A_1085, %swap3A_1086] {strides = array<i32>} : memref<5x80xi32, #tpu.memory_space<vmem>>, vector<1x16xi32>,
        %swap3A_1088 = vector.shape_cast %swap3A_1087 : vector<1x16xi32> to vector<16xi32>
        %swap3A_1089 = vector.shape_cast %add3A_1083 : vector<16xi32> to vector<1x16xi32>
        tpu.vector_store %arg15[%swap3A_1085, %swap3A_1086], %swap3A_1089 {strides = array<i32>} : memref<5x80xi32, #tpu.memory_space<vmem>>, vector<1x16xi32>,
        %get3A_1090 = arith.constant 0 : i32
        %get3A_1091 = arith.index_cast %get3A_1090 : i32 to index
        %get3A_1092 = arith.constant 16 : index
        %get3A_1093 = tpu.vector_load %arg11[%get3A_1091, %get3A_1092] {strides = array<i32>} : memref<5x80xi32, #tpu.memory_space<vmem>>, vector<1x16xi32>,
        %get3A_1094 = vector.shape_cast %get3A_1093 : vector<1x16xi32> to vector<16xi32>
        %mul3A_1095 = arith.constant 2 : i32
        %mul3A_1096 = vector.broadcast %mul3A_1095 : i32 to vector<16xi32>
        %mul3A_1097 = arith.muli %get3A_1094, %mul3A_1096 : vector<16xi32>
        %add3A_1098 = vector.broadcast %arg0 : i32 to vector<16xi32>
        %add3A_1099 = arith.addi %mul3A_1097, %add3A_1098 : vector<16xi32>
        %swap3A_1100 = arith.constant 0 : i32
        %swap3A_1101 = arith.index_cast %swap3A_1100 : i32 to index
        %swap3A_1102 = arith.constant 16 : index
        %swap3A_1103 = tpu.vector_load %arg15[%swap3A_1101, %swap3A_1102] {strides = array<i32>} : memref<5x80xi32, #tpu.memory_space<vmem>>, vector<1x16xi32>,
        %swap3A_1104 = vector.shape_cast %swap3A_1103 : vector<1x16xi32> to vector<16xi32>
        %swap3A_1105 = vector.shape_cast %add3A_1099 : vector<16xi32> to vector<1x16xi32>
        tpu.vector_store %arg15[%swap3A_1101, %swap3A_1102], %swap3A_1105 {strides = array<i32>} : memref<5x80xi32, #tpu.memory_space<vmem>>, vector<1x16xi32>,
        %get3A_1106 = arith.constant 0 : i32
        %get3A_1107 = arith.index_cast %get3A_1106 : i32 to index
        %get3A_1108 = arith.constant 32 : index
        %get3A_1109 = tpu.vector_load %arg11[%get3A_1107, %get3A_1108] {strides = array<i32>} : memref<5x80xi32, #tpu.memory_space<vmem>>, vector<1x16xi32>,
        %get3A_1110 = vector.shape_cast %get3A_1109 : vector<1x16xi32> to vector<16xi32>
        %mul3A_1111 = arith.constant 2 : i32
        %mul3A_1112 = vector.broadcast %mul3A_1111 : i32 to vector<16xi32>
        %mul3A_1113 = arith.muli %get3A_1110, %mul3A_1112 : vector<16xi32>
        %add3A_1114 = vector.broadcast %arg0 : i32 to vector<16xi32>
        %add3A_1115 = arith.addi %mul3A_1113, %add3A_1114 : vector<16xi32>
        %swap3A_1116 = arith.constant 0 : i32
        %swap3A_1117 = arith.index_cast %swap3A_1116 : i32 to index
        %swap3A_1118 = arith.constant 32 : index
        %swap3A_1119 = tpu.vector_load %arg15[%swap3A_1117, %swap3A_1118] {strides = array<i32>} : memref<5x80xi32, #tpu.memory_space<vmem>>, vector<1x16xi32>,
        %swap3A_1120 = vector.shape_cast %swap3A_1119 : vector<1x16xi32> to vector<16xi32>
        %swap3A_1121 = vector.shape_cast %add3A_1115 : vector<16xi32> to vector<1x16xi32>
        tpu.vector_store %arg15[%swap3A_1117, %swap3A_1118], %swap3A_1121 {strides = array<i32>} : memref<5x80xi32, #tpu.memory_space<vmem>>, vector<1x16xi32>,
        %get3A_1122 = arith.constant 0 : i32
        %get3A_1123 = arith.index_cast %get3A_1122 : i32 to index
        %get3A_1124 = arith.constant 48 : index
        %get3A_1125 = tpu.vector_load %arg11[%get3A_1123, %get3A_1124] {strides = array<i32>} : memref<5x80xi32, #tpu.memory_space<vmem>>, vector<1x16xi32>,
        %get3A_1126 = vector.shape_cast %get3A_1125 : vector<1x16xi32> to vector<16xi32>
        %mul3A_1127 = arith.constant 2 : i32
        %mul3A_1128 = vector.broadcast %mul3A_1127 : i32 to vector<16xi32>
        %mul3A_1129 = arith.muli %get3A_1126, %mul3A_1128 : vector<16xi32>
        %add3A_1130 = vector.broadcast %arg0 : i32 to vector<16xi32>
        %add3A_1131 = arith.addi %mul3A_1129, %add3A_1130 : vector<16xi32>
        %swap3A_1132 = arith.constant 0 : i32
        %swap3A_1133 = arith.index_cast %swap3A_1132 : i32 to index
        %swap3A_1134 = arith.constant 48 : index
        %swap3A_1135 = tpu.vector_load %arg15[%swap3A_1133, %swap3A_1134] {strides = array<i32>} : memref<5x80xi32, #tpu.memory_space<vmem>>, vector<1x16xi32>,
        %swap3A_1136 = vector.shape_cast %swap3A_1135 : vector<1x16xi32> to vector<16xi32>
        %swap3A_1137 = vector.shape_cast %add3A_1131 : vector<16xi32> to vector<1x16xi32>
        tpu.vector_store %arg15[%swap3A_1133, %swap3A_1134], %swap3A_1137 {strides = array<i32>} : memref<5x80xi32, #tpu.memory_space<vmem>>, vector<1x16xi32>,
        %get3A_1138 = arith.constant 0 : i32
        %get3A_1139 = arith.index_cast %get3A_1138 : i32 to index
        %get3A_1140 = arith.constant 64 : index
        %get3A_1141 = tpu.vector_load %arg11[%get3A_1139, %get3A_1140] {strides = array<i32>} : memref<5x80xi32, #tpu.memory_space<vmem>>, vector<1x16xi32>,
        %get3A_1142 = vector.shape_cast %get3A_1141 : vector<1x16xi32> to vector<16xi32>
        %mul3A_1143 = arith.constant 2 : i32
        %mul3A_1144 = vector.broadcast %mul3A_1143 : i32 to vector<16xi32>
        %mul3A_1145 = arith.muli %get3A_1142, %mul3A_1144 : vector<16xi32>
        %add3A_1146 = vector.broadcast %arg0 : i32 to vector<16xi32>
        %add3A_1147 = arith.addi %mul3A_1145, %add3A_1146 : vector<16xi32>
        %swap3A_1148 = arith.constant 0 : i32
        %swap3A_1149 = arith.index_cast %swap3A_1148 : i32 to index
        %swap3A_1150 = arith.constant 64 : index
        %swap3A_1151 = tpu.vector_load %arg15[%swap3A_1149, %swap3A_1150] {strides = array<i32>} : memref<5x80xi32, #tpu.memory_space<vmem>>, vector<1x16xi32>,
        %swap3A_1152 = vector.shape_cast %swap3A_1151 : vector<1x16xi32> to vector<16xi32>
        %swap3A_1153 = vector.shape_cast %add3A_1147 : vector<16xi32> to vector<1x16xi32>
        tpu.vector_store %arg15[%swap3A_1149, %swap3A_1150], %swap3A_1153 {strides = array<i32>} : memref<5x80xi32, #tpu.memory_space<vmem>>, vector<1x16xi32>,
        %get3A_1154 = arith.constant 1 : i32
        %get3A_1155 = arith.index_cast %get3A_1154 : i32 to index
        %get3A_1156 = arith.constant 0 : index
        %get3A_1157 = tpu.vector_load %arg11[%get3A_1155, %get3A_1156] {strides = array<i32>} : memref<5x80xi32, #tpu.memory_space<vmem>>, vector<1x16xi32>,
        %get3A_1158 = vector.shape_cast %get3A_1157 : vector<1x16xi32> to vector<16xi32>
        %mul3A_1159 = arith.constant 2 : i32
        %mul3A_1160 = vector.broadcast %mul3A_1159 : i32 to vector<16xi32>
        %mul3A_1161 = arith.muli %get3A_1158, %mul3A_1160 : vector<16xi32>
        %add3A_1162 = vector.broadcast %arg0 : i32 to vector<16xi32>
        %add3A_1163 = arith.addi %mul3A_1161, %add3A_1162 : vector<16xi32>
        %swap3A_1164 = arith.constant 1 : i32
        %swap3A_1165 = arith.index_cast %swap3A_1164 : i32 to index
        %swap3A_1166 = arith.constant 0 : index
        %swap3A_1167 = tpu.vector_load %arg15[%swap3A_1165, %swap3A_1166] {strides = array<i32>} : memref<5x80xi32, #tpu.memory_space<vmem>>, vector<1x16xi32>,
        %swap3A_1168 = vector.shape_cast %swap3A_1167 : vector<1x16xi32> to vector<16xi32>
        %swap3A_1169 = vector.shape_cast %add3A_1163 : vector<16xi32> to vector<1x16xi32>
        tpu.vector_store %arg15[%swap3A_1165, %swap3A_1166], %swap3A_1169 {strides = array<i32>} : memref<5x80xi32, #tpu.memory_space<vmem>>, vector<1x16xi32>,
        %get3A_1170 = arith.constant 1 : i32
        %get3A_1171 = arith.index_cast %get3A_1170 : i32 to index
        %get3A_1172 = arith.constant 16 : index
        %get3A_1173 = tpu.vector_load %arg11[%get3A_1171, %get3A_1172] {strides = array<i32>} : memref<5x80xi32, #tpu.memory_space<vmem>>, vector<1x16xi32>,
        %get3A_1174 = vector.shape_cast %get3A_1173 : vector<1x16xi32> to vector<16xi32>
        %mul3A_1175 = arith.constant 2 : i32
        %mul3A_1176 = vector.broadcast %mul3A_1175 : i32 to vector<16xi32>
        %mul3A_1177 = arith.muli %get3A_1174, %mul3A_1176 : vector<16xi32>
        %add3A_1178 = vector.broadcast %arg0 : i32 to vector<16xi32>
        %add3A_1179 = arith.addi %mul3A_1177, %add3A_1178 : vector<16xi32>
        %swap3A_1180 = arith.constant 1 : i32
        %swap3A_1181 = arith.index_cast %swap3A_1180 : i32 to index
        %swap3A_1182 = arith.constant 16 : index
        %swap3A_1183 = tpu.vector_load %arg15[%swap3A_1181, %swap3A_1182] {strides = array<i32>} : memref<5x80xi32, #tpu.memory_space<vmem>>, vector<1x16xi32>,
        %swap3A_1184 = vector.shape_cast %swap3A_1183 : vector<1x16xi32> to vector<16xi32>
        %swap3A_1185 = vector.shape_cast %add3A_1179 : vector<16xi32> to vector<1x16xi32>
        tpu.vector_store %arg15[%swap3A_1181, %swap3A_1182], %swap3A_1185 {strides = array<i32>} : memref<5x80xi32, #tpu.memory_space<vmem>>, vector<1x16xi32>,
        %get3A_1186 = arith.constant 1 : i32
        %get3A_1187 = arith.index_cast %get3A_1186 : i32 to index
        %get3A_1188 = arith.constant 32 : index
        %get3A_1189 = tpu.vector_load %arg11[%get3A_1187, %get3A_1188] {strides = array<i32>} : memref<5x80xi32, #tpu.memory_space<vmem>>, vector<1x16xi32>,
        %get3A_1190 = vector.shape_cast %get3A_1189 : vector<1x16xi32> to vector<16xi32>
        %mul3A_1191 = arith.constant 2 : i32
        %mul3A_1192 = vector.broadcast %mul3A_1191 : i32 to vector<16xi32>
        %mul3A_1193 = arith.muli %get3A_1190, %mul3A_1192 : vector<16xi32>
        %add3A_1194 = vector.broadcast %arg0 : i32 to vector<16xi32>
        %add3A_1195 = arith.addi %mul3A_1193, %add3A_1194 : vector<16xi32>
        %swap3A_1196 = arith.constant 1 : i32
        %swap3A_1197 = arith.index_cast %swap3A_1196 : i32 to index
        %swap3A_1198 = arith.constant 32 : index
        %swap3A_1199 = tpu.vector_load %arg15[%swap3A_1197, %swap3A_1198] {strides = array<i32>} : memref<5x80xi32, #tpu.memory_space<vmem>>, vector<1x16xi32>,
        %swap3A_1200 = vector.shape_cast %swap3A_1199 : vector<1x16xi32> to vector<16xi32>
        %swap3A_1201 = vector.shape_cast %add3A_1195 : vector<16xi32> to vector<1x16xi32>
        tpu.vector_store %arg15[%swap3A_1197, %swap3A_1198], %swap3A_1201 {strides = array<i32>} : memref<5x80xi32, #tpu.memory_space<vmem>>, vector<1x16xi32>,
        %get3A_1202 = arith.constant 1 : i32
        %get3A_1203 = arith.index_cast %get3A_1202 : i32 to index
        %get3A_1204 = arith.constant 48 : index
        %get3A_1205 = tpu.vector_load %arg11[%get3A_1203, %get3A_1204] {strides = array<i32>} : memref<5x80xi32, #tpu.memory_space<vmem>>, vector<1x16xi32>,
        %get3A_1206 = vector.shape_cast %get3A_1205 : vector<1x16xi32> to vector<16xi32>
        %mul3A_1207 = arith.constant 2 : i32
        %mul3A_1208 = vector.broadcast %mul3A_1207 : i32 to vector<16xi32>
        %mul3A_1209 = arith.muli %get3A_1206, %mul3A_1208 : vector<16xi32>
        %add3A_1210 = vector.broadcast %arg0 : i32 to vector<16xi32>
        %add3A_1211 = arith.addi %mul3A_1209, %add3A_1210 : vector<16xi32>
        %swap3A_1212 = arith.constant 1 : i32
        %swap3A_1213 = arith.index_cast %swap3A_1212 : i32 to index
        %swap3A_1214 = arith.constant 48 : index
        %swap3A_1215 = tpu.vector_load %arg15[%swap3A_1213, %swap3A_1214] {strides = array<i32>} : memref<5x80xi32, #tpu.memory_space<vmem>>, vector<1x16xi32>,
        %swap3A_1216 = vector.shape_cast %swap3A_1215 : vector<1x16xi32> to vector<16xi32>
        %swap3A_1217 = vector.shape_cast %add3A_1211 : vector<16xi32> to vector<1x16xi32>
        tpu.vector_store %arg15[%swap3A_1213, %swap3A_1214], %swap3A_1217 {strides = array<i32>} : memref<5x80xi32, #tpu.memory_space<vmem>>, vector<1x16xi32>,
        %get3A_1218 = arith.constant 1 : i32
        %get3A_1219 = arith.index_cast %get3A_1218 : i32 to index
        %get3A_1220 = arith.constant 64 : index
        %get3A_1221 = tpu.vector_load %arg11[%get3A_1219, %get3A_1220] {strides = array<i32>} : memref<5x80xi32, #tpu.memory_space<vmem>>, vector<1x16xi32>,
        %get3A_1222 = vector.shape_cast %get3A_1221 : vector<1x16xi32> to vector<16xi32>
        %mul3A_1223 = arith.constant 2 : i32
        %mul3A_1224 = vector.broadcast %mul3A_1223 : i32 to vector<16xi32>
        %mul3A_1225 = arith.muli %get3A_1222, %mul3A_1224 : vector<16xi32>
        %add3A_1226 = vector.broadcast %arg0 : i32 to vector<16xi32>
        %add3A_1227 = arith.addi %mul3A_1225, %add3A_1226 : vector<16xi32>
        %swap3A_1228 = arith.constant 1 : i32
        %swap3A_1229 = arith.index_cast %swap3A_1228 : i32 to index
        %swap3A_1230 = arith.constant 64 : index
        %swap3A_1231 = tpu.vector_load %arg15[%swap3A_1229, %swap3A_1230] {strides = array<i32>} : memref<5x80xi32, #tpu.memory_space<vmem>>, vector<1x16xi32>,
        %swap3A_1232 = vector.shape_cast %swap3A_1231 : vector<1x16xi32> to vector<16xi32>
        %swap3A_1233 = vector.shape_cast %add3A_1227 : vector<16xi32> to vector<1x16xi32>
        tpu.vector_store %arg15[%swap3A_1229, %swap3A_1230], %swap3A_1233 {strides = array<i32>} : memref<5x80xi32, #tpu.memory_space<vmem>>, vector<1x16xi32>,
        %get3A_1234 = arith.constant 2 : i32
        %get3A_1235 = arith.index_cast %get3A_1234 : i32 to index
        %get3A_1236 = arith.constant 0 : index
        %get3A_1237 = tpu.vector_load %arg11[%get3A_1235, %get3A_1236] {strides = array<i32>} : memref<5x80xi32, #tpu.memory_space<vmem>>, vector<1x16xi32>,
        %get3A_1238 = vector.shape_cast %get3A_1237 : vector<1x16xi32> to vector<16xi32>
        %mul3A_1239 = arith.constant 2 : i32
        %mul3A_1240 = vector.broadcast %mul3A_1239 : i32 to vector<16xi32>
        %mul3A_1241 = arith.muli %get3A_1238, %mul3A_1240 : vector<16xi32>
        %add3A_1242 = vector.broadcast %arg0 : i32 to vector<16xi32>
        %add3A_1243 = arith.addi %mul3A_1241, %add3A_1242 : vector<16xi32>
        %swap3A_1244 = arith.constant 2 : i32
        %swap3A_1245 = arith.index_cast %swap3A_1244 : i32 to index
        %swap3A_1246 = arith.constant 0 : index
        %swap3A_1247 = tpu.vector_load %arg15[%swap3A_1245, %swap3A_1246] {strides = array<i32>} : memref<5x80xi32, #tpu.memory_space<vmem>>, vector<1x16xi32>,
        %swap3A_1248 = vector.shape_cast %swap3A_1247 : vector<1x16xi32> to vector<16xi32>
        %swap3A_1249 = vector.shape_cast %add3A_1243 : vector<16xi32> to vector<1x16xi32>
        tpu.vector_store %arg15[%swap3A_1245, %swap3A_1246], %swap3A_1249 {strides = array<i32>} : memref<5x80xi32, #tpu.memory_space<vmem>>, vector<1x16xi32>,
        %get3A_1250 = arith.constant 2 : i32
        %get3A_1251 = arith.index_cast %get3A_1250 : i32 to index
        %get3A_1252 = arith.constant 16 : index
        %get3A_1253 = tpu.vector_load %arg11[%get3A_1251, %get3A_1252] {strides = array<i32>} : memref<5x80xi32, #tpu.memory_space<vmem>>, vector<1x16xi32>,
        %get3A_1254 = vector.shape_cast %get3A_1253 : vector<1x16xi32> to vector<16xi32>
        %mul3A_1255 = arith.constant 2 : i32
        %mul3A_1256 = vector.broadcast %mul3A_1255 : i32 to vector<16xi32>
        %mul3A_1257 = arith.muli %get3A_1254, %mul3A_1256 : vector<16xi32>
        %add3A_1258 = vector.broadcast %arg0 : i32 to vector<16xi32>
        %add3A_1259 = arith.addi %mul3A_1257, %add3A_1258 : vector<16xi32>
        %swap3A_1260 = arith.constant 2 : i32
        %swap3A_1261 = arith.index_cast %swap3A_1260 : i32 to index
        %swap3A_1262 = arith.constant 16 : index
        %swap3A_1263 = tpu.vector_load %arg15[%swap3A_1261, %swap3A_1262] {strides = array<i32>} : memref<5x80xi32, #tpu.memory_space<vmem>>, vector<1x16xi32>,
        %swap3A_1264 = vector.shape_cast %swap3A_1263 : vector<1x16xi32> to vector<16xi32>
        %swap3A_1265 = vector.shape_cast %add3A_1259 : vector<16xi32> to vector<1x16xi32>
        tpu.vector_store %arg15[%swap3A_1261, %swap3A_1262], %swap3A_1265 {strides = array<i32>} : memref<5x80xi32, #tpu.memory_space<vmem>>, vector<1x16xi32>,
        %get3A_1266 = arith.constant 2 : i32
        %get3A_1267 = arith.index_cast %get3A_1266 : i32 to index
        %get3A_1268 = arith.constant 32 : index
        %get3A_1269 = tpu.vector_load %arg11[%get3A_1267, %get3A_1268] {strides = array<i32>} : memref<5x80xi32, #tpu.memory_space<vmem>>, vector<1x16xi32>,
        %get3A_1270 = vector.shape_cast %get3A_1269 : vector<1x16xi32> to vector<16xi32>
        %mul3A_1271 = arith.constant 2 : i32
        %mul3A_1272 = vector.broadcast %mul3A_1271 : i32 to vector<16xi32>
        %mul3A_1273 = arith.muli %get3A_1270, %mul3A_1272 : vector<16xi32>
        %add3A_1274 = vector.broadcast %arg0 : i32 to vector<16xi32>
        %add3A_1275 = arith.addi %mul3A_1273, %add3A_1274 : vector<16xi32>
        %swap3A_1276 = arith.constant 2 : i32
        %swap3A_1277 = arith.index_cast %swap3A_1276 : i32 to index
        %swap3A_1278 = arith.constant 32 : index
        %swap3A_1279 = tpu.vector_load %arg15[%swap3A_1277, %swap3A_1278] {strides = array<i32>} : memref<5x80xi32, #tpu.memory_space<vmem>>, vector<1x16xi32>,
        %swap3A_1280 = vector.shape_cast %swap3A_1279 : vector<1x16xi32> to vector<16xi32>
        %swap3A_1281 = vector.shape_cast %add3A_1275 : vector<16xi32> to vector<1x16xi32>
        tpu.vector_store %arg15[%swap3A_1277, %swap3A_1278], %swap3A_1281 {strides = array<i32>} : memref<5x80xi32, #tpu.memory_space<vmem>>, vector<1x16xi32>,
        %get3A_1282 = arith.constant 2 : i32
        %get3A_1283 = arith.index_cast %get3A_1282 : i32 to index
        %get3A_1284 = arith.constant 48 : index
        %get3A_1285 = tpu.vector_load %arg11[%get3A_1283, %get3A_1284] {strides = array<i32>} : memref<5x80xi32, #tpu.memory_space<vmem>>, vector<1x16xi32>,
        %get3A_1286 = vector.shape_cast %get3A_1285 : vector<1x16xi32> to vector<16xi32>
        %mul3A_1287 = arith.constant 2 : i32
        %mul3A_1288 = vector.broadcast %mul3A_1287 : i32 to vector<16xi32>
        %mul3A_1289 = arith.muli %get3A_1286, %mul3A_1288 : vector<16xi32>
        %add3A_1290 = vector.broadcast %arg0 : i32 to vector<16xi32>
        %add3A_1291 = arith.addi %mul3A_1289, %add3A_1290 : vector<16xi32>
        %swap3A_1292 = arith.constant 2 : i32
        %swap3A_1293 = arith.index_cast %swap3A_1292 : i32 to index
        %swap3A_1294 = arith.constant 48 : index
        %swap3A_1295 = tpu.vector_load %arg15[%swap3A_1293, %swap3A_1294] {strides = array<i32>} : memref<5x80xi32, #tpu.memory_space<vmem>>, vector<1x16xi32>,
        %swap3A_1296 = vector.shape_cast %swap3A_1295 : vector<1x16xi32> to vector<16xi32>
        %swap3A_1297 = vector.shape_cast %add3A_1291 : vector<16xi32> to vector<1x16xi32>
        tpu.vector_store %arg15[%swap3A_1293, %swap3A_1294], %swap3A_1297 {strides = array<i32>} : memref<5x80xi32, #tpu.memory_space<vmem>>, vector<1x16xi32>,
        %get3A_1298 = arith.constant 2 : i32
        %get3A_1299 = arith.index_cast %get3A_1298 : i32 to index
        %get3A_1300 = arith.constant 64 : index
        %get3A_1301 = tpu.vector_load %arg11[%get3A_1299, %get3A_1300] {strides = array<i32>} : memref<5x80xi32, #tpu.memory_space<vmem>>, vector<1x16xi32>,
        %get3A_1302 = vector.shape_cast %get3A_1301 : vector<1x16xi32> to vector<16xi32>
        %mul3A_1303 = arith.constant 2 : i32
        %mul3A_1304 = vector.broadcast %mul3A_1303 : i32 to vector<16xi32>
        %mul3A_1305 = arith.muli %get3A_1302, %mul3A_1304 : vector<16xi32>
        %add3A_1306 = vector.broadcast %arg0 : i32 to vector<16xi32>
        %add3A_1307 = arith.addi %mul3A_1305, %add3A_1306 : vector<16xi32>
        %swap3A_1308 = arith.constant 2 : i32
        %swap3A_1309 = arith.index_cast %swap3A_1308 : i32 to index
        %swap3A_1310 = arith.constant 64 : index
        %swap3A_1311 = tpu.vector_load %arg15[%swap3A_1309, %swap3A_1310] {strides = array<i32>} : memref<5x80xi32, #tpu.memory_space<vmem>>, vector<1x16xi32>,
        %swap3A_1312 = vector.shape_cast %swap3A_1311 : vector<1x16xi32> to vector<16xi32>
        %swap3A_1313 = vector.shape_cast %add3A_1307 : vector<16xi32> to vector<1x16xi32>
        tpu.vector_store %arg15[%swap3A_1309, %swap3A_1310], %swap3A_1313 {strides = array<i32>} : memref<5x80xi32, #tpu.memory_space<vmem>>, vector<1x16xi32>,
        %get3A_1314 = arith.constant 3 : i32
        %get3A_1315 = arith.index_cast %get3A_1314 : i32 to index
        %get3A_1316 = arith.constant 0 : index
        %get3A_1317 = tpu.vector_load %arg11[%get3A_1315, %get3A_1316] {strides = array<i32>} : memref<5x80xi32, #tpu.memory_space<vmem>>, vector<1x16xi32>,
        %get3A_1318 = vector.shape_cast %get3A_1317 : vector<1x16xi32> to vector<16xi32>
        %mul3A_1319 = arith.constant 2 : i32
        %mul3A_1320 = vector.broadcast %mul3A_1319 : i32 to vector<16xi32>
        %mul3A_1321 = arith.muli %get3A_1318, %mul3A_1320 : vector<16xi32>
        %add3A_1322 = vector.broadcast %arg0 : i32 to vector<16xi32>
        %add3A_1323 = arith.addi %mul3A_1321, %add3A_1322 : vector<16xi32>
        %swap3A_1324 = arith.constant 3 : i32
        %swap3A_1325 = arith.index_cast %swap3A_1324 : i32 to index
        %swap3A_1326 = arith.constant 0 : index
        %swap3A_1327 = tpu.vector_load %arg15[%swap3A_1325, %swap3A_1326] {strides = array<i32>} : memref<5x80xi32, #tpu.memory_space<vmem>>, vector<1x16xi32>,
        %swap3A_1328 = vector.shape_cast %swap3A_1327 : vector<1x16xi32> to vector<16xi32>
        %swap3A_1329 = vector.shape_cast %add3A_1323 : vector<16xi32> to vector<1x16xi32>
        tpu.vector_store %arg15[%swap3A_1325, %swap3A_1326], %swap3A_1329 {strides = array<i32>} : memref<5x80xi32, #tpu.memory_space<vmem>>, vector<1x16xi32>,
        %get3A_1330 = arith.constant 3 : i32
        %get3A_1331 = arith.index_cast %get3A_1330 : i32 to index
        %get3A_1332 = arith.constant 16 : index
        %get3A_1333 = tpu.vector_load %arg11[%get3A_1331, %get3A_1332] {strides = array<i32>} : memref<5x80xi32, #tpu.memory_space<vmem>>, vector<1x16xi32>,
        %get3A_1334 = vector.shape_cast %get3A_1333 : vector<1x16xi32> to vector<16xi32>
        %mul3A_1335 = arith.constant 2 : i32
        %mul3A_1336 = vector.broadcast %mul3A_1335 : i32 to vector<16xi32>
        %mul3A_1337 = arith.muli %get3A_1334, %mul3A_1336 : vector<16xi32>
        %add3A_1338 = vector.broadcast %arg0 : i32 to vector<16xi32>
        %add3A_1339 = arith.addi %mul3A_1337, %add3A_1338 : vector<16xi32>
        %swap3A_1340 = arith.constant 3 : i32
        %swap3A_1341 = arith.index_cast %swap3A_1340 : i32 to index
        %swap3A_1342 = arith.constant 16 : index
        %swap3A_1343 = tpu.vector_load %arg15[%swap3A_1341, %swap3A_1342] {strides = array<i32>} : memref<5x80xi32, #tpu.memory_space<vmem>>, vector<1x16xi32>,
        %swap3A_1344 = vector.shape_cast %swap3A_1343 : vector<1x16xi32> to vector<16xi32>
        %swap3A_1345 = vector.shape_cast %add3A_1339 : vector<16xi32> to vector<1x16xi32>
        tpu.vector_store %arg15[%swap3A_1341, %swap3A_1342], %swap3A_1345 {strides = array<i32>} : memref<5x80xi32, #tpu.memory_space<vmem>>, vector<1x16xi32>,
        %get3A_1346 = arith.constant 3 : i32
        %get3A_1347 = arith.index_cast %get3A_1346 : i32 to index
        %get3A_1348 = arith.constant 32 : index
        %get3A_1349 = tpu.vector_load %arg11[%get3A_1347, %get3A_1348] {strides = array<i32>} : memref<5x80xi32, #tpu.memory_space<vmem>>, vector<1x16xi32>,
        %get3A_1350 = vector.shape_cast %get3A_1349 : vector<1x16xi32> to vector<16xi32>
        %mul3A_1351 = arith.constant 2 : i32
        %mul3A_1352 = vector.broadcast %mul3A_1351 : i32 to vector<16xi32>
        %mul3A_1353 = arith.muli %get3A_1350, %mul3A_1352 : vector<16xi32>
        %add3A_1354 = vector.broadcast %arg0 : i32 to vector<16xi32>
        %add3A_1355 = arith.addi %mul3A_1353, %add3A_1354 : vector<16xi32>
        %swap3A_1356 = arith.constant 3 : i32
        %swap3A_1357 = arith.index_cast %swap3A_1356 : i32 to index
        %swap3A_1358 = arith.constant 32 : index
        %swap3A_1359 = tpu.vector_load %arg15[%swap3A_1357, %swap3A_1358] {strides = array<i32>} : memref<5x80xi32, #tpu.memory_space<vmem>>, vector<1x16xi32>,
        %swap3A_1360 = vector.shape_cast %swap3A_1359 : vector<1x16xi32> to vector<16xi32>
        %swap3A_1361 = vector.shape_cast %add3A_1355 : vector<16xi32> to vector<1x16xi32>
        tpu.vector_store %arg15[%swap3A_1357, %swap3A_1358], %swap3A_1361 {strides = array<i32>} : memref<5x80xi32, #tpu.memory_space<vmem>>, vector<1x16xi32>,
        %get3A_1362 = arith.constant 3 : i32
        %get3A_1363 = arith.index_cast %get3A_1362 : i32 to index
        %get3A_1364 = arith.constant 48 : index
        %get3A_1365 = tpu.vector_load %arg11[%get3A_1363, %get3A_1364] {strides = array<i32>} : memref<5x80xi32, #tpu.memory_space<vmem>>, vector<1x16xi32>,
        %get3A_1366 = vector.shape_cast %get3A_1365 : vector<1x16xi32> to vector<16xi32>
        %mul3A_1367 = arith.constant 2 : i32
        %mul3A_1368 = vector.broadcast %mul3A_1367 : i32 to vector<16xi32>
        %mul3A_1369 = arith.muli %get3A_1366, %mul3A_1368 : vector<16xi32>
        %add3A_1370 = vector.broadcast %arg0 : i32 to vector<16xi32>
        %add3A_1371 = arith.addi %mul3A_1369, %add3A_1370 : vector<16xi32>
        %swap3A_1372 = arith.constant 3 : i32
        %swap3A_1373 = arith.index_cast %swap3A_1372 : i32 to index
        %swap3A_1374 = arith.constant 48 : index
        %swap3A_1375 = tpu.vector_load %arg15[%swap3A_1373, %swap3A_1374] {strides = array<i32>} : memref<5x80xi32, #tpu.memory_space<vmem>>, vector<1x16xi32>,
        %swap3A_1376 = vector.shape_cast %swap3A_1375 : vector<1x16xi32> to vector<16xi32>
        %swap3A_1377 = vector.shape_cast %add3A_1371 : vector<16xi32> to vector<1x16xi32>
        tpu.vector_store %arg15[%swap3A_1373, %swap3A_1374], %swap3A_1377 {strides = array<i32>} : memref<5x80xi32, #tpu.memory_space<vmem>>, vector<1x16xi32>,
        %get3A_1378 = arith.constant 3 : i32
        %get3A_1379 = arith.index_cast %get3A_1378 : i32 to index
        %get3A_1380 = arith.constant 64 : index
        %get3A_1381 = tpu.vector_load %arg11[%get3A_1379, %get3A_1380] {strides = array<i32>} : memref<5x80xi32, #tpu.memory_space<vmem>>, vector<1x16xi32>,
        %get3A_1382 = vector.shape_cast %get3A_1381 : vector<1x16xi32> to vector<16xi32>
        %mul3A_1383 = arith.constant 2 : i32
        %mul3A_1384 = vector.broadcast %mul3A_1383 : i32 to vector<16xi32>
        %mul3A_1385 = arith.muli %get3A_1382, %mul3A_1384 : vector<16xi32>
        %add3A_1386 = vector.broadcast %arg0 : i32 to vector<16xi32>
        %add3A_1387 = arith.addi %mul3A_1385, %add3A_1386 : vector<16xi32>
        %swap3A_1388 = arith.constant 3 : i32
        %swap3A_1389 = arith.index_cast %swap3A_1388 : i32 to index
        %swap3A_1390 = arith.constant 64 : index
        %swap3A_1391 = tpu.vector_load %arg15[%swap3A_1389, %swap3A_1390] {strides = array<i32>} : memref<5x80xi32, #tpu.memory_space<vmem>>, vector<1x16xi32>,
        %swap3A_1392 = vector.shape_cast %swap3A_1391 : vector<1x16xi32> to vector<16xi32>
        %swap3A_1393 = vector.shape_cast %add3A_1387 : vector<16xi32> to vector<1x16xi32>
        tpu.vector_store %arg15[%swap3A_1389, %swap3A_1390], %swap3A_1393 {strides = array<i32>} : memref<5x80xi32, #tpu.memory_space<vmem>>, vector<1x16xi32>,
        %get3A_1394 = arith.constant 4 : i32
        %get3A_1395 = arith.index_cast %get3A_1394 : i32 to index
        %get3A_1396 = arith.constant 0 : index
        %get3A_1397 = tpu.vector_load %arg11[%get3A_1395, %get3A_1396] {strides = array<i32>} : memref<5x80xi32, #tpu.memory_space<vmem>>, vector<1x16xi32>,
        %get3A_1398 = vector.shape_cast %get3A_1397 : vector<1x16xi32> to vector<16xi32>
        %mul3A_1399 = arith.constant 2 : i32
        %mul3A_1400 = vector.broadcast %mul3A_1399 : i32 to vector<16xi32>
        %mul3A_1401 = arith.muli %get3A_1398, %mul3A_1400 : vector<16xi32>
        %add3A_1402 = vector.broadcast %arg0 : i32 to vector<16xi32>
        %add3A_1403 = arith.addi %mul3A_1401, %add3A_1402 : vector<16xi32>
        %swap3A_1404 = arith.constant 4 : i32
        %swap3A_1405 = arith.index_cast %swap3A_1404 : i32 to index
        %swap3A_1406 = arith.constant 0 : index
        %swap3A_1407 = tpu.vector_load %arg15[%swap3A_1405, %swap3A_1406] {strides = array<i32>} : memref<5x80xi32, #tpu.memory_space<vmem>>, vector<1x16xi32>,
        %swap3A_1408 = vector.shape_cast %swap3A_1407 : vector<1x16xi32> to vector<16xi32>
        %swap3A_1409 = vector.shape_cast %add3A_1403 : vector<16xi32> to vector<1x16xi32>
        tpu.vector_store %arg15[%swap3A_1405, %swap3A_1406], %swap3A_1409 {strides = array<i32>} : memref<5x80xi32, #tpu.memory_space<vmem>>, vector<1x16xi32>,
        %get3A_1410 = arith.constant 4 : i32
        %get3A_1411 = arith.index_cast %get3A_1410 : i32 to index
        %get3A_1412 = arith.constant 16 : index
        %get3A_1413 = tpu.vector_load %arg11[%get3A_1411, %get3A_1412] {strides = array<i32>} : memref<5x80xi32, #tpu.memory_space<vmem>>, vector<1x16xi32>,
        %get3A_1414 = vector.shape_cast %get3A_1413 : vector<1x16xi32> to vector<16xi32>
        %mul3A_1415 = arith.constant 2 : i32
        %mul3A_1416 = vector.broadcast %mul3A_1415 : i32 to vector<16xi32>
        %mul3A_1417 = arith.muli %get3A_1414, %mul3A_1416 : vector<16xi32>
        %add3A_1418 = vector.broadcast %arg0 : i32 to vector<16xi32>
        %add3A_1419 = arith.addi %mul3A_1417, %add3A_1418 : vector<16xi32>
        %swap3A_1420 = arith.constant 4 : i32
        %swap3A_1421 = arith.index_cast %swap3A_1420 : i32 to index
        %swap3A_1422 = arith.constant 16 : index
        %swap3A_1423 = tpu.vector_load %arg15[%swap3A_1421, %swap3A_1422] {strides = array<i32>} : memref<5x80xi32, #tpu.memory_space<vmem>>, vector<1x16xi32>,
        %swap3A_1424 = vector.shape_cast %swap3A_1423 : vector<1x16xi32> to vector<16xi32>
        %swap3A_1425 = vector.shape_cast %add3A_1419 : vector<16xi32> to vector<1x16xi32>
        tpu.vector_store %arg15[%swap3A_1421, %swap3A_1422], %swap3A_1425 {strides = array<i32>} : memref<5x80xi32, #tpu.memory_space<vmem>>, vector<1x16xi32>,
        %get3A_1426 = arith.constant 4 : i32
        %get3A_1427 = arith.index_cast %get3A_1426 : i32 to index
        %get3A_1428 = arith.constant 32 : index
        %get3A_1429 = tpu.vector_load %arg11[%get3A_1427, %get3A_1428] {strides = array<i32>} : memref<5x80xi32, #tpu.memory_space<vmem>>, vector<1x16xi32>,
        %get3A_1430 = vector.shape_cast %get3A_1429 : vector<1x16xi32> to vector<16xi32>
        %mul3A_1431 = arith.constant 2 : i32
        %mul3A_1432 = vector.broadcast %mul3A_1431 : i32 to vector<16xi32>
        %mul3A_1433 = arith.muli %get3A_1430, %mul3A_1432 : vector<16xi32>
        %add3A_1434 = vector.broadcast %arg0 : i32 to vector<16xi32>
        %add3A_1435 = arith.addi %mul3A_1433, %add3A_1434 : vector<16xi32>
        %swap3A_1436 = arith.constant 4 : i32
        %swap3A_1437 = arith.index_cast %swap3A_1436 : i32 to index
        %swap3A_1438 = arith.constant 32 : index
        %swap3A_1439 = tpu.vector_load %arg15[%swap3A_1437, %swap3A_1438] {strides = array<i32>} : memref<5x80xi32, #tpu.memory_space<vmem>>, vector<1x16xi32>,
        %swap3A_1440 = vector.shape_cast %swap3A_1439 : vector<1x16xi32> to vector<16xi32>
        %swap3A_1441 = vector.shape_cast %add3A_1435 : vector<16xi32> to vector<1x16xi32>
        tpu.vector_store %arg15[%swap3A_1437, %swap3A_1438], %swap3A_1441 {strides = array<i32>} : memref<5x80xi32, #tpu.memory_space<vmem>>, vector<1x16xi32>,
        %get3A_1442 = arith.constant 4 : i32
        %get3A_1443 = arith.index_cast %get3A_1442 : i32 to index
        %get3A_1444 = arith.constant 48 : index
        %get3A_1445 = tpu.vector_load %arg11[%get3A_1443, %get3A_1444] {strides = array<i32>} : memref<5x80xi32, #tpu.memory_space<vmem>>, vector<1x16xi32>,
        %get3A_1446 = vector.shape_cast %get3A_1445 : vector<1x16xi32> to vector<16xi32>
        %mul3A_1447 = arith.constant 2 : i32
        %mul3A_1448 = vector.broadcast %mul3A_1447 : i32 to vector<16xi32>
        %mul3A_1449 = arith.muli %get3A_1446, %mul3A_1448 : vector<16xi32>
        %add3A_1450 = vector.broadcast %arg0 : i32 to vector<16xi32>
        %add3A_1451 = arith.addi %mul3A_1449, %add3A_1450 : vector<16xi32>
        %swap3A_1452 = arith.constant 4 : i32
        %swap3A_1453 = arith.index_cast %swap3A_1452 : i32 to index
        %swap3A_1454 = arith.constant 48 : index
        %swap3A_1455 = tpu.vector_load %arg15[%swap3A_1453, %swap3A_1454] {strides = array<i32>} : memref<5x80xi32, #tpu.memory_space<vmem>>, vector<1x16xi32>,
        %swap3A_1456 = vector.shape_cast %swap3A_1455 : vector<1x16xi32> to vector<16xi32>
        %swap3A_1457 = vector.shape_cast %add3A_1451 : vector<16xi32> to vector<1x16xi32>
        tpu.vector_store %arg15[%swap3A_1453, %swap3A_1454], %swap3A_1457 {strides = array<i32>} : memref<5x80xi32, #tpu.memory_space<vmem>>, vector<1x16xi32>,
        %get3A_1458 = arith.constant 4 : i32
        %get3A_1459 = arith.index_cast %get3A_1458 : i32 to index
        %get3A_1460 = arith.constant 64 : index
        %get3A_1461 = tpu.vector_load %arg11[%get3A_1459, %get3A_1460] {strides = array<i32>} : memref<5x80xi32, #tpu.memory_space<vmem>>, vector<1x16xi32>,
        %get3A_1462 = vector.shape_cast %get3A_1461 : vector<1x16xi32> to vector<16xi32>
        %mul3A_1463 = arith.constant 2 : i32
        %mul3A_1464 = vector.broadcast %mul3A_1463 : i32 to vector<16xi32>
        %mul3A_1465 = arith.muli %get3A_1462, %mul3A_1464 : vector<16xi32>
        %add3A_1466 = vector.broadcast %arg0 : i32 to vector<16xi32>
        %add3A_1467 = arith.addi %mul3A_1465, %add3A_1466 : vector<16xi32>
        %swap3A_1468 = arith.constant 4 : i32
        %swap3A_1469 = arith.index_cast %swap3A_1468 : i32 to index
        %swap3A_1470 = arith.constant 64 : index
        %swap3A_1471 = tpu.vector_load %arg15[%swap3A_1469, %swap3A_1470] {strides = array<i32>} : memref<5x80xi32, #tpu.memory_space<vmem>>, vector<1x16xi32>,
        %swap3A_1472 = vector.shape_cast %swap3A_1471 : vector<1x16xi32> to vector<16xi32>
        %swap3A_1473 = vector.shape_cast %add3A_1467 : vector<16xi32> to vector<1x16xi32>
        tpu.vector_store %arg15[%swap3A_1469, %swap3A_1470], %swap3A_1473 {strides = array<i32>} : memref<5x80xi32, #tpu.memory_space<vmem>>, vector<1x16xi32>,
      } else {
      }
      %add3A_977 = arith.constant 2 : i32
      %add3A_978 = arith.addi %mul3A_485, %add3A_977 : i32
      %lt3A_979 = arith.constant 50 : i32
      %lt3A_980 = arith.cmpi slt, %add3A_978, %lt3A_979 : i32
      %dma_wait3A_981 = arith.constant 0 : i32
      %dma_wait3A_982 = arith.constant 0 : i32
      %dma_wait3A_983 = tpu.memref_slice %arg2[%dma_wait3A_981, %dma_wait3A_982] : memref<20000x64xf32, #tpu.memory_space<hbm>> -> memref<80x64xf32, #tpu.memory_space<hbm>>
      %dma_wait3A_984 = arith.constant 0 : i32
      %dma_wait3A_985 = arith.constant 0 : i32
      %dma_wait3A_986 = tpu.memref_slice %arg2[%dma_wait3A_984, %dma_wait3A_985] : memref<20000x64xf32, #tpu.memory_space<hbm>> -> memref<80x64xf32, #tpu.memory_space<hbm>>
      tpu.wait_dma2 semaphore(%arg19 : memref<!tpu.dma_semaphore, #tpu.memory_space<semaphore_mem>>) src(%dma_wait3A_986 : memref<80x64xf32, #tpu.memory_space<hbm>>) dst(%arg6 : memref<80x64xf32, #tpu.memory_space<vmem>>)
      %run_scoped3A_987 = arith.constant 0 : i32
      "tpu.region"() ({
        %run_scoped3A_1038 = tpu.sem_alloc : memref<!tpu.dma_semaphore, #tpu.memory_space<semaphore_mem>>
        %dma_start3A_1039 = arith.constant 0 : i32
        %dma_start3A_1040 = tpu.memref_slice %arg14[%run_scoped3A_987, %dma_start3A_1039] : memref<5x80xi32, #tpu.memory_space<vmem>> -> memref<1x80xi32, #tpu.memory_space<vmem>>
        %dma_start3A_1041 = tpu.memref_squeeze %dma_start3A_1040 : memref<1x80xi32, #tpu.memory_space<vmem>> -> memref<80xi32, #tpu.memory_space<vmem>>
        %dma_start3A_1042 = arith.constant 0 : i32
        %dma_start3A_1043 = arith.constant 0 : i32
        %dma_start3A_1044 = tpu.memref_slice %arg18[%dma_start3A_1042, %dma_start3A_1043] : memref<10000x64xf32, #tpu.memory_space<vmem_shared>> -> memref<10000x64xf32, #tpu.memory_space<vmem_shared>>
        tpu.enqueue_indirect_dma source(%arg6 : memref<80x64xf32, #tpu.memory_space<vmem>>) target(%dma_start3A_1044 : memref<10000x64xf32, #tpu.memory_space<vmem_shared>>) offsets(%dma_start3A_1041 : memref<80xi32, #tpu.memory_space<vmem>>) semaphore(%run_scoped3A_1038 : memref<!tpu.dma_semaphore, #tpu.memory_space<semaphore_mem>>) {add = true}
        %dma_wait3A_1045 = arith.constant 0 : i32
        %dma_wait3A_1046 = tpu.memref_slice %arg14[%run_scoped3A_987, %dma_wait3A_1045] : memref<5x80xi32, #tpu.memory_space<vmem>> -> memref<1x80xi32, #tpu.memory_space<vmem>>
        %dma_wait3A_1047 = tpu.memref_squeeze %dma_wait3A_1046 : memref<1x80xi32, #tpu.memory_space<vmem>> -> memref<80xi32, #tpu.memory_space<vmem>>
        %dma_wait3A_1048 = arith.constant 0 : i32
        %dma_wait3A_1049 = arith.constant 0 : i32
        %dma_wait3A_1050 = tpu.memref_slice %arg18[%dma_wait3A_1048, %dma_wait3A_1049] : memref<10000x64xf32, #tpu.memory_space<vmem_shared>> -> memref<10000x64xf32, #tpu.memory_space<vmem_shared>>
        tpu.wait_indirect_dma semaphore(%run_scoped3A_1038 : memref<!tpu.dma_semaphore, #tpu.memory_space<semaphore_mem>>) src(%arg6 : memref<80x64xf32, #tpu.memory_space<vmem>>) dst(%dma_wait3A_1050 : memref<10000x64xf32, #tpu.memory_space<vmem_shared>>)
        tpu.yield
      }) : () -> ()
      %convert_element_type3A_988 = arith.extui %lt3A_980 : i1 to i32
      %cond3A_989 = arith.constant 0 : i32
      %cond3A_990 = arith.cmpi ne, %convert_element_type3A_988, %cond3A_989 : i32
      scf.if %cond3A_990 {
        %dma_start3A_1038 = arith.constant 0 : i32
        %dma_start3A_1039 = arith.constant 0 : i32
        %dma_start3A_1040 = tpu.memref_slice %arg15[%dma_start3A_1038, %dma_start3A_1039] : memref<5x80xi32, #tpu.memory_space<vmem>> -> memref<1x80xi32, #tpu.memory_space<vmem>>
        %dma_start3A_1041 = tpu.memref_squeeze %dma_start3A_1040 : memref<1x80xi32, #tpu.memory_space<vmem>> -> memref<80xi32, #tpu.memory_space<vmem>>
        %dma_start3A_1042 = arith.constant 0 : i32
        %dma_start3A_1043 = arith.constant 0 : i32
        %dma_start3A_1044 = tpu.memref_slice %arg2[%dma_start3A_1042, %dma_start3A_1043] : memref<20000x64xf32, #tpu.memory_space<hbm>> -> memref<20000x64xf32, #tpu.memory_space<hbm>>
        tpu.enqueue_indirect_dma source(%dma_start3A_1044 : memref<20000x64xf32, #tpu.memory_space<hbm>>) target(%arg6 : memref<80x64xf32, #tpu.memory_space<vmem>>) offsets(%dma_start3A_1041 : memref<80xi32, #tpu.memory_space<vmem>>) semaphore(%arg19 : memref<!tpu.dma_semaphore, #tpu.memory_space<semaphore_mem>>)
      } else {
      }
      %dma_wait3A_991 = arith.constant 0 : i32
      %dma_wait3A_992 = arith.constant 0 : i32
      %dma_wait3A_993 = tpu.memref_slice %arg2[%dma_wait3A_991, %dma_wait3A_992] : memref<20000x64xf32, #tpu.memory_space<hbm>> -> memref<80x64xf32, #tpu.memory_space<hbm>>
      %dma_wait3A_994 = arith.constant 0 : i32
      %dma_wait3A_995 = arith.constant 0 : i32
      %dma_wait3A_996 = tpu.memref_slice %arg2[%dma_wait3A_994, %dma_wait3A_995] : memref<20000x64xf32, #tpu.memory_space<hbm>> -> memref<80x64xf32, #tpu.memory_space<hbm>>
      tpu.wait_dma2 semaphore(%arg20 : memref<!tpu.dma_semaphore, #tpu.memory_space<semaphore_mem>>) src(%dma_wait3A_996 : memref<80x64xf32, #tpu.memory_space<hbm>>) dst(%arg7 : memref<80x64xf32, #tpu.memory_space<vmem>>)
      %run_scoped3A_997 = arith.constant 1 : i32
      "tpu.region"() ({
        %run_scoped3A_1038 = tpu.sem_alloc : memref<!tpu.dma_semaphore, #tpu.memory_space<semaphore_mem>>
        %dma_start3A_1039 = arith.constant 0 : i32
        %dma_start3A_1040 = tpu.memref_slice %arg14[%run_scoped3A_997, %dma_start3A_1039] : memref<5x80xi32, #tpu.memory_space<vmem>> -> memref<1x80xi32, #tpu.memory_space<vmem>>
        %dma_start3A_1041 = tpu.memref_squeeze %dma_start3A_1040 : memref<1x80xi32, #tpu.memory_space<vmem>> -> memref<80xi32, #tpu.memory_space<vmem>>
        %dma_start3A_1042 = arith.constant 0 : i32
        %dma_start3A_1043 = arith.constant 0 : i32
        %dma_start3A_1044 = tpu.memref_slice %arg18[%dma_start3A_1042, %dma_start3A_1043] : memref<10000x64xf32, #tpu.memory_space<vmem_shared>> -> memref<10000x64xf32, #tpu.memory_space<vmem_shared>>
        tpu.enqueue_indirect_dma source(%arg7 : memref<80x64xf32, #tpu.memory_space<vmem>>) target(%dma_start3A_1044 : memref<10000x64xf32, #tpu.memory_space<vmem_shared>>) offsets(%dma_start3A_1041 : memref<80xi32, #tpu.memory_space<vmem>>) semaphore(%run_scoped3A_1038 : memref<!tpu.dma_semaphore, #tpu.memory_space<semaphore_mem>>) {add = true}
        %dma_wait3A_1045 = arith.constant 0 : i32
        %dma_wait3A_1046 = tpu.memref_slice %arg14[%run_scoped3A_997, %dma_wait3A_1045] : memref<5x80xi32, #tpu.memory_space<vmem>> -> memref<1x80xi32, #tpu.memory_space<vmem>>
        %dma_wait3A_1047 = tpu.memref_squeeze %dma_wait3A_1046 : memref<1x80xi32, #tpu.memory_space<vmem>> -> memref<80xi32, #tpu.memory_space<vmem>>
        %dma_wait3A_1048 = arith.constant 0 : i32
        %dma_wait3A_1049 = arith.constant 0 : i32
        %dma_wait3A_1050 = tpu.memref_slice %arg18[%dma_wait3A_1048, %dma_wait3A_1049] : memref<10000x64xf32, #tpu.memory_space<vmem_shared>> -> memref<10000x64xf32, #tpu.memory_space<vmem_shared>>
        tpu.wait_indirect_dma semaphore(%run_scoped3A_1038 : memref<!tpu.dma_semaphore, #tpu.memory_space<semaphore_mem>>) src(%arg7 : memref<80x64xf32, #tpu.memory_space<vmem>>) dst(%dma_wait3A_1050 : memref<10000x64xf32, #tpu.memory_space<vmem_shared>>)
        tpu.yield
      }) : () -> ()
      %convert_element_type3A_998 = arith.extui %lt3A_980 : i1 to i32
      %cond3A_999 = arith.constant 0 : i32
      %cond3A_1000 = arith.cmpi ne, %convert_element_type3A_998, %cond3A_999 : i32
      scf.if %cond3A_1000 {
        %dma_start3A_1038 = arith.constant 1 : i32
        %dma_start3A_1039 = arith.constant 0 : i32
        %dma_start3A_1040 = tpu.memref_slice %arg15[%dma_start3A_1038, %dma_start3A_1039] : memref<5x80xi32, #tpu.memory_space<vmem>> -> memref<1x80xi32, #tpu.memory_space<vmem>>
        %dma_start3A_1041 = tpu.memref_squeeze %dma_start3A_1040 : memref<1x80xi32, #tpu.memory_space<vmem>> -> memref<80xi32, #tpu.memory_space<vmem>>
        %dma_start3A_1042 = arith.constant 0 : i32
        %dma_start3A_1043 = arith.constant 0 : i32
        %dma_start3A_1044 = tpu.memref_slice %arg2[%dma_start3A_1042, %dma_start3A_1043] : memref<20000x64xf32, #tpu.memory_space<hbm>> -> memref<20000x64xf32, #tpu.memory_space<hbm>>
        tpu.enqueue_indirect_dma source(%dma_start3A_1044 : memref<20000x64xf32, #tpu.memory_space<hbm>>) target(%arg7 : memref<80x64xf32, #tpu.memory_space<vmem>>) offsets(%dma_start3A_1041 : memref<80xi32, #tpu.memory_space<vmem>>) semaphore(%arg20 : memref<!tpu.dma_semaphore, #tpu.memory_space<semaphore_mem>>)
      } else {
      }
      %dma_wait3A_1001 = arith.constant 0 : i32
      %dma_wait3A_1002 = arith.constant 0 : i32
      %dma_wait3A_1003 = tpu.memref_slice %arg2[%dma_wait3A_1001, %dma_wait3A_1002] : memref<20000x64xf32, #tpu.memory_space<hbm>> -> memref<80x64xf32, #tpu.memory_space<hbm>>
      %dma_wait3A_1004 = arith.constant 0 : i32
      %dma_wait3A_1005 = arith.constant 0 : i32
      %dma_wait3A_1006 = tpu.memref_slice %arg2[%dma_wait3A_1004, %dma_wait3A_1005] : memref<20000x64xf32, #tpu.memory_space<hbm>> -> memref<80x64xf32, #tpu.memory_space<hbm>>
      tpu.wait_dma2 semaphore(%arg21 : memref<!tpu.dma_semaphore, #tpu.memory_space<semaphore_mem>>) src(%dma_wait3A_1006 : memref<80x64xf32, #tpu.memory_space<hbm>>) dst(%arg8 : memref<80x64xf32, #tpu.memory_space<vmem>>)
      %run_scoped3A_1007 = arith.constant 2 : i32
      "tpu.region"() ({
        %run_scoped3A_1038 = tpu.sem_alloc : memref<!tpu.dma_semaphore, #tpu.memory_space<semaphore_mem>>
        %dma_start3A_1039 = arith.constant 0 : i32
        %dma_start3A_1040 = tpu.memref_slice %arg14[%run_scoped3A_1007, %dma_start3A_1039] : memref<5x80xi32, #tpu.memory_space<vmem>> -> memref<1x80xi32, #tpu.memory_space<vmem>>
        %dma_start3A_1041 = tpu.memref_squeeze %dma_start3A_1040 : memref<1x80xi32, #tpu.memory_space<vmem>> -> memref<80xi32, #tpu.memory_space<vmem>>
        %dma_start3A_1042 = arith.constant 0 : i32
        %dma_start3A_1043 = arith.constant 0 : i32
        %dma_start3A_1044 = tpu.memref_slice %arg18[%dma_start3A_1042, %dma_start3A_1043] : memref<10000x64xf32, #tpu.memory_space<vmem_shared>> -> memref<10000x64xf32, #tpu.memory_space<vmem_shared>>
        tpu.enqueue_indirect_dma source(%arg8 : memref<80x64xf32, #tpu.memory_space<vmem>>) target(%dma_start3A_1044 : memref<10000x64xf32, #tpu.memory_space<vmem_shared>>) offsets(%dma_start3A_1041 : memref<80xi32, #tpu.memory_space<vmem>>) semaphore(%run_scoped3A_1038 : memref<!tpu.dma_semaphore, #tpu.memory_space<semaphore_mem>>) {add = true}
        %dma_wait3A_1045 = arith.constant 0 : i32
        %dma_wait3A_1046 = tpu.memref_slice %arg14[%run_scoped3A_1007, %dma_wait3A_1045] : memref<5x80xi32, #tpu.memory_space<vmem>> -> memref<1x80xi32, #tpu.memory_space<vmem>>
        %dma_wait3A_1047 = tpu.memref_squeeze %dma_wait3A_1046 : memref<1x80xi32, #tpu.memory_space<vmem>> -> memref<80xi32, #tpu.memory_space<vmem>>
        %dma_wait3A_1048 = arith.constant 0 : i32
        %dma_wait3A_1049 = arith.constant 0 : i32
        %dma_wait3A_1050 = tpu.memref_slice %arg18[%dma_wait3A_1048, %dma_wait3A_1049] : memref<10000x64xf32, #tpu.memory_space<vmem_shared>> -> memref<10000x64xf32, #tpu.memory_space<vmem_shared>>
        tpu.wait_indirect_dma semaphore(%run_scoped3A_1038 : memref<!tpu.dma_semaphore, #tpu.memory_space<semaphore_mem>>) src(%arg8 : memref<80x64xf32, #tpu.memory_space<vmem>>) dst(%dma_wait3A_1050 : memref<10000x64xf32, #tpu.memory_space<vmem_shared>>)
        tpu.yield
      }) : () -> ()
      %convert_element_type3A_1008 = arith.extui %lt3A_980 : i1 to i32
      %cond3A_1009 = arith.constant 0 : i32
      %cond3A_1010 = arith.cmpi ne, %convert_element_type3A_1008, %cond3A_1009 : i32
      scf.if %cond3A_1010 {
        %dma_start3A_1038 = arith.constant 2 : i32
        %dma_start3A_1039 = arith.constant 0 : i32
        %dma_start3A_1040 = tpu.memref_slice %arg15[%dma_start3A_1038, %dma_start3A_1039] : memref<5x80xi32, #tpu.memory_space<vmem>> -> memref<1x80xi32, #tpu.memory_space<vmem>>
        %dma_start3A_1041 = tpu.memref_squeeze %dma_start3A_1040 : memref<1x80xi32, #tpu.memory_space<vmem>> -> memref<80xi32, #tpu.memory_space<vmem>>
        %dma_start3A_1042 = arith.constant 0 : i32
        %dma_start3A_1043 = arith.constant 0 : i32
        %dma_start3A_1044 = tpu.memref_slice %arg2[%dma_start3A_1042, %dma_start3A_1043] : memref<20000x64xf32, #tpu.memory_space<hbm>> -> memref<20000x64xf32, #tpu.memory_space<hbm>>
        tpu.enqueue_indirect_dma source(%dma_start3A_1044 : memref<20000x64xf32, #tpu.memory_space<hbm>>) target(%arg8 : memref<80x64xf32, #tpu.memory_space<vmem>>) offsets(%dma_start3A_1041 : memref<80xi32, #tpu.memory_space<vmem>>) semaphore(%arg21 : memref<!tpu.dma_semaphore, #tpu.memory_space<semaphore_mem>>)
      } else {
      }
      %dma_wait3A_1011 = arith.constant 0 : i32
      %dma_wait3A_1012 = arith.constant 0 : i32
      %dma_wait3A_1013 = tpu.memref_slice %arg2[%dma_wait3A_1011, %dma_wait3A_1012] : memref<20000x64xf32, #tpu.memory_space<hbm>> -> memref<80x64xf32, #tpu.memory_space<hbm>>
      %dma_wait3A_1014 = arith.constant 0 : i32
      %dma_wait3A_1015 = arith.constant 0 : i32
      %dma_wait3A_1016 = tpu.memref_slice %arg2[%dma_wait3A_1014, %dma_wait3A_1015] : memref<20000x64xf32, #tpu.memory_space<hbm>> -> memref<80x64xf32, #tpu.memory_space<hbm>>
      tpu.wait_dma2 semaphore(%arg22 : memref<!tpu.dma_semaphore, #tpu.memory_space<semaphore_mem>>) src(%dma_wait3A_1016 : memref<80x64xf32, #tpu.memory_space<hbm>>) dst(%arg9 : memref<80x64xf32, #tpu.memory_space<vmem>>)
      %run_scoped3A_1017 = arith.constant 3 : i32
      "tpu.region"() ({
        %run_scoped3A_1038 = tpu.sem_alloc : memref<!tpu.dma_semaphore, #tpu.memory_space<semaphore_mem>>
        %dma_start3A_1039 = arith.constant 0 : i32
        %dma_start3A_1040 = tpu.memref_slice %arg14[%run_scoped3A_1017, %dma_start3A_1039] : memref<5x80xi32, #tpu.memory_space<vmem>> -> memref<1x80xi32, #tpu.memory_space<vmem>>
        %dma_start3A_1041 = tpu.memref_squeeze %dma_start3A_1040 : memref<1x80xi32, #tpu.memory_space<vmem>> -> memref<80xi32, #tpu.memory_space<vmem>>
        %dma_start3A_1042 = arith.constant 0 : i32
        %dma_start3A_1043 = arith.constant 0 : i32
        %dma_start3A_1044 = tpu.memref_slice %arg18[%dma_start3A_1042, %dma_start3A_1043] : memref<10000x64xf32, #tpu.memory_space<vmem_shared>> -> memref<10000x64xf32, #tpu.memory_space<vmem_shared>>
        tpu.enqueue_indirect_dma source(%arg9 : memref<80x64xf32, #tpu.memory_space<vmem>>) target(%dma_start3A_1044 : memref<10000x64xf32, #tpu.memory_space<vmem_shared>>) offsets(%dma_start3A_1041 : memref<80xi32, #tpu.memory_space<vmem>>) semaphore(%run_scoped3A_1038 : memref<!tpu.dma_semaphore, #tpu.memory_space<semaphore_mem>>) {add = true}
        %dma_wait3A_1045 = arith.constant 0 : i32
        %dma_wait3A_1046 = tpu.memref_slice %arg14[%run_scoped3A_1017, %dma_wait3A_1045] : memref<5x80xi32, #tpu.memory_space<vmem>> -> memref<1x80xi32, #tpu.memory_space<vmem>>
        %dma_wait3A_1047 = tpu.memref_squeeze %dma_wait3A_1046 : memref<1x80xi32, #tpu.memory_space<vmem>> -> memref<80xi32, #tpu.memory_space<vmem>>
        %dma_wait3A_1048 = arith.constant 0 : i32
        %dma_wait3A_1049 = arith.constant 0 : i32
        %dma_wait3A_1050 = tpu.memref_slice %arg18[%dma_wait3A_1048, %dma_wait3A_1049] : memref<10000x64xf32, #tpu.memory_space<vmem_shared>> -> memref<10000x64xf32, #tpu.memory_space<vmem_shared>>
        tpu.wait_indirect_dma semaphore(%run_scoped3A_1038 : memref<!tpu.dma_semaphore, #tpu.memory_space<semaphore_mem>>) src(%arg9 : memref<80x64xf32, #tpu.memory_space<vmem>>) dst(%dma_wait3A_1050 : memref<10000x64xf32, #tpu.memory_space<vmem_shared>>)
        tpu.yield
      }) : () -> ()
      %convert_element_type3A_1018 = arith.extui %lt3A_980 : i1 to i32
      %cond3A_1019 = arith.constant 0 : i32
      %cond3A_1020 = arith.cmpi ne, %convert_element_type3A_1018, %cond3A_1019 : i32
      scf.if %cond3A_1020 {
        %dma_start3A_1038 = arith.constant 3 : i32
        %dma_start3A_1039 = arith.constant 0 : i32
        %dma_start3A_1040 = tpu.memref_slice %arg15[%dma_start3A_1038, %dma_start3A_1039] : memref<5x80xi32, #tpu.memory_space<vmem>> -> memref<1x80xi32, #tpu.memory_space<vmem>>
        %dma_start3A_1041 = tpu.memref_squeeze %dma_start3A_1040 : memref<1x80xi32, #tpu.memory_space<vmem>> -> memref<80xi32, #tpu.memory_space<vmem>>
        %dma_start3A_1042 = arith.constant 0 : i32
        %dma_start3A_1043 = arith.constant 0 : i32
        %dma_start3A_1044 = tpu.memref_slice %arg2[%dma_start3A_1042, %dma_start3A_1043] : memref<20000x64xf32, #tpu.memory_space<hbm>> -> memref<20000x64xf32, #tpu.memory_space<hbm>>
        tpu.enqueue_indirect_dma source(%dma_start3A_1044 : memref<20000x64xf32, #tpu.memory_space<hbm>>) target(%arg9 : memref<80x64xf32, #tpu.memory_space<vmem>>) offsets(%dma_start3A_1041 : memref<80xi32, #tpu.memory_space<vmem>>) semaphore(%arg22 : memref<!tpu.dma_semaphore, #tpu.memory_space<semaphore_mem>>)
      } else {
      }
      %dma_wait3A_1021 = arith.constant 0 : i32
      %dma_wait3A_1022 = arith.constant 0 : i32
      %dma_wait3A_1023 = tpu.memref_slice %arg2[%dma_wait3A_1021, %dma_wait3A_1022] : memref<20000x64xf32, #tpu.memory_space<hbm>> -> memref<80x64xf32, #tpu.memory_space<hbm>>
      %dma_wait3A_1024 = arith.constant 0 : i32
      %dma_wait3A_1025 = arith.constant 0 : i32
      %dma_wait3A_1026 = tpu.memref_slice %arg2[%dma_wait3A_1024, %dma_wait3A_1025] : memref<20000x64xf32, #tpu.memory_space<hbm>> -> memref<80x64xf32, #tpu.memory_space<hbm>>
      tpu.wait_dma2 semaphore(%arg23 : memref<!tpu.dma_semaphore, #tpu.memory_space<semaphore_mem>>) src(%dma_wait3A_1026 : memref<80x64xf32, #tpu.memory_space<hbm>>) dst(%arg10 : memref<80x64xf32, #tpu.memory_space<vmem>>)
      %run_scoped3A_1027 = arith.constant 4 : i32
      "tpu.region"() ({
        %run_scoped3A_1038 = tpu.sem_alloc : memref<!tpu.dma_semaphore, #tpu.memory_space<semaphore_mem>>
        %dma_start3A_1039 = arith.constant 0 : i32
        %dma_start3A_1040 = tpu.memref_slice %arg14[%run_scoped3A_1027, %dma_start3A_1039] : memref<5x80xi32, #tpu.memory_space<vmem>> -> memref<1x80xi32, #tpu.memory_space<vmem>>
        %dma_start3A_1041 = tpu.memref_squeeze %dma_start3A_1040 : memref<1x80xi32, #tpu.memory_space<vmem>> -> memref<80xi32, #tpu.memory_space<vmem>>
        %dma_start3A_1042 = arith.constant 0 : i32
        %dma_start3A_1043 = arith.constant 0 : i32
        %dma_start3A_1044 = tpu.memref_slice %arg18[%dma_start3A_1042, %dma_start3A_1043] : memref<10000x64xf32, #tpu.memory_space<vmem_shared>> -> memref<10000x64xf32, #tpu.memory_space<vmem_shared>>
        tpu.enqueue_indirect_dma source(%arg10 : memref<80x64xf32, #tpu.memory_space<vmem>>) target(%dma_start3A_1044 : memref<10000x64xf32, #tpu.memory_space<vmem_shared>>) offsets(%dma_start3A_1041 : memref<80xi32, #tpu.memory_space<vmem>>) semaphore(%run_scoped3A_1038 : memref<!tpu.dma_semaphore, #tpu.memory_space<semaphore_mem>>) {add = true}
        %dma_wait3A_1045 = arith.constant 0 : i32
        %dma_wait3A_1046 = tpu.memref_slice %arg14[%run_scoped3A_1027, %dma_wait3A_1045] : memref<5x80xi32, #tpu.memory_space<vmem>> -> memref<1x80xi32, #tpu.memory_space<vmem>>
        %dma_wait3A_1047 = tpu.memref_squeeze %dma_wait3A_1046 : memref<1x80xi32, #tpu.memory_space<vmem>> -> memref<80xi32, #tpu.memory_space<vmem>>
        %dma_wait3A_1048 = arith.constant 0 : i32
        %dma_wait3A_1049 = arith.constant 0 : i32
        %dma_wait3A_1050 = tpu.memref_slice %arg18[%dma_wait3A_1048, %dma_wait3A_1049] : memref<10000x64xf32, #tpu.memory_space<vmem_shared>> -> memref<10000x64xf32, #tpu.memory_space<vmem_shared>>
        tpu.wait_indirect_dma semaphore(%run_scoped3A_1038 : memref<!tpu.dma_semaphore, #tpu.memory_space<semaphore_mem>>) src(%arg10 : memref<80x64xf32, #tpu.memory_space<vmem>>) dst(%dma_wait3A_1050 : memref<10000x64xf32, #tpu.memory_space<vmem_shared>>)
        tpu.yield
      }) : () -> ()
      %convert_element_type3A_1028 = arith.extui %lt3A_980 : i1 to i32
      %cond3A_1029 = arith.constant 0 : i32
      %cond3A_1030 = arith.cmpi ne, %convert_element_type3A_1028, %cond3A_1029 : i32
      scf.if %cond3A_1030 {
        %dma_start3A_1038 = arith.constant 4 : i32
        %dma_start3A_1039 = arith.constant 0 : i32
        %dma_start3A_1040 = tpu.memref_slice %arg15[%dma_start3A_1038, %dma_start3A_1039] : memref<5x80xi32, #tpu.memory_space<vmem>> -> memref<1x80xi32, #tpu.memory_space<vmem>>
        %dma_start3A_1041 = tpu.memref_squeeze %dma_start3A_1040 : memref<1x80xi32, #tpu.memory_space<vmem>> -> memref<80xi32, #tpu.memory_space<vmem>>
        %dma_start3A_1042 = arith.constant 0 : i32
        %dma_start3A_1043 = arith.constant 0 : i32
        %dma_start3A_1044 = tpu.memref_slice %arg2[%dma_start3A_1042, %dma_start3A_1043] : memref<20000x64xf32, #tpu.memory_space<hbm>> -> memref<20000x64xf32, #tpu.memory_space<hbm>>
        tpu.enqueue_indirect_dma source(%dma_start3A_1044 : memref<20000x64xf32, #tpu.memory_space<hbm>>) target(%arg10 : memref<80x64xf32, #tpu.memory_space<vmem>>) offsets(%dma_start3A_1041 : memref<80xi32, #tpu.memory_space<vmem>>) semaphore(%arg23 : memref<!tpu.dma_semaphore, #tpu.memory_space<semaphore_mem>>)
      } else {
      }
      %add3A_1031 = arith.constant 3 : i32
      %add3A_1032 = arith.addi %mul3A_485, %add3A_1031 : i32
      %lt3A_1033 = arith.constant 50 : i32
      %lt3A_1034 = arith.cmpi slt, %add3A_1032, %lt3A_1033 : i32
      %convert_element_type3A_1035 = arith.extui %lt3A_1034 : i1 to i32
      %cond3A_1036 = arith.constant 0 : i32
      %cond3A_1037 = arith.cmpi ne, %convert_element_type3A_1035, %cond3A_1036 : i32
      scf.if %cond3A_1037 {
        %add3A_1038 = arith.constant 3 : i32
        %add3A_1039 = arith.addi %mul3A_485, %add3A_1038 : i32
        %dma_start3A_1040 = arith.constant 0 : i32
        %dma_start3A_1041 = arith.constant 0 : i32
        %dma_start3A_1042 = tpu.memref_slice %arg3[%arg1, %add3A_1039, %dma_start3A_1040, %dma_start3A_1041] : memref<16x50x5x80xi32, #tpu.memory_space<hbm>> -> memref<1x1x5x80xi32, #tpu.memory_space<hbm>>
        %dma_start3A_1043 = tpu.memref_squeeze %dma_start3A_1042 : memref<1x1x5x80xi32, #tpu.memory_space<hbm>> -> memref<5x80xi32, #tpu.memory_space<hbm>>
        %dma_start3A_1044 = arith.constant 0 : i32
        %dma_start3A_1045 = arith.constant 0 : i32
        %dma_start3A_1046 = tpu.memref_slice %arg3[%arg1, %add3A_1039, %dma_start3A_1044, %dma_start3A_1045] : memref<16x50x5x80xi32, #tpu.memory_space<hbm>> -> memref<1x1x5x80xi32, #tpu.memory_space<hbm>>
        %dma_start3A_1047 = tpu.memref_squeeze %dma_start3A_1046 : memref<1x1x5x80xi32, #tpu.memory_space<hbm>> -> memref<5x80xi32, #tpu.memory_space<hbm>>
        tpu.enqueue_dma source(%dma_start3A_1047 : memref<5x80xi32, #tpu.memory_space<hbm>>) target(%arg13 : memref<5x80xi32, #tpu.memory_space<vmem>>) target_semaphore(%arg25 : memref<!tpu.dma_semaphore, #tpu.memory_space<semaphore_mem>>)
        %dma_start3A_1048 = arith.constant 0 : i32
        %dma_start3A_1049 = arith.constant 0 : i32
        %dma_start3A_1050 = tpu.memref_slice %arg4[%arg1, %add3A_1039, %dma_start3A_1048, %dma_start3A_1049] : memref<16x50x5x80xi32, #tpu.memory_space<hbm>> -> memref<1x1x5x80xi32, #tpu.memory_space<hbm>>
        %dma_start3A_1051 = tpu.memref_squeeze %dma_start3A_1050 : memref<1x1x5x80xi32, #tpu.memory_space<hbm>> -> memref<5x80xi32, #tpu.memory_space<hbm>>
        %dma_start3A_1052 = arith.constant 0 : i32
        %dma_start3A_1053 = arith.constant 0 : i32
        %dma_start3A_1054 = tpu.memref_slice %arg4[%arg1, %add3A_1039, %dma_start3A_1052, %dma_start3A_1053] : memref<16x50x5x80xi32, #tpu.memory_space<hbm>> -> memref<1x1x5x80xi32, #tpu.memory_space<hbm>>
        %dma_start3A_1055 = tpu.memref_squeeze %dma_start3A_1054 : memref<1x1x5x80xi32, #tpu.memory_space<hbm>> -> memref<5x80xi32, #tpu.memory_space<hbm>>
        tpu.enqueue_dma source(%dma_start3A_1055 : memref<5x80xi32, #tpu.memory_space<hbm>>) target(%arg14 : memref<5x80xi32, #tpu.memory_space<vmem>>) target_semaphore(%arg25 : memref<!tpu.dma_semaphore, #tpu.memory_space<semaphore_mem>>)
      } else {
      }
    }
    %scan3A_471 = arith.constant 25 : i32
    %barrier3A_472 = arith.constant 0 : index
    tpu.barrier barrier_id(%barrier3A_472)
    %add3A_473 = arith.constant 0 : i32
    %add3A_474 = arith.addi %mul3A_5, %add3A_473 : i32
    "tpu.region"() ({
      %run_scoped3A_483 = tpu.sem_alloc : memref<!tpu.dma_semaphore, #tpu.memory_space<semaphore_mem>>
      %dma_start3A_484 = arith.constant 0 : i32
      %dma_start3A_485 = tpu.memref_slice %arg18[%add3A_474, %dma_start3A_484] : memref<10000x64xf32, #tpu.memory_space<vmem_shared>> -> memref<125x64xf32, #tpu.memory_space<vmem_shared>>
      %dma_start3A_486 = arith.constant 0 : i32
      %dma_start3A_487 = tpu.memref_slice %arg18[%add3A_474, %dma_start3A_486] : memref<10000x64xf32, #tpu.memory_space<vmem_shared>> -> memref<125x64xf32, #tpu.memory_space<vmem_shared>>
      tpu.enqueue_dma source(%dma_start3A_487 : memref<125x64xf32, #tpu.memory_space<vmem_shared>>) target(%arg17 : memref<125x64xf32, #tpu.memory_space<vmem>>) target_semaphore(%run_scoped3A_483 : memref<!tpu.dma_semaphore, #tpu.memory_space<semaphore_mem>>)
      %dma_wait3A = arith.constant 0 : i32
      %dma_wait3A_488 = tpu.memref_slice %arg18[%add3A_474, %dma_wait3A] : memref<10000x64xf32, #tpu.memory_space<vmem_shared>> -> memref<125x64xf32, #tpu.memory_space<vmem_shared>>
      %dma_wait3A_489 = arith.constant 0 : i32
      %dma_wait3A_490 = tpu.memref_slice %arg18[%add3A_474, %dma_wait3A_489] : memref<10000x64xf32, #tpu.memory_space<vmem_shared>> -> memref<125x64xf32, #tpu.memory_space<vmem_shared>>
      tpu.wait_dma2 semaphore(%run_scoped3A_483 : memref<!tpu.dma_semaphore, #tpu.memory_space<semaphore_mem>>) src(%dma_wait3A_490 : memref<125x64xf32, #tpu.memory_space<vmem_shared>>) dst(%arg17 : memref<125x64xf32, #tpu.memory_space<vmem>>)
      tpu.yield
    }) : () -> ()
    "tpu.region"() ({
      %run_scoped3A_483 = tpu.sem_alloc : memref<!tpu.dma_semaphore, #tpu.memory_space<semaphore_mem>>
      %dma_start3A_484 = arith.constant 0 : i32
      %dma_start3A_485 = tpu.memref_slice %arg5[%arg0, %add3A_474, %dma_start3A_484] : memref<2x10000x64xf32, #tpu.memory_space<hbm>> -> memref<1x125x64xf32, #tpu.memory_space<hbm>>
      %dma_start3A_486 = tpu.memref_squeeze %dma_start3A_485 : memref<1x125x64xf32, #tpu.memory_space<hbm>> -> memref<125x64xf32, #tpu.memory_space<hbm>>
      %dma_start3A_487 = arith.constant 0 : i32
      %dma_start3A_488 = tpu.memref_slice %arg5[%arg0, %add3A_474, %dma_start3A_487] : memref<2x10000x64xf32, #tpu.memory_space<hbm>> -> memref<1x125x64xf32, #tpu.memory_space<hbm>>
      %dma_start3A_489 = tpu.memref_squeeze %dma_start3A_488 : memref<1x125x64xf32, #tpu.memory_space<hbm>> -> memref<125x64xf32, #tpu.memory_space<hbm>>
      tpu.enqueue_dma source(%arg17 : memref<125x64xf32, #tpu.memory_space<vmem>>) target(%dma_start3A_489 : memref<125x64xf32, #tpu.memory_space<hbm>>) target_semaphore(%run_scoped3A_483 : memref<!tpu.dma_semaphore, #tpu.memory_space<semaphore_mem>>)
      %dma_wait3A = arith.constant 0 : i32
      %dma_wait3A_490 = tpu.memref_slice %arg5[%arg0, %add3A_474, %dma_wait3A] : memref<2x10000x64xf32, #tpu.memory_space<hbm>> -> memref<1x125x64xf32, #tpu.memory_space<hbm>>
      %dma_wait3A_491 = tpu.memref_squeeze %dma_wait3A_490 : memref<1x125x64xf32, #tpu.memory_space<hbm>> -> memref<125x64xf32, #tpu.memory_space<hbm>>
      %dma_wait3A_492 = arith.constant 0 : i32
      %dma_wait3A_493 = tpu.memref_slice %arg5[%arg0, %add3A_474, %dma_wait3A_492] : memref<2x10000x64xf32, #tpu.memory_space<hbm>> -> memref<1x125x64xf32, #tpu.memory_space<hbm>>
      %dma_wait3A_494 = tpu.memref_squeeze %dma_wait3A_493 : memref<1x125x64xf32, #tpu.memory_space<hbm>> -> memref<125x64xf32, #tpu.memory_space<hbm>>
      tpu.wait_dma2 semaphore(%run_scoped3A_483 : memref<!tpu.dma_semaphore, #tpu.memory_space<semaphore_mem>>) src(%arg17 : memref<125x64xf32, #tpu.memory_space<vmem>>) dst(%dma_wait3A_494 : memref<125x64xf32, #tpu.memory_space<hbm>>)
      tpu.yield
    }) : () -> ()
    %add3A_475 = arith.constant 125 : i32
    %add3A_476 = arith.addi %mul3A_5, %add3A_475 : i32
    "tpu.region"() ({
      %run_scoped3A_483 = tpu.sem_alloc : memref<!tpu.dma_semaphore, #tpu.memory_space<semaphore_mem>>
      %dma_start3A_484 = arith.constant 0 : i32
      %dma_start3A_485 = tpu.memref_slice %arg18[%add3A_476, %dma_start3A_484] : memref<10000x64xf32, #tpu.memory_space<vmem_shared>> -> memref<125x64xf32, #tpu.memory_space<vmem_shared>>
      %dma_start3A_486 = arith.constant 0 : i32
      %dma_start3A_487 = tpu.memref_slice %arg18[%add3A_476, %dma_start3A_486] : memref<10000x64xf32, #tpu.memory_space<vmem_shared>> -> memref<125x64xf32, #tpu.memory_space<vmem_shared>>
      tpu.enqueue_dma source(%dma_start3A_487 : memref<125x64xf32, #tpu.memory_space<vmem_shared>>) target(%arg17 : memref<125x64xf32, #tpu.memory_space<vmem>>) target_semaphore(%run_scoped3A_483 : memref<!tpu.dma_semaphore, #tpu.memory_space<semaphore_mem>>)
      %dma_wait3A = arith.constant 0 : i32
      %dma_wait3A_488 = tpu.memref_slice %arg18[%add3A_476, %dma_wait3A] : memref<10000x64xf32, #tpu.memory_space<vmem_shared>> -> memref<125x64xf32, #tpu.memory_space<vmem_shared>>
      %dma_wait3A_489 = arith.constant 0 : i32
      %dma_wait3A_490 = tpu.memref_slice %arg18[%add3A_476, %dma_wait3A_489] : memref<10000x64xf32, #tpu.memory_space<vmem_shared>> -> memref<125x64xf32, #tpu.memory_space<vmem_shared>>
      tpu.wait_dma2 semaphore(%run_scoped3A_483 : memref<!tpu.dma_semaphore, #tpu.memory_space<semaphore_mem>>) src(%dma_wait3A_490 : memref<125x64xf32, #tpu.memory_space<vmem_shared>>) dst(%arg17 : memref<125x64xf32, #tpu.memory_space<vmem>>)
      tpu.yield
    }) : () -> ()
    "tpu.region"() ({
      %run_scoped3A_483 = tpu.sem_alloc : memref<!tpu.dma_semaphore, #tpu.memory_space<semaphore_mem>>
      %dma_start3A_484 = arith.constant 0 : i32
      %dma_start3A_485 = tpu.memref_slice %arg5[%arg0, %add3A_476, %dma_start3A_484] : memref<2x10000x64xf32, #tpu.memory_space<hbm>> -> memref<1x125x64xf32, #tpu.memory_space<hbm>>
      %dma_start3A_486 = tpu.memref_squeeze %dma_start3A_485 : memref<1x125x64xf32, #tpu.memory_space<hbm>> -> memref<125x64xf32, #tpu.memory_space<hbm>>
      %dma_start3A_487 = arith.constant 0 : i32
      %dma_start3A_488 = tpu.memref_slice %arg5[%arg0, %add3A_476, %dma_start3A_487] : memref<2x10000x64xf32, #tpu.memory_space<hbm>> -> memref<1x125x64xf32, #tpu.memory_space<hbm>>
      %dma_start3A_489 = tpu.memref_squeeze %dma_start3A_488 : memref<1x125x64xf32, #tpu.memory_space<hbm>> -> memref<125x64xf32, #tpu.memory_space<hbm>>
      tpu.enqueue_dma source(%arg17 : memref<125x64xf32, #tpu.memory_space<vmem>>) target(%dma_start3A_489 : memref<125x64xf32, #tpu.memory_space<hbm>>) target_semaphore(%run_scoped3A_483 : memref<!tpu.dma_semaphore, #tpu.memory_space<semaphore_mem>>)
      %dma_wait3A = arith.constant 0 : i32
      %dma_wait3A_490 = tpu.memref_slice %arg5[%arg0, %add3A_476, %dma_wait3A] : memref<2x10000x64xf32, #tpu.memory_space<hbm>> -> memref<1x125x64xf32, #tpu.memory_space<hbm>>
      %dma_wait3A_491 = tpu.memref_squeeze %dma_wait3A_490 : memref<1x125x64xf32, #tpu.memory_space<hbm>> -> memref<125x64xf32, #tpu.memory_space<hbm>>
      %dma_wait3A_492 = arith.constant 0 : i32
      %dma_wait3A_493 = tpu.memref_slice %arg5[%arg0, %add3A_476, %dma_wait3A_492] : memref<2x10000x64xf32, #tpu.memory_space<hbm>> -> memref<1x125x64xf32, #tpu.memory_space<hbm>>
      %dma_wait3A_494 = tpu.memref_squeeze %dma_wait3A_493 : memref<1x125x64xf32, #tpu.memory_space<hbm>> -> memref<125x64xf32, #tpu.memory_space<hbm>>
      tpu.wait_dma2 semaphore(%run_scoped3A_483 : memref<!tpu.dma_semaphore, #tpu.memory_space<semaphore_mem>>) src(%arg17 : memref<125x64xf32, #tpu.memory_space<vmem>>) dst(%dma_wait3A_494 : memref<125x64xf32, #tpu.memory_space<hbm>>)
      tpu.yield
    }) : () -> ()
    %add3A_477 = arith.constant 250 : i32
    %add3A_478 = arith.addi %mul3A_5, %add3A_477 : i32
    "tpu.region"() ({
      %run_scoped3A_483 = tpu.sem_alloc : memref<!tpu.dma_semaphore, #tpu.memory_space<semaphore_mem>>
      %dma_start3A_484 = arith.constant 0 : i32
      %dma_start3A_485 = tpu.memref_slice %arg18[%add3A_478, %dma_start3A_484] : memref<10000x64xf32, #tpu.memory_space<vmem_shared>> -> memref<125x64xf32, #tpu.memory_space<vmem_shared>>
      %dma_start3A_486 = arith.constant 0 : i32
      %dma_start3A_487 = tpu.memref_slice %arg18[%add3A_478, %dma_start3A_486] : memref<10000x64xf32, #tpu.memory_space<vmem_shared>> -> memref<125x64xf32, #tpu.memory_space<vmem_shared>>
      tpu.enqueue_dma source(%dma_start3A_487 : memref<125x64xf32, #tpu.memory_space<vmem_shared>>) target(%arg17 : memref<125x64xf32, #tpu.memory_space<vmem>>) target_semaphore(%run_scoped3A_483 : memref<!tpu.dma_semaphore, #tpu.memory_space<semaphore_mem>>)
      %dma_wait3A = arith.constant 0 : i32
      %dma_wait3A_488 = tpu.memref_slice %arg18[%add3A_478, %dma_wait3A] : memref<10000x64xf32, #tpu.memory_space<vmem_shared>> -> memref<125x64xf32, #tpu.memory_space<vmem_shared>>
      %dma_wait3A_489 = arith.constant 0 : i32
      %dma_wait3A_490 = tpu.memref_slice %arg18[%add3A_478, %dma_wait3A_489] : memref<10000x64xf32, #tpu.memory_space<vmem_shared>> -> memref<125x64xf32, #tpu.memory_space<vmem_shared>>
      tpu.wait_dma2 semaphore(%run_scoped3A_483 : memref<!tpu.dma_semaphore, #tpu.memory_space<semaphore_mem>>) src(%dma_wait3A_490 : memref<125x64xf32, #tpu.memory_space<vmem_shared>>) dst(%arg17 : memref<125x64xf32, #tpu.memory_space<vmem>>)
      tpu.yield
    }) : () -> ()
    "tpu.region"() ({
      %run_scoped3A_483 = tpu.sem_alloc : memref<!tpu.dma_semaphore, #tpu.memory_space<semaphore_mem>>
      %dma_start3A_484 = arith.constant 0 : i32
      %dma_start3A_485 = tpu.memref_slice %arg5[%arg0, %add3A_478, %dma_start3A_484] : memref<2x10000x64xf32, #tpu.memory_space<hbm>> -> memref<1x125x64xf32, #tpu.memory_space<hbm>>
      %dma_start3A_486 = tpu.memref_squeeze %dma_start3A_485 : memref<1x125x64xf32, #tpu.memory_space<hbm>> -> memref<125x64xf32, #tpu.memory_space<hbm>>
      %dma_start3A_487 = arith.constant 0 : i32
      %dma_start3A_488 = tpu.memref_slice %arg5[%arg0, %add3A_478, %dma_start3A_487] : memref<2x10000x64xf32, #tpu.memory_space<hbm>> -> memref<1x125x64xf32, #tpu.memory_space<hbm>>
      %dma_start3A_489 = tpu.memref_squeeze %dma_start3A_488 : memref<1x125x64xf32, #tpu.memory_space<hbm>> -> memref<125x64xf32, #tpu.memory_space<hbm>>
      tpu.enqueue_dma source(%arg17 : memref<125x64xf32, #tpu.memory_space<vmem>>) target(%dma_start3A_489 : memref<125x64xf32, #tpu.memory_space<hbm>>) target_semaphore(%run_scoped3A_483 : memref<!tpu.dma_semaphore, #tpu.memory_space<semaphore_mem>>)
      %dma_wait3A = arith.constant 0 : i32
      %dma_wait3A_490 = tpu.memref_slice %arg5[%arg0, %add3A_478, %dma_wait3A] : memref<2x10000x64xf32, #tpu.memory_space<hbm>> -> memref<1x125x64xf32, #tpu.memory_space<hbm>>
      %dma_wait3A_491 = tpu.memref_squeeze %dma_wait3A_490 : memref<1x125x64xf32, #tpu.memory_space<hbm>> -> memref<125x64xf32, #tpu.memory_space<hbm>>
      %dma_wait3A_492 = arith.constant 0 : i32
      %dma_wait3A_493 = tpu.memref_slice %arg5[%arg0, %add3A_478, %dma_wait3A_492] : memref<2x10000x64xf32, #tpu.memory_space<hbm>> -> memref<1x125x64xf32, #tpu.memory_space<hbm>>
      %dma_wait3A_494 = tpu.memref_squeeze %dma_wait3A_493 : memref<1x125x64xf32, #tpu.memory_space<hbm>> -> memref<125x64xf32, #tpu.memory_space<hbm>>
      tpu.wait_dma2 semaphore(%run_scoped3A_483 : memref<!tpu.dma_semaphore, #tpu.memory_space<semaphore_mem>>) src(%arg17 : memref<125x64xf32, #tpu.memory_space<vmem>>) dst(%dma_wait3A_494 : memref<125x64xf32, #tpu.memory_space<hbm>>)
      tpu.yield
    }) : () -> ()
    %add3A_479 = arith.constant 375 : i32
    %add3A_480 = arith.addi %mul3A_5, %add3A_479 : i32
    "tpu.region"() ({
      %run_scoped3A_483 = tpu.sem_alloc : memref<!tpu.dma_semaphore, #tpu.memory_space<semaphore_mem>>
      %dma_start3A_484 = arith.constant 0 : i32
      %dma_start3A_485 = tpu.memref_slice %arg18[%add3A_480, %dma_start3A_484] : memref<10000x64xf32, #tpu.memory_space<vmem_shared>> -> memref<125x64xf32, #tpu.memory_space<vmem_shared>>
      %dma_start3A_486 = arith.constant 0 : i32
      %dma_start3A_487 = tpu.memref_slice %arg18[%add3A_480, %dma_start3A_486] : memref<10000x64xf32, #tpu.memory_space<vmem_shared>> -> memref<125x64xf32, #tpu.memory_space<vmem_shared>>
      tpu.enqueue_dma source(%dma_start3A_487 : memref<125x64xf32, #tpu.memory_space<vmem_shared>>) target(%arg17 : memref<125x64xf32, #tpu.memory_space<vmem>>) target_semaphore(%run_scoped3A_483 : memref<!tpu.dma_semaphore, #tpu.memory_space<semaphore_mem>>)
      %dma_wait3A = arith.constant 0 : i32
      %dma_wait3A_488 = tpu.memref_slice %arg18[%add3A_480, %dma_wait3A] : memref<10000x64xf32, #tpu.memory_space<vmem_shared>> -> memref<125x64xf32, #tpu.memory_space<vmem_shared>>
      %dma_wait3A_489 = arith.constant 0 : i32
      %dma_wait3A_490 = tpu.memref_slice %arg18[%add3A_480, %dma_wait3A_489] : memref<10000x64xf32, #tpu.memory_space<vmem_shared>> -> memref<125x64xf32, #tpu.memory_space<vmem_shared>>
      tpu.wait_dma2 semaphore(%run_scoped3A_483 : memref<!tpu.dma_semaphore, #tpu.memory_space<semaphore_mem>>) src(%dma_wait3A_490 : memref<125x64xf32, #tpu.memory_space<vmem_shared>>) dst(%arg17 : memref<125x64xf32, #tpu.memory_space<vmem>>)
      tpu.yield
    }) : () -> ()
    "tpu.region"() ({
      %run_scoped3A_483 = tpu.sem_alloc : memref<!tpu.dma_semaphore, #tpu.memory_space<semaphore_mem>>
      %dma_start3A_484 = arith.constant 0 : i32
      %dma_start3A_485 = tpu.memref_slice %arg5[%arg0, %add3A_480, %dma_start3A_484] : memref<2x10000x64xf32, #tpu.memory_space<hbm>> -> memref<1x125x64xf32, #tpu.memory_space<hbm>>
      %dma_start3A_486 = tpu.memref_squeeze %dma_start3A_485 : memref<1x125x64xf32, #tpu.memory_space<hbm>> -> memref<125x64xf32, #tpu.memory_space<hbm>>
      %dma_start3A_487 = arith.constant 0 : i32
      %dma_start3A_488 = tpu.memref_slice %arg5[%arg0, %add3A_480, %dma_start3A_487] : memref<2x10000x64xf32, #tpu.memory_space<hbm>> -> memref<1x125x64xf32, #tpu.memory_space<hbm>>
      %dma_start3A_489 = tpu.memref_squeeze %dma_start3A_488 : memref<1x125x64xf32, #tpu.memory_space<hbm>> -> memref<125x64xf32, #tpu.memory_space<hbm>>
      tpu.enqueue_dma source(%arg17 : memref<125x64xf32, #tpu.memory_space<vmem>>) target(%dma_start3A_489 : memref<125x64xf32, #tpu.memory_space<hbm>>) target_semaphore(%run_scoped3A_483 : memref<!tpu.dma_semaphore, #tpu.memory_space<semaphore_mem>>)
      %dma_wait3A = arith.constant 0 : i32
      %dma_wait3A_490 = tpu.memref_slice %arg5[%arg0, %add3A_480, %dma_wait3A] : memref<2x10000x64xf32, #tpu.memory_space<hbm>> -> memref<1x125x64xf32, #tpu.memory_space<hbm>>
      %dma_wait3A_491 = tpu.memref_squeeze %dma_wait3A_490 : memref<1x125x64xf32, #tpu.memory_space<hbm>> -> memref<125x64xf32, #tpu.memory_space<hbm>>
      %dma_wait3A_492 = arith.constant 0 : i32
      %dma_wait3A_493 = tpu.memref_slice %arg5[%arg0, %add3A_480, %dma_wait3A_492] : memref<2x10000x64xf32, #tpu.memory_space<hbm>> -> memref<1x125x64xf32, #tpu.memory_space<hbm>>
      %dma_wait3A_494 = tpu.memref_squeeze %dma_wait3A_493 : memref<1x125x64xf32, #tpu.memory_space<hbm>> -> memref<125x64xf32, #tpu.memory_space<hbm>>
      tpu.wait_dma2 semaphore(%run_scoped3A_483 : memref<!tpu.dma_semaphore, #tpu.memory_space<semaphore_mem>>) src(%arg17 : memref<125x64xf32, #tpu.memory_space<vmem>>) dst(%dma_wait3A_494 : memref<125x64xf32, #tpu.memory_space<hbm>>)
      tpu.yield
    }) : () -> ()
    %add3A_481 = arith.constant 500 : i32
    %add3A_482 = arith.addi %mul3A_5, %add3A_481 : i32
    "tpu.region"() ({
      %run_scoped3A_483 = tpu.sem_alloc : memref<!tpu.dma_semaphore, #tpu.memory_space<semaphore_mem>>
      %dma_start3A_484 = arith.constant 0 : i32
      %dma_start3A_485 = tpu.memref_slice %arg18[%add3A_482, %dma_start3A_484] : memref<10000x64xf32, #tpu.memory_space<vmem_shared>> -> memref<125x64xf32, #tpu.memory_space<vmem_shared>>
      %dma_start3A_486 = arith.constant 0 : i32
      %dma_start3A_487 = tpu.memref_slice %arg18[%add3A_482, %dma_start3A_486] : memref<10000x64xf32, #tpu.memory_space<vmem_shared>> -> memref<125x64xf32, #tpu.memory_space<vmem_shared>>
      tpu.enqueue_dma source(%dma_start3A_487 : memref<125x64xf32, #tpu.memory_space<vmem_shared>>) target(%arg17 : memref<125x64xf32, #tpu.memory_space<vmem>>) target_semaphore(%run_scoped3A_483 : memref<!tpu.dma_semaphore, #tpu.memory_space<semaphore_mem>>)
      %dma_wait3A = arith.constant 0 : i32
      %dma_wait3A_488 = tpu.memref_slice %arg18[%add3A_482, %dma_wait3A] : memref<10000x64xf32, #tpu.memory_space<vmem_shared>> -> memref<125x64xf32, #tpu.memory_space<vmem_shared>>
      %dma_wait3A_489 = arith.constant 0 : i32
      %dma_wait3A_490 = tpu.memref_slice %arg18[%add3A_482, %dma_wait3A_489] : memref<10000x64xf32, #tpu.memory_space<vmem_shared>> -> memref<125x64xf32, #tpu.memory_space<vmem_shared>>
      tpu.wait_dma2 semaphore(%run_scoped3A_483 : memref<!tpu.dma_semaphore, #tpu.memory_space<semaphore_mem>>) src(%dma_wait3A_490 : memref<125x64xf32, #tpu.memory_space<vmem_shared>>) dst(%arg17 : memref<125x64xf32, #tpu.memory_space<vmem>>)
      tpu.yield
    }) : () -> ()
    "tpu.region"() ({
      %run_scoped3A_483 = tpu.sem_alloc : memref<!tpu.dma_semaphore, #tpu.memory_space<semaphore_mem>>
      %dma_start3A_484 = arith.constant 0 : i32
      %dma_start3A_485 = tpu.memref_slice %arg5[%arg0, %add3A_482, %dma_start3A_484] : memref<2x10000x64xf32, #tpu.memory_space<hbm>> -> memref<1x125x64xf32, #tpu.memory_space<hbm>>
      %dma_start3A_486 = tpu.memref_squeeze %dma_start3A_485 : memref<1x125x64xf32, #tpu.memory_space<hbm>> -> memref<125x64xf32, #tpu.memory_space<hbm>>
      %dma_start3A_487 = arith.constant 0 : i32
      %dma_start3A_488 = tpu.memref_slice %arg5[%arg0, %add3A_482, %dma_start3A_487] : memref<2x10000x64xf32, #tpu.memory_space<hbm>> -> memref<1x125x64xf32, #tpu.memory_space<hbm>>
      %dma_start3A_489 = tpu.memref_squeeze %dma_start3A_488 : memref<1x125x64xf32, #tpu.memory_space<hbm>> -> memref<125x64xf32, #tpu.memory_space<hbm>>
      tpu.enqueue_dma source(%arg17 : memref<125x64xf32, #tpu.memory_space<vmem>>) target(%dma_start3A_489 : memref<125x64xf32, #tpu.memory_space<hbm>>) target_semaphore(%run_scoped3A_483 : memref<!tpu.dma_semaphore, #tpu.memory_space<semaphore_mem>>)
      %dma_wait3A = arith.constant 0 : i32
      %dma_wait3A_490 = tpu.memref_slice %arg5[%arg0, %add3A_482, %dma_wait3A] : memref<2x10000x64xf32, #tpu.memory_space<hbm>> -> memref<1x125x64xf32, #tpu.memory_space<hbm>>
      %dma_wait3A_491 = tpu.memref_squeeze %dma_wait3A_490 : memref<1x125x64xf32, #tpu.memory_space<hbm>> -> memref<125x64xf32, #tpu.memory_space<hbm>>
      %dma_wait3A_492 = arith.constant 0 : i32
      %dma_wait3A_493 = tpu.memref_slice %arg5[%arg0, %add3A_482, %dma_wait3A_492] : memref<2x10000x64xf32, #tpu.memory_space<hbm>> -> memref<1x125x64xf32, #tpu.memory_space<hbm>>
      %dma_wait3A_494 = tpu.memref_squeeze %dma_wait3A_493 : memref<1x125x64xf32, #tpu.memory_space<hbm>> -> memref<125x64xf32, #tpu.memory_space<hbm>>
      tpu.wait_dma2 semaphore(%run_scoped3A_483 : memref<!tpu.dma_semaphore, #tpu.memory_space<semaphore_mem>>) src(%arg17 : memref<125x64xf32, #tpu.memory_space<vmem>>) dst(%dma_wait3A_494 : memref<125x64xf32, #tpu.memory_space<hbm>>)
      tpu.yield
    }) : () -> ()
    return
  }
}

#map = affine_map<(d0, d1) -> (0, 0)>
#map1 = affine_map<(d0, d1) -> (0, 0, 0, 0)>
#map2 = affine_map<(d0, d1) -> (0, 0, 0)>
module attributes {stable_mosaic.version = 14 : i64} {
  func.func @_ef_body(%arg0: i32, %arg1: i32, %arg2: memref<320000x16xf32, #tpu.memory_space<hbm>>, %arg3: memref<32x25x5x80xi32, #tpu.memory_space<hbm>>, %arg4: memref<2x10000x16xf32, #tpu.memory_space<hbm>>, %arg5: memref<80x16xf32, #tpu.memory_space<vmem>>, %arg6: memref<80x16xf32, #tpu.memory_space<vmem>>, %arg7: memref<80x16xf32, #tpu.memory_space<vmem>>, %arg8: memref<80x16xf32, #tpu.memory_space<vmem>>, %arg9: memref<80x16xf32, #tpu.memory_space<vmem>>, %arg10: memref<5x80xi32, #tpu.memory_space<vmem>>, %arg11: memref<5x80xi32, #tpu.memory_space<vmem>>, %arg12: memref<125x16xf32, #tpu.memory_space<vmem>>, %arg13: memref<10000x16xf32, #tpu.memory_space<vmem_shared>>, %arg14: memref<!tpu.dma_semaphore, #tpu.memory_space<semaphore_mem>>, %arg15: memref<!tpu.dma_semaphore, #tpu.memory_space<semaphore_mem>>, %arg16: memref<!tpu.dma_semaphore, #tpu.memory_space<semaphore_mem>>, %arg17: memref<!tpu.dma_semaphore, #tpu.memory_space<semaphore_mem>>, %arg18: memref<!tpu.dma_semaphore, #tpu.memory_space<semaphore_mem>>, %arg19: memref<!tpu.dma_semaphore, #tpu.memory_space<semaphore_mem>>, %arg20: memref<!tpu.dma_semaphore, #tpu.memory_space<semaphore_mem>>) attributes {dimension_semantics = [#tpu.dimension_semantics<core_parallel>, #tpu.dimension_semantics<subcore_parallel>], iteration_bounds = array<i64: 2, 16>, scalar_prefetch = 0 : i64, scratch_operands = 16 : i64, tpu.core_type = #tpu.core_type<sc_vector_subcore>, window_params = [{transform_indices = #map}, {transform_indices = #map1}, {transform_indices = #map2}]} {
    %mul3A = arith.constant 16 : i32
    %mul3A_0 = arith.muli %arg0, %mul3A : i32
    %add3A = arith.addi %mul3A_0, %arg1 : i32
    %scan3A = arith.constant 0 : i32
    %scan3A_1 = arith.constant 0 : i32
    %scan3A_2 = arith.constant 125 : i32
    %scan3A_3 = arith.addi %scan3A_1, %scan3A_2 : i32
    %scan3A_4 = arith.constant 1 : i32
    scf.for %scan3A_109 = %scan3A_1 to %scan3A_3 step %scan3A_4  : i32 {
      %broadcast_in_dim3A = arith.constant 0.000000e+00 : f32
      %broadcast_in_dim3A_110 = vector.broadcast %broadcast_in_dim3A : f32 to vector<16xf32>
      %swap3A = arith.index_cast %scan3A_109 : i32 to index
      %swap3A_111 = arith.constant 0 : index
      %swap3A_112 = tpu.vector_load %arg12[%swap3A, %swap3A_111] {strides = array<i32>} : memref<125x16xf32, #tpu.memory_space<vmem>>, vector<1x16xf32>,
      %swap3A_113 = vector.shape_cast %swap3A_112 : vector<1x16xf32> to vector<16xf32>
      %swap3A_114 = vector.shape_cast %broadcast_in_dim3A_110 : vector<16xf32> to vector<1x16xf32>
      tpu.vector_store %arg12[%swap3A, %swap3A_111], %swap3A_114 {strides = array<i32>} : memref<125x16xf32, #tpu.memory_space<vmem>>, vector<1x16xf32>,
    }
    %scan3A_5 = arith.constant 125 : i32
    %mul3A_6 = arith.constant 625 : i32
    %mul3A_7 = arith.muli %arg1, %mul3A_6 : i32
    %add3A_8 = arith.constant 0 : i32
    %add3A_9 = arith.addi %mul3A_7, %add3A_8 : i32
    "tpu.region"() ({
      %run_scoped3A_109 = tpu.sem_alloc : memref<!tpu.dma_semaphore, #tpu.memory_space<semaphore_mem>>
      %dma_start3A_110 = arith.constant 0 : i32
      %dma_start3A_111 = tpu.memref_slice %arg13[%add3A_9, %dma_start3A_110] : memref<10000x16xf32, #tpu.memory_space<vmem_shared>> -> memref<125x16xf32, #tpu.memory_space<vmem_shared>>
      %dma_start3A_112 = arith.constant 0 : i32
      %dma_start3A_113 = tpu.memref_slice %arg13[%add3A_9, %dma_start3A_112] : memref<10000x16xf32, #tpu.memory_space<vmem_shared>> -> memref<125x16xf32, #tpu.memory_space<vmem_shared>>
      tpu.enqueue_dma source(%arg12 : memref<125x16xf32, #tpu.memory_space<vmem>>) target(%dma_start3A_113 : memref<125x16xf32, #tpu.memory_space<vmem_shared>>) target_semaphore(%run_scoped3A_109 : memref<!tpu.dma_semaphore, #tpu.memory_space<semaphore_mem>>)
      %dma_wait3A_114 = arith.constant 0 : i32
      %dma_wait3A_115 = tpu.memref_slice %arg13[%add3A_9, %dma_wait3A_114] : memref<10000x16xf32, #tpu.memory_space<vmem_shared>> -> memref<125x16xf32, #tpu.memory_space<vmem_shared>>
      %dma_wait3A_116 = arith.constant 0 : i32
      %dma_wait3A_117 = tpu.memref_slice %arg13[%add3A_9, %dma_wait3A_116] : memref<10000x16xf32, #tpu.memory_space<vmem_shared>> -> memref<125x16xf32, #tpu.memory_space<vmem_shared>>
      tpu.wait_dma2 semaphore(%run_scoped3A_109 : memref<!tpu.dma_semaphore, #tpu.memory_space<semaphore_mem>>) src(%arg12 : memref<125x16xf32, #tpu.memory_space<vmem>>) dst(%dma_wait3A_117 : memref<125x16xf32, #tpu.memory_space<vmem_shared>>)
      tpu.yield
    }) : () -> ()
    %add3A_10 = arith.constant 125 : i32
    %add3A_11 = arith.addi %mul3A_7, %add3A_10 : i32
    "tpu.region"() ({
      %run_scoped3A_109 = tpu.sem_alloc : memref<!tpu.dma_semaphore, #tpu.memory_space<semaphore_mem>>
      %dma_start3A_110 = arith.constant 0 : i32
      %dma_start3A_111 = tpu.memref_slice %arg13[%add3A_11, %dma_start3A_110] : memref<10000x16xf32, #tpu.memory_space<vmem_shared>> -> memref<125x16xf32, #tpu.memory_space<vmem_shared>>
      %dma_start3A_112 = arith.constant 0 : i32
      %dma_start3A_113 = tpu.memref_slice %arg13[%add3A_11, %dma_start3A_112] : memref<10000x16xf32, #tpu.memory_space<vmem_shared>> -> memref<125x16xf32, #tpu.memory_space<vmem_shared>>
      tpu.enqueue_dma source(%arg12 : memref<125x16xf32, #tpu.memory_space<vmem>>) target(%dma_start3A_113 : memref<125x16xf32, #tpu.memory_space<vmem_shared>>) target_semaphore(%run_scoped3A_109 : memref<!tpu.dma_semaphore, #tpu.memory_space<semaphore_mem>>)
      %dma_wait3A_114 = arith.constant 0 : i32
      %dma_wait3A_115 = tpu.memref_slice %arg13[%add3A_11, %dma_wait3A_114] : memref<10000x16xf32, #tpu.memory_space<vmem_shared>> -> memref<125x16xf32, #tpu.memory_space<vmem_shared>>
      %dma_wait3A_116 = arith.constant 0 : i32
      %dma_wait3A_117 = tpu.memref_slice %arg13[%add3A_11, %dma_wait3A_116] : memref<10000x16xf32, #tpu.memory_space<vmem_shared>> -> memref<125x16xf32, #tpu.memory_space<vmem_shared>>
      tpu.wait_dma2 semaphore(%run_scoped3A_109 : memref<!tpu.dma_semaphore, #tpu.memory_space<semaphore_mem>>) src(%arg12 : memref<125x16xf32, #tpu.memory_space<vmem>>) dst(%dma_wait3A_117 : memref<125x16xf32, #tpu.memory_space<vmem_shared>>)
      tpu.yield
    }) : () -> ()
    %add3A_12 = arith.constant 250 : i32
    %add3A_13 = arith.addi %mul3A_7, %add3A_12 : i32
    "tpu.region"() ({
      %run_scoped3A_109 = tpu.sem_alloc : memref<!tpu.dma_semaphore, #tpu.memory_space<semaphore_mem>>
      %dma_start3A_110 = arith.constant 0 : i32
      %dma_start3A_111 = tpu.memref_slice %arg13[%add3A_13, %dma_start3A_110] : memref<10000x16xf32, #tpu.memory_space<vmem_shared>> -> memref<125x16xf32, #tpu.memory_space<vmem_shared>>
      %dma_start3A_112 = arith.constant 0 : i32
      %dma_start3A_113 = tpu.memref_slice %arg13[%add3A_13, %dma_start3A_112] : memref<10000x16xf32, #tpu.memory_space<vmem_shared>> -> memref<125x16xf32, #tpu.memory_space<vmem_shared>>
      tpu.enqueue_dma source(%arg12 : memref<125x16xf32, #tpu.memory_space<vmem>>) target(%dma_start3A_113 : memref<125x16xf32, #tpu.memory_space<vmem_shared>>) target_semaphore(%run_scoped3A_109 : memref<!tpu.dma_semaphore, #tpu.memory_space<semaphore_mem>>)
      %dma_wait3A_114 = arith.constant 0 : i32
      %dma_wait3A_115 = tpu.memref_slice %arg13[%add3A_13, %dma_wait3A_114] : memref<10000x16xf32, #tpu.memory_space<vmem_shared>> -> memref<125x16xf32, #tpu.memory_space<vmem_shared>>
      %dma_wait3A_116 = arith.constant 0 : i32
      %dma_wait3A_117 = tpu.memref_slice %arg13[%add3A_13, %dma_wait3A_116] : memref<10000x16xf32, #tpu.memory_space<vmem_shared>> -> memref<125x16xf32, #tpu.memory_space<vmem_shared>>
      tpu.wait_dma2 semaphore(%run_scoped3A_109 : memref<!tpu.dma_semaphore, #tpu.memory_space<semaphore_mem>>) src(%arg12 : memref<125x16xf32, #tpu.memory_space<vmem>>) dst(%dma_wait3A_117 : memref<125x16xf32, #tpu.memory_space<vmem_shared>>)
      tpu.yield
    }) : () -> ()
    %add3A_14 = arith.constant 375 : i32
    %add3A_15 = arith.addi %mul3A_7, %add3A_14 : i32
    "tpu.region"() ({
      %run_scoped3A_109 = tpu.sem_alloc : memref<!tpu.dma_semaphore, #tpu.memory_space<semaphore_mem>>
      %dma_start3A_110 = arith.constant 0 : i32
      %dma_start3A_111 = tpu.memref_slice %arg13[%add3A_15, %dma_start3A_110] : memref<10000x16xf32, #tpu.memory_space<vmem_shared>> -> memref<125x16xf32, #tpu.memory_space<vmem_shared>>
      %dma_start3A_112 = arith.constant 0 : i32
      %dma_start3A_113 = tpu.memref_slice %arg13[%add3A_15, %dma_start3A_112] : memref<10000x16xf32, #tpu.memory_space<vmem_shared>> -> memref<125x16xf32, #tpu.memory_space<vmem_shared>>
      tpu.enqueue_dma source(%arg12 : memref<125x16xf32, #tpu.memory_space<vmem>>) target(%dma_start3A_113 : memref<125x16xf32, #tpu.memory_space<vmem_shared>>) target_semaphore(%run_scoped3A_109 : memref<!tpu.dma_semaphore, #tpu.memory_space<semaphore_mem>>)
      %dma_wait3A_114 = arith.constant 0 : i32
      %dma_wait3A_115 = tpu.memref_slice %arg13[%add3A_15, %dma_wait3A_114] : memref<10000x16xf32, #tpu.memory_space<vmem_shared>> -> memref<125x16xf32, #tpu.memory_space<vmem_shared>>
      %dma_wait3A_116 = arith.constant 0 : i32
      %dma_wait3A_117 = tpu.memref_slice %arg13[%add3A_15, %dma_wait3A_116] : memref<10000x16xf32, #tpu.memory_space<vmem_shared>> -> memref<125x16xf32, #tpu.memory_space<vmem_shared>>
      tpu.wait_dma2 semaphore(%run_scoped3A_109 : memref<!tpu.dma_semaphore, #tpu.memory_space<semaphore_mem>>) src(%arg12 : memref<125x16xf32, #tpu.memory_space<vmem>>) dst(%dma_wait3A_117 : memref<125x16xf32, #tpu.memory_space<vmem_shared>>)
      tpu.yield
    }) : () -> ()
    %add3A_16 = arith.constant 500 : i32
    %add3A_17 = arith.addi %mul3A_7, %add3A_16 : i32
    "tpu.region"() ({
      %run_scoped3A_109 = tpu.sem_alloc : memref<!tpu.dma_semaphore, #tpu.memory_space<semaphore_mem>>
      %dma_start3A_110 = arith.constant 0 : i32
      %dma_start3A_111 = tpu.memref_slice %arg13[%add3A_17, %dma_start3A_110] : memref<10000x16xf32, #tpu.memory_space<vmem_shared>> -> memref<125x16xf32, #tpu.memory_space<vmem_shared>>
      %dma_start3A_112 = arith.constant 0 : i32
      %dma_start3A_113 = tpu.memref_slice %arg13[%add3A_17, %dma_start3A_112] : memref<10000x16xf32, #tpu.memory_space<vmem_shared>> -> memref<125x16xf32, #tpu.memory_space<vmem_shared>>
      tpu.enqueue_dma source(%arg12 : memref<125x16xf32, #tpu.memory_space<vmem>>) target(%dma_start3A_113 : memref<125x16xf32, #tpu.memory_space<vmem_shared>>) target_semaphore(%run_scoped3A_109 : memref<!tpu.dma_semaphore, #tpu.memory_space<semaphore_mem>>)
      %dma_wait3A_114 = arith.constant 0 : i32
      %dma_wait3A_115 = tpu.memref_slice %arg13[%add3A_17, %dma_wait3A_114] : memref<10000x16xf32, #tpu.memory_space<vmem_shared>> -> memref<125x16xf32, #tpu.memory_space<vmem_shared>>
      %dma_wait3A_116 = arith.constant 0 : i32
      %dma_wait3A_117 = tpu.memref_slice %arg13[%add3A_17, %dma_wait3A_116] : memref<10000x16xf32, #tpu.memory_space<vmem_shared>> -> memref<125x16xf32, #tpu.memory_space<vmem_shared>>
      tpu.wait_dma2 semaphore(%run_scoped3A_109 : memref<!tpu.dma_semaphore, #tpu.memory_space<semaphore_mem>>) src(%arg12 : memref<125x16xf32, #tpu.memory_space<vmem>>) dst(%dma_wait3A_117 : memref<125x16xf32, #tpu.memory_space<vmem_shared>>)
      tpu.yield
    }) : () -> ()
    %barrier3A = arith.constant 0 : index
    tpu.barrier barrier_id(%barrier3A)
    %mul3A_18 = arith.constant 10000 : i32
    %mul3A_19 = arith.muli %add3A, %mul3A_18 : i32
    %run_scoped3A = arith.constant 0 : i32
    "tpu.region"() ({
      %run_scoped3A_109 = tpu.sem_alloc : memref<!tpu.dma_semaphore, #tpu.memory_space<semaphore_mem>>
      %dma_start3A_110 = arith.constant 0 : i32
      %dma_start3A_111 = arith.constant 0 : i32
      %dma_start3A_112 = tpu.memref_slice %arg3[%add3A, %run_scoped3A, %dma_start3A_110, %dma_start3A_111] : memref<32x25x5x80xi32, #tpu.memory_space<hbm>> -> memref<1x1x5x80xi32, #tpu.memory_space<hbm>>
      %dma_start3A_113 = tpu.memref_squeeze %dma_start3A_112 : memref<1x1x5x80xi32, #tpu.memory_space<hbm>> -> memref<5x80xi32, #tpu.memory_space<hbm>>
      %dma_start3A_114 = arith.constant 0 : i32
      %dma_start3A_115 = arith.constant 0 : i32
      %dma_start3A_116 = tpu.memref_slice %arg3[%add3A, %run_scoped3A, %dma_start3A_114, %dma_start3A_115] : memref<32x25x5x80xi32, #tpu.memory_space<hbm>> -> memref<1x1x5x80xi32, #tpu.memory_space<hbm>>
      %dma_start3A_117 = tpu.memref_squeeze %dma_start3A_116 : memref<1x1x5x80xi32, #tpu.memory_space<hbm>> -> memref<5x80xi32, #tpu.memory_space<hbm>>
      tpu.enqueue_dma source(%dma_start3A_117 : memref<5x80xi32, #tpu.memory_space<hbm>>) target(%arg10 : memref<5x80xi32, #tpu.memory_space<vmem>>) target_semaphore(%run_scoped3A_109 : memref<!tpu.dma_semaphore, #tpu.memory_space<semaphore_mem>>)
      %dma_wait3A_118 = arith.constant 0 : i32
      %dma_wait3A_119 = arith.constant 0 : i32
      %dma_wait3A_120 = tpu.memref_slice %arg3[%add3A, %run_scoped3A, %dma_wait3A_118, %dma_wait3A_119] : memref<32x25x5x80xi32, #tpu.memory_space<hbm>> -> memref<1x1x5x80xi32, #tpu.memory_space<hbm>>
      %dma_wait3A_121 = tpu.memref_squeeze %dma_wait3A_120 : memref<1x1x5x80xi32, #tpu.memory_space<hbm>> -> memref<5x80xi32, #tpu.memory_space<hbm>>
      %dma_wait3A_122 = arith.constant 0 : i32
      %dma_wait3A_123 = arith.constant 0 : i32
      %dma_wait3A_124 = tpu.memref_slice %arg3[%add3A, %run_scoped3A, %dma_wait3A_122, %dma_wait3A_123] : memref<32x25x5x80xi32, #tpu.memory_space<hbm>> -> memref<1x1x5x80xi32, #tpu.memory_space<hbm>>
      %dma_wait3A_125 = tpu.memref_squeeze %dma_wait3A_124 : memref<1x1x5x80xi32, #tpu.memory_space<hbm>> -> memref<5x80xi32, #tpu.memory_space<hbm>>
      tpu.wait_dma2 semaphore(%run_scoped3A_109 : memref<!tpu.dma_semaphore, #tpu.memory_space<semaphore_mem>>) src(%dma_wait3A_125 : memref<5x80xi32, #tpu.memory_space<hbm>>) dst(%arg10 : memref<5x80xi32, #tpu.memory_space<vmem>>)
      tpu.yield
    }) : () -> ()
    %dma_start3A = arith.constant 1 : i32
    %dma_start3A_20 = arith.constant 0 : i32
    %dma_start3A_21 = arith.constant 0 : i32
    %dma_start3A_22 = tpu.memref_slice %arg3[%add3A, %dma_start3A, %dma_start3A_20, %dma_start3A_21] : memref<32x25x5x80xi32, #tpu.memory_space<hbm>> -> memref<1x1x5x80xi32, #tpu.memory_space<hbm>>
    %dma_start3A_23 = tpu.memref_squeeze %dma_start3A_22 : memref<1x1x5x80xi32, #tpu.memory_space<hbm>> -> memref<5x80xi32, #tpu.memory_space<hbm>>
    %dma_start3A_24 = arith.constant 0 : i32
    %dma_start3A_25 = arith.constant 0 : i32
    %dma_start3A_26 = tpu.memref_slice %arg3[%add3A, %dma_start3A, %dma_start3A_24, %dma_start3A_25] : memref<32x25x5x80xi32, #tpu.memory_space<hbm>> -> memref<1x1x5x80xi32, #tpu.memory_space<hbm>>
    %dma_start3A_27 = tpu.memref_squeeze %dma_start3A_26 : memref<1x1x5x80xi32, #tpu.memory_space<hbm>> -> memref<5x80xi32, #tpu.memory_space<hbm>>
    tpu.enqueue_dma source(%dma_start3A_27 : memref<5x80xi32, #tpu.memory_space<hbm>>) target(%arg11 : memref<5x80xi32, #tpu.memory_space<vmem>>) target_semaphore(%arg20 : memref<!tpu.dma_semaphore, #tpu.memory_space<semaphore_mem>>)
    %add3A_28 = arith.constant 0 : i32
    %add3A_29 = arith.addi %mul3A_19, %add3A_28 : i32
    %dma_start3A_30 = arith.constant 0 : i32
    %dma_start3A_31 = tpu.memref_slice %arg2[%add3A_29, %dma_start3A_30] : memref<320000x16xf32, #tpu.memory_space<hbm>> -> memref<80x16xf32, #tpu.memory_space<hbm>>
    %dma_start3A_32 = arith.constant 0 : i32
    %dma_start3A_33 = tpu.memref_slice %arg2[%add3A_29, %dma_start3A_32] : memref<320000x16xf32, #tpu.memory_space<hbm>> -> memref<80x16xf32, #tpu.memory_space<hbm>>
    tpu.enqueue_dma source(%dma_start3A_33 : memref<80x16xf32, #tpu.memory_space<hbm>>) target(%arg5 : memref<80x16xf32, #tpu.memory_space<vmem>>) target_semaphore(%arg14 : memref<!tpu.dma_semaphore, #tpu.memory_space<semaphore_mem>>)
    %add3A_34 = arith.constant 80 : i32
    %add3A_35 = arith.addi %mul3A_19, %add3A_34 : i32
    %dma_start3A_36 = arith.constant 0 : i32
    %dma_start3A_37 = tpu.memref_slice %arg2[%add3A_35, %dma_start3A_36] : memref<320000x16xf32, #tpu.memory_space<hbm>> -> memref<80x16xf32, #tpu.memory_space<hbm>>
    %dma_start3A_38 = arith.constant 0 : i32
    %dma_start3A_39 = tpu.memref_slice %arg2[%add3A_35, %dma_start3A_38] : memref<320000x16xf32, #tpu.memory_space<hbm>> -> memref<80x16xf32, #tpu.memory_space<hbm>>
    tpu.enqueue_dma source(%dma_start3A_39 : memref<80x16xf32, #tpu.memory_space<hbm>>) target(%arg6 : memref<80x16xf32, #tpu.memory_space<vmem>>) target_semaphore(%arg15 : memref<!tpu.dma_semaphore, #tpu.memory_space<semaphore_mem>>)
    %add3A_40 = arith.constant 160 : i32
    %add3A_41 = arith.addi %mul3A_19, %add3A_40 : i32
    %dma_start3A_42 = arith.constant 0 : i32
    %dma_start3A_43 = tpu.memref_slice %arg2[%add3A_41, %dma_start3A_42] : memref<320000x16xf32, #tpu.memory_space<hbm>> -> memref<80x16xf32, #tpu.memory_space<hbm>>
    %dma_start3A_44 = arith.constant 0 : i32
    %dma_start3A_45 = tpu.memref_slice %arg2[%add3A_41, %dma_start3A_44] : memref<320000x16xf32, #tpu.memory_space<hbm>> -> memref<80x16xf32, #tpu.memory_space<hbm>>
    tpu.enqueue_dma source(%dma_start3A_45 : memref<80x16xf32, #tpu.memory_space<hbm>>) target(%arg7 : memref<80x16xf32, #tpu.memory_space<vmem>>) target_semaphore(%arg16 : memref<!tpu.dma_semaphore, #tpu.memory_space<semaphore_mem>>)
    %add3A_46 = arith.constant 240 : i32
    %add3A_47 = arith.addi %mul3A_19, %add3A_46 : i32
    %dma_start3A_48 = arith.constant 0 : i32
    %dma_start3A_49 = tpu.memref_slice %arg2[%add3A_47, %dma_start3A_48] : memref<320000x16xf32, #tpu.memory_space<hbm>> -> memref<80x16xf32, #tpu.memory_space<hbm>>
    %dma_start3A_50 = arith.constant 0 : i32
    %dma_start3A_51 = tpu.memref_slice %arg2[%add3A_47, %dma_start3A_50] : memref<320000x16xf32, #tpu.memory_space<hbm>> -> memref<80x16xf32, #tpu.memory_space<hbm>>
    tpu.enqueue_dma source(%dma_start3A_51 : memref<80x16xf32, #tpu.memory_space<hbm>>) target(%arg8 : memref<80x16xf32, #tpu.memory_space<vmem>>) target_semaphore(%arg17 : memref<!tpu.dma_semaphore, #tpu.memory_space<semaphore_mem>>)
    %add3A_52 = arith.constant 320 : i32
    %add3A_53 = arith.addi %mul3A_19, %add3A_52 : i32
    %dma_start3A_54 = arith.constant 0 : i32
    %dma_start3A_55 = tpu.memref_slice %arg2[%add3A_53, %dma_start3A_54] : memref<320000x16xf32, #tpu.memory_space<hbm>> -> memref<80x16xf32, #tpu.memory_space<hbm>>
    %dma_start3A_56 = arith.constant 0 : i32
    %dma_start3A_57 = tpu.memref_slice %arg2[%add3A_53, %dma_start3A_56] : memref<320000x16xf32, #tpu.memory_space<hbm>> -> memref<80x16xf32, #tpu.memory_space<hbm>>
    tpu.enqueue_dma source(%dma_start3A_57 : memref<80x16xf32, #tpu.memory_space<hbm>>) target(%arg9 : memref<80x16xf32, #tpu.memory_space<vmem>>) target_semaphore(%arg18 : memref<!tpu.dma_semaphore, #tpu.memory_space<semaphore_mem>>)
    %scan3A_58 = arith.constant 0 : i32
    %scan3A_59 = arith.constant 0 : i32
    %scan3A_60 = arith.constant 12 : i32
    %scan3A_61 = arith.addi %scan3A_59, %scan3A_60 : i32
    %scan3A_62 = arith.constant 1 : i32
    scf.for %scan3A_109 = %scan3A_59 to %scan3A_61 step %scan3A_62  : i32 {
      %mul3A_110 = arith.constant 2 : i32
      %mul3A_111 = arith.muli %mul3A_110, %scan3A_109 : i32
      %dma_wait3A_112 = arith.constant 0 : i32
      %dma_wait3A_113 = arith.constant 0 : i32
      %dma_wait3A_114 = arith.constant 0 : i32
      %dma_wait3A_115 = tpu.memref_slice %arg3[%add3A, %dma_wait3A_112, %dma_wait3A_113, %dma_wait3A_114] : memref<32x25x5x80xi32, #tpu.memory_space<hbm>> -> memref<1x1x5x80xi32, #tpu.memory_space<hbm>>
      %dma_wait3A_116 = tpu.memref_squeeze %dma_wait3A_115 : memref<1x1x5x80xi32, #tpu.memory_space<hbm>> -> memref<5x80xi32, #tpu.memory_space<hbm>>
      %dma_wait3A_117 = arith.constant 0 : i32
      %dma_wait3A_118 = arith.constant 0 : i32
      %dma_wait3A_119 = tpu.memref_slice %arg3[%add3A, %dma_wait3A_112, %dma_wait3A_117, %dma_wait3A_118] : memref<32x25x5x80xi32, #tpu.memory_space<hbm>> -> memref<1x1x5x80xi32, #tpu.memory_space<hbm>>
      %dma_wait3A_120 = tpu.memref_squeeze %dma_wait3A_119 : memref<1x1x5x80xi32, #tpu.memory_space<hbm>> -> memref<5x80xi32, #tpu.memory_space<hbm>>
      tpu.wait_dma2 semaphore(%arg20 : memref<!tpu.dma_semaphore, #tpu.memory_space<semaphore_mem>>) src(%dma_wait3A_120 : memref<5x80xi32, #tpu.memory_space<hbm>>) dst(%arg11 : memref<5x80xi32, #tpu.memory_space<vmem>>)
      %dma_wait3A_121 = arith.constant 0 : i32
      %dma_wait3A_122 = arith.constant 0 : i32
      %dma_wait3A_123 = tpu.memref_slice %arg2[%dma_wait3A_121, %dma_wait3A_122] : memref<320000x16xf32, #tpu.memory_space<hbm>> -> memref<80x16xf32, #tpu.memory_space<hbm>>
      %dma_wait3A_124 = arith.constant 0 : i32
      %dma_wait3A_125 = arith.constant 0 : i32
      %dma_wait3A_126 = tpu.memref_slice %arg2[%dma_wait3A_124, %dma_wait3A_125] : memref<320000x16xf32, #tpu.memory_space<hbm>> -> memref<80x16xf32, #tpu.memory_space<hbm>>
      tpu.wait_dma2 semaphore(%arg14 : memref<!tpu.dma_semaphore, #tpu.memory_space<semaphore_mem>>) src(%dma_wait3A_126 : memref<80x16xf32, #tpu.memory_space<hbm>>) dst(%arg5 : memref<80x16xf32, #tpu.memory_space<vmem>>)
      %run_scoped3A_127 = arith.constant 0 : i32
      "tpu.region"() ({
        %run_scoped3A_288 = tpu.sem_alloc : memref<!tpu.dma_semaphore, #tpu.memory_space<semaphore_mem>>
        %dma_start3A_289 = arith.constant 0 : i32
        %dma_start3A_290 = tpu.memref_slice %arg10[%run_scoped3A_127, %dma_start3A_289] : memref<5x80xi32, #tpu.memory_space<vmem>> -> memref<1x80xi32, #tpu.memory_space<vmem>>
        %dma_start3A_291 = tpu.memref_squeeze %dma_start3A_290 : memref<1x80xi32, #tpu.memory_space<vmem>> -> memref<80xi32, #tpu.memory_space<vmem>>
        %dma_start3A_292 = arith.constant 0 : i32
        %dma_start3A_293 = arith.constant 0 : i32
        %dma_start3A_294 = tpu.memref_slice %arg13[%dma_start3A_292, %dma_start3A_293] : memref<10000x16xf32, #tpu.memory_space<vmem_shared>> -> memref<10000x16xf32, #tpu.memory_space<vmem_shared>>
        tpu.enqueue_indirect_dma source(%arg5 : memref<80x16xf32, #tpu.memory_space<vmem>>) target(%dma_start3A_294 : memref<10000x16xf32, #tpu.memory_space<vmem_shared>>) offsets(%dma_start3A_291 : memref<80xi32, #tpu.memory_space<vmem>>) semaphore(%run_scoped3A_288 : memref<!tpu.dma_semaphore, #tpu.memory_space<semaphore_mem>>) {add = true}
        %dma_wait3A_295 = arith.constant 0 : i32
        %dma_wait3A_296 = tpu.memref_slice %arg10[%run_scoped3A_127, %dma_wait3A_295] : memref<5x80xi32, #tpu.memory_space<vmem>> -> memref<1x80xi32, #tpu.memory_space<vmem>>
        %dma_wait3A_297 = tpu.memref_squeeze %dma_wait3A_296 : memref<1x80xi32, #tpu.memory_space<vmem>> -> memref<80xi32, #tpu.memory_space<vmem>>
        %dma_wait3A_298 = arith.constant 0 : i32
        %dma_wait3A_299 = arith.constant 0 : i32
        %dma_wait3A_300 = tpu.memref_slice %arg13[%dma_wait3A_298, %dma_wait3A_299] : memref<10000x16xf32, #tpu.memory_space<vmem_shared>> -> memref<10000x16xf32, #tpu.memory_space<vmem_shared>>
        tpu.wait_indirect_dma semaphore(%run_scoped3A_288 : memref<!tpu.dma_semaphore, #tpu.memory_space<semaphore_mem>>) src(%arg5 : memref<80x16xf32, #tpu.memory_space<vmem>>) dst(%dma_wait3A_300 : memref<10000x16xf32, #tpu.memory_space<vmem_shared>>)
        tpu.yield
      }) : () -> ()
      %add3A_128 = arith.constant 1 : i32
      %add3A_129 = arith.addi %mul3A_111, %add3A_128 : i32
      %mul3A_130 = arith.constant 5 : i32
      %mul3A_131 = arith.muli %add3A_129, %mul3A_130 : i32
      %add3A_132 = arith.constant 0 : i32
      %add3A_133 = arith.addi %mul3A_131, %add3A_132 : i32
      %mul3A_134 = arith.constant 80 : i32
      %mul3A_135 = arith.muli %add3A_133, %mul3A_134 : i32
      %add3A_136 = arith.addi %mul3A_19, %mul3A_135 : i32
      %dma_start3A_137 = arith.constant 0 : i32
      %dma_start3A_138 = tpu.memref_slice %arg2[%add3A_136, %dma_start3A_137] : memref<320000x16xf32, #tpu.memory_space<hbm>> -> memref<80x16xf32, #tpu.memory_space<hbm>>
      %dma_start3A_139 = arith.constant 0 : i32
      %dma_start3A_140 = tpu.memref_slice %arg2[%add3A_136, %dma_start3A_139] : memref<320000x16xf32, #tpu.memory_space<hbm>> -> memref<80x16xf32, #tpu.memory_space<hbm>>
      tpu.enqueue_dma source(%dma_start3A_140 : memref<80x16xf32, #tpu.memory_space<hbm>>) target(%arg5 : memref<80x16xf32, #tpu.memory_space<vmem>>) target_semaphore(%arg14 : memref<!tpu.dma_semaphore, #tpu.memory_space<semaphore_mem>>)
      %dma_wait3A_141 = arith.constant 0 : i32
      %dma_wait3A_142 = arith.constant 0 : i32
      %dma_wait3A_143 = tpu.memref_slice %arg2[%dma_wait3A_141, %dma_wait3A_142] : memref<320000x16xf32, #tpu.memory_space<hbm>> -> memref<80x16xf32, #tpu.memory_space<hbm>>
      %dma_wait3A_144 = arith.constant 0 : i32
      %dma_wait3A_145 = arith.constant 0 : i32
      %dma_wait3A_146 = tpu.memref_slice %arg2[%dma_wait3A_144, %dma_wait3A_145] : memref<320000x16xf32, #tpu.memory_space<hbm>> -> memref<80x16xf32, #tpu.memory_space<hbm>>
      tpu.wait_dma2 semaphore(%arg15 : memref<!tpu.dma_semaphore, #tpu.memory_space<semaphore_mem>>) src(%dma_wait3A_146 : memref<80x16xf32, #tpu.memory_space<hbm>>) dst(%arg6 : memref<80x16xf32, #tpu.memory_space<vmem>>)
      %run_scoped3A_147 = arith.constant 1 : i32
      "tpu.region"() ({
        %run_scoped3A_288 = tpu.sem_alloc : memref<!tpu.dma_semaphore, #tpu.memory_space<semaphore_mem>>
        %dma_start3A_289 = arith.constant 0 : i32
        %dma_start3A_290 = tpu.memref_slice %arg10[%run_scoped3A_147, %dma_start3A_289] : memref<5x80xi32, #tpu.memory_space<vmem>> -> memref<1x80xi32, #tpu.memory_space<vmem>>
        %dma_start3A_291 = tpu.memref_squeeze %dma_start3A_290 : memref<1x80xi32, #tpu.memory_space<vmem>> -> memref<80xi32, #tpu.memory_space<vmem>>
        %dma_start3A_292 = arith.constant 0 : i32
        %dma_start3A_293 = arith.constant 0 : i32
        %dma_start3A_294 = tpu.memref_slice %arg13[%dma_start3A_292, %dma_start3A_293] : memref<10000x16xf32, #tpu.memory_space<vmem_shared>> -> memref<10000x16xf32, #tpu.memory_space<vmem_shared>>
        tpu.enqueue_indirect_dma source(%arg6 : memref<80x16xf32, #tpu.memory_space<vmem>>) target(%dma_start3A_294 : memref<10000x16xf32, #tpu.memory_space<vmem_shared>>) offsets(%dma_start3A_291 : memref<80xi32, #tpu.memory_space<vmem>>) semaphore(%run_scoped3A_288 : memref<!tpu.dma_semaphore, #tpu.memory_space<semaphore_mem>>) {add = true}
        %dma_wait3A_295 = arith.constant 0 : i32
        %dma_wait3A_296 = tpu.memref_slice %arg10[%run_scoped3A_147, %dma_wait3A_295] : memref<5x80xi32, #tpu.memory_space<vmem>> -> memref<1x80xi32, #tpu.memory_space<vmem>>
        %dma_wait3A_297 = tpu.memref_squeeze %dma_wait3A_296 : memref<1x80xi32, #tpu.memory_space<vmem>> -> memref<80xi32, #tpu.memory_space<vmem>>
        %dma_wait3A_298 = arith.constant 0 : i32
        %dma_wait3A_299 = arith.constant 0 : i32
        %dma_wait3A_300 = tpu.memref_slice %arg13[%dma_wait3A_298, %dma_wait3A_299] : memref<10000x16xf32, #tpu.memory_space<vmem_shared>> -> memref<10000x16xf32, #tpu.memory_space<vmem_shared>>
        tpu.wait_indirect_dma semaphore(%run_scoped3A_288 : memref<!tpu.dma_semaphore, #tpu.memory_space<semaphore_mem>>) src(%arg6 : memref<80x16xf32, #tpu.memory_space<vmem>>) dst(%dma_wait3A_300 : memref<10000x16xf32, #tpu.memory_space<vmem_shared>>)
        tpu.yield
      }) : () -> ()
      %add3A_148 = arith.constant 1 : i32
      %add3A_149 = arith.addi %mul3A_111, %add3A_148 : i32
      %mul3A_150 = arith.constant 5 : i32
      %mul3A_151 = arith.muli %add3A_149, %mul3A_150 : i32
      %add3A_152 = arith.constant 1 : i32
      %add3A_153 = arith.addi %mul3A_151, %add3A_152 : i32
      %mul3A_154 = arith.constant 80 : i32
      %mul3A_155 = arith.muli %add3A_153, %mul3A_154 : i32
      %add3A_156 = arith.addi %mul3A_19, %mul3A_155 : i32
      %dma_start3A_157 = arith.constant 0 : i32
      %dma_start3A_158 = tpu.memref_slice %arg2[%add3A_156, %dma_start3A_157] : memref<320000x16xf32, #tpu.memory_space<hbm>> -> memref<80x16xf32, #tpu.memory_space<hbm>>
      %dma_start3A_159 = arith.constant 0 : i32
      %dma_start3A_160 = tpu.memref_slice %arg2[%add3A_156, %dma_start3A_159] : memref<320000x16xf32, #tpu.memory_space<hbm>> -> memref<80x16xf32, #tpu.memory_space<hbm>>
      tpu.enqueue_dma source(%dma_start3A_160 : memref<80x16xf32, #tpu.memory_space<hbm>>) target(%arg6 : memref<80x16xf32, #tpu.memory_space<vmem>>) target_semaphore(%arg15 : memref<!tpu.dma_semaphore, #tpu.memory_space<semaphore_mem>>)
      %dma_wait3A_161 = arith.constant 0 : i32
      %dma_wait3A_162 = arith.constant 0 : i32
      %dma_wait3A_163 = tpu.memref_slice %arg2[%dma_wait3A_161, %dma_wait3A_162] : memref<320000x16xf32, #tpu.memory_space<hbm>> -> memref<80x16xf32, #tpu.memory_space<hbm>>
      %dma_wait3A_164 = arith.constant 0 : i32
      %dma_wait3A_165 = arith.constant 0 : i32
      %dma_wait3A_166 = tpu.memref_slice %arg2[%dma_wait3A_164, %dma_wait3A_165] : memref<320000x16xf32, #tpu.memory_space<hbm>> -> memref<80x16xf32, #tpu.memory_space<hbm>>
      tpu.wait_dma2 semaphore(%arg16 : memref<!tpu.dma_semaphore, #tpu.memory_space<semaphore_mem>>) src(%dma_wait3A_166 : memref<80x16xf32, #tpu.memory_space<hbm>>) dst(%arg7 : memref<80x16xf32, #tpu.memory_space<vmem>>)
      %run_scoped3A_167 = arith.constant 2 : i32
      "tpu.region"() ({
        %run_scoped3A_288 = tpu.sem_alloc : memref<!tpu.dma_semaphore, #tpu.memory_space<semaphore_mem>>
        %dma_start3A_289 = arith.constant 0 : i32
        %dma_start3A_290 = tpu.memref_slice %arg10[%run_scoped3A_167, %dma_start3A_289] : memref<5x80xi32, #tpu.memory_space<vmem>> -> memref<1x80xi32, #tpu.memory_space<vmem>>
        %dma_start3A_291 = tpu.memref_squeeze %dma_start3A_290 : memref<1x80xi32, #tpu.memory_space<vmem>> -> memref<80xi32, #tpu.memory_space<vmem>>
        %dma_start3A_292 = arith.constant 0 : i32
        %dma_start3A_293 = arith.constant 0 : i32
        %dma_start3A_294 = tpu.memref_slice %arg13[%dma_start3A_292, %dma_start3A_293] : memref<10000x16xf32, #tpu.memory_space<vmem_shared>> -> memref<10000x16xf32, #tpu.memory_space<vmem_shared>>
        tpu.enqueue_indirect_dma source(%arg7 : memref<80x16xf32, #tpu.memory_space<vmem>>) target(%dma_start3A_294 : memref<10000x16xf32, #tpu.memory_space<vmem_shared>>) offsets(%dma_start3A_291 : memref<80xi32, #tpu.memory_space<vmem>>) semaphore(%run_scoped3A_288 : memref<!tpu.dma_semaphore, #tpu.memory_space<semaphore_mem>>) {add = true}
        %dma_wait3A_295 = arith.constant 0 : i32
        %dma_wait3A_296 = tpu.memref_slice %arg10[%run_scoped3A_167, %dma_wait3A_295] : memref<5x80xi32, #tpu.memory_space<vmem>> -> memref<1x80xi32, #tpu.memory_space<vmem>>
        %dma_wait3A_297 = tpu.memref_squeeze %dma_wait3A_296 : memref<1x80xi32, #tpu.memory_space<vmem>> -> memref<80xi32, #tpu.memory_space<vmem>>
        %dma_wait3A_298 = arith.constant 0 : i32
        %dma_wait3A_299 = arith.constant 0 : i32
        %dma_wait3A_300 = tpu.memref_slice %arg13[%dma_wait3A_298, %dma_wait3A_299] : memref<10000x16xf32, #tpu.memory_space<vmem_shared>> -> memref<10000x16xf32, #tpu.memory_space<vmem_shared>>
        tpu.wait_indirect_dma semaphore(%run_scoped3A_288 : memref<!tpu.dma_semaphore, #tpu.memory_space<semaphore_mem>>) src(%arg7 : memref<80x16xf32, #tpu.memory_space<vmem>>) dst(%dma_wait3A_300 : memref<10000x16xf32, #tpu.memory_space<vmem_shared>>)
        tpu.yield
      }) : () -> ()
      %add3A_168 = arith.constant 1 : i32
      %add3A_169 = arith.addi %mul3A_111, %add3A_168 : i32
      %mul3A_170 = arith.constant 5 : i32
      %mul3A_171 = arith.muli %add3A_169, %mul3A_170 : i32
      %add3A_172 = arith.constant 2 : i32
      %add3A_173 = arith.addi %mul3A_171, %add3A_172 : i32
      %mul3A_174 = arith.constant 80 : i32
      %mul3A_175 = arith.muli %add3A_173, %mul3A_174 : i32
      %add3A_176 = arith.addi %mul3A_19, %mul3A_175 : i32
      %dma_start3A_177 = arith.constant 0 : i32
      %dma_start3A_178 = tpu.memref_slice %arg2[%add3A_176, %dma_start3A_177] : memref<320000x16xf32, #tpu.memory_space<hbm>> -> memref<80x16xf32, #tpu.memory_space<hbm>>
      %dma_start3A_179 = arith.constant 0 : i32
      %dma_start3A_180 = tpu.memref_slice %arg2[%add3A_176, %dma_start3A_179] : memref<320000x16xf32, #tpu.memory_space<hbm>> -> memref<80x16xf32, #tpu.memory_space<hbm>>
      tpu.enqueue_dma source(%dma_start3A_180 : memref<80x16xf32, #tpu.memory_space<hbm>>) target(%arg7 : memref<80x16xf32, #tpu.memory_space<vmem>>) target_semaphore(%arg16 : memref<!tpu.dma_semaphore, #tpu.memory_space<semaphore_mem>>)
      %dma_wait3A_181 = arith.constant 0 : i32
      %dma_wait3A_182 = arith.constant 0 : i32
      %dma_wait3A_183 = tpu.memref_slice %arg2[%dma_wait3A_181, %dma_wait3A_182] : memref<320000x16xf32, #tpu.memory_space<hbm>> -> memref<80x16xf32, #tpu.memory_space<hbm>>
      %dma_wait3A_184 = arith.constant 0 : i32
      %dma_wait3A_185 = arith.constant 0 : i32
      %dma_wait3A_186 = tpu.memref_slice %arg2[%dma_wait3A_184, %dma_wait3A_185] : memref<320000x16xf32, #tpu.memory_space<hbm>> -> memref<80x16xf32, #tpu.memory_space<hbm>>
      tpu.wait_dma2 semaphore(%arg17 : memref<!tpu.dma_semaphore, #tpu.memory_space<semaphore_mem>>) src(%dma_wait3A_186 : memref<80x16xf32, #tpu.memory_space<hbm>>) dst(%arg8 : memref<80x16xf32, #tpu.memory_space<vmem>>)
      %run_scoped3A_187 = arith.constant 3 : i32
      "tpu.region"() ({
        %run_scoped3A_288 = tpu.sem_alloc : memref<!tpu.dma_semaphore, #tpu.memory_space<semaphore_mem>>
        %dma_start3A_289 = arith.constant 0 : i32
        %dma_start3A_290 = tpu.memref_slice %arg10[%run_scoped3A_187, %dma_start3A_289] : memref<5x80xi32, #tpu.memory_space<vmem>> -> memref<1x80xi32, #tpu.memory_space<vmem>>
        %dma_start3A_291 = tpu.memref_squeeze %dma_start3A_290 : memref<1x80xi32, #tpu.memory_space<vmem>> -> memref<80xi32, #tpu.memory_space<vmem>>
        %dma_start3A_292 = arith.constant 0 : i32
        %dma_start3A_293 = arith.constant 0 : i32
        %dma_start3A_294 = tpu.memref_slice %arg13[%dma_start3A_292, %dma_start3A_293] : memref<10000x16xf32, #tpu.memory_space<vmem_shared>> -> memref<10000x16xf32, #tpu.memory_space<vmem_shared>>
        tpu.enqueue_indirect_dma source(%arg8 : memref<80x16xf32, #tpu.memory_space<vmem>>) target(%dma_start3A_294 : memref<10000x16xf32, #tpu.memory_space<vmem_shared>>) offsets(%dma_start3A_291 : memref<80xi32, #tpu.memory_space<vmem>>) semaphore(%run_scoped3A_288 : memref<!tpu.dma_semaphore, #tpu.memory_space<semaphore_mem>>) {add = true}
        %dma_wait3A_295 = arith.constant 0 : i32
        %dma_wait3A_296 = tpu.memref_slice %arg10[%run_scoped3A_187, %dma_wait3A_295] : memref<5x80xi32, #tpu.memory_space<vmem>> -> memref<1x80xi32, #tpu.memory_space<vmem>>
        %dma_wait3A_297 = tpu.memref_squeeze %dma_wait3A_296 : memref<1x80xi32, #tpu.memory_space<vmem>> -> memref<80xi32, #tpu.memory_space<vmem>>
        %dma_wait3A_298 = arith.constant 0 : i32
        %dma_wait3A_299 = arith.constant 0 : i32
        %dma_wait3A_300 = tpu.memref_slice %arg13[%dma_wait3A_298, %dma_wait3A_299] : memref<10000x16xf32, #tpu.memory_space<vmem_shared>> -> memref<10000x16xf32, #tpu.memory_space<vmem_shared>>
        tpu.wait_indirect_dma semaphore(%run_scoped3A_288 : memref<!tpu.dma_semaphore, #tpu.memory_space<semaphore_mem>>) src(%arg8 : memref<80x16xf32, #tpu.memory_space<vmem>>) dst(%dma_wait3A_300 : memref<10000x16xf32, #tpu.memory_space<vmem_shared>>)
        tpu.yield
      }) : () -> ()
      %add3A_188 = arith.constant 1 : i32
      %add3A_189 = arith.addi %mul3A_111, %add3A_188 : i32
      %mul3A_190 = arith.constant 5 : i32
      %mul3A_191 = arith.muli %add3A_189, %mul3A_190 : i32
      %add3A_192 = arith.constant 3 : i32
      %add3A_193 = arith.addi %mul3A_191, %add3A_192 : i32
      %mul3A_194 = arith.constant 80 : i32
      %mul3A_195 = arith.muli %add3A_193, %mul3A_194 : i32
      %add3A_196 = arith.addi %mul3A_19, %mul3A_195 : i32
      %dma_start3A_197 = arith.constant 0 : i32
      %dma_start3A_198 = tpu.memref_slice %arg2[%add3A_196, %dma_start3A_197] : memref<320000x16xf32, #tpu.memory_space<hbm>> -> memref<80x16xf32, #tpu.memory_space<hbm>>
      %dma_start3A_199 = arith.constant 0 : i32
      %dma_start3A_200 = tpu.memref_slice %arg2[%add3A_196, %dma_start3A_199] : memref<320000x16xf32, #tpu.memory_space<hbm>> -> memref<80x16xf32, #tpu.memory_space<hbm>>
      tpu.enqueue_dma source(%dma_start3A_200 : memref<80x16xf32, #tpu.memory_space<hbm>>) target(%arg8 : memref<80x16xf32, #tpu.memory_space<vmem>>) target_semaphore(%arg17 : memref<!tpu.dma_semaphore, #tpu.memory_space<semaphore_mem>>)
      %dma_wait3A_201 = arith.constant 0 : i32
      %dma_wait3A_202 = arith.constant 0 : i32
      %dma_wait3A_203 = tpu.memref_slice %arg2[%dma_wait3A_201, %dma_wait3A_202] : memref<320000x16xf32, #tpu.memory_space<hbm>> -> memref<80x16xf32, #tpu.memory_space<hbm>>
      %dma_wait3A_204 = arith.constant 0 : i32
      %dma_wait3A_205 = arith.constant 0 : i32
      %dma_wait3A_206 = tpu.memref_slice %arg2[%dma_wait3A_204, %dma_wait3A_205] : memref<320000x16xf32, #tpu.memory_space<hbm>> -> memref<80x16xf32, #tpu.memory_space<hbm>>
      tpu.wait_dma2 semaphore(%arg18 : memref<!tpu.dma_semaphore, #tpu.memory_space<semaphore_mem>>) src(%dma_wait3A_206 : memref<80x16xf32, #tpu.memory_space<hbm>>) dst(%arg9 : memref<80x16xf32, #tpu.memory_space<vmem>>)
      %run_scoped3A_207 = arith.constant 4 : i32
      "tpu.region"() ({
        %run_scoped3A_288 = tpu.sem_alloc : memref<!tpu.dma_semaphore, #tpu.memory_space<semaphore_mem>>
        %dma_start3A_289 = arith.constant 0 : i32
        %dma_start3A_290 = tpu.memref_slice %arg10[%run_scoped3A_207, %dma_start3A_289] : memref<5x80xi32, #tpu.memory_space<vmem>> -> memref<1x80xi32, #tpu.memory_space<vmem>>
        %dma_start3A_291 = tpu.memref_squeeze %dma_start3A_290 : memref<1x80xi32, #tpu.memory_space<vmem>> -> memref<80xi32, #tpu.memory_space<vmem>>
        %dma_start3A_292 = arith.constant 0 : i32
        %dma_start3A_293 = arith.constant 0 : i32
        %dma_start3A_294 = tpu.memref_slice %arg13[%dma_start3A_292, %dma_start3A_293] : memref<10000x16xf32, #tpu.memory_space<vmem_shared>> -> memref<10000x16xf32, #tpu.memory_space<vmem_shared>>
        tpu.enqueue_indirect_dma source(%arg9 : memref<80x16xf32, #tpu.memory_space<vmem>>) target(%dma_start3A_294 : memref<10000x16xf32, #tpu.memory_space<vmem_shared>>) offsets(%dma_start3A_291 : memref<80xi32, #tpu.memory_space<vmem>>) semaphore(%run_scoped3A_288 : memref<!tpu.dma_semaphore, #tpu.memory_space<semaphore_mem>>) {add = true}
        %dma_wait3A_295 = arith.constant 0 : i32
        %dma_wait3A_296 = tpu.memref_slice %arg10[%run_scoped3A_207, %dma_wait3A_295] : memref<5x80xi32, #tpu.memory_space<vmem>> -> memref<1x80xi32, #tpu.memory_space<vmem>>
        %dma_wait3A_297 = tpu.memref_squeeze %dma_wait3A_296 : memref<1x80xi32, #tpu.memory_space<vmem>> -> memref<80xi32, #tpu.memory_space<vmem>>
        %dma_wait3A_298 = arith.constant 0 : i32
        %dma_wait3A_299 = arith.constant 0 : i32
        %dma_wait3A_300 = tpu.memref_slice %arg13[%dma_wait3A_298, %dma_wait3A_299] : memref<10000x16xf32, #tpu.memory_space<vmem_shared>> -> memref<10000x16xf32, #tpu.memory_space<vmem_shared>>
        tpu.wait_indirect_dma semaphore(%run_scoped3A_288 : memref<!tpu.dma_semaphore, #tpu.memory_space<semaphore_mem>>) src(%arg9 : memref<80x16xf32, #tpu.memory_space<vmem>>) dst(%dma_wait3A_300 : memref<10000x16xf32, #tpu.memory_space<vmem_shared>>)
        tpu.yield
      }) : () -> ()
      %add3A_208 = arith.constant 1 : i32
      %add3A_209 = arith.addi %mul3A_111, %add3A_208 : i32
      %mul3A_210 = arith.constant 5 : i32
      %mul3A_211 = arith.muli %add3A_209, %mul3A_210 : i32
      %add3A_212 = arith.constant 4 : i32
      %add3A_213 = arith.addi %mul3A_211, %add3A_212 : i32
      %mul3A_214 = arith.constant 80 : i32
      %mul3A_215 = arith.muli %add3A_213, %mul3A_214 : i32
      %add3A_216 = arith.addi %mul3A_19, %mul3A_215 : i32
      %dma_start3A_217 = arith.constant 0 : i32
      %dma_start3A_218 = tpu.memref_slice %arg2[%add3A_216, %dma_start3A_217] : memref<320000x16xf32, #tpu.memory_space<hbm>> -> memref<80x16xf32, #tpu.memory_space<hbm>>
      %dma_start3A_219 = arith.constant 0 : i32
      %dma_start3A_220 = tpu.memref_slice %arg2[%add3A_216, %dma_start3A_219] : memref<320000x16xf32, #tpu.memory_space<hbm>> -> memref<80x16xf32, #tpu.memory_space<hbm>>
      tpu.enqueue_dma source(%dma_start3A_220 : memref<80x16xf32, #tpu.memory_space<hbm>>) target(%arg9 : memref<80x16xf32, #tpu.memory_space<vmem>>) target_semaphore(%arg18 : memref<!tpu.dma_semaphore, #tpu.memory_space<semaphore_mem>>)
      %add3A_221 = arith.constant 2 : i32
      %add3A_222 = arith.addi %mul3A_111, %add3A_221 : i32
      %lt3A = arith.constant 25 : i32
      %lt3A_223 = arith.cmpi slt, %add3A_222, %lt3A : i32
      %convert_element_type3A = arith.extui %lt3A_223 : i1 to i32
      %cond3A = arith.constant 0 : i32
      %cond3A_224 = arith.cmpi ne, %convert_element_type3A, %cond3A : i32
      scf.if %cond3A_224 {
        %add3A_288 = arith.constant 2 : i32
        %add3A_289 = arith.addi %mul3A_111, %add3A_288 : i32
        %dma_start3A_290 = arith.constant 0 : i32
        %dma_start3A_291 = arith.constant 0 : i32
        %dma_start3A_292 = tpu.memref_slice %arg3[%add3A, %add3A_289, %dma_start3A_290, %dma_start3A_291] : memref<32x25x5x80xi32, #tpu.memory_space<hbm>> -> memref<1x1x5x80xi32, #tpu.memory_space<hbm>>
        %dma_start3A_293 = tpu.memref_squeeze %dma_start3A_292 : memref<1x1x5x80xi32, #tpu.memory_space<hbm>> -> memref<5x80xi32, #tpu.memory_space<hbm>>
        %dma_start3A_294 = arith.constant 0 : i32
        %dma_start3A_295 = arith.constant 0 : i32
        %dma_start3A_296 = tpu.memref_slice %arg3[%add3A, %add3A_289, %dma_start3A_294, %dma_start3A_295] : memref<32x25x5x80xi32, #tpu.memory_space<hbm>> -> memref<1x1x5x80xi32, #tpu.memory_space<hbm>>
        %dma_start3A_297 = tpu.memref_squeeze %dma_start3A_296 : memref<1x1x5x80xi32, #tpu.memory_space<hbm>> -> memref<5x80xi32, #tpu.memory_space<hbm>>
        tpu.enqueue_dma source(%dma_start3A_297 : memref<5x80xi32, #tpu.memory_space<hbm>>) target(%arg10 : memref<5x80xi32, #tpu.memory_space<vmem>>) target_semaphore(%arg19 : memref<!tpu.dma_semaphore, #tpu.memory_space<semaphore_mem>>)
        %dma_wait3A_298 = arith.constant 0 : i32
        %dma_wait3A_299 = arith.constant 0 : i32
        %dma_wait3A_300 = arith.constant 0 : i32
        %dma_wait3A_301 = tpu.memref_slice %arg3[%add3A, %dma_wait3A_298, %dma_wait3A_299, %dma_wait3A_300] : memref<32x25x5x80xi32, #tpu.memory_space<hbm>> -> memref<1x1x5x80xi32, #tpu.memory_space<hbm>>
        %dma_wait3A_302 = tpu.memref_squeeze %dma_wait3A_301 : memref<1x1x5x80xi32, #tpu.memory_space<hbm>> -> memref<5x80xi32, #tpu.memory_space<hbm>>
        %dma_wait3A_303 = arith.constant 0 : i32
        %dma_wait3A_304 = arith.constant 0 : i32
        %dma_wait3A_305 = tpu.memref_slice %arg3[%add3A, %dma_wait3A_298, %dma_wait3A_303, %dma_wait3A_304] : memref<32x25x5x80xi32, #tpu.memory_space<hbm>> -> memref<1x1x5x80xi32, #tpu.memory_space<hbm>>
        %dma_wait3A_306 = tpu.memref_squeeze %dma_wait3A_305 : memref<1x1x5x80xi32, #tpu.memory_space<hbm>> -> memref<5x80xi32, #tpu.memory_space<hbm>>
        tpu.wait_dma2 semaphore(%arg19 : memref<!tpu.dma_semaphore, #tpu.memory_space<semaphore_mem>>) src(%dma_wait3A_306 : memref<5x80xi32, #tpu.memory_space<hbm>>) dst(%arg10 : memref<5x80xi32, #tpu.memory_space<vmem>>)
      } else {
      }
      %add3A_225 = arith.constant 1 : i32
      %add3A_226 = arith.addi %mul3A_111, %add3A_225 : i32
      %add3A_227 = arith.constant 2 : i32
      %add3A_228 = arith.addi %mul3A_111, %add3A_227 : i32
      %lt3A_229 = arith.constant 25 : i32
      %lt3A_230 = arith.cmpi slt, %add3A_228, %lt3A_229 : i32
      %dma_wait3A_231 = arith.constant 0 : i32
      %dma_wait3A_232 = arith.constant 0 : i32
      %dma_wait3A_233 = tpu.memref_slice %arg2[%dma_wait3A_231, %dma_wait3A_232] : memref<320000x16xf32, #tpu.memory_space<hbm>> -> memref<80x16xf32, #tpu.memory_space<hbm>>
      %dma_wait3A_234 = arith.constant 0 : i32
      %dma_wait3A_235 = arith.constant 0 : i32
      %dma_wait3A_236 = tpu.memref_slice %arg2[%dma_wait3A_234, %dma_wait3A_235] : memref<320000x16xf32, #tpu.memory_space<hbm>> -> memref<80x16xf32, #tpu.memory_space<hbm>>
      tpu.wait_dma2 semaphore(%arg14 : memref<!tpu.dma_semaphore, #tpu.memory_space<semaphore_mem>>) src(%dma_wait3A_236 : memref<80x16xf32, #tpu.memory_space<hbm>>) dst(%arg5 : memref<80x16xf32, #tpu.memory_space<vmem>>)
      %run_scoped3A_237 = arith.constant 0 : i32
      "tpu.region"() ({
        %run_scoped3A_288 = tpu.sem_alloc : memref<!tpu.dma_semaphore, #tpu.memory_space<semaphore_mem>>
        %dma_start3A_289 = arith.constant 0 : i32
        %dma_start3A_290 = tpu.memref_slice %arg11[%run_scoped3A_237, %dma_start3A_289] : memref<5x80xi32, #tpu.memory_space<vmem>> -> memref<1x80xi32, #tpu.memory_space<vmem>>
        %dma_start3A_291 = tpu.memref_squeeze %dma_start3A_290 : memref<1x80xi32, #tpu.memory_space<vmem>> -> memref<80xi32, #tpu.memory_space<vmem>>
        %dma_start3A_292 = arith.constant 0 : i32
        %dma_start3A_293 = arith.constant 0 : i32
        %dma_start3A_294 = tpu.memref_slice %arg13[%dma_start3A_292, %dma_start3A_293] : memref<10000x16xf32, #tpu.memory_space<vmem_shared>> -> memref<10000x16xf32, #tpu.memory_space<vmem_shared>>
        tpu.enqueue_indirect_dma source(%arg5 : memref<80x16xf32, #tpu.memory_space<vmem>>) target(%dma_start3A_294 : memref<10000x16xf32, #tpu.memory_space<vmem_shared>>) offsets(%dma_start3A_291 : memref<80xi32, #tpu.memory_space<vmem>>) semaphore(%run_scoped3A_288 : memref<!tpu.dma_semaphore, #tpu.memory_space<semaphore_mem>>) {add = true}
        %dma_wait3A_295 = arith.constant 0 : i32
        %dma_wait3A_296 = tpu.memref_slice %arg11[%run_scoped3A_237, %dma_wait3A_295] : memref<5x80xi32, #tpu.memory_space<vmem>> -> memref<1x80xi32, #tpu.memory_space<vmem>>
        %dma_wait3A_297 = tpu.memref_squeeze %dma_wait3A_296 : memref<1x80xi32, #tpu.memory_space<vmem>> -> memref<80xi32, #tpu.memory_space<vmem>>
        %dma_wait3A_298 = arith.constant 0 : i32
        %dma_wait3A_299 = arith.constant 0 : i32
        %dma_wait3A_300 = tpu.memref_slice %arg13[%dma_wait3A_298, %dma_wait3A_299] : memref<10000x16xf32, #tpu.memory_space<vmem_shared>> -> memref<10000x16xf32, #tpu.memory_space<vmem_shared>>
        tpu.wait_indirect_dma semaphore(%run_scoped3A_288 : memref<!tpu.dma_semaphore, #tpu.memory_space<semaphore_mem>>) src(%arg5 : memref<80x16xf32, #tpu.memory_space<vmem>>) dst(%dma_wait3A_300 : memref<10000x16xf32, #tpu.memory_space<vmem_shared>>)
        tpu.yield
      }) : () -> ()
      %convert_element_type3A_238 = arith.extui %lt3A_230 : i1 to i32
      %cond3A_239 = arith.constant 0 : i32
      %cond3A_240 = arith.cmpi ne, %convert_element_type3A_238, %cond3A_239 : i32
      scf.if %cond3A_240 {
        %add3A_288 = arith.constant 1 : i32
        %add3A_289 = arith.addi %add3A_226, %add3A_288 : i32
        %mul3A_290 = arith.constant 5 : i32
        %mul3A_291 = arith.muli %add3A_289, %mul3A_290 : i32
        %add3A_292 = arith.constant 0 : i32
        %add3A_293 = arith.addi %mul3A_291, %add3A_292 : i32
        %mul3A_294 = arith.constant 80 : i32
        %mul3A_295 = arith.muli %add3A_293, %mul3A_294 : i32
        %add3A_296 = arith.addi %mul3A_19, %mul3A_295 : i32
        %dma_start3A_297 = arith.constant 0 : i32
        %dma_start3A_298 = tpu.memref_slice %arg2[%add3A_296, %dma_start3A_297] : memref<320000x16xf32, #tpu.memory_space<hbm>> -> memref<80x16xf32, #tpu.memory_space<hbm>>
        %dma_start3A_299 = arith.constant 0 : i32
        %dma_start3A_300 = tpu.memref_slice %arg2[%add3A_296, %dma_start3A_299] : memref<320000x16xf32, #tpu.memory_space<hbm>> -> memref<80x16xf32, #tpu.memory_space<hbm>>
        tpu.enqueue_dma source(%dma_start3A_300 : memref<80x16xf32, #tpu.memory_space<hbm>>) target(%arg5 : memref<80x16xf32, #tpu.memory_space<vmem>>) target_semaphore(%arg14 : memref<!tpu.dma_semaphore, #tpu.memory_space<semaphore_mem>>)
      } else {
      }
      %dma_wait3A_241 = arith.constant 0 : i32
      %dma_wait3A_242 = arith.constant 0 : i32
      %dma_wait3A_243 = tpu.memref_slice %arg2[%dma_wait3A_241, %dma_wait3A_242] : memref<320000x16xf32, #tpu.memory_space<hbm>> -> memref<80x16xf32, #tpu.memory_space<hbm>>
      %dma_wait3A_244 = arith.constant 0 : i32
      %dma_wait3A_245 = arith.constant 0 : i32
      %dma_wait3A_246 = tpu.memref_slice %arg2[%dma_wait3A_244, %dma_wait3A_245] : memref<320000x16xf32, #tpu.memory_space<hbm>> -> memref<80x16xf32, #tpu.memory_space<hbm>>
      tpu.wait_dma2 semaphore(%arg15 : memref<!tpu.dma_semaphore, #tpu.memory_space<semaphore_mem>>) src(%dma_wait3A_246 : memref<80x16xf32, #tpu.memory_space<hbm>>) dst(%arg6 : memref<80x16xf32, #tpu.memory_space<vmem>>)
      %run_scoped3A_247 = arith.constant 1 : i32
      "tpu.region"() ({
        %run_scoped3A_288 = tpu.sem_alloc : memref<!tpu.dma_semaphore, #tpu.memory_space<semaphore_mem>>
        %dma_start3A_289 = arith.constant 0 : i32
        %dma_start3A_290 = tpu.memref_slice %arg11[%run_scoped3A_247, %dma_start3A_289] : memref<5x80xi32, #tpu.memory_space<vmem>> -> memref<1x80xi32, #tpu.memory_space<vmem>>
        %dma_start3A_291 = tpu.memref_squeeze %dma_start3A_290 : memref<1x80xi32, #tpu.memory_space<vmem>> -> memref<80xi32, #tpu.memory_space<vmem>>
        %dma_start3A_292 = arith.constant 0 : i32
        %dma_start3A_293 = arith.constant 0 : i32
        %dma_start3A_294 = tpu.memref_slice %arg13[%dma_start3A_292, %dma_start3A_293] : memref<10000x16xf32, #tpu.memory_space<vmem_shared>> -> memref<10000x16xf32, #tpu.memory_space<vmem_shared>>
        tpu.enqueue_indirect_dma source(%arg6 : memref<80x16xf32, #tpu.memory_space<vmem>>) target(%dma_start3A_294 : memref<10000x16xf32, #tpu.memory_space<vmem_shared>>) offsets(%dma_start3A_291 : memref<80xi32, #tpu.memory_space<vmem>>) semaphore(%run_scoped3A_288 : memref<!tpu.dma_semaphore, #tpu.memory_space<semaphore_mem>>) {add = true}
        %dma_wait3A_295 = arith.constant 0 : i32
        %dma_wait3A_296 = tpu.memref_slice %arg11[%run_scoped3A_247, %dma_wait3A_295] : memref<5x80xi32, #tpu.memory_space<vmem>> -> memref<1x80xi32, #tpu.memory_space<vmem>>
        %dma_wait3A_297 = tpu.memref_squeeze %dma_wait3A_296 : memref<1x80xi32, #tpu.memory_space<vmem>> -> memref<80xi32, #tpu.memory_space<vmem>>
        %dma_wait3A_298 = arith.constant 0 : i32
        %dma_wait3A_299 = arith.constant 0 : i32
        %dma_wait3A_300 = tpu.memref_slice %arg13[%dma_wait3A_298, %dma_wait3A_299] : memref<10000x16xf32, #tpu.memory_space<vmem_shared>> -> memref<10000x16xf32, #tpu.memory_space<vmem_shared>>
        tpu.wait_indirect_dma semaphore(%run_scoped3A_288 : memref<!tpu.dma_semaphore, #tpu.memory_space<semaphore_mem>>) src(%arg6 : memref<80x16xf32, #tpu.memory_space<vmem>>) dst(%dma_wait3A_300 : memref<10000x16xf32, #tpu.memory_space<vmem_shared>>)
        tpu.yield
      }) : () -> ()
      %convert_element_type3A_248 = arith.extui %lt3A_230 : i1 to i32
      %cond3A_249 = arith.constant 0 : i32
      %cond3A_250 = arith.cmpi ne, %convert_element_type3A_248, %cond3A_249 : i32
      scf.if %cond3A_250 {
        %add3A_288 = arith.constant 1 : i32
        %add3A_289 = arith.addi %add3A_226, %add3A_288 : i32
        %mul3A_290 = arith.constant 5 : i32
        %mul3A_291 = arith.muli %add3A_289, %mul3A_290 : i32
        %add3A_292 = arith.constant 1 : i32
        %add3A_293 = arith.addi %mul3A_291, %add3A_292 : i32
        %mul3A_294 = arith.constant 80 : i32
        %mul3A_295 = arith.muli %add3A_293, %mul3A_294 : i32
        %add3A_296 = arith.addi %mul3A_19, %mul3A_295 : i32
        %dma_start3A_297 = arith.constant 0 : i32
        %dma_start3A_298 = tpu.memref_slice %arg2[%add3A_296, %dma_start3A_297] : memref<320000x16xf32, #tpu.memory_space<hbm>> -> memref<80x16xf32, #tpu.memory_space<hbm>>
        %dma_start3A_299 = arith.constant 0 : i32
        %dma_start3A_300 = tpu.memref_slice %arg2[%add3A_296, %dma_start3A_299] : memref<320000x16xf32, #tpu.memory_space<hbm>> -> memref<80x16xf32, #tpu.memory_space<hbm>>
        tpu.enqueue_dma source(%dma_start3A_300 : memref<80x16xf32, #tpu.memory_space<hbm>>) target(%arg6 : memref<80x16xf32, #tpu.memory_space<vmem>>) target_semaphore(%arg15 : memref<!tpu.dma_semaphore, #tpu.memory_space<semaphore_mem>>)
      } else {
      }
      %dma_wait3A_251 = arith.constant 0 : i32
      %dma_wait3A_252 = arith.constant 0 : i32
      %dma_wait3A_253 = tpu.memref_slice %arg2[%dma_wait3A_251, %dma_wait3A_252] : memref<320000x16xf32, #tpu.memory_space<hbm>> -> memref<80x16xf32, #tpu.memory_space<hbm>>
      %dma_wait3A_254 = arith.constant 0 : i32
      %dma_wait3A_255 = arith.constant 0 : i32
      %dma_wait3A_256 = tpu.memref_slice %arg2[%dma_wait3A_254, %dma_wait3A_255] : memref<320000x16xf32, #tpu.memory_space<hbm>> -> memref<80x16xf32, #tpu.memory_space<hbm>>
      tpu.wait_dma2 semaphore(%arg16 : memref<!tpu.dma_semaphore, #tpu.memory_space<semaphore_mem>>) src(%dma_wait3A_256 : memref<80x16xf32, #tpu.memory_space<hbm>>) dst(%arg7 : memref<80x16xf32, #tpu.memory_space<vmem>>)
      %run_scoped3A_257 = arith.constant 2 : i32
      "tpu.region"() ({
        %run_scoped3A_288 = tpu.sem_alloc : memref<!tpu.dma_semaphore, #tpu.memory_space<semaphore_mem>>
        %dma_start3A_289 = arith.constant 0 : i32
        %dma_start3A_290 = tpu.memref_slice %arg11[%run_scoped3A_257, %dma_start3A_289] : memref<5x80xi32, #tpu.memory_space<vmem>> -> memref<1x80xi32, #tpu.memory_space<vmem>>
        %dma_start3A_291 = tpu.memref_squeeze %dma_start3A_290 : memref<1x80xi32, #tpu.memory_space<vmem>> -> memref<80xi32, #tpu.memory_space<vmem>>
        %dma_start3A_292 = arith.constant 0 : i32
        %dma_start3A_293 = arith.constant 0 : i32
        %dma_start3A_294 = tpu.memref_slice %arg13[%dma_start3A_292, %dma_start3A_293] : memref<10000x16xf32, #tpu.memory_space<vmem_shared>> -> memref<10000x16xf32, #tpu.memory_space<vmem_shared>>
        tpu.enqueue_indirect_dma source(%arg7 : memref<80x16xf32, #tpu.memory_space<vmem>>) target(%dma_start3A_294 : memref<10000x16xf32, #tpu.memory_space<vmem_shared>>) offsets(%dma_start3A_291 : memref<80xi32, #tpu.memory_space<vmem>>) semaphore(%run_scoped3A_288 : memref<!tpu.dma_semaphore, #tpu.memory_space<semaphore_mem>>) {add = true}
        %dma_wait3A_295 = arith.constant 0 : i32
        %dma_wait3A_296 = tpu.memref_slice %arg11[%run_scoped3A_257, %dma_wait3A_295] : memref<5x80xi32, #tpu.memory_space<vmem>> -> memref<1x80xi32, #tpu.memory_space<vmem>>
        %dma_wait3A_297 = tpu.memref_squeeze %dma_wait3A_296 : memref<1x80xi32, #tpu.memory_space<vmem>> -> memref<80xi32, #tpu.memory_space<vmem>>
        %dma_wait3A_298 = arith.constant 0 : i32
        %dma_wait3A_299 = arith.constant 0 : i32
        %dma_wait3A_300 = tpu.memref_slice %arg13[%dma_wait3A_298, %dma_wait3A_299] : memref<10000x16xf32, #tpu.memory_space<vmem_shared>> -> memref<10000x16xf32, #tpu.memory_space<vmem_shared>>
        tpu.wait_indirect_dma semaphore(%run_scoped3A_288 : memref<!tpu.dma_semaphore, #tpu.memory_space<semaphore_mem>>) src(%arg7 : memref<80x16xf32, #tpu.memory_space<vmem>>) dst(%dma_wait3A_300 : memref<10000x16xf32, #tpu.memory_space<vmem_shared>>)
        tpu.yield
      }) : () -> ()
      %convert_element_type3A_258 = arith.extui %lt3A_230 : i1 to i32
      %cond3A_259 = arith.constant 0 : i32
      %cond3A_260 = arith.cmpi ne, %convert_element_type3A_258, %cond3A_259 : i32
      scf.if %cond3A_260 {
        %add3A_288 = arith.constant 1 : i32
        %add3A_289 = arith.addi %add3A_226, %add3A_288 : i32
        %mul3A_290 = arith.constant 5 : i32
        %mul3A_291 = arith.muli %add3A_289, %mul3A_290 : i32
        %add3A_292 = arith.constant 2 : i32
        %add3A_293 = arith.addi %mul3A_291, %add3A_292 : i32
        %mul3A_294 = arith.constant 80 : i32
        %mul3A_295 = arith.muli %add3A_293, %mul3A_294 : i32
        %add3A_296 = arith.addi %mul3A_19, %mul3A_295 : i32
        %dma_start3A_297 = arith.constant 0 : i32
        %dma_start3A_298 = tpu.memref_slice %arg2[%add3A_296, %dma_start3A_297] : memref<320000x16xf32, #tpu.memory_space<hbm>> -> memref<80x16xf32, #tpu.memory_space<hbm>>
        %dma_start3A_299 = arith.constant 0 : i32
        %dma_start3A_300 = tpu.memref_slice %arg2[%add3A_296, %dma_start3A_299] : memref<320000x16xf32, #tpu.memory_space<hbm>> -> memref<80x16xf32, #tpu.memory_space<hbm>>
        tpu.enqueue_dma source(%dma_start3A_300 : memref<80x16xf32, #tpu.memory_space<hbm>>) target(%arg7 : memref<80x16xf32, #tpu.memory_space<vmem>>) target_semaphore(%arg16 : memref<!tpu.dma_semaphore, #tpu.memory_space<semaphore_mem>>)
      } else {
      }
      %dma_wait3A_261 = arith.constant 0 : i32
      %dma_wait3A_262 = arith.constant 0 : i32
      %dma_wait3A_263 = tpu.memref_slice %arg2[%dma_wait3A_261, %dma_wait3A_262] : memref<320000x16xf32, #tpu.memory_space<hbm>> -> memref<80x16xf32, #tpu.memory_space<hbm>>
      %dma_wait3A_264 = arith.constant 0 : i32
      %dma_wait3A_265 = arith.constant 0 : i32
      %dma_wait3A_266 = tpu.memref_slice %arg2[%dma_wait3A_264, %dma_wait3A_265] : memref<320000x16xf32, #tpu.memory_space<hbm>> -> memref<80x16xf32, #tpu.memory_space<hbm>>
      tpu.wait_dma2 semaphore(%arg17 : memref<!tpu.dma_semaphore, #tpu.memory_space<semaphore_mem>>) src(%dma_wait3A_266 : memref<80x16xf32, #tpu.memory_space<hbm>>) dst(%arg8 : memref<80x16xf32, #tpu.memory_space<vmem>>)
      %run_scoped3A_267 = arith.constant 3 : i32
      "tpu.region"() ({
        %run_scoped3A_288 = tpu.sem_alloc : memref<!tpu.dma_semaphore, #tpu.memory_space<semaphore_mem>>
        %dma_start3A_289 = arith.constant 0 : i32
        %dma_start3A_290 = tpu.memref_slice %arg11[%run_scoped3A_267, %dma_start3A_289] : memref<5x80xi32, #tpu.memory_space<vmem>> -> memref<1x80xi32, #tpu.memory_space<vmem>>
        %dma_start3A_291 = tpu.memref_squeeze %dma_start3A_290 : memref<1x80xi32, #tpu.memory_space<vmem>> -> memref<80xi32, #tpu.memory_space<vmem>>
        %dma_start3A_292 = arith.constant 0 : i32
        %dma_start3A_293 = arith.constant 0 : i32
        %dma_start3A_294 = tpu.memref_slice %arg13[%dma_start3A_292, %dma_start3A_293] : memref<10000x16xf32, #tpu.memory_space<vmem_shared>> -> memref<10000x16xf32, #tpu.memory_space<vmem_shared>>
        tpu.enqueue_indirect_dma source(%arg8 : memref<80x16xf32, #tpu.memory_space<vmem>>) target(%dma_start3A_294 : memref<10000x16xf32, #tpu.memory_space<vmem_shared>>) offsets(%dma_start3A_291 : memref<80xi32, #tpu.memory_space<vmem>>) semaphore(%run_scoped3A_288 : memref<!tpu.dma_semaphore, #tpu.memory_space<semaphore_mem>>) {add = true}
        %dma_wait3A_295 = arith.constant 0 : i32
        %dma_wait3A_296 = tpu.memref_slice %arg11[%run_scoped3A_267, %dma_wait3A_295] : memref<5x80xi32, #tpu.memory_space<vmem>> -> memref<1x80xi32, #tpu.memory_space<vmem>>
        %dma_wait3A_297 = tpu.memref_squeeze %dma_wait3A_296 : memref<1x80xi32, #tpu.memory_space<vmem>> -> memref<80xi32, #tpu.memory_space<vmem>>
        %dma_wait3A_298 = arith.constant 0 : i32
        %dma_wait3A_299 = arith.constant 0 : i32
        %dma_wait3A_300 = tpu.memref_slice %arg13[%dma_wait3A_298, %dma_wait3A_299] : memref<10000x16xf32, #tpu.memory_space<vmem_shared>> -> memref<10000x16xf32, #tpu.memory_space<vmem_shared>>
        tpu.wait_indirect_dma semaphore(%run_scoped3A_288 : memref<!tpu.dma_semaphore, #tpu.memory_space<semaphore_mem>>) src(%arg8 : memref<80x16xf32, #tpu.memory_space<vmem>>) dst(%dma_wait3A_300 : memref<10000x16xf32, #tpu.memory_space<vmem_shared>>)
        tpu.yield
      }) : () -> ()
      %convert_element_type3A_268 = arith.extui %lt3A_230 : i1 to i32
      %cond3A_269 = arith.constant 0 : i32
      %cond3A_270 = arith.cmpi ne, %convert_element_type3A_268, %cond3A_269 : i32
      scf.if %cond3A_270 {
        %add3A_288 = arith.constant 1 : i32
        %add3A_289 = arith.addi %add3A_226, %add3A_288 : i32
        %mul3A_290 = arith.constant 5 : i32
        %mul3A_291 = arith.muli %add3A_289, %mul3A_290 : i32
        %add3A_292 = arith.constant 3 : i32
        %add3A_293 = arith.addi %mul3A_291, %add3A_292 : i32
        %mul3A_294 = arith.constant 80 : i32
        %mul3A_295 = arith.muli %add3A_293, %mul3A_294 : i32
        %add3A_296 = arith.addi %mul3A_19, %mul3A_295 : i32
        %dma_start3A_297 = arith.constant 0 : i32
        %dma_start3A_298 = tpu.memref_slice %arg2[%add3A_296, %dma_start3A_297] : memref<320000x16xf32, #tpu.memory_space<hbm>> -> memref<80x16xf32, #tpu.memory_space<hbm>>
        %dma_start3A_299 = arith.constant 0 : i32
        %dma_start3A_300 = tpu.memref_slice %arg2[%add3A_296, %dma_start3A_299] : memref<320000x16xf32, #tpu.memory_space<hbm>> -> memref<80x16xf32, #tpu.memory_space<hbm>>
        tpu.enqueue_dma source(%dma_start3A_300 : memref<80x16xf32, #tpu.memory_space<hbm>>) target(%arg8 : memref<80x16xf32, #tpu.memory_space<vmem>>) target_semaphore(%arg17 : memref<!tpu.dma_semaphore, #tpu.memory_space<semaphore_mem>>)
      } else {
      }
      %dma_wait3A_271 = arith.constant 0 : i32
      %dma_wait3A_272 = arith.constant 0 : i32
      %dma_wait3A_273 = tpu.memref_slice %arg2[%dma_wait3A_271, %dma_wait3A_272] : memref<320000x16xf32, #tpu.memory_space<hbm>> -> memref<80x16xf32, #tpu.memory_space<hbm>>
      %dma_wait3A_274 = arith.constant 0 : i32
      %dma_wait3A_275 = arith.constant 0 : i32
      %dma_wait3A_276 = tpu.memref_slice %arg2[%dma_wait3A_274, %dma_wait3A_275] : memref<320000x16xf32, #tpu.memory_space<hbm>> -> memref<80x16xf32, #tpu.memory_space<hbm>>
      tpu.wait_dma2 semaphore(%arg18 : memref<!tpu.dma_semaphore, #tpu.memory_space<semaphore_mem>>) src(%dma_wait3A_276 : memref<80x16xf32, #tpu.memory_space<hbm>>) dst(%arg9 : memref<80x16xf32, #tpu.memory_space<vmem>>)
      %run_scoped3A_277 = arith.constant 4 : i32
      "tpu.region"() ({
        %run_scoped3A_288 = tpu.sem_alloc : memref<!tpu.dma_semaphore, #tpu.memory_space<semaphore_mem>>
        %dma_start3A_289 = arith.constant 0 : i32
        %dma_start3A_290 = tpu.memref_slice %arg11[%run_scoped3A_277, %dma_start3A_289] : memref<5x80xi32, #tpu.memory_space<vmem>> -> memref<1x80xi32, #tpu.memory_space<vmem>>
        %dma_start3A_291 = tpu.memref_squeeze %dma_start3A_290 : memref<1x80xi32, #tpu.memory_space<vmem>> -> memref<80xi32, #tpu.memory_space<vmem>>
        %dma_start3A_292 = arith.constant 0 : i32
        %dma_start3A_293 = arith.constant 0 : i32
        %dma_start3A_294 = tpu.memref_slice %arg13[%dma_start3A_292, %dma_start3A_293] : memref<10000x16xf32, #tpu.memory_space<vmem_shared>> -> memref<10000x16xf32, #tpu.memory_space<vmem_shared>>
        tpu.enqueue_indirect_dma source(%arg9 : memref<80x16xf32, #tpu.memory_space<vmem>>) target(%dma_start3A_294 : memref<10000x16xf32, #tpu.memory_space<vmem_shared>>) offsets(%dma_start3A_291 : memref<80xi32, #tpu.memory_space<vmem>>) semaphore(%run_scoped3A_288 : memref<!tpu.dma_semaphore, #tpu.memory_space<semaphore_mem>>) {add = true}
        %dma_wait3A_295 = arith.constant 0 : i32
        %dma_wait3A_296 = tpu.memref_slice %arg11[%run_scoped3A_277, %dma_wait3A_295] : memref<5x80xi32, #tpu.memory_space<vmem>> -> memref<1x80xi32, #tpu.memory_space<vmem>>
        %dma_wait3A_297 = tpu.memref_squeeze %dma_wait3A_296 : memref<1x80xi32, #tpu.memory_space<vmem>> -> memref<80xi32, #tpu.memory_space<vmem>>
        %dma_wait3A_298 = arith.constant 0 : i32
        %dma_wait3A_299 = arith.constant 0 : i32
        %dma_wait3A_300 = tpu.memref_slice %arg13[%dma_wait3A_298, %dma_wait3A_299] : memref<10000x16xf32, #tpu.memory_space<vmem_shared>> -> memref<10000x16xf32, #tpu.memory_space<vmem_shared>>
        tpu.wait_indirect_dma semaphore(%run_scoped3A_288 : memref<!tpu.dma_semaphore, #tpu.memory_space<semaphore_mem>>) src(%arg9 : memref<80x16xf32, #tpu.memory_space<vmem>>) dst(%dma_wait3A_300 : memref<10000x16xf32, #tpu.memory_space<vmem_shared>>)
        tpu.yield
      }) : () -> ()
      %convert_element_type3A_278 = arith.extui %lt3A_230 : i1 to i32
      %cond3A_279 = arith.constant 0 : i32
      %cond3A_280 = arith.cmpi ne, %convert_element_type3A_278, %cond3A_279 : i32
      scf.if %cond3A_280 {
        %add3A_288 = arith.constant 1 : i32
        %add3A_289 = arith.addi %add3A_226, %add3A_288 : i32
        %mul3A_290 = arith.constant 5 : i32
        %mul3A_291 = arith.muli %add3A_289, %mul3A_290 : i32
        %add3A_292 = arith.constant 4 : i32
        %add3A_293 = arith.addi %mul3A_291, %add3A_292 : i32
        %mul3A_294 = arith.constant 80 : i32
        %mul3A_295 = arith.muli %add3A_293, %mul3A_294 : i32
        %add3A_296 = arith.addi %mul3A_19, %mul3A_295 : i32
        %dma_start3A_297 = arith.constant 0 : i32
        %dma_start3A_298 = tpu.memref_slice %arg2[%add3A_296, %dma_start3A_297] : memref<320000x16xf32, #tpu.memory_space<hbm>> -> memref<80x16xf32, #tpu.memory_space<hbm>>
        %dma_start3A_299 = arith.constant 0 : i32
        %dma_start3A_300 = tpu.memref_slice %arg2[%add3A_296, %dma_start3A_299] : memref<320000x16xf32, #tpu.memory_space<hbm>> -> memref<80x16xf32, #tpu.memory_space<hbm>>
        tpu.enqueue_dma source(%dma_start3A_300 : memref<80x16xf32, #tpu.memory_space<hbm>>) target(%arg9 : memref<80x16xf32, #tpu.memory_space<vmem>>) target_semaphore(%arg18 : memref<!tpu.dma_semaphore, #tpu.memory_space<semaphore_mem>>)
      } else {
      }
      %add3A_281 = arith.constant 3 : i32
      %add3A_282 = arith.addi %mul3A_111, %add3A_281 : i32
      %lt3A_283 = arith.constant 25 : i32
      %lt3A_284 = arith.cmpi slt, %add3A_282, %lt3A_283 : i32
      %convert_element_type3A_285 = arith.extui %lt3A_284 : i1 to i32
      %cond3A_286 = arith.constant 0 : i32
      %cond3A_287 = arith.cmpi ne, %convert_element_type3A_285, %cond3A_286 : i32
      scf.if %cond3A_287 {
        %add3A_288 = arith.constant 3 : i32
        %add3A_289 = arith.addi %mul3A_111, %add3A_288 : i32
        %dma_start3A_290 = arith.constant 0 : i32
        %dma_start3A_291 = arith.constant 0 : i32
        %dma_start3A_292 = tpu.memref_slice %arg3[%add3A, %add3A_289, %dma_start3A_290, %dma_start3A_291] : memref<32x25x5x80xi32, #tpu.memory_space<hbm>> -> memref<1x1x5x80xi32, #tpu.memory_space<hbm>>
        %dma_start3A_293 = tpu.memref_squeeze %dma_start3A_292 : memref<1x1x5x80xi32, #tpu.memory_space<hbm>> -> memref<5x80xi32, #tpu.memory_space<hbm>>
        %dma_start3A_294 = arith.constant 0 : i32
        %dma_start3A_295 = arith.constant 0 : i32
        %dma_start3A_296 = tpu.memref_slice %arg3[%add3A, %add3A_289, %dma_start3A_294, %dma_start3A_295] : memref<32x25x5x80xi32, #tpu.memory_space<hbm>> -> memref<1x1x5x80xi32, #tpu.memory_space<hbm>>
        %dma_start3A_297 = tpu.memref_squeeze %dma_start3A_296 : memref<1x1x5x80xi32, #tpu.memory_space<hbm>> -> memref<5x80xi32, #tpu.memory_space<hbm>>
        tpu.enqueue_dma source(%dma_start3A_297 : memref<5x80xi32, #tpu.memory_space<hbm>>) target(%arg11 : memref<5x80xi32, #tpu.memory_space<vmem>>) target_semaphore(%arg20 : memref<!tpu.dma_semaphore, #tpu.memory_space<semaphore_mem>>)
      } else {
      }
    }
    %scan3A_63 = arith.constant 12 : i32
    %dma_wait3A = arith.constant 0 : i32
    %dma_wait3A_64 = arith.constant 0 : i32
    %dma_wait3A_65 = tpu.memref_slice %arg2[%dma_wait3A, %dma_wait3A_64] : memref<320000x16xf32, #tpu.memory_space<hbm>> -> memref<80x16xf32, #tpu.memory_space<hbm>>
    %dma_wait3A_66 = arith.constant 0 : i32
    %dma_wait3A_67 = arith.constant 0 : i32
    %dma_wait3A_68 = tpu.memref_slice %arg2[%dma_wait3A_66, %dma_wait3A_67] : memref<320000x16xf32, #tpu.memory_space<hbm>> -> memref<80x16xf32, #tpu.memory_space<hbm>>
    tpu.wait_dma2 semaphore(%arg14 : memref<!tpu.dma_semaphore, #tpu.memory_space<semaphore_mem>>) src(%dma_wait3A_68 : memref<80x16xf32, #tpu.memory_space<hbm>>) dst(%arg5 : memref<80x16xf32, #tpu.memory_space<vmem>>)
    %run_scoped3A_69 = arith.constant 0 : i32
    "tpu.region"() ({
      %run_scoped3A_109 = tpu.sem_alloc : memref<!tpu.dma_semaphore, #tpu.memory_space<semaphore_mem>>
      %dma_start3A_110 = arith.constant 0 : i32
      %dma_start3A_111 = tpu.memref_slice %arg10[%run_scoped3A_69, %dma_start3A_110] : memref<5x80xi32, #tpu.memory_space<vmem>> -> memref<1x80xi32, #tpu.memory_space<vmem>>
      %dma_start3A_112 = tpu.memref_squeeze %dma_start3A_111 : memref<1x80xi32, #tpu.memory_space<vmem>> -> memref<80xi32, #tpu.memory_space<vmem>>
      %dma_start3A_113 = arith.constant 0 : i32
      %dma_start3A_114 = arith.constant 0 : i32
      %dma_start3A_115 = tpu.memref_slice %arg13[%dma_start3A_113, %dma_start3A_114] : memref<10000x16xf32, #tpu.memory_space<vmem_shared>> -> memref<10000x16xf32, #tpu.memory_space<vmem_shared>>
      tpu.enqueue_indirect_dma source(%arg5 : memref<80x16xf32, #tpu.memory_space<vmem>>) target(%dma_start3A_115 : memref<10000x16xf32, #tpu.memory_space<vmem_shared>>) offsets(%dma_start3A_112 : memref<80xi32, #tpu.memory_space<vmem>>) semaphore(%run_scoped3A_109 : memref<!tpu.dma_semaphore, #tpu.memory_space<semaphore_mem>>) {add = true}
      %dma_wait3A_116 = arith.constant 0 : i32
      %dma_wait3A_117 = tpu.memref_slice %arg10[%run_scoped3A_69, %dma_wait3A_116] : memref<5x80xi32, #tpu.memory_space<vmem>> -> memref<1x80xi32, #tpu.memory_space<vmem>>
      %dma_wait3A_118 = tpu.memref_squeeze %dma_wait3A_117 : memref<1x80xi32, #tpu.memory_space<vmem>> -> memref<80xi32, #tpu.memory_space<vmem>>
      %dma_wait3A_119 = arith.constant 0 : i32
      %dma_wait3A_120 = arith.constant 0 : i32
      %dma_wait3A_121 = tpu.memref_slice %arg13[%dma_wait3A_119, %dma_wait3A_120] : memref<10000x16xf32, #tpu.memory_space<vmem_shared>> -> memref<10000x16xf32, #tpu.memory_space<vmem_shared>>
      tpu.wait_indirect_dma semaphore(%run_scoped3A_109 : memref<!tpu.dma_semaphore, #tpu.memory_space<semaphore_mem>>) src(%arg5 : memref<80x16xf32, #tpu.memory_space<vmem>>) dst(%dma_wait3A_121 : memref<10000x16xf32, #tpu.memory_space<vmem_shared>>)
      tpu.yield
    }) : () -> ()
    %dma_wait3A_70 = arith.constant 0 : i32
    %dma_wait3A_71 = arith.constant 0 : i32
    %dma_wait3A_72 = tpu.memref_slice %arg2[%dma_wait3A_70, %dma_wait3A_71] : memref<320000x16xf32, #tpu.memory_space<hbm>> -> memref<80x16xf32, #tpu.memory_space<hbm>>
    %dma_wait3A_73 = arith.constant 0 : i32
    %dma_wait3A_74 = arith.constant 0 : i32
    %dma_wait3A_75 = tpu.memref_slice %arg2[%dma_wait3A_73, %dma_wait3A_74] : memref<320000x16xf32, #tpu.memory_space<hbm>> -> memref<80x16xf32, #tpu.memory_space<hbm>>
    tpu.wait_dma2 semaphore(%arg15 : memref<!tpu.dma_semaphore, #tpu.memory_space<semaphore_mem>>) src(%dma_wait3A_75 : memref<80x16xf32, #tpu.memory_space<hbm>>) dst(%arg6 : memref<80x16xf32, #tpu.memory_space<vmem>>)
    %run_scoped3A_76 = arith.constant 1 : i32
    "tpu.region"() ({
      %run_scoped3A_109 = tpu.sem_alloc : memref<!tpu.dma_semaphore, #tpu.memory_space<semaphore_mem>>
      %dma_start3A_110 = arith.constant 0 : i32
      %dma_start3A_111 = tpu.memref_slice %arg10[%run_scoped3A_76, %dma_start3A_110] : memref<5x80xi32, #tpu.memory_space<vmem>> -> memref<1x80xi32, #tpu.memory_space<vmem>>
      %dma_start3A_112 = tpu.memref_squeeze %dma_start3A_111 : memref<1x80xi32, #tpu.memory_space<vmem>> -> memref<80xi32, #tpu.memory_space<vmem>>
      %dma_start3A_113 = arith.constant 0 : i32
      %dma_start3A_114 = arith.constant 0 : i32
      %dma_start3A_115 = tpu.memref_slice %arg13[%dma_start3A_113, %dma_start3A_114] : memref<10000x16xf32, #tpu.memory_space<vmem_shared>> -> memref<10000x16xf32, #tpu.memory_space<vmem_shared>>
      tpu.enqueue_indirect_dma source(%arg6 : memref<80x16xf32, #tpu.memory_space<vmem>>) target(%dma_start3A_115 : memref<10000x16xf32, #tpu.memory_space<vmem_shared>>) offsets(%dma_start3A_112 : memref<80xi32, #tpu.memory_space<vmem>>) semaphore(%run_scoped3A_109 : memref<!tpu.dma_semaphore, #tpu.memory_space<semaphore_mem>>) {add = true}
      %dma_wait3A_116 = arith.constant 0 : i32
      %dma_wait3A_117 = tpu.memref_slice %arg10[%run_scoped3A_76, %dma_wait3A_116] : memref<5x80xi32, #tpu.memory_space<vmem>> -> memref<1x80xi32, #tpu.memory_space<vmem>>
      %dma_wait3A_118 = tpu.memref_squeeze %dma_wait3A_117 : memref<1x80xi32, #tpu.memory_space<vmem>> -> memref<80xi32, #tpu.memory_space<vmem>>
      %dma_wait3A_119 = arith.constant 0 : i32
      %dma_wait3A_120 = arith.constant 0 : i32
      %dma_wait3A_121 = tpu.memref_slice %arg13[%dma_wait3A_119, %dma_wait3A_120] : memref<10000x16xf32, #tpu.memory_space<vmem_shared>> -> memref<10000x16xf32, #tpu.memory_space<vmem_shared>>
      tpu.wait_indirect_dma semaphore(%run_scoped3A_109 : memref<!tpu.dma_semaphore, #tpu.memory_space<semaphore_mem>>) src(%arg6 : memref<80x16xf32, #tpu.memory_space<vmem>>) dst(%dma_wait3A_121 : memref<10000x16xf32, #tpu.memory_space<vmem_shared>>)
      tpu.yield
    }) : () -> ()
    %dma_wait3A_77 = arith.constant 0 : i32
    %dma_wait3A_78 = arith.constant 0 : i32
    %dma_wait3A_79 = tpu.memref_slice %arg2[%dma_wait3A_77, %dma_wait3A_78] : memref<320000x16xf32, #tpu.memory_space<hbm>> -> memref<80x16xf32, #tpu.memory_space<hbm>>
    %dma_wait3A_80 = arith.constant 0 : i32
    %dma_wait3A_81 = arith.constant 0 : i32
    %dma_wait3A_82 = tpu.memref_slice %arg2[%dma_wait3A_80, %dma_wait3A_81] : memref<320000x16xf32, #tpu.memory_space<hbm>> -> memref<80x16xf32, #tpu.memory_space<hbm>>
    tpu.wait_dma2 semaphore(%arg16 : memref<!tpu.dma_semaphore, #tpu.memory_space<semaphore_mem>>) src(%dma_wait3A_82 : memref<80x16xf32, #tpu.memory_space<hbm>>) dst(%arg7 : memref<80x16xf32, #tpu.memory_space<vmem>>)
    %run_scoped3A_83 = arith.constant 2 : i32
    "tpu.region"() ({
      %run_scoped3A_109 = tpu.sem_alloc : memref<!tpu.dma_semaphore, #tpu.memory_space<semaphore_mem>>
      %dma_start3A_110 = arith.constant 0 : i32
      %dma_start3A_111 = tpu.memref_slice %arg10[%run_scoped3A_83, %dma_start3A_110] : memref<5x80xi32, #tpu.memory_space<vmem>> -> memref<1x80xi32, #tpu.memory_space<vmem>>
      %dma_start3A_112 = tpu.memref_squeeze %dma_start3A_111 : memref<1x80xi32, #tpu.memory_space<vmem>> -> memref<80xi32, #tpu.memory_space<vmem>>
      %dma_start3A_113 = arith.constant 0 : i32
      %dma_start3A_114 = arith.constant 0 : i32
      %dma_start3A_115 = tpu.memref_slice %arg13[%dma_start3A_113, %dma_start3A_114] : memref<10000x16xf32, #tpu.memory_space<vmem_shared>> -> memref<10000x16xf32, #tpu.memory_space<vmem_shared>>
      tpu.enqueue_indirect_dma source(%arg7 : memref<80x16xf32, #tpu.memory_space<vmem>>) target(%dma_start3A_115 : memref<10000x16xf32, #tpu.memory_space<vmem_shared>>) offsets(%dma_start3A_112 : memref<80xi32, #tpu.memory_space<vmem>>) semaphore(%run_scoped3A_109 : memref<!tpu.dma_semaphore, #tpu.memory_space<semaphore_mem>>) {add = true}
      %dma_wait3A_116 = arith.constant 0 : i32
      %dma_wait3A_117 = tpu.memref_slice %arg10[%run_scoped3A_83, %dma_wait3A_116] : memref<5x80xi32, #tpu.memory_space<vmem>> -> memref<1x80xi32, #tpu.memory_space<vmem>>
      %dma_wait3A_118 = tpu.memref_squeeze %dma_wait3A_117 : memref<1x80xi32, #tpu.memory_space<vmem>> -> memref<80xi32, #tpu.memory_space<vmem>>
      %dma_wait3A_119 = arith.constant 0 : i32
      %dma_wait3A_120 = arith.constant 0 : i32
      %dma_wait3A_121 = tpu.memref_slice %arg13[%dma_wait3A_119, %dma_wait3A_120] : memref<10000x16xf32, #tpu.memory_space<vmem_shared>> -> memref<10000x16xf32, #tpu.memory_space<vmem_shared>>
      tpu.wait_indirect_dma semaphore(%run_scoped3A_109 : memref<!tpu.dma_semaphore, #tpu.memory_space<semaphore_mem>>) src(%arg7 : memref<80x16xf32, #tpu.memory_space<vmem>>) dst(%dma_wait3A_121 : memref<10000x16xf32, #tpu.memory_space<vmem_shared>>)
      tpu.yield
    }) : () -> ()
    %dma_wait3A_84 = arith.constant 0 : i32
    %dma_wait3A_85 = arith.constant 0 : i32
    %dma_wait3A_86 = tpu.memref_slice %arg2[%dma_wait3A_84, %dma_wait3A_85] : memref<320000x16xf32, #tpu.memory_space<hbm>> -> memref<80x16xf32, #tpu.memory_space<hbm>>
    %dma_wait3A_87 = arith.constant 0 : i32
    %dma_wait3A_88 = arith.constant 0 : i32
    %dma_wait3A_89 = tpu.memref_slice %arg2[%dma_wait3A_87, %dma_wait3A_88] : memref<320000x16xf32, #tpu.memory_space<hbm>> -> memref<80x16xf32, #tpu.memory_space<hbm>>
    tpu.wait_dma2 semaphore(%arg17 : memref<!tpu.dma_semaphore, #tpu.memory_space<semaphore_mem>>) src(%dma_wait3A_89 : memref<80x16xf32, #tpu.memory_space<hbm>>) dst(%arg8 : memref<80x16xf32, #tpu.memory_space<vmem>>)
    %run_scoped3A_90 = arith.constant 3 : i32
    "tpu.region"() ({
      %run_scoped3A_109 = tpu.sem_alloc : memref<!tpu.dma_semaphore, #tpu.memory_space<semaphore_mem>>
      %dma_start3A_110 = arith.constant 0 : i32
      %dma_start3A_111 = tpu.memref_slice %arg10[%run_scoped3A_90, %dma_start3A_110] : memref<5x80xi32, #tpu.memory_space<vmem>> -> memref<1x80xi32, #tpu.memory_space<vmem>>
      %dma_start3A_112 = tpu.memref_squeeze %dma_start3A_111 : memref<1x80xi32, #tpu.memory_space<vmem>> -> memref<80xi32, #tpu.memory_space<vmem>>
      %dma_start3A_113 = arith.constant 0 : i32
      %dma_start3A_114 = arith.constant 0 : i32
      %dma_start3A_115 = tpu.memref_slice %arg13[%dma_start3A_113, %dma_start3A_114] : memref<10000x16xf32, #tpu.memory_space<vmem_shared>> -> memref<10000x16xf32, #tpu.memory_space<vmem_shared>>
      tpu.enqueue_indirect_dma source(%arg8 : memref<80x16xf32, #tpu.memory_space<vmem>>) target(%dma_start3A_115 : memref<10000x16xf32, #tpu.memory_space<vmem_shared>>) offsets(%dma_start3A_112 : memref<80xi32, #tpu.memory_space<vmem>>) semaphore(%run_scoped3A_109 : memref<!tpu.dma_semaphore, #tpu.memory_space<semaphore_mem>>) {add = true}
      %dma_wait3A_116 = arith.constant 0 : i32
      %dma_wait3A_117 = tpu.memref_slice %arg10[%run_scoped3A_90, %dma_wait3A_116] : memref<5x80xi32, #tpu.memory_space<vmem>> -> memref<1x80xi32, #tpu.memory_space<vmem>>
      %dma_wait3A_118 = tpu.memref_squeeze %dma_wait3A_117 : memref<1x80xi32, #tpu.memory_space<vmem>> -> memref<80xi32, #tpu.memory_space<vmem>>
      %dma_wait3A_119 = arith.constant 0 : i32
      %dma_wait3A_120 = arith.constant 0 : i32
      %dma_wait3A_121 = tpu.memref_slice %arg13[%dma_wait3A_119, %dma_wait3A_120] : memref<10000x16xf32, #tpu.memory_space<vmem_shared>> -> memref<10000x16xf32, #tpu.memory_space<vmem_shared>>
      tpu.wait_indirect_dma semaphore(%run_scoped3A_109 : memref<!tpu.dma_semaphore, #tpu.memory_space<semaphore_mem>>) src(%arg8 : memref<80x16xf32, #tpu.memory_space<vmem>>) dst(%dma_wait3A_121 : memref<10000x16xf32, #tpu.memory_space<vmem_shared>>)
      tpu.yield
    }) : () -> ()
    %dma_wait3A_91 = arith.constant 0 : i32
    %dma_wait3A_92 = arith.constant 0 : i32
    %dma_wait3A_93 = tpu.memref_slice %arg2[%dma_wait3A_91, %dma_wait3A_92] : memref<320000x16xf32, #tpu.memory_space<hbm>> -> memref<80x16xf32, #tpu.memory_space<hbm>>
    %dma_wait3A_94 = arith.constant 0 : i32
    %dma_wait3A_95 = arith.constant 0 : i32
    %dma_wait3A_96 = tpu.memref_slice %arg2[%dma_wait3A_94, %dma_wait3A_95] : memref<320000x16xf32, #tpu.memory_space<hbm>> -> memref<80x16xf32, #tpu.memory_space<hbm>>
    tpu.wait_dma2 semaphore(%arg18 : memref<!tpu.dma_semaphore, #tpu.memory_space<semaphore_mem>>) src(%dma_wait3A_96 : memref<80x16xf32, #tpu.memory_space<hbm>>) dst(%arg9 : memref<80x16xf32, #tpu.memory_space<vmem>>)
    %run_scoped3A_97 = arith.constant 4 : i32
    "tpu.region"() ({
      %run_scoped3A_109 = tpu.sem_alloc : memref<!tpu.dma_semaphore, #tpu.memory_space<semaphore_mem>>
      %dma_start3A_110 = arith.constant 0 : i32
      %dma_start3A_111 = tpu.memref_slice %arg10[%run_scoped3A_97, %dma_start3A_110] : memref<5x80xi32, #tpu.memory_space<vmem>> -> memref<1x80xi32, #tpu.memory_space<vmem>>
      %dma_start3A_112 = tpu.memref_squeeze %dma_start3A_111 : memref<1x80xi32, #tpu.memory_space<vmem>> -> memref<80xi32, #tpu.memory_space<vmem>>
      %dma_start3A_113 = arith.constant 0 : i32
      %dma_start3A_114 = arith.constant 0 : i32
      %dma_start3A_115 = tpu.memref_slice %arg13[%dma_start3A_113, %dma_start3A_114] : memref<10000x16xf32, #tpu.memory_space<vmem_shared>> -> memref<10000x16xf32, #tpu.memory_space<vmem_shared>>
      tpu.enqueue_indirect_dma source(%arg9 : memref<80x16xf32, #tpu.memory_space<vmem>>) target(%dma_start3A_115 : memref<10000x16xf32, #tpu.memory_space<vmem_shared>>) offsets(%dma_start3A_112 : memref<80xi32, #tpu.memory_space<vmem>>) semaphore(%run_scoped3A_109 : memref<!tpu.dma_semaphore, #tpu.memory_space<semaphore_mem>>) {add = true}
      %dma_wait3A_116 = arith.constant 0 : i32
      %dma_wait3A_117 = tpu.memref_slice %arg10[%run_scoped3A_97, %dma_wait3A_116] : memref<5x80xi32, #tpu.memory_space<vmem>> -> memref<1x80xi32, #tpu.memory_space<vmem>>
      %dma_wait3A_118 = tpu.memref_squeeze %dma_wait3A_117 : memref<1x80xi32, #tpu.memory_space<vmem>> -> memref<80xi32, #tpu.memory_space<vmem>>
      %dma_wait3A_119 = arith.constant 0 : i32
      %dma_wait3A_120 = arith.constant 0 : i32
      %dma_wait3A_121 = tpu.memref_slice %arg13[%dma_wait3A_119, %dma_wait3A_120] : memref<10000x16xf32, #tpu.memory_space<vmem_shared>> -> memref<10000x16xf32, #tpu.memory_space<vmem_shared>>
      tpu.wait_indirect_dma semaphore(%run_scoped3A_109 : memref<!tpu.dma_semaphore, #tpu.memory_space<semaphore_mem>>) src(%arg9 : memref<80x16xf32, #tpu.memory_space<vmem>>) dst(%dma_wait3A_121 : memref<10000x16xf32, #tpu.memory_space<vmem_shared>>)
      tpu.yield
    }) : () -> ()
    %barrier3A_98 = arith.constant 0 : index
    tpu.barrier barrier_id(%barrier3A_98)
    %add3A_99 = arith.constant 0 : i32
    %add3A_100 = arith.addi %mul3A_7, %add3A_99 : i32
    "tpu.region"() ({
      %run_scoped3A_109 = tpu.sem_alloc : memref<!tpu.dma_semaphore, #tpu.memory_space<semaphore_mem>>
      %dma_start3A_110 = arith.constant 0 : i32
      %dma_start3A_111 = tpu.memref_slice %arg13[%add3A_100, %dma_start3A_110] : memref<10000x16xf32, #tpu.memory_space<vmem_shared>> -> memref<125x16xf32, #tpu.memory_space<vmem_shared>>
      %dma_start3A_112 = arith.constant 0 : i32
      %dma_start3A_113 = tpu.memref_slice %arg13[%add3A_100, %dma_start3A_112] : memref<10000x16xf32, #tpu.memory_space<vmem_shared>> -> memref<125x16xf32, #tpu.memory_space<vmem_shared>>
      tpu.enqueue_dma source(%dma_start3A_113 : memref<125x16xf32, #tpu.memory_space<vmem_shared>>) target(%arg12 : memref<125x16xf32, #tpu.memory_space<vmem>>) target_semaphore(%run_scoped3A_109 : memref<!tpu.dma_semaphore, #tpu.memory_space<semaphore_mem>>)
      %dma_wait3A_114 = arith.constant 0 : i32
      %dma_wait3A_115 = tpu.memref_slice %arg13[%add3A_100, %dma_wait3A_114] : memref<10000x16xf32, #tpu.memory_space<vmem_shared>> -> memref<125x16xf32, #tpu.memory_space<vmem_shared>>
      %dma_wait3A_116 = arith.constant 0 : i32
      %dma_wait3A_117 = tpu.memref_slice %arg13[%add3A_100, %dma_wait3A_116] : memref<10000x16xf32, #tpu.memory_space<vmem_shared>> -> memref<125x16xf32, #tpu.memory_space<vmem_shared>>
      tpu.wait_dma2 semaphore(%run_scoped3A_109 : memref<!tpu.dma_semaphore, #tpu.memory_space<semaphore_mem>>) src(%dma_wait3A_117 : memref<125x16xf32, #tpu.memory_space<vmem_shared>>) dst(%arg12 : memref<125x16xf32, #tpu.memory_space<vmem>>)
      tpu.yield
    }) : () -> ()
    "tpu.region"() ({
      %run_scoped3A_109 = tpu.sem_alloc : memref<!tpu.dma_semaphore, #tpu.memory_space<semaphore_mem>>
      %dma_start3A_110 = arith.constant 0 : i32
      %dma_start3A_111 = tpu.memref_slice %arg4[%arg0, %add3A_100, %dma_start3A_110] : memref<2x10000x16xf32, #tpu.memory_space<hbm>> -> memref<1x125x16xf32, #tpu.memory_space<hbm>>
      %dma_start3A_112 = tpu.memref_squeeze %dma_start3A_111 : memref<1x125x16xf32, #tpu.memory_space<hbm>> -> memref<125x16xf32, #tpu.memory_space<hbm>>
      %dma_start3A_113 = arith.constant 0 : i32
      %dma_start3A_114 = tpu.memref_slice %arg4[%arg0, %add3A_100, %dma_start3A_113] : memref<2x10000x16xf32, #tpu.memory_space<hbm>> -> memref<1x125x16xf32, #tpu.memory_space<hbm>>
      %dma_start3A_115 = tpu.memref_squeeze %dma_start3A_114 : memref<1x125x16xf32, #tpu.memory_space<hbm>> -> memref<125x16xf32, #tpu.memory_space<hbm>>
      tpu.enqueue_dma source(%arg12 : memref<125x16xf32, #tpu.memory_space<vmem>>) target(%dma_start3A_115 : memref<125x16xf32, #tpu.memory_space<hbm>>) target_semaphore(%run_scoped3A_109 : memref<!tpu.dma_semaphore, #tpu.memory_space<semaphore_mem>>)
      %dma_wait3A_116 = arith.constant 0 : i32
      %dma_wait3A_117 = tpu.memref_slice %arg4[%arg0, %add3A_100, %dma_wait3A_116] : memref<2x10000x16xf32, #tpu.memory_space<hbm>> -> memref<1x125x16xf32, #tpu.memory_space<hbm>>
      %dma_wait3A_118 = tpu.memref_squeeze %dma_wait3A_117 : memref<1x125x16xf32, #tpu.memory_space<hbm>> -> memref<125x16xf32, #tpu.memory_space<hbm>>
      %dma_wait3A_119 = arith.constant 0 : i32
      %dma_wait3A_120 = tpu.memref_slice %arg4[%arg0, %add3A_100, %dma_wait3A_119] : memref<2x10000x16xf32, #tpu.memory_space<hbm>> -> memref<1x125x16xf32, #tpu.memory_space<hbm>>
      %dma_wait3A_121 = tpu.memref_squeeze %dma_wait3A_120 : memref<1x125x16xf32, #tpu.memory_space<hbm>> -> memref<125x16xf32, #tpu.memory_space<hbm>>
      tpu.wait_dma2 semaphore(%run_scoped3A_109 : memref<!tpu.dma_semaphore, #tpu.memory_space<semaphore_mem>>) src(%arg12 : memref<125x16xf32, #tpu.memory_space<vmem>>) dst(%dma_wait3A_121 : memref<125x16xf32, #tpu.memory_space<hbm>>)
      tpu.yield
    }) : () -> ()
    %add3A_101 = arith.constant 125 : i32
    %add3A_102 = arith.addi %mul3A_7, %add3A_101 : i32
    "tpu.region"() ({
      %run_scoped3A_109 = tpu.sem_alloc : memref<!tpu.dma_semaphore, #tpu.memory_space<semaphore_mem>>
      %dma_start3A_110 = arith.constant 0 : i32
      %dma_start3A_111 = tpu.memref_slice %arg13[%add3A_102, %dma_start3A_110] : memref<10000x16xf32, #tpu.memory_space<vmem_shared>> -> memref<125x16xf32, #tpu.memory_space<vmem_shared>>
      %dma_start3A_112 = arith.constant 0 : i32
      %dma_start3A_113 = tpu.memref_slice %arg13[%add3A_102, %dma_start3A_112] : memref<10000x16xf32, #tpu.memory_space<vmem_shared>> -> memref<125x16xf32, #tpu.memory_space<vmem_shared>>
      tpu.enqueue_dma source(%dma_start3A_113 : memref<125x16xf32, #tpu.memory_space<vmem_shared>>) target(%arg12 : memref<125x16xf32, #tpu.memory_space<vmem>>) target_semaphore(%run_scoped3A_109 : memref<!tpu.dma_semaphore, #tpu.memory_space<semaphore_mem>>)
      %dma_wait3A_114 = arith.constant 0 : i32
      %dma_wait3A_115 = tpu.memref_slice %arg13[%add3A_102, %dma_wait3A_114] : memref<10000x16xf32, #tpu.memory_space<vmem_shared>> -> memref<125x16xf32, #tpu.memory_space<vmem_shared>>
      %dma_wait3A_116 = arith.constant 0 : i32
      %dma_wait3A_117 = tpu.memref_slice %arg13[%add3A_102, %dma_wait3A_116] : memref<10000x16xf32, #tpu.memory_space<vmem_shared>> -> memref<125x16xf32, #tpu.memory_space<vmem_shared>>
      tpu.wait_dma2 semaphore(%run_scoped3A_109 : memref<!tpu.dma_semaphore, #tpu.memory_space<semaphore_mem>>) src(%dma_wait3A_117 : memref<125x16xf32, #tpu.memory_space<vmem_shared>>) dst(%arg12 : memref<125x16xf32, #tpu.memory_space<vmem>>)
      tpu.yield
    }) : () -> ()
    "tpu.region"() ({
      %run_scoped3A_109 = tpu.sem_alloc : memref<!tpu.dma_semaphore, #tpu.memory_space<semaphore_mem>>
      %dma_start3A_110 = arith.constant 0 : i32
      %dma_start3A_111 = tpu.memref_slice %arg4[%arg0, %add3A_102, %dma_start3A_110] : memref<2x10000x16xf32, #tpu.memory_space<hbm>> -> memref<1x125x16xf32, #tpu.memory_space<hbm>>
      %dma_start3A_112 = tpu.memref_squeeze %dma_start3A_111 : memref<1x125x16xf32, #tpu.memory_space<hbm>> -> memref<125x16xf32, #tpu.memory_space<hbm>>
      %dma_start3A_113 = arith.constant 0 : i32
      %dma_start3A_114 = tpu.memref_slice %arg4[%arg0, %add3A_102, %dma_start3A_113] : memref<2x10000x16xf32, #tpu.memory_space<hbm>> -> memref<1x125x16xf32, #tpu.memory_space<hbm>>
      %dma_start3A_115 = tpu.memref_squeeze %dma_start3A_114 : memref<1x125x16xf32, #tpu.memory_space<hbm>> -> memref<125x16xf32, #tpu.memory_space<hbm>>
      tpu.enqueue_dma source(%arg12 : memref<125x16xf32, #tpu.memory_space<vmem>>) target(%dma_start3A_115 : memref<125x16xf32, #tpu.memory_space<hbm>>) target_semaphore(%run_scoped3A_109 : memref<!tpu.dma_semaphore, #tpu.memory_space<semaphore_mem>>)
      %dma_wait3A_116 = arith.constant 0 : i32
      %dma_wait3A_117 = tpu.memref_slice %arg4[%arg0, %add3A_102, %dma_wait3A_116] : memref<2x10000x16xf32, #tpu.memory_space<hbm>> -> memref<1x125x16xf32, #tpu.memory_space<hbm>>
      %dma_wait3A_118 = tpu.memref_squeeze %dma_wait3A_117 : memref<1x125x16xf32, #tpu.memory_space<hbm>> -> memref<125x16xf32, #tpu.memory_space<hbm>>
      %dma_wait3A_119 = arith.constant 0 : i32
      %dma_wait3A_120 = tpu.memref_slice %arg4[%arg0, %add3A_102, %dma_wait3A_119] : memref<2x10000x16xf32, #tpu.memory_space<hbm>> -> memref<1x125x16xf32, #tpu.memory_space<hbm>>
      %dma_wait3A_121 = tpu.memref_squeeze %dma_wait3A_120 : memref<1x125x16xf32, #tpu.memory_space<hbm>> -> memref<125x16xf32, #tpu.memory_space<hbm>>
      tpu.wait_dma2 semaphore(%run_scoped3A_109 : memref<!tpu.dma_semaphore, #tpu.memory_space<semaphore_mem>>) src(%arg12 : memref<125x16xf32, #tpu.memory_space<vmem>>) dst(%dma_wait3A_121 : memref<125x16xf32, #tpu.memory_space<hbm>>)
      tpu.yield
    }) : () -> ()
    %add3A_103 = arith.constant 250 : i32
    %add3A_104 = arith.addi %mul3A_7, %add3A_103 : i32
    "tpu.region"() ({
      %run_scoped3A_109 = tpu.sem_alloc : memref<!tpu.dma_semaphore, #tpu.memory_space<semaphore_mem>>
      %dma_start3A_110 = arith.constant 0 : i32
      %dma_start3A_111 = tpu.memref_slice %arg13[%add3A_104, %dma_start3A_110] : memref<10000x16xf32, #tpu.memory_space<vmem_shared>> -> memref<125x16xf32, #tpu.memory_space<vmem_shared>>
      %dma_start3A_112 = arith.constant 0 : i32
      %dma_start3A_113 = tpu.memref_slice %arg13[%add3A_104, %dma_start3A_112] : memref<10000x16xf32, #tpu.memory_space<vmem_shared>> -> memref<125x16xf32, #tpu.memory_space<vmem_shared>>
      tpu.enqueue_dma source(%dma_start3A_113 : memref<125x16xf32, #tpu.memory_space<vmem_shared>>) target(%arg12 : memref<125x16xf32, #tpu.memory_space<vmem>>) target_semaphore(%run_scoped3A_109 : memref<!tpu.dma_semaphore, #tpu.memory_space<semaphore_mem>>)
      %dma_wait3A_114 = arith.constant 0 : i32
      %dma_wait3A_115 = tpu.memref_slice %arg13[%add3A_104, %dma_wait3A_114] : memref<10000x16xf32, #tpu.memory_space<vmem_shared>> -> memref<125x16xf32, #tpu.memory_space<vmem_shared>>
      %dma_wait3A_116 = arith.constant 0 : i32
      %dma_wait3A_117 = tpu.memref_slice %arg13[%add3A_104, %dma_wait3A_116] : memref<10000x16xf32, #tpu.memory_space<vmem_shared>> -> memref<125x16xf32, #tpu.memory_space<vmem_shared>>
      tpu.wait_dma2 semaphore(%run_scoped3A_109 : memref<!tpu.dma_semaphore, #tpu.memory_space<semaphore_mem>>) src(%dma_wait3A_117 : memref<125x16xf32, #tpu.memory_space<vmem_shared>>) dst(%arg12 : memref<125x16xf32, #tpu.memory_space<vmem>>)
      tpu.yield
    }) : () -> ()
    "tpu.region"() ({
      %run_scoped3A_109 = tpu.sem_alloc : memref<!tpu.dma_semaphore, #tpu.memory_space<semaphore_mem>>
      %dma_start3A_110 = arith.constant 0 : i32
      %dma_start3A_111 = tpu.memref_slice %arg4[%arg0, %add3A_104, %dma_start3A_110] : memref<2x10000x16xf32, #tpu.memory_space<hbm>> -> memref<1x125x16xf32, #tpu.memory_space<hbm>>
      %dma_start3A_112 = tpu.memref_squeeze %dma_start3A_111 : memref<1x125x16xf32, #tpu.memory_space<hbm>> -> memref<125x16xf32, #tpu.memory_space<hbm>>
      %dma_start3A_113 = arith.constant 0 : i32
      %dma_start3A_114 = tpu.memref_slice %arg4[%arg0, %add3A_104, %dma_start3A_113] : memref<2x10000x16xf32, #tpu.memory_space<hbm>> -> memref<1x125x16xf32, #tpu.memory_space<hbm>>
      %dma_start3A_115 = tpu.memref_squeeze %dma_start3A_114 : memref<1x125x16xf32, #tpu.memory_space<hbm>> -> memref<125x16xf32, #tpu.memory_space<hbm>>
      tpu.enqueue_dma source(%arg12 : memref<125x16xf32, #tpu.memory_space<vmem>>) target(%dma_start3A_115 : memref<125x16xf32, #tpu.memory_space<hbm>>) target_semaphore(%run_scoped3A_109 : memref<!tpu.dma_semaphore, #tpu.memory_space<semaphore_mem>>)
      %dma_wait3A_116 = arith.constant 0 : i32
      %dma_wait3A_117 = tpu.memref_slice %arg4[%arg0, %add3A_104, %dma_wait3A_116] : memref<2x10000x16xf32, #tpu.memory_space<hbm>> -> memref<1x125x16xf32, #tpu.memory_space<hbm>>
      %dma_wait3A_118 = tpu.memref_squeeze %dma_wait3A_117 : memref<1x125x16xf32, #tpu.memory_space<hbm>> -> memref<125x16xf32, #tpu.memory_space<hbm>>
      %dma_wait3A_119 = arith.constant 0 : i32
      %dma_wait3A_120 = tpu.memref_slice %arg4[%arg0, %add3A_104, %dma_wait3A_119] : memref<2x10000x16xf32, #tpu.memory_space<hbm>> -> memref<1x125x16xf32, #tpu.memory_space<hbm>>
      %dma_wait3A_121 = tpu.memref_squeeze %dma_wait3A_120 : memref<1x125x16xf32, #tpu.memory_space<hbm>> -> memref<125x16xf32, #tpu.memory_space<hbm>>
      tpu.wait_dma2 semaphore(%run_scoped3A_109 : memref<!tpu.dma_semaphore, #tpu.memory_space<semaphore_mem>>) src(%arg12 : memref<125x16xf32, #tpu.memory_space<vmem>>) dst(%dma_wait3A_121 : memref<125x16xf32, #tpu.memory_space<hbm>>)
      tpu.yield
    }) : () -> ()
    %add3A_105 = arith.constant 375 : i32
    %add3A_106 = arith.addi %mul3A_7, %add3A_105 : i32
    "tpu.region"() ({
      %run_scoped3A_109 = tpu.sem_alloc : memref<!tpu.dma_semaphore, #tpu.memory_space<semaphore_mem>>
      %dma_start3A_110 = arith.constant 0 : i32
      %dma_start3A_111 = tpu.memref_slice %arg13[%add3A_106, %dma_start3A_110] : memref<10000x16xf32, #tpu.memory_space<vmem_shared>> -> memref<125x16xf32, #tpu.memory_space<vmem_shared>>
      %dma_start3A_112 = arith.constant 0 : i32
      %dma_start3A_113 = tpu.memref_slice %arg13[%add3A_106, %dma_start3A_112] : memref<10000x16xf32, #tpu.memory_space<vmem_shared>> -> memref<125x16xf32, #tpu.memory_space<vmem_shared>>
      tpu.enqueue_dma source(%dma_start3A_113 : memref<125x16xf32, #tpu.memory_space<vmem_shared>>) target(%arg12 : memref<125x16xf32, #tpu.memory_space<vmem>>) target_semaphore(%run_scoped3A_109 : memref<!tpu.dma_semaphore, #tpu.memory_space<semaphore_mem>>)
      %dma_wait3A_114 = arith.constant 0 : i32
      %dma_wait3A_115 = tpu.memref_slice %arg13[%add3A_106, %dma_wait3A_114] : memref<10000x16xf32, #tpu.memory_space<vmem_shared>> -> memref<125x16xf32, #tpu.memory_space<vmem_shared>>
      %dma_wait3A_116 = arith.constant 0 : i32
      %dma_wait3A_117 = tpu.memref_slice %arg13[%add3A_106, %dma_wait3A_116] : memref<10000x16xf32, #tpu.memory_space<vmem_shared>> -> memref<125x16xf32, #tpu.memory_space<vmem_shared>>
      tpu.wait_dma2 semaphore(%run_scoped3A_109 : memref<!tpu.dma_semaphore, #tpu.memory_space<semaphore_mem>>) src(%dma_wait3A_117 : memref<125x16xf32, #tpu.memory_space<vmem_shared>>) dst(%arg12 : memref<125x16xf32, #tpu.memory_space<vmem>>)
      tpu.yield
    }) : () -> ()
    "tpu.region"() ({
      %run_scoped3A_109 = tpu.sem_alloc : memref<!tpu.dma_semaphore, #tpu.memory_space<semaphore_mem>>
      %dma_start3A_110 = arith.constant 0 : i32
      %dma_start3A_111 = tpu.memref_slice %arg4[%arg0, %add3A_106, %dma_start3A_110] : memref<2x10000x16xf32, #tpu.memory_space<hbm>> -> memref<1x125x16xf32, #tpu.memory_space<hbm>>
      %dma_start3A_112 = tpu.memref_squeeze %dma_start3A_111 : memref<1x125x16xf32, #tpu.memory_space<hbm>> -> memref<125x16xf32, #tpu.memory_space<hbm>>
      %dma_start3A_113 = arith.constant 0 : i32
      %dma_start3A_114 = tpu.memref_slice %arg4[%arg0, %add3A_106, %dma_start3A_113] : memref<2x10000x16xf32, #tpu.memory_space<hbm>> -> memref<1x125x16xf32, #tpu.memory_space<hbm>>
      %dma_start3A_115 = tpu.memref_squeeze %dma_start3A_114 : memref<1x125x16xf32, #tpu.memory_space<hbm>> -> memref<125x16xf32, #tpu.memory_space<hbm>>
      tpu.enqueue_dma source(%arg12 : memref<125x16xf32, #tpu.memory_space<vmem>>) target(%dma_start3A_115 : memref<125x16xf32, #tpu.memory_space<hbm>>) target_semaphore(%run_scoped3A_109 : memref<!tpu.dma_semaphore, #tpu.memory_space<semaphore_mem>>)
      %dma_wait3A_116 = arith.constant 0 : i32
      %dma_wait3A_117 = tpu.memref_slice %arg4[%arg0, %add3A_106, %dma_wait3A_116] : memref<2x10000x16xf32, #tpu.memory_space<hbm>> -> memref<1x125x16xf32, #tpu.memory_space<hbm>>
      %dma_wait3A_118 = tpu.memref_squeeze %dma_wait3A_117 : memref<1x125x16xf32, #tpu.memory_space<hbm>> -> memref<125x16xf32, #tpu.memory_space<hbm>>
      %dma_wait3A_119 = arith.constant 0 : i32
      %dma_wait3A_120 = tpu.memref_slice %arg4[%arg0, %add3A_106, %dma_wait3A_119] : memref<2x10000x16xf32, #tpu.memory_space<hbm>> -> memref<1x125x16xf32, #tpu.memory_space<hbm>>
      %dma_wait3A_121 = tpu.memref_squeeze %dma_wait3A_120 : memref<1x125x16xf32, #tpu.memory_space<hbm>> -> memref<125x16xf32, #tpu.memory_space<hbm>>
      tpu.wait_dma2 semaphore(%run_scoped3A_109 : memref<!tpu.dma_semaphore, #tpu.memory_space<semaphore_mem>>) src(%arg12 : memref<125x16xf32, #tpu.memory_space<vmem>>) dst(%dma_wait3A_121 : memref<125x16xf32, #tpu.memory_space<hbm>>)
      tpu.yield
    }) : () -> ()
    %add3A_107 = arith.constant 500 : i32
    %add3A_108 = arith.addi %mul3A_7, %add3A_107 : i32
    "tpu.region"() ({
      %run_scoped3A_109 = tpu.sem_alloc : memref<!tpu.dma_semaphore, #tpu.memory_space<semaphore_mem>>
      %dma_start3A_110 = arith.constant 0 : i32
      %dma_start3A_111 = tpu.memref_slice %arg13[%add3A_108, %dma_start3A_110] : memref<10000x16xf32, #tpu.memory_space<vmem_shared>> -> memref<125x16xf32, #tpu.memory_space<vmem_shared>>
      %dma_start3A_112 = arith.constant 0 : i32
      %dma_start3A_113 = tpu.memref_slice %arg13[%add3A_108, %dma_start3A_112] : memref<10000x16xf32, #tpu.memory_space<vmem_shared>> -> memref<125x16xf32, #tpu.memory_space<vmem_shared>>
      tpu.enqueue_dma source(%dma_start3A_113 : memref<125x16xf32, #tpu.memory_space<vmem_shared>>) target(%arg12 : memref<125x16xf32, #tpu.memory_space<vmem>>) target_semaphore(%run_scoped3A_109 : memref<!tpu.dma_semaphore, #tpu.memory_space<semaphore_mem>>)
      %dma_wait3A_114 = arith.constant 0 : i32
      %dma_wait3A_115 = tpu.memref_slice %arg13[%add3A_108, %dma_wait3A_114] : memref<10000x16xf32, #tpu.memory_space<vmem_shared>> -> memref<125x16xf32, #tpu.memory_space<vmem_shared>>
      %dma_wait3A_116 = arith.constant 0 : i32
      %dma_wait3A_117 = tpu.memref_slice %arg13[%add3A_108, %dma_wait3A_116] : memref<10000x16xf32, #tpu.memory_space<vmem_shared>> -> memref<125x16xf32, #tpu.memory_space<vmem_shared>>
      tpu.wait_dma2 semaphore(%run_scoped3A_109 : memref<!tpu.dma_semaphore, #tpu.memory_space<semaphore_mem>>) src(%dma_wait3A_117 : memref<125x16xf32, #tpu.memory_space<vmem_shared>>) dst(%arg12 : memref<125x16xf32, #tpu.memory_space<vmem>>)
      tpu.yield
    }) : () -> ()
    "tpu.region"() ({
      %run_scoped3A_109 = tpu.sem_alloc : memref<!tpu.dma_semaphore, #tpu.memory_space<semaphore_mem>>
      %dma_start3A_110 = arith.constant 0 : i32
      %dma_start3A_111 = tpu.memref_slice %arg4[%arg0, %add3A_108, %dma_start3A_110] : memref<2x10000x16xf32, #tpu.memory_space<hbm>> -> memref<1x125x16xf32, #tpu.memory_space<hbm>>
      %dma_start3A_112 = tpu.memref_squeeze %dma_start3A_111 : memref<1x125x16xf32, #tpu.memory_space<hbm>> -> memref<125x16xf32, #tpu.memory_space<hbm>>
      %dma_start3A_113 = arith.constant 0 : i32
      %dma_start3A_114 = tpu.memref_slice %arg4[%arg0, %add3A_108, %dma_start3A_113] : memref<2x10000x16xf32, #tpu.memory_space<hbm>> -> memref<1x125x16xf32, #tpu.memory_space<hbm>>
      %dma_start3A_115 = tpu.memref_squeeze %dma_start3A_114 : memref<1x125x16xf32, #tpu.memory_space<hbm>> -> memref<125x16xf32, #tpu.memory_space<hbm>>
      tpu.enqueue_dma source(%arg12 : memref<125x16xf32, #tpu.memory_space<vmem>>) target(%dma_start3A_115 : memref<125x16xf32, #tpu.memory_space<hbm>>) target_semaphore(%run_scoped3A_109 : memref<!tpu.dma_semaphore, #tpu.memory_space<semaphore_mem>>)
      %dma_wait3A_116 = arith.constant 0 : i32
      %dma_wait3A_117 = tpu.memref_slice %arg4[%arg0, %add3A_108, %dma_wait3A_116] : memref<2x10000x16xf32, #tpu.memory_space<hbm>> -> memref<1x125x16xf32, #tpu.memory_space<hbm>>
      %dma_wait3A_118 = tpu.memref_squeeze %dma_wait3A_117 : memref<1x125x16xf32, #tpu.memory_space<hbm>> -> memref<125x16xf32, #tpu.memory_space<hbm>>
      %dma_wait3A_119 = arith.constant 0 : i32
      %dma_wait3A_120 = tpu.memref_slice %arg4[%arg0, %add3A_108, %dma_wait3A_119] : memref<2x10000x16xf32, #tpu.memory_space<hbm>> -> memref<1x125x16xf32, #tpu.memory_space<hbm>>
      %dma_wait3A_121 = tpu.memref_squeeze %dma_wait3A_120 : memref<1x125x16xf32, #tpu.memory_space<hbm>> -> memref<125x16xf32, #tpu.memory_space<hbm>>
      tpu.wait_dma2 semaphore(%run_scoped3A_109 : memref<!tpu.dma_semaphore, #tpu.memory_space<semaphore_mem>>) src(%arg12 : memref<125x16xf32, #tpu.memory_space<vmem>>) dst(%dma_wait3A_121 : memref<125x16xf32, #tpu.memory_space<hbm>>)
      tpu.yield
    }) : () -> ()
    return
  }
}

module attributes {stable_mosaic.version = 14 : i64} {
  func.func @_combine_body(%arg0: i32, %arg1: memref<2x2000x64xf32, #tpu.memory_space<vmem>>, %arg2: memref<2x2000x16xf32, #tpu.memory_space<vmem>>, %arg3: memref<1x128xf32, #tpu.memory_space<vmem>>, %arg4: memref<2000x144xf32, #tpu.memory_space<vmem>>) attributes {dimension_semantics = [#tpu.dimension_semantics<arbitrary>], iteration_bounds = array<i64: 5>, scalar_prefetch = 0 : i64, scratch_operands = 0 : i64, tpu.core_type = #tpu.core_type<tc>, window_params = [{transform_indices = @transform_0, window_bounds = array<i64: 2, 2000, 64>}, {transform_indices = @transform_1, window_bounds = array<i64: 2, 2000, 16>}, {pipeline_mode = #tpu.pipeline_mode<synchronous>, transform_indices = @transform_2, window_bounds = array<i64: 1, 128>}, {transform_indices = @transform_3, window_bounds = array<i64: 2000, 144>}]} {
    %get3A = arith.constant 0 : index
    %get3A_0 = arith.constant 0 : index
    %get3A_1 = arith.constant 0 : index
    %get3A_2 = vector.load %arg1[%get3A, %get3A_0, %get3A_1] : memref<2x2000x64xf32, #tpu.memory_space<vmem>>, vector<1x2000x64xf32>
    %get3A_3 = vector.shape_cast %get3A_2 : vector<1x2000x64xf32> to vector<2000x64xf32>
    %get3A_4 = arith.constant 1 : index
    %get3A_5 = arith.constant 0 : index
    %get3A_6 = arith.constant 0 : index
    %get3A_7 = vector.load %arg1[%get3A_4, %get3A_5, %get3A_6] : memref<2x2000x64xf32, #tpu.memory_space<vmem>>, vector<1x2000x64xf32>
    %get3A_8 = vector.shape_cast %get3A_7 : vector<1x2000x64xf32> to vector<2000x64xf32>
    %concatenate3A = tpu.concatenate %get3A_3, %get3A_8 in 1 : vector<2000x64xf32>, vector<2000x64xf32> -> vector<2000x128xf32>
    %get3A_9 = arith.constant 0 : index
    %get3A_10 = arith.constant 0 : index
    %get3A_11 = vector.load %arg3[%get3A_9, %get3A_10] : memref<1x128xf32, #tpu.memory_space<vmem>>, vector<1x128xf32>
    %get3A_12 = vector.shape_cast %get3A_11 : vector<1x128xf32> to vector<128xf32>
    %broadcast_in_dim3A = vector.shape_cast %get3A_12 : vector<128xf32> to vector<1x128xf32>
    %mul3A = vector.broadcast %broadcast_in_dim3A : vector<1x128xf32> to vector<2000x128xf32>
    %mul3A_13 = arith.mulf %concatenate3A, %mul3A : vector<2000x128xf32>
    %get3A_14 = arith.constant 0 : index
    %get3A_15 = arith.constant 0 : index
    %get3A_16 = arith.constant 0 : index
    %get3A_17 = vector.load %arg2[%get3A_14, %get3A_15, %get3A_16] : memref<2x2000x16xf32, #tpu.memory_space<vmem>>, vector<1x2000x16xf32>
    %get3A_18 = vector.shape_cast %get3A_17 : vector<1x2000x16xf32> to vector<2000x16xf32>
    %get3A_19 = arith.constant 1 : index
    %get3A_20 = arith.constant 0 : index
    %get3A_21 = arith.constant 0 : index
    %get3A_22 = vector.load %arg2[%get3A_19, %get3A_20, %get3A_21] : memref<2x2000x16xf32, #tpu.memory_space<vmem>>, vector<1x2000x16xf32>
    %get3A_23 = vector.shape_cast %get3A_22 : vector<1x2000x16xf32> to vector<2000x16xf32>
    %add3A = arith.addf %get3A_18, %get3A_23 : vector<2000x16xf32>
    %concatenate3A_24 = tpu.concatenate %mul3A_13, %add3A in 1 : vector<2000x128xf32>, vector<2000x16xf32> -> vector<2000x144xf32>
    %swap3A = arith.constant 0 : index
    %swap3A_25 = arith.constant 0 : index
    %swap3A_26 = vector.load %arg4[%swap3A, %swap3A_25] : memref<2000x144xf32, #tpu.memory_space<vmem>>, vector<2000x144xf32>
    tpu.vector_store %arg4[%swap3A, %swap3A_25], %concatenate3A_24 {strides = array<i32>} : memref<2000x144xf32, #tpu.memory_space<vmem>>, vector<2000x144xf32>,
    return
  }
  func.func @transform_0(%arg0: i32) -> (i32, i32, i32) {
    %c0_i32 = arith.constant 0 : i32
    %c0_i32_0 = arith.constant 0 : i32
    %c0_i32_1 = arith.constant 0 : i32
    return %c0_i32, %arg0, %c0_i32_0 : i32, i32, i32
  }
  func.func @transform_1(%arg0: i32) -> (i32, i32, i32) {
    %c0_i32 = arith.constant 0 : i32
    %c0_i32_0 = arith.constant 0 : i32
    %c0_i32_1 = arith.constant 0 : i32
    return %c0_i32, %arg0, %c0_i32_0 : i32, i32, i32
  }
  func.func @transform_2(%arg0: i32) -> (i32, i32) {
    %c0_i32 = arith.constant 0 : i32
    %c0_i32_0 = arith.constant 0 : i32
    %c0_i32_1 = arith.constant 0 : i32
    return %c0_i32, %c0_i32_0 : i32, i32
  }
  func.func @transform_3(%arg0: i32) -> (i32, i32) {
    %c0_i32 = arith.constant 0 : i32
    %c0_i32_0 = arith.constant 0 : i32
    return %arg0, %c0_i32 : i32, i32
  }
}

</mosaic_0001>

<sc_bundles>
// kernel: kernel.5.cloned.1.call-start
scs
__scs_entry_jumppad:
0x0: {  	(pc) =	sbr.rel $0x88, $3  }
0x1: {  	(tag) =	ssettag $0x0;
	lr =	simm.s32 $0x1  }
0x2: {  	[smem:$0x3F9D] =	sst lr;
	_ =	strace $0xD0000000  }
0x3: {  	_ = 	snop  }
0x4: {  	_ = 	snop  }
0x5: {  	_ = 	snop  }
0x6: {  	_ = 	snop  }
0x7: {  	_ = 	snop  }
__scs_overlays_trampoline_lowered:
0x8: {  	[smem:$0x3FAC] =	sst s0  }
0x9: {  	[smem:$0x3FAD] =	sst s1  }
0xa: {  	[smem:$0x3FAE] =	sst s2  }
0xb: {  	[smem:$0x3FAF] =	sst s3  }
0xc: {  	[smem:$0x3FB0] =	sst s4  }
0xd: {  	[smem:$0x3FB1] =	sst s5  }
0xe: {  	[smem:$0x3FB2] =	sst s6  }
0xf: {  	[smem:$0x3FB3] =	sst s7  }
0x10: {  	[smem:$0x3FB4] =	sst s8  }
0x11: {  	[smem:$0x3FB5] =	sst s9;
	s0 =	simm.s32 @!p0 $0x0  }
0x12: {  	s1 =	sld [smem:$0x3F9B];
	s0 =	simm.s32 @p0 $0x1  }
0x13: {  	[smem:$0x3FB6] =	sst s0;
	s0 =	simm.s32 @!p1 $0x0  }
0x14: {  	s2 =	sld [smem:$0x3F9A];
	s0 =	simm.s32 @p1 $0x1  }
0x15: {  	[smem:$0x3FB7] =	sst s0;
	s0 =	simm.s32 @!p2 $0x0  }
0x16: {  	s3 =	sld [smem:$0x3FDB];
	s0 =	simm.s32 @p2 $0x1  }
0x17: {  	s4 =	simm.s32 $0x1BF5;
	[smem:$0x3FB9] =	sst s0  }
0x18: {  	s0 =	sld [smem:$0x3F9C];
	_ =	swait.ge [sflag:s4], $0x0  }
0x19: {  	s7 =	sld [smem:$0x3F9D]  }
0x1a: {  	s8 =	sadd.s32 $0xFFFFE003, lr  }
0x1b: {  	s9 =	sadd.s32 $0xFFFFFEF7, lr;
	s5 =	simm.s32 $0xFFFFFFFF;
	p2 =	slt.u32 s8, $0xFFFFF086  }
0x1c: {  	p1 =	slt.u32 s9, $0xF7A;
	s5 =	simm.s32 @!p2 $0x0  }
0x1d: {  	s5 =	simm.s32 @p1 $0x1;
	p0 =	seq.s32 s7, s2  }
0x1e: {  	s7 =	smul.u32 @!p0 $0xF7A, s2;
	p2 =	seq.s32 @!p0 s5, $0x0  }
0x1f: {  	s9 =	smul.u32 $0xF7A, s1;
	s8 =	simm.s32 @!p0 $0x1BF5;
	p2 =	por !p2, p0  }
0x20: {  	[sflag:s8] =	ssyncset.s32 @!p0 $0xFFFFF086;
	s6 =	sadd.s32 @!p0 s3, s7;
	s7 =	simm.s32 @!p0 $0x108  }
0x21: {  	s3 =	sadd.s32 s3, s9;
	s6 =	sadd.s32 @!p0 $0x88, s6;
	s7 =	simm.s32 @p2 $0x1082  }
0x22: {  	[simem:s7], [sflag:s8] =	dma.local @!p0 [hbm:s6], $0xF7A  }
0x23: {  	s9 =	sor.u32 $0xD0000000, s2;
	s6 =	simm.s32 $0x108;
	_ =	swait.ge @!p0 [sflag:s8], $0x0  }
0x24: {  	s3 =	sadd.s32 $0x88, s3;
	s6 =	simm.s32 @!p1 $0x1082;
	[sflag:s4] =	ssyncset.s32 $0xFFFFF086  }
0x25: {  	[simem:s6], [sflag:s4] =	dma.local [hbm:s3], $0xF7A  }
0x26: {  	[smem:$0x3F9D] =	sst s1;
	(tag) =	ssettag s2;
	_ =	strace s9  }
0x27: {  	s1 =	sld [smem:$0x3FAD]  }
0x28: {  	s2 =	sld [smem:$0x3FAE]  }
0x29: {  	s4 =	sld [smem:$0x3FB0]  }
0x2a: {  	p0 =	seq.s32 s5, $0x0;
	s5 =	sld [smem:$0x3FB1]  }
0x2b: {  	s6 =	sld [smem:$0x3FB2]  }
0x2c: {  	s7 =	sld [smem:$0x3FB3]  }
0x2d: {  	s3 =	simm.s32 $0x108;
	s8 =	sld [smem:$0x3FB4]  }
0x2e: {  	s3 =	simm.s32 @!p0 $0x1082;
	s9 =	sld [smem:$0x3FB5]  }
0x2f: {  	lr =	sadd.s32 s0, s3;
	s0 =	sld [smem:$0x3FAC]  }
0x30: {  	s3 =	sld [smem:$0x3FAF]  }
0x31: {  	[smem:$0x3FB8] =	sst s10  }
0x32: {  	s10 =	sld [smem:$0x3FB6];
	_ =	sdelay $0x3  }
0x33: {  	p0 =	seq.s32 s10, $0x1;
	s10 =	sld [smem:$0x3FB8];
	_ =	sdelay $0x3  }
0x34: {  	[smem:$0x3FB8] =	sst s10  }
0x35: {  	s10 =	sld [smem:$0x3FB7];
	_ =	sdelay $0x3  }
0x36: {  	p1 =	seq.s32 s10, $0x1;
	s10 =	sld [smem:$0x3FB8];
	_ =	sdelay $0x3  }
0x37: {  	[smem:$0x3FB8] =	sst s10  }
0x38: {  	s10 =	sld [smem:$0x3FB9]  }
0x39: {  	_ = 	snop;
	(pc) =	sbr.ind lr, $3  }
0x3a: {  	_ = 	snop  }
0x3b: {  	_ = 	snop  }
0x3c: {  	p2 =	seq.s32 s10, $0x1;
	s10 =	sld [smem:$0x3FB8]  }
0x3d: {  	_ =	shalt  }
0x3e: {  	_ =	shalt  }
0x3f: {  	_ =	shalt  }
0x40: {  	_ =	shalt  }
0x41: {  	_ =	shalt  }
0x42: {  	_ =	shalt  }
0x43: {  	_ =	shalt  }
0x44: {  	_ =	shalt  }
0x45: {  	_ =	shalt  }
0x46: {  	_ =	shalt  }
0x47: {  	_ =	shalt  }
0x48: {  	_ =	shalt  }
0x49: {  	_ =	shalt  }
0x4a: {  	_ =	shalt  }
0x4b: {  	_ =	shalt  }
0x4c: {  	_ =	shalt  }
0x4d: {  	_ =	shalt  }
0x4e: {  	_ =	shalt  }
0x4f: {  	_ =	shalt  }
0x50: {  	_ =	shalt  }
0x51: {  	_ =	shalt  }
0x52: {  	_ =	shalt  }
0x53: {  	_ =	shalt  }
0x54: {  	_ =	shalt  }
0x55: {  	_ =	shalt  }
0x56: {  	_ =	shalt  }
0x57: {  	_ =	shalt  }
0x58: {  	_ =	shalt  }
0x59: {  	_ =	shalt  }
0x5a: {  	_ =	shalt  }
0x5b: {  	_ =	shalt  }
0x5c: {  	_ =	shalt  }
0x5d: {  	_ =	shalt  }
0x5e: {  	_ =	shalt  }
0x5f: {  	_ =	shalt  }
0x60: {  	_ =	shalt  }
0x61: {  	_ =	shalt  }
0x62: {  	_ =	shalt  }
0x63: {  	_ =	shalt  }
0x64: {  	_ =	shalt  }
0x65: {  	_ =	shalt  }
0x66: {  	_ =	shalt  }
0x67: {  	_ =	shalt  }
0x68: {  	_ =	shalt  }
0x69: {  	_ =	shalt  }
0x6a: {  	_ =	shalt  }
0x6b: {  	_ =	shalt  }
0x6c: {  	_ =	shalt  }
0x6d: {  	_ =	shalt  }
0x6e: {  	_ =	shalt  }
0x6f: {  	_ =	shalt  }
0x70: {  	_ =	shalt  }
0x71: {  	_ =	shalt  }
0x72: {  	_ =	shalt  }
0x73: {  	_ =	shalt  }
0x74: {  	_ =	shalt  }
0x75: {  	_ =	shalt  }
0x76: {  	_ =	shalt  }
0x77: {  	_ =	shalt  }
0x78: {  	_ =	shalt  }
0x79: {  	_ =	shalt  }
0x7a: {  	_ =	shalt  }
0x7b: {  	_ =	shalt  }
0x7c: {  	_ =	shalt  }
0x7d: {  	_ =	shalt  }
0x7e: {  	_ =	shalt  }
0x7f: {  	_ =	shalt  }
0x80: {  	_ =	shalt  }
0x81: {  	_ =	shalt  }
0x82: {  	_ =	shalt  }
0x83: {  	_ =	shalt  }
0x84: {  	_ =	shalt  }
0x85: {  	_ =	shalt  }
0x86: {  	_ =	shalt  }
0x87: {  	_ =	shalt  }
.Lfunc_end0:
.L_simem_size_0:
called_computation_lowered:
.L_overlay_start_0:
0x88: {  	s2 =	sld [smem:$0x3FD9]  }
0x89: {  	s3 =	sld [smem:$0x3FFE];
	_ =	sdelay $0x1  }
0x8a: {  	s1 =	srdreg.scid  }
0x8b: {  	s0 =	sand.u32 $0x1, s1  }
0x8c: {  	s17 =	sshll.u32 s0, $0xA;
	s2 =	sadd.s32 s3, s2  }
0x8d: {  	s2 =	sadd.s32 s2, s17  }
0x8e: {  	[smem:$0x3FC4] =	sst s2  }
0x8f: {  	_ = 	snop  }
0x90: {  	s2 =	sld [smem:$0x3FC9]  }
0x91: {  	s18 =	sld [smem:$0x3FD0];
	(tm) =	ssettm $0x1  }
0x92: {  	s4 =	sld [smem:$0x3FFB];
	_ =	sdelay $0x3  }
0x93: {  	_ =	strace s4  }
0x94: {  	s4 =	sld [smem:$0x3FFC];
	_ =	sdelay $0x3  }
0x95: {  	_ =	strace s4  }
0x96: {  	s4 =	sld [smem:$0x3FFD];
	_ =	sdelay $0x3  }
0x97: {  	_ =	strace s4  }
0x98: {  	_ =	strace $0x8FFFFFFF  }
0x99: {  	s19 =	sld [smem:$0x3FDB];
	_ =	sdelay $0x1  }
0x9a: {  	s5 =	simm.s32 $_scs_section_size  }
0x9b: {  	s6 =	simm.s32 $_size__tile_overlayer_lowered;
	s7 =	simm.s32 $_tile_overlayer_lowered  }
0x9c: {  	s22 =	simm.s32 $0x1BFF;
	s21 =	sshll.u32 s7, $0x1;
	s4 =	sadd.s32 s5, s19  }
0x9d: {  	s8 =	simm.s32 $0x0;
	s20 =	sshll.u32 s6, $0x1;
	s6 =	sadd.s32 s21, s4  }
0x9e: {  	[timem:s8], [sflag:s22] =	dma.local [hbm:s6], s20  }
0x9f: {  	_ =	swait.ge [sflag:s22], s20  }
0xa0: {  	s5 =	ssub.s32 $0x0, s20;
	[sflag:s22] =	ssyncset.done $0x0  }
0xa1: {  	[sflag:s22] =	ssyncadd.s32 s5;
	_ =	sdelay $0x1  }
0xa2: {  	s23 =	simm.s32 $0x1B8B  }
0xa3: {  	_ =	swait.ge [sflag:s23], $0x1  }
0xa4: {  	[sflag:s23] =	ssyncset.done $0x0  }
0xa5: {  	s25 =	simm.s32 $0x1B8E;
	s24 =	sld [smem:$0x3FFE];
	[sflag:s23] =	ssyncadd.s32 $0xFFFFFFFF  }
0xa6: {  	s26 =	simm.s32 $execute0_lowered;
	[smem:$0x3FD2] =	sst s25  }
0xa7: {  	s6 =	sshll.u32 s26, $0x1;
	_ =	strace $0x80000046;
	[dreg:$0x1] =	wrdreg $0xFFFFFFFF  }
0xa8: {  	s28 =	simm.s32 $_size_execute0_lowered;
	s4 =	sadd.s32 s4, s6;
	[dreg:$0x0] =	wrdreg $0x0  }
0xa9: {  	s6 =	sshll.u32 s28, $0x1;
	[dreg:$0x2] =	wrdreg s4  }
0xaa: {  	[dreg:$0x3] =	wrdreg s6  }
0xab: {  	[dreg:$0x4] =	wrdreg $0xC0  }
0xac: {  	_ =	task [dreg:s8], $0x5FFFF  }
0xad: {  	[dreg:$0x1] =	wrdreg $0xFFFFFFFF  }
0xae: {  	[dreg:$0x0] =	wrdreg $0x60  }
0xaf: {  	[dreg:$0x2] =	wrdreg s2  }
0xb0: {  	[dreg:$0x3] =	wrdreg s24  }
0xb1: {  	[dreg:$0x4] =	wrdreg s18  }
0xb2: {  	[dreg:$0x5] =	wrdreg $0x8CA00  }
0xb3: {  	[dreg:$0x6] =	wrdreg $0x9  }
0xb4: {  	_ =	task.clear_ibuf [dreg:s8], $0x7FFFF;
	_ =	strace $0x90000046  }
0xb5: {  	s29 =	simm.s32 $0x9;
	_ =	strace $0x80000048  }
0xb6: {  	_ =	swait.ge [sflag:s29], $0x1  }
0xb7: {  	[sflag:s29] =	ssyncadd.s32 $0xFFFFFFFF  }
0xb8: {  	_ =	strace $0x90000048  }
0xb9: {  	_ =	sfence  }
0xba: {  	s30 =	sld [smem:$0x0];
	_ =	sdelay $0x2  }
0xbb: {  	s31 =	sshll.u32 s1, $0xD;
	s1 =	sshrl.u32 s1, $0x2  }
0xbc: {  	s3 =	sand.u32 $0x4000, s31;
	s1 =	sadd.s32 s1, s30  }
0xbd: {  	s0 =	sor.u32 s3, s0;
	s1 =	sshll.u32 s1, $0x11  }
0xbe: {  	s0 =	sor.u32 s1, s0  }
0xbf: {  	s0 =	sadd.s32 $0x8F2B, s0  }
0xc0: {  	[sflag:s0] =	ssyncadd.remote.s32 $0x1  }
0xc1: {  	_ =	sfence.sel $0xFFFF  }
0xc2: {  	[dreg:$0x0] =	wrdreg $0xFFFFFFFF;
	(pc) =	sbr.abs _section_cstart, $3  }
0xc3: {  	[dreg:$0x1] =	wrdreg $0xFFFFFFFF  }
0xc4: {  	_ =	task.clear_ibuf [dreg:s8], $0x2FFFF;
	_ =	strace $0x9FFFFFFF  }
0xc5: {  	(tm) =	ssettm $0x7FFFFFFF  }
tec
execute0_lowered:
.L_overlay_start_1:
0x0: {  	(tag) =	ssettag $0x1  }
0x1: {  	s1 =	rddreg [dreg:$0x0]  }
0x2: {  	s0 =	rddreg [dreg:$0x1]  }
0x3: {  	s2 =	rddreg [dreg:$0x2]  }
0x4: {  	s3 =	rddreg [dreg:$0x3]  }
0x5: {  	s4 =	simm.s32 $0x0;
	s5 =	srdreg.scid;
	s15 =	stileid.u32  }
0x6: {  	s28 =	simm.s32 $0x68B0;
	s29 =	simm.s32 $0x50;
	s31 =	simm.s32 $0x2800  }
0x7: {  	s30 =	simm.s32 $0x6D10;
	[smem:$0x7FF] =	sst s4;
	s11 =	sand.u32 $0x1, s5  }
0x8: {  	s21 =	smul.u32 $0x9C40, s15;
	s6 =	sadd.s32 $0xB600, s0;
	s0 =	sadd.s32 $0x1800, s0  }
0x9: {  	s12 =	smul.u32 $0x4E20, s15;
	_ =	strace $0x80000047;
	s7 =	ssub.s32 $0x2, s11  }
0xa: {  	s17 =	smul.u32 $0x9C400, s11;
	v0 =	vmov s11;
	s11 =	simm.s32 $0x69F0;
	s8 =	sshrl.u32 s7, $0x1  }
0xb: {  	s9 =	sadd.s32 $0x1F40, s21;
	s22 =	sadd.s32 s21, s3;
	s24 =	sadd.s32 $0x3E80, s21  }
0xc: {  	s10 =	sadd.s32 $0x5DC0, s21;
	s26 =	sadd.s32 $0x7D00, s21;
	s12 =	sshrl.u32 s12, $0x3  }
0xd: {  	s7 =	ssub.s32 s7, s8;
	[dreg:$0x5] =	wrdreg s22;
	s23 =	sadd.s32 s9, s3  }
0xe: {  	s13 =	sadd.s32 s24, s3;
	s25 =	sadd.s32 s10, s3;
	s14 =	sadd.s32 s26, s3  }
0xf: {  	s16 =	sadd.s32 s6, s12;
	s18 =	sadd.s32 s0, s12;
	[dreg:$0x6] =	wrdreg s23  }
0x10: {  	s12 =	sadd.s32 $0x32, s12;
	s5 =	sadd.s32 s21, s17;
	[dreg:$0x7] =	wrdreg s13  }
0x11: {  	s9 =	sadd.s32 s17, s9;
	s21 =	sadd.s32 s17, s24;
	[dreg:$0x8] =	wrdreg s25  }
0x12: {  	s22 =	sadd.s32 s17, s10;
	s24 =	smul.u32 $0x9C4, s15;
	[dreg:$0x9] =	wrdreg s14  }
0x13: {  	s10 =	simm.s32 $0x3C00;
	s15 =	simm.s32 $0x6;
	[dreg:$0xa] =	wrdreg s16  }
0x14: {  	[dreg:$0xb] =	wrdreg s18;
	s19 =	sadd.s32 s6, s12;
	s12 =	sadd.s32 s0, s12  }
0x15: {  	s5 =	sshrl.u32 s5, $0x3;
	s9 =	sshrl.u32 s9, $0x3;
	s23 =	sadd.s32 s17, s26  }
0x16: {  	s8 =	sshrl.u32 s22, $0x3;
	s26 =	smax.u32 s7, $0x1;
	s13 =	simm.s32 $0x7  }
0x17: {  	s14 =	simm.s32 $0x1;
	s16 =	simm.s32 $0x2;
	[dreg:$0xc] =	wrdreg s19  }
0x18: {  	s7 =	simm.s32 $0x4;
	s22 =	simm.s32 $0x5;
	[dreg:$0xd] =	wrdreg s12  }
0x19: {  	s5 =	sadd.s32 s2, s5;
	s20 =	sadd.s32 s2, s9;
	s9 =	sshrl.u32 s23, $0x3  }
0x1a: {  	s25 =	sadd.s32 s2, s8;
	[dreg:$0x13] =	wrdreg s26;
	s23 =	simm.s32 $0x8  }
0x1b: {  	s12 =	simm.s32 $0x5000;
	s19 =	simm.s32 $0x3;
	[dreg:$0xe] =	wrdreg s5  }
0x1c: {  	s8 =	simm.s32 $0x6680;
	s26 =	simm.s32 $0x6900;
	[dreg:$0xf] =	wrdreg s20  }
.Ltmp0:
0x1d: {  	s5 =	sshrl.u32 s21, $0x3;
	[dreg:$0x11] =	wrdreg s25;
	(pc) =	sbr.rel .LBB2_1-.Ltmp0, $4  }
0x1e: {  	s20 =	sadd.s32 s24, s0;
	s21 =	sadd.s32 s24, s6;
	s25 =	simm.s32 $0x6590  }
0x1f: {  	s0 =	simm.s32 $0x1400;
	s24 =	simm.s32 $0x66D0;
	s5 =	sadd.s32 s2, s5  }
0x20: {  	s6 =	simm.s32 $0x0;
	s2 =	sadd.s32 s2, s9;
	[dreg:$0x10] =	wrdreg s5  }
0x21: {  	v1 =	vimm.f32 $0.0e+00;
	s9 =	simm.s32 $0x6CC0;
	[dreg:$0x12] =	wrdreg s2;
	s2 =	simm.s32 $0x69A0  }
.LBB2_9:
0x22: {  	_ =	swait.ge [sflag:s22], $0x1400  }
0x23: {  	[sflag:s22] =	ssyncset.done $0x0  }
0x24: {  	[sflag:s22] =	ssyncadd.s32 $0xFFFFEC00  }
0x25: {  	[spmem:s3] =	stream.indirect.scatter.add.f32 [tilespmem:s12], [sflag:$0x8], $0x40, s11, s29, $0xb8;
	[tilespmem:$0x128E0] =	vst v63  }
0x26: {  	_ =	swait.ge [sflag:s23], $0x1400  }
0x27: {  	[sflag:s23] =	ssyncset.done $0x0  }
0x28: {  	[sflag:s23] =	ssyncadd.s32 $0xFFFFEC00  }
0x29: {  	[bflag:$0x0] =	sbarrier.arrive $0xFFFF  }
0x2a: {  	s6 =	simm.s32 $0x6D60;
	s5 =	rddreg [dreg:$0x5]  }
0x2b: {  	[tilespmem:s6], [sflag:$0x8] =	stream.linear.gather [spmem:s5], $0x1F40, $0x38;
	[tilespmem:$0x128E0] =	vst v63  }
0x2c: {  	_ =	swait.ge [sflag:s23], $0x1F40  }
0x2d: {  	[sflag:s23] =	ssyncset.done $0x0  }
0x2e: {  	s18 =	rddreg [dreg:$0xe];
	[sflag:s23] =	ssyncadd.s32 $0xFFFFE0C0  }
0x2f: {  	[hbm4b:s18+s4] =	stream.linear.scatter [tilespmem:s6], [sflag:$0x8], $0x1F40, $0x38;
	[tilespmem:$0x128E0] =	vst v63  }
0x30: {  	_ =	swait.ge [sflag:s23], $0x1F40  }
0x31: {  	[sflag:s23] =	ssyncset.done $0x0  }
0x32: {  	s17 =	rddreg [dreg:$0x6];
	[sflag:s23] =	ssyncadd.s32 $0xFFFFE0C0  }
0x33: {  	[tilespmem:s6], [sflag:$0x8] =	stream.linear.gather [spmem:s17], $0x1F40, $0x38;
	[tilespmem:$0x128E0] =	vst v63  }
0x34: {  	_ =	swait.ge [sflag:s23], $0x1F40  }
0x35: {  	[sflag:s23] =	ssyncset.done $0x0  }
0x36: {  	s18 =	rddreg [dreg:$0xf];
	[sflag:s23] =	ssyncadd.s32 $0xFFFFE0C0  }
0x37: {  	[hbm4b:s18+s4] =	stream.linear.scatter [tilespmem:s6], [sflag:$0x8], $0x1F40, $0x38;
	[tilespmem:$0x128E0] =	vst v63  }
0x38: {  	_ =	swait.ge [sflag:s23], $0x1F40  }
0x39: {  	[sflag:s23] =	ssyncset.done $0x0  }
0x3a: {  	s17 =	rddreg [dreg:$0x7];
	[sflag:s23] =	ssyncadd.s32 $0xFFFFE0C0  }
0x3b: {  	[tilespmem:s6], [sflag:$0x8] =	stream.linear.gather [spmem:s17], $0x1F40, $0x38;
	[tilespmem:$0x128E0] =	vst v63  }
0x3c: {  	_ =	swait.ge [sflag:s23], $0x1F40  }
0x3d: {  	[sflag:s23] =	ssyncset.done $0x0  }
0x3e: {  	s18 =	rddreg [dreg:$0x10];
	[sflag:s23] =	ssyncadd.s32 $0xFFFFE0C0  }
0x3f: {  	[hbm4b:s18+s4] =	stream.linear.scatter [tilespmem:s6], [sflag:$0x8], $0x1F40, $0x38;
	[tilespmem:$0x128E0] =	vst v63  }
0x40: {  	_ =	swait.ge [sflag:s23], $0x1F40  }
0x41: {  	[sflag:s23] =	ssyncset.done $0x0  }
0x42: {  	s17 =	rddreg [dreg:$0x8];
	[sflag:s23] =	ssyncadd.s32 $0xFFFFE0C0  }
0x43: {  	[tilespmem:s6], [sflag:$0x8] =	stream.linear.gather [spmem:s17], $0x1F40, $0x38;
	[tilespmem:$0x128E0] =	vst v63  }
0x44: {  	_ =	swait.ge [sflag:s23], $0x1F40  }
0x45: {  	[sflag:s23] =	ssyncset.done $0x0  }
0x46: {  	s18 =	rddreg [dreg:$0x11];
	[sflag:s23] =	ssyncadd.s32 $0xFFFFE0C0  }
0x47: {  	[hbm4b:s18+s4] =	stream.linear.scatter [tilespmem:s6], [sflag:$0x8], $0x1F40, $0x38;
	[tilespmem:$0x128E0] =	vst v63  }
0x48: {  	_ =	swait.ge [sflag:s23], $0x1F40  }
0x49: {  	[sflag:s23] =	ssyncset.done $0x0  }
0x4a: {  	s17 =	rddreg [dreg:$0x9];
	[sflag:s23] =	ssyncadd.s32 $0xFFFFE0C0  }
0x4b: {  	[tilespmem:s6], [sflag:$0x8] =	stream.linear.gather [spmem:s17], $0x1F40, $0x38;
	[tilespmem:$0x128E0] =	vst v63  }
0x4c: {  	_ =	swait.ge [sflag:s23], $0x1F40  }
0x4d: {  	[sflag:s23] =	ssyncset.done $0x0  }
0x4e: {  	s18 =	rddreg [dreg:$0x12];
	[sflag:s23] =	ssyncadd.s32 $0xFFFFE0C0  }
0x4f: {  	[hbm4b:s18+s4] =	stream.linear.scatter [tilespmem:s6], [sflag:$0x8], $0x1F40, $0x38;
	[tilespmem:$0x128E0] =	vst v63  }
0x50: {  	_ =	swait.ge [sflag:s23], $0x1F40  }
0x51: {  	s17 =	rddreg [dreg:$0x14]  }
0x52: {  	s18 =	rddreg [dreg:$0x13];
	s6 =	sadd.s32 $0x1, s17  }
0x53: {  	p0 =	sne.s32 s6, s18  }
.Ltmp1:
0x54: {  	_ = 	snop;
	(pc) =	sbr.rel @!p0 .LBB2_10-.Ltmp1, $3  }
0x55: {  	_ =	sdelay $0x1  }
0x56: {  	[sflag:s23] =	ssyncset.done $0x0  }
0x57: {  	[sflag:s23] =	ssyncadd.s32 $0xFFFFE0C0  }
.LBB2_1:
0x58: {  	[dreg:$0x14] =	wrdreg s6;
	s18 =	simm.s32 $0x100;
	s17 =	simm.s32 $0x0  }
.LBB2_2:
0x59: {  	p0 =	sne.s32 s18, $0x7C00;
	[tilespmem:s17+$0x6D90] =	vst v1;
	s5 =	smov.u32 s18;
	s18 =	sadd.s32 $0x100, s18  }
.Ltmp2:
0x5a: {  	[tilespmem:s17+$0x6D80] =	vst v1;
	(pc) =	sbr.rel @p0 .LBB2_2-.Ltmp2, $3  }
0x5b: {  	[tilespmem:s17+$0x6D60] =	vst v1  }
0x5c: {  	[tilespmem:s17+$0x6D70] =	vst v1;
	_ =	sdelay $0x1  }
0x5d: {  	s17 =	sshra.s32 s5, $0x2  }
0x5e: {  	[tilespmem:s17+$0x6D90] =	vst v1  }
0x5f: {  	[tilespmem:s17+$0x6D80] =	vst v1  }
0x60: {  	[tilespmem:s17+$0x6D60] =	vst v1  }
0x61: {  	[tilespmem:s17+$0x6D70] =	vst v1;
	s5 =	rddreg [dreg:$0x5];
	s6 =	simm.s32 $0x6D60  }
0x62: {  	[spmem:s5] =	stream.linear.scatter [tilespmem:s6], [sflag:$0x8], $0x1F40, $0x38;
	[tilespmem:$0x128E0] =	vst v63  }
0x63: {  	_ =	swait.ge [sflag:s23], $0x1F40  }
0x64: {  	[sflag:s23] =	ssyncset.done $0x0  }
0x65: {  	s17 =	rddreg [dreg:$0x6];
	[sflag:s23] =	ssyncadd.s32 $0xFFFFE0C0  }
0x66: {  	[spmem:s17] =	stream.linear.scatter [tilespmem:s6], [sflag:$0x8], $0x1F40, $0x38;
	[tilespmem:$0x128E0] =	vst v63  }
0x67: {  	_ =	swait.ge [sflag:s23], $0x1F40  }
0x68: {  	[sflag:s23] =	ssyncset.done $0x0  }
0x69: {  	s18 =	rddreg [dreg:$0x7];
	[sflag:s23] =	ssyncadd.s32 $0xFFFFE0C0  }
0x6a: {  	[spmem:s18] =	stream.linear.scatter [tilespmem:s6], [sflag:$0x8], $0x1F40, $0x38;
	[tilespmem:$0x128E0] =	vst v63  }
0x6b: {  	_ =	swait.ge [sflag:s23], $0x1F40  }
0x6c: {  	[sflag:s23] =	ssyncset.done $0x0  }
0x6d: {  	s17 =	rddreg [dreg:$0x8];
	[sflag:s23] =	ssyncadd.s32 $0xFFFFE0C0  }
0x6e: {  	[spmem:s17] =	stream.linear.scatter [tilespmem:s6], [sflag:$0x8], $0x1F40, $0x38;
	[tilespmem:$0x128E0] =	vst v63  }
0x6f: {  	_ =	swait.ge [sflag:s23], $0x1F40  }
0x70: {  	[sflag:s23] =	ssyncset.done $0x0  }
0x71: {  	s18 =	rddreg [dreg:$0x9];
	[sflag:s23] =	ssyncadd.s32 $0xFFFFE0C0  }
0x72: {  	[spmem:s18] =	stream.linear.scatter [tilespmem:s6], [sflag:$0x8], $0x1F40, $0x38;
	[tilespmem:$0x128E0] =	vst v63  }
0x73: {  	_ =	swait.ge [sflag:s23], $0x1F40  }
0x74: {  	[sflag:s23] =	ssyncset.done $0x0  }
0x75: {  	[sflag:s23] =	ssyncadd.s32 $0xFFFFE0C0  }
0x76: {  	[bflag:$0x0] =	sbarrier.arrive $0xFFFF  }
0x77: {  	s18 =	simm.s32 $0x6400;
	s17 =	rddreg [dreg:$0xa]  }
0x78: {  	[tilespmem:s18], [sflag:$0x8] =	stream.linear.gather [hbm4b:s17+s4], $0x190, $0x38;
	[tilespmem:$0x128E0] =	vst v63  }
0x79: {  	_ =	swait.ge [sflag:s23], $0x190  }
0x7a: {  	[sflag:s23] =	ssyncset.done $0x0  }
0x7b: {  	s6 =	rddreg [dreg:$0xb];
	[sflag:s23] =	ssyncadd.s32 $0xFFFFFE70  }
0x7c: {  	[tilespmem:s25], [sflag:$0x8] =	stream.linear.gather [hbm4b:s6+s4], $0x190, $0x38;
	[tilespmem:$0x128E0] =	vst v63  }
0x7d: {  	_ =	swait.ge [sflag:s23], $0x190  }
0x7e: {  	[sflag:s23] =	ssyncset.done $0x0  }
0x7f: {  	s18 =	simm.s32 $0x6720;
	s17 =	rddreg [dreg:$0xc];
	[sflag:s23] =	ssyncadd.s32 $0xFFFFFE70  }
0x80: {  	[tilespmem:s18], [sflag:$0x7] =	stream.linear.gather [hbm4b:s17+s4], $0x190, $0x38;
	[tilespmem:$0x128E0] =	vst v63  }
0x81: {  	s6 =	rddreg [dreg:$0xd]  }
0x82: {  	[tilespmem:s28], [sflag:$0x7] =	stream.linear.gather [hbm4b:s6+s4], $0x190, $0x38;
	[tilespmem:$0x128E0] =	vst v63  }
0x83: {  	v2 =	vld [tilespmem:$0x6400]  }
0x84: {  	v3 =	vld [tilespmem:$0x6410]  }
0x85: {  	v4 =	vld [tilespmem:$0x6420]  }
0x86: {  	v5 =	vld [tilespmem:$0x6430]  }
0x87: {  	v6 =	vld [tilespmem:$0x6440]  }
0x88: {  	v7 =	vld [tilespmem:$0x6450];
	v2 =	vshll.u32 v2, $0x1  }
0x89: {  	v8 =	vld [tilespmem:$0x6460];
	v3 =	vshll.u32 v3, $0x1;
	v2 =	vor.u32 v0, v2  }
0x8a: {  	v46 =	vld [tilespmem:$0x6470];
	[tilespmem:$0x6A40] =	vst v2;
	v2 =	vor.u32 v0, v3;
	v3 =	vshll.u32 v4, $0x1  }
0x8b: {  	v47 =	vld [tilespmem:$0x6480];
	[tilespmem:$0x6A50] =	vst v2;
	v2 =	vor.u32 v0, v3;
	v3 =	vshll.u32 v5, $0x1  }
0x8c: {  	v48 =	vld [tilespmem:$0x6490];
	[tilespmem:$0x6A60] =	vst v2;
	v2 =	vor.u32 v0, v3;
	v3 =	vshll.u32 v6, $0x1  }
0x8d: {  	v49 =	vld [tilespmem:$0x64A0];
	[tilespmem:$0x6A70] =	vst v2;
	v2 =	vor.u32 v0, v3;
	v3 =	vshll.u32 v7, $0x1  }
0x8e: {  	v50 =	vld [tilespmem:$0x64B0];
	[tilespmem:$0x6A80] =	vst v2;
	v2 =	vor.u32 v0, v3;
	v3 =	vshll.u32 v8, $0x1  }
0x8f: {  	v51 =	vld [tilespmem:$0x64C0];
	[tilespmem:$0x6A90] =	vst v2;
	v2 =	vor.u32 v0, v3;
	v3 =	vshll.u32 v46, $0x1  }
0x90: {  	v52 =	vld [tilespmem:$0x64D0];
	[tilespmem:$0x6AA0] =	vst v2;
	v2 =	vor.u32 v0, v3;
	v3 =	vshll.u32 v47, $0x1  }
0x91: {  	v53 =	vld [tilespmem:$0x64E0];
	[tilespmem:$0x6AB0] =	vst v2;
	v2 =	vor.u32 v0, v3;
	v3 =	vshll.u32 v48, $0x1  }
0x92: {  	v54 =	vld [tilespmem:$0x64F0];
	[tilespmem:$0x6AC0] =	vst v2;
	v2 =	vor.u32 v0, v3;
	v3 =	vshll.u32 v49, $0x1  }
0x93: {  	v55 =	vld [tilespmem:$0x6500];
	[tilespmem:$0x6AD0] =	vst v2;
	v2 =	vor.u32 v0, v3;
	v3 =	vshll.u32 v50, $0x1  }
0x94: {  	v56 =	vld [tilespmem:$0x6510];
	[tilespmem:$0x6AE0] =	vst v2;
	v2 =	vor.u32 v0, v3;
	v3 =	vshll.u32 v51, $0x1  }
0x95: {  	v57 =	vld [tilespmem:$0x6520];
	[tilespmem:$0x6AF0] =	vst v2;
	v2 =	vor.u32 v0, v3;
	v3 =	vshll.u32 v52, $0x1  }
0x96: {  	v58 =	vld [tilespmem:$0x6530];
	[tilespmem:$0x6B00] =	vst v2;
	v2 =	vor.u32 v0, v3;
	v3 =	vshll.u32 v53, $0x1  }
0x97: {  	v59 =	vld [tilespmem:$0x6540];
	[tilespmem:$0x6B10] =	vst v2;
	v2 =	vor.u32 v0, v3;
	v3 =	vshll.u32 v54, $0x1  }
0x98: {  	v60 =	vld [tilespmem:$0x6550];
	[tilespmem:$0x6B20] =	vst v2;
	v2 =	vor.u32 v0, v3;
	v3 =	vshll.u32 v55, $0x1  }
0x99: {  	v61 =	vld [tilespmem:$0x6560];
	[tilespmem:$0x6B30] =	vst v2;
	v2 =	vor.u32 v0, v3;
	v3 =	vshll.u32 v56, $0x1  }
0x9a: {  	v62 =	vld [tilespmem:$0x6570];
	[tilespmem:$0x6B40] =	vst v2;
	v2 =	vor.u32 v0, v3;
	v3 =	vshll.u32 v57, $0x1  }
0x9b: {  	v63 =	vld [tilespmem:$0x6580];
	[tilespmem:$0x6B50] =	vst v2;
	v2 =	vor.u32 v0, v3;
	v3 =	vshll.u32 v58, $0x1  }
0x9c: {  	[tilespmem:$0x6B60] =	vst v2;
	v2 =	vor.u32 v0, v3;
	v3 =	vshll.u32 v59, $0x1  }
0x9d: {  	[tilespmem:$0x6B70] =	vst v2;
	v2 =	vor.u32 v0, v3;
	v3 =	vshll.u32 v60, $0x1  }
0x9e: {  	[tilespmem:$0x6B80] =	vst v2;
	v2 =	vor.u32 v0, v3;
	v3 =	vshll.u32 v61, $0x1  }
0x9f: {  	[tilespmem:$0x6B90] =	vst v2;
	v2 =	vor.u32 v0, v3;
	v3 =	vshll.u32 v62, $0x1  }
0xa0: {  	[tilespmem:$0x6BA0] =	vst v2;
	v2 =	vor.u32 v0, v3;
	v3 =	vshll.u32 v63, $0x1  }
0xa1: {  	[tilespmem:$0x6BB0] =	vst v2;
	v2 =	vor.u32 v0, v3  }
0xa2: {  	s17 =	simm.s32 $0x6A40;
	[tilespmem:$0x6BC0] =	vst v2  }
0xa3: {  	[tilespmem:s4], [sflag:$0x1] =	stream.indirect.gather [hbm4b:s1+s29], $0x40, s17, s29, $0xb8;
	[tilespmem:$0x128E0] =	vst v63  }
0xa4: {  	s18 =	simm.s32 $0x6A90  }
0xa5: {  	[tilespmem:s0], [sflag:$0x2] =	stream.indirect.gather [hbm4b:s1+s29], $0x40, s18, s29, $0xb8;
	[tilespmem:$0x128E0] =	vst v63  }
0xa6: {  	s6 =	simm.s32 $0x6AE0  }
0xa7: {  	[tilespmem:s31], [sflag:$0x3] =	stream.indirect.gather [hbm4b:s1+s29], $0x40, s6, s29, $0xb8;
	[tilespmem:$0x128E0] =	vst v63  }
0xa8: {  	s17 =	simm.s32 $0x6B30  }
0xa9: {  	[tilespmem:s10], [sflag:$0x4] =	stream.indirect.gather [hbm4b:s1+s29], $0x40, s17, s29, $0xb8;
	[tilespmem:$0x128E0] =	vst v63  }
0xaa: {  	s18 =	simm.s32 $0x6B80;
	s17 =	simm.s32 $0xFFFFF6A0  }
0xab: {  	[tilespmem:s12], [sflag:$0x5] =	stream.indirect.gather [hbm4b:s1+s29], $0x40, s18, s29, $0xb8;
	[tilespmem:$0x128E0] =	vst v63  }
.LBB2_4:
0xac: {  	_ =	swait.ge [sflag:s13], $0x190  }
0xad: {  	[sflag:s13] =	ssyncset.done $0x0  }
0xae: {  	[sflag:s13] =	ssyncadd.s32 $0xFFFFFE70  }
0xaf: {  	_ =	swait.ge [sflag:s13], $0x190  }
0xb0: {  	[sflag:s13] =	ssyncset.done $0x0  }
0xb1: {  	[sflag:s13] =	ssyncadd.s32 $0xFFFFFE70  }
0xb2: {  	v2 =	vld [tilespmem:$0x6720]  }
0xb3: {  	v3 =	vld [tilespmem:$0x6730]  }
0xb4: {  	v4 =	vld [tilespmem:$0x6740]  }
0xb5: {  	v5 =	vld [tilespmem:$0x6750]  }
0xb6: {  	v6 =	vld [tilespmem:$0x6760]  }
0xb7: {  	v7 =	vld [tilespmem:$0x6770];
	v2 =	vshll.u32 v2, $0x1  }
0xb8: {  	v8 =	vld [tilespmem:$0x6780];
	v3 =	vshll.u32 v3, $0x1;
	v2 =	vor.u32 v0, v2  }
0xb9: {  	v46 =	vld [tilespmem:$0x6790];
	[tilespmem:$0x6BD0] =	vst v2;
	v2 =	vor.u32 v0, v3;
	v3 =	vshll.u32 v4, $0x1  }
0xba: {  	v47 =	vld [tilespmem:$0x67A0];
	[tilespmem:$0x6BE0] =	vst v2;
	v2 =	vor.u32 v0, v3;
	v3 =	vshll.u32 v5, $0x1  }
0xbb: {  	v48 =	vld [tilespmem:$0x67B0];
	[tilespmem:$0x6BF0] =	vst v2;
	v2 =	vor.u32 v0, v3;
	v3 =	vshll.u32 v6, $0x1  }
0xbc: {  	v49 =	vld [tilespmem:$0x67C0];
	[tilespmem:$0x6C00] =	vst v2;
	v2 =	vor.u32 v0, v3;
	v3 =	vshll.u32 v7, $0x1  }
0xbd: {  	v50 =	vld [tilespmem:$0x67D0];
	[tilespmem:$0x6C10] =	vst v2;
	v2 =	vor.u32 v0, v3;
	v3 =	vshll.u32 v8, $0x1  }
0xbe: {  	v51 =	vld [tilespmem:$0x67E0];
	[tilespmem:$0x6C20] =	vst v2;
	v2 =	vor.u32 v0, v3;
	v3 =	vshll.u32 v46, $0x1  }
0xbf: {  	v52 =	vld [tilespmem:$0x67F0];
	[tilespmem:$0x6C30] =	vst v2;
	v2 =	vor.u32 v0, v3;
	v3 =	vshll.u32 v47, $0x1  }
0xc0: {  	v53 =	vld [tilespmem:$0x6800];
	[tilespmem:$0x6C40] =	vst v2;
	v2 =	vor.u32 v0, v3;
	v3 =	vshll.u32 v48, $0x1  }
0xc1: {  	v54 =	vld [tilespmem:$0x6810];
	[tilespmem:$0x6C50] =	vst v2;
	v2 =	vor.u32 v0, v3;
	v3 =	vshll.u32 v49, $0x1  }
0xc2: {  	v55 =	vld [tilespmem:$0x6820];
	[tilespmem:$0x6C60] =	vst v2;
	v2 =	vor.u32 v0, v3;
	v3 =	vshll.u32 v50, $0x1  }
0xc3: {  	v56 =	vld [tilespmem:$0x6830];
	[tilespmem:$0x6C70] =	vst v2;
	v2 =	vor.u32 v0, v3;
	v3 =	vshll.u32 v51, $0x1  }
0xc4: {  	v57 =	vld [tilespmem:$0x6840];
	[tilespmem:$0x6C80] =	vst v2;
	v2 =	vor.u32 v0, v3;
	v3 =	vshll.u32 v52, $0x1  }
0xc5: {  	v58 =	vld [tilespmem:$0x6850];
	[tilespmem:$0x6C90] =	vst v2;
	v2 =	vor.u32 v0, v3;
	v3 =	vshll.u32 v53, $0x1  }
0xc6: {  	v59 =	vld [tilespmem:$0x6860];
	[tilespmem:$0x6CA0] =	vst v2;
	v2 =	vor.u32 v0, v3;
	v3 =	vshll.u32 v54, $0x1  }
0xc7: {  	v60 =	vld [tilespmem:$0x6870];
	[tilespmem:$0x6CB0] =	vst v2;
	v2 =	vor.u32 v0, v3;
	v3 =	vshll.u32 v55, $0x1  }
0xc8: {  	v61 =	vld [tilespmem:$0x6880];
	[tilespmem:$0x6CC0] =	vst v2;
	v2 =	vor.u32 v0, v3;
	v3 =	vshll.u32 v56, $0x1  }
0xc9: {  	v62 =	vld [tilespmem:$0x6890];
	[tilespmem:$0x6CD0] =	vst v2;
	v2 =	vor.u32 v0, v3;
	v3 =	vshll.u32 v57, $0x1  }
0xca: {  	v63 =	vld [tilespmem:$0x68A0];
	[tilespmem:$0x6CE0] =	vst v2;
	v2 =	vor.u32 v0, v3;
	v3 =	vshll.u32 v58, $0x1  }
0xcb: {  	[tilespmem:$0x6CF0] =	vst v2;
	v2 =	vor.u32 v0, v3;
	v3 =	vshll.u32 v59, $0x1  }
0xcc: {  	[tilespmem:$0x6D00] =	vst v2;
	v2 =	vor.u32 v0, v3;
	v3 =	vshll.u32 v60, $0x1  }
0xcd: {  	[tilespmem:$0x6D10] =	vst v2;
	v2 =	vor.u32 v0, v3;
	v3 =	vshll.u32 v61, $0x1  }
0xce: {  	[tilespmem:$0x6D20] =	vst v2;
	v2 =	vor.u32 v0, v3;
	v3 =	vshll.u32 v62, $0x1  }
0xcf: {  	[tilespmem:$0x6D30] =	vst v2;
	v2 =	vor.u32 v0, v3;
	v3 =	vshll.u32 v63, $0x1  }
0xd0: {  	[tilespmem:$0x6D40] =	vst v2;
	v2 =	vor.u32 v0, v3  }
0xd1: {  	[tilespmem:$0x6D50] =	vst v2  }
0xd2: {  	_ =	swait.ge [sflag:s14], $0x1400  }
0xd3: {  	[sflag:s14] =	ssyncset.done $0x0  }
0xd4: {  	[sflag:s14] =	ssyncadd.s32 $0xFFFFEC00  }
0xd5: {  	[spmem:s3] =	stream.indirect.scatter.add.f32 [tilespmem:s4], [sflag:$0x8], $0x40, s25, s29, $0xb8;
	[tilespmem:$0x128E0] =	vst v63  }
0xd6: {  	_ =	swait.ge [sflag:s23], $0x1400  }
0xd7: {  	[sflag:s23] =	ssyncset.done $0x0  }
0xd8: {  	s5 =	simm.s32 $0x6BD0;
	[sflag:s23] =	ssyncadd.s32 $0xFFFFEC00  }
0xd9: {  	[tilespmem:s4], [sflag:$0x1] =	stream.indirect.gather [hbm4b:s1+s29], $0x40, s5, s29, $0xb8;
	[tilespmem:$0x128E0] =	vst v63  }
0xda: {  	_ =	swait.ge [sflag:s16], $0x1400  }
0xdb: {  	[sflag:s16] =	ssyncset.done $0x0  }
0xdc: {  	s6 =	simm.s32 $0x65E0;
	[sflag:s16] =	ssyncadd.s32 $0xFFFFEC00  }
0xdd: {  	[spmem:s3] =	stream.indirect.scatter.add.f32 [tilespmem:s0], [sflag:$0x8], $0x40, s6, s29, $0xb8;
	[tilespmem:$0x128E0] =	vst v63  }
0xde: {  	_ =	swait.ge [sflag:s23], $0x1400  }
0xdf: {  	[sflag:s23] =	ssyncset.done $0x0  }
0xe0: {  	s18 =	simm.s32 $0x6C20;
	[sflag:s23] =	ssyncadd.s32 $0xFFFFEC00  }
0xe1: {  	[tilespmem:s0], [sflag:$0x2] =	stream.indirect.gather [hbm4b:s1+s29], $0x40, s18, s29, $0xb8;
	[tilespmem:$0x128E0] =	vst v63  }
0xe2: {  	_ =	swait.ge [sflag:s19], $0x1400  }
0xe3: {  	[sflag:s19] =	ssyncset.done $0x0  }
0xe4: {  	s6 =	simm.s32 $0x6630;
	[sflag:s19] =	ssyncadd.s32 $0xFFFFEC00  }
0xe5: {  	[spmem:s3] =	stream.indirect.scatter.add.f32 [tilespmem:s31], [sflag:$0x8], $0x40, s6, s29, $0xb8;
	[tilespmem:$0x128E0] =	vst v63  }
0xe6: {  	_ =	swait.ge [sflag:s23], $0x1400  }
0xe7: {  	[sflag:s23] =	ssyncset.done $0x0  }
0xe8: {  	s18 =	simm.s32 $0x6C70;
	[sflag:s23] =	ssyncadd.s32 $0xFFFFEC00  }
0xe9: {  	[tilespmem:s31], [sflag:$0x3] =	stream.indirect.gather [hbm4b:s1+s29], $0x40, s18, s29, $0xb8;
	[tilespmem:$0x128E0] =	vst v63  }
0xea: {  	_ =	swait.ge [sflag:s7], $0x1400  }
0xeb: {  	[sflag:s7] =	ssyncset.done $0x0  }
0xec: {  	[sflag:s7] =	ssyncadd.s32 $0xFFFFEC00  }
0xed: {  	[spmem:s3] =	stream.indirect.scatter.add.f32 [tilespmem:s10], [sflag:$0x8], $0x40, s8, s29, $0xb8;
	[tilespmem:$0x128E0] =	vst v63  }
0xee: {  	_ =	swait.ge [sflag:s23], $0x1400  }
0xef: {  	[sflag:s23] =	ssyncset.done $0x0  }
0xf0: {  	[sflag:s23] =	ssyncadd.s32 $0xFFFFEC00  }
0xf1: {  	[tilespmem:s10], [sflag:$0x4] =	stream.indirect.gather [hbm4b:s1+s29], $0x40, s9, s29, $0xb8;
	[tilespmem:$0x128E0] =	vst v63  }
0xf2: {  	_ =	swait.ge [sflag:s22], $0x1400  }
0xf3: {  	[sflag:s22] =	ssyncset.done $0x0  }
0xf4: {  	p0 =	seq.s32 s17, $0x0;
	[sflag:s22] =	ssyncadd.s32 $0xFFFFEC00  }
0xf5: {  	[spmem:s3] =	stream.indirect.scatter.add.f32 [tilespmem:s12], [sflag:$0x8], $0x40, s24, s29, $0xb8;
	[tilespmem:$0x128E0] =	vst v63  }
.Ltmp3:
0xf6: {  	_ = 	snop;
	(pc) =	sbr.rel @p0 .LBB2_6-.Ltmp3, $4  }
0xf7: {  	_ =	swait.ge [sflag:s23], $0x1400  }
0xf8: {  	[sflag:s23] =	ssyncset.done $0x0  }
0xf9: {  	[sflag:s23] =	ssyncadd.s32 $0xFFFFEC00  }
0xfa: {  	[tilespmem:s12], [sflag:$0x5] =	stream.indirect.gather [hbm4b:s1+s29], $0x40, s30, s29, $0xb8;
	[tilespmem:$0x128E0] =	vst v63  }
0xfb: {  	s5 =	sadd.s32 s17, s21  }
0xfc: {  	s6 =	simm.s32 $0x6400;
	s5 =	sadd.s32 $0x9C4, s5  }
0xfd: {  	[tilespmem:s6], [sflag:$0x6] =	stream.linear.gather [hbm4b:s5+s4], $0x190, $0x38;
	[tilespmem:$0x128E0] =	vst v63  }
0xfe: {  	s6 =	sadd.s32 s17, s20  }
0xff: {  	s5 =	sadd.s32 $0x9C4, s6  }
0x100: {  	[tilespmem:s25], [sflag:$0x6] =	stream.linear.gather [hbm4b:s5+s4], $0x190, $0x38;
	[tilespmem:$0x128E0] =	vst v63  }
0x101: {  	_ =	swait.ge [sflag:s15], $0x190  }
0x102: {  	[sflag:s15] =	ssyncset.done $0x0  }
0x103: {  	[sflag:s15] =	ssyncadd.s32 $0xFFFFFE70  }
0x104: {  	_ =	swait.ge [sflag:s15], $0x190  }
0x105: {  	[sflag:s15] =	ssyncset.done $0x0  }
0x106: {  	[sflag:s15] =	ssyncadd.s32 $0xFFFFFE70  }
0x107: {  	v2 =	vld [tilespmem:$0x6400]  }
0x108: {  	v3 =	vld [tilespmem:$0x6410]  }
0x109: {  	v4 =	vld [tilespmem:$0x6420]  }
0x10a: {  	v5 =	vld [tilespmem:$0x6430]  }
0x10b: {  	v6 =	vld [tilespmem:$0x6440]  }
0x10c: {  	v7 =	vld [tilespmem:$0x6450];
	v2 =	vshll.u32 v2, $0x1  }
0x10d: {  	v8 =	vld [tilespmem:$0x6460];
	v3 =	vshll.u32 v3, $0x1;
	v2 =	vor.u32 v0, v2  }
0x10e: {  	v46 =	vld [tilespmem:$0x6470];
	[tilespmem:$0x6A40] =	vst v2;
	v2 =	vor.u32 v0, v3;
	v3 =	vshll.u32 v4, $0x1  }
0x10f: {  	v47 =	vld [tilespmem:$0x6480];
	[tilespmem:$0x6A50] =	vst v2;
	v2 =	vor.u32 v0, v3;
	v3 =	vshll.u32 v5, $0x1  }
0x110: {  	v48 =	vld [tilespmem:$0x6490];
	[tilespmem:$0x6A60] =	vst v2;
	v2 =	vor.u32 v0, v3;
	v3 =	vshll.u32 v6, $0x1  }
0x111: {  	v49 =	vld [tilespmem:$0x64A0];
	[tilespmem:$0x6A70] =	vst v2;
	v2 =	vor.u32 v0, v3;
	v3 =	vshll.u32 v7, $0x1  }
0x112: {  	v50 =	vld [tilespmem:$0x64B0];
	[tilespmem:$0x6A80] =	vst v2;
	v2 =	vor.u32 v0, v3;
	v3 =	vshll.u32 v8, $0x1  }
0x113: {  	v51 =	vld [tilespmem:$0x64C0];
	[tilespmem:$0x6A90] =	vst v2;
	v2 =	vor.u32 v0, v3;
	v3 =	vshll.u32 v46, $0x1  }
0x114: {  	v52 =	vld [tilespmem:$0x64D0];
	[tilespmem:$0x6AA0] =	vst v2;
	v2 =	vor.u32 v0, v3;
	v3 =	vshll.u32 v47, $0x1  }
0x115: {  	v53 =	vld [tilespmem:$0x64E0];
	[tilespmem:$0x6AB0] =	vst v2;
	v2 =	vor.u32 v0, v3;
	v3 =	vshll.u32 v48, $0x1  }
0x116: {  	v54 =	vld [tilespmem:$0x64F0];
	[tilespmem:$0x6AC0] =	vst v2;
	v2 =	vor.u32 v0, v3;
	v3 =	vshll.u32 v49, $0x1  }
0x117: {  	v55 =	vld [tilespmem:$0x6500];
	[tilespmem:$0x6AD0] =	vst v2;
	v2 =	vor.u32 v0, v3;
	v3 =	vshll.u32 v50, $0x1  }
0x118: {  	v56 =	vld [tilespmem:$0x6510];
	[tilespmem:$0x6AE0] =	vst v2;
	v2 =	vor.u32 v0, v3;
	v3 =	vshll.u32 v51, $0x1  }
0x119: {  	v57 =	vld [tilespmem:$0x6520];
	[tilespmem:$0x6AF0] =	vst v2;
	v2 =	vor.u32 v0, v3;
	v3 =	vshll.u32 v52, $0x1  }
0x11a: {  	v58 =	vld [tilespmem:$0x6530];
	[tilespmem:$0x6B00] =	vst v2;
	v2 =	vor.u32 v0, v3;
	v3 =	vshll.u32 v53, $0x1  }
0x11b: {  	v59 =	vld [tilespmem:$0x6540];
	[tilespmem:$0x6B10] =	vst v2;
	v2 =	vor.u32 v0, v3;
	v3 =	vshll.u32 v54, $0x1  }
0x11c: {  	v60 =	vld [tilespmem:$0x6550];
	[tilespmem:$0x6B20] =	vst v2;
	v2 =	vor.u32 v0, v3;
	v3 =	vshll.u32 v55, $0x1  }
0x11d: {  	v61 =	vld [tilespmem:$0x6560];
	[tilespmem:$0x6B30] =	vst v2;
	v2 =	vor.u32 v0, v3;
	v3 =	vshll.u32 v56, $0x1  }
0x11e: {  	v62 =	vld [tilespmem:$0x6570];
	[tilespmem:$0x6B40] =	vst v2;
	v2 =	vor.u32 v0, v3;
	v3 =	vshll.u32 v57, $0x1  }
0x11f: {  	v63 =	vld [tilespmem:$0x6580];
	[tilespmem:$0x6B50] =	vst v2;
	v2 =	vor.u32 v0, v3;
	v3 =	vshll.u32 v58, $0x1  }
0x120: {  	[tilespmem:$0x6B60] =	vst v2;
	v2 =	vor.u32 v0, v3;
	v3 =	vshll.u32 v59, $0x1  }
0x121: {  	[tilespmem:$0x6B70] =	vst v2;
	v2 =	vor.u32 v0, v3;
	v3 =	vshll.u32 v60, $0x1  }
0x122: {  	[tilespmem:$0x6B80] =	vst v2;
	v2 =	vor.u32 v0, v3;
	v3 =	vshll.u32 v61, $0x1  }
0x123: {  	[tilespmem:$0x6B90] =	vst v2;
	v2 =	vor.u32 v0, v3;
	v3 =	vshll.u32 v62, $0x1  }
0x124: {  	[tilespmem:$0x6BA0] =	vst v2;
	v2 =	vor.u32 v0, v3;
	v3 =	vshll.u32 v63, $0x1  }
0x125: {  	[tilespmem:$0x6BB0] =	vst v2;
	v2 =	vor.u32 v0, v3  }
0x126: {  	[tilespmem:$0x6BC0] =	vst v2  }
0x127: {  	_ =	swait.ge [sflag:s14], $0x1400  }
0x128: {  	[sflag:s14] =	ssyncset.done $0x0  }
0x129: {  	[sflag:s14] =	ssyncadd.s32 $0xFFFFEC00  }
0x12a: {  	[spmem:s3] =	stream.indirect.scatter.add.f32 [tilespmem:s4], [sflag:$0x8], $0x40, s28, s29, $0xb8;
	[tilespmem:$0x128E0] =	vst v63  }
.Ltmp4:
0x12b: {  	_ = 	snop;
	(pc) =	sbr.rel .LBB2_7-.Ltmp4, $4  }
0x12c: {  	_ =	swait.ge [sflag:s23], $0x1400  }
0x12d: {  	[sflag:s23] =	ssyncset.done $0x0  }
0x12e: {  	s18 =	simm.s32 $0x6A40;
	[sflag:s23] =	ssyncadd.s32 $0xFFFFEC00  }
0x12f: {  	[tilespmem:s4], [sflag:$0x1] =	stream.indirect.gather [hbm4b:s1+s29], $0x40, s18, s29, $0xb8;
	[tilespmem:$0x128E0] =	vst v63  }
.LBB2_6:
0x130: {  	_ =	swait.ge [sflag:s14], $0x1400  }
0x131: {  	[sflag:s14] =	ssyncset.done $0x0  }
0x132: {  	[sflag:s14] =	ssyncadd.s32 $0xFFFFEC00  }
0x133: {  	[spmem:s3] =	stream.indirect.scatter.add.f32 [tilespmem:s4], [sflag:$0x8], $0x40, s28, s29, $0xb8;
	[tilespmem:$0x128E0] =	vst v63  }
0x134: {  	_ =	swait.ge [sflag:s23], $0x1400  }
0x135: {  	[sflag:s23] =	ssyncset.done $0x0  }
0x136: {  	[sflag:s23] =	ssyncadd.s32 $0xFFFFEC00  }
.LBB2_7:
0x137: {  	_ =	swait.ge [sflag:s16], $0x1400  }
0x138: {  	[sflag:s16] =	ssyncset.done $0x0  }
0x139: {  	[sflag:s16] =	ssyncadd.s32 $0xFFFFEC00  }
0x13a: {  	[spmem:s3] =	stream.indirect.scatter.add.f32 [tilespmem:s0], [sflag:$0x8], $0x40, s26, s29, $0xb8;
	[tilespmem:$0x128E0] =	vst v63  }
0x13b: {  	_ =	swait.ge [sflag:s23], $0x1400  }
0x13c: {  	[sflag:s23] =	ssyncset.done $0x0  }
0x13d: {  	s5 =	simm.s32 @p0 $0x3;
	[sflag:s23] =	ssyncadd.s32 $0xFFFFEC00  }
0x13e: {  	_ =	swait.ge @p0 [sflag:s5], $0x1400  }
0x13f: {  	s18 =	simm.s32 @p0 $0x6950;
	[sflag:s5] =	ssyncset.done @p0 $0x0  }
0x140: {  	s6 =	simm.s32 @p0 $0x2800;
	[sflag:s5] =	ssyncadd.s32 @p0 $0xFFFFEC00;
	s5 =	simm.s32 @p0 $0x50  }
0x141: {  	[spmem:s3] =	stream.indirect.scatter.add.f32 @p0 [tilespmem:s6], [sflag:$0x8], $0x40, s18, s5, $0xb8;
	[tilespmem:$0x128E0] =	vst v63  }
0x142: {  	s5 =	simm.s32 @p0 $0x8  }
0x143: {  	_ =	swait.ge @p0 [sflag:s5], $0x1400  }
0x144: {  	s6 =	simm.s32 @!p0 $0x6A90;
	[sflag:s5] =	ssyncset.done @p0 $0x0  }
0x145: {  	s18 =	simm.s32 @!p0 $0x1400;
	[sflag:s5] =	ssyncadd.s32 @p0 $0xFFFFEC00;
	s5 =	simm.s32 @!p0 $0x50  }
0x146: {  	[tilespmem:s18], [sflag:$0x2] =	stream.indirect.gather @!p0 [hbm4b:s1+s5], $0x40, s6, s5, $0xb8;
	[tilespmem:$0x128E0] =	vst v63  }
0x147: {  	s6 =	simm.s32 @!p0 $0x3  }
0x148: {  	_ =	swait.ge @!p0 [sflag:s6], $0x1400  }
0x149: {  	[sflag:s6] =	ssyncset.done @!p0 $0x0  }
0x14a: {  	s18 =	simm.s32 @!p0 $0x2800;
	[sflag:s6] =	ssyncadd.s32 @!p0 $0xFFFFEC00;
	s6 =	simm.s32 @!p0 $0x6950  }
0x14b: {  	[spmem:s3] =	stream.indirect.scatter.add.f32 @!p0 [tilespmem:s18], [sflag:$0x8], $0x40, s6, s5, $0xb8;
	[tilespmem:$0x128E0] =	vst v63  }
0x14c: {  	s6 =	simm.s32 @!p0 $0x8  }
0x14d: {  	_ =	swait.ge @!p0 [sflag:s6], $0x1400  }
0x14e: {  	[sflag:s6] =	ssyncset.done @!p0 $0x0  }
0x14f: {  	[sflag:s6] =	ssyncadd.s32 @!p0 $0xFFFFEC00;
	s6 =	simm.s32 @!p0 $0x6AE0  }
0x150: {  	[tilespmem:s18], [sflag:$0x3] =	stream.indirect.gather @!p0 [hbm4b:s1+s5], $0x40, s6, s5, $0xb8;
	[tilespmem:$0x128E0] =	vst v63  }
0x151: {  	_ =	swait.ge [sflag:s7], $0x1400  }
0x152: {  	[sflag:s7] =	ssyncset.done $0x0  }
.Ltmp5:
0x153: {  	[sflag:s7] =	ssyncadd.s32 $0xFFFFEC00;
	(pc) =	sbr.rel @p0 .LBB2_9-.Ltmp5, $4  }
0x154: {  	[spmem:s3] =	stream.indirect.scatter.add.f32 [tilespmem:s10], [sflag:$0x8], $0x40, s2, s29, $0xb8;
	[tilespmem:$0x128E0] =	vst v63  }
0x155: {  	_ =	swait.ge [sflag:s23], $0x1400  }
0x156: {  	[sflag:s23] =	ssyncset.done $0x0  }
0x157: {  	[sflag:s23] =	ssyncadd.s32 $0xFFFFEC00  }
0x158: {  	s5 =	simm.s32 $0x6B30  }
0x159: {  	[tilespmem:s10], [sflag:$0x4] =	stream.indirect.gather [hbm4b:s1+s29], $0x40, s5, s29, $0xb8;
	[tilespmem:$0x128E0] =	vst v63  }
0x15a: {  	_ =	swait.ge [sflag:s22], $0x1400  }
0x15b: {  	[sflag:s22] =	ssyncset.done $0x0  }
0x15c: {  	[sflag:s22] =	ssyncadd.s32 $0xFFFFEC00  }
0x15d: {  	[spmem:s3] =	stream.indirect.scatter.add.f32 [tilespmem:s12], [sflag:$0x8], $0x40, s11, s29, $0xb8;
	[tilespmem:$0x128E0] =	vst v63  }
0x15e: {  	_ =	swait.ge [sflag:s23], $0x1400  }
0x15f: {  	[sflag:s23] =	ssyncset.done $0x0  }
0x160: {  	s18 =	simm.s32 $0x6B80;
	[sflag:s23] =	ssyncadd.s32 $0xFFFFEC00  }
0x161: {  	[tilespmem:s12], [sflag:$0x5] =	stream.indirect.gather [hbm4b:s1+s29], $0x40, s18, s29, $0xb8;
	[tilespmem:$0x128E0] =	vst v63  }
.Ltmp6:
0x162: {  	s6 =	sadd.s32 s17, s21;
	(pc) =	sbr.rel .LBB2_4-.Ltmp6, $4  }
0x163: {  	s5 =	sadd.s32 $0x9F6, s6;
	s6 =	simm.s32 $0x6720;
	s18 =	sadd.s32 s17, s20  }
0x164: {  	[tilespmem:s6], [sflag:$0x7] =	stream.linear.gather [hbm4b:s5+s4], $0x190, $0x38;
	[tilespmem:$0x128E0] =	vst v63  }
0x165: {  	s17 =	sadd.s32 $0x64, s17;
	s5 =	sadd.s32 $0x9F6, s18  }
0x166: {  	[tilespmem:s28], [sflag:$0x7] =	stream.linear.gather [hbm4b:s5+s4], $0x190, $0x38;
	[tilespmem:$0x128E0] =	vst v63  }
.LBB2_10:
0x167: {  	_ =	sfence.sel $0x180000  }
0x168: {  	[bflag:$0x0] =	sbarrier.arrive $0xFFFF  }
0x169: {  	_ =	strace $0x90000047  }
0x16a: {  	s0 =	stileid.u32;
	[bflag:$0x2] =	sbarrier.arrive $0xFFFF  }
0x16b: {  	p0 =	sne.s32 s0, $0x0;
	s0 =	rddreg [dreg:$0x4]  }
0x16c: {  	s0 =	sadd.s32 @!p0 $0x100000, s0  }
0x16d: {  	[sflag:s0] =	ssyncadd.tile.s32 @!p0 $0x1;
	_ =	shalt  }
.Lfunc_end2:
_tile_overlayer_lowered:
.L_overlay_start_2:
0x16e: {  	(tag) =	ssettag $0x2  }
0x16f: {  	s0 =	rddreg [dreg:$0x0];
	s2 =	stileid.u32  }
0x170: {  	s1 =	rddreg [dreg:$0x1];
	p0 =	sne.s32 s2, $0x0  }
0x171: {  	s3 =	rddreg [dreg:$0x2];
	[bflag:$0x3] =	sbarrier.arrive $0xFFFF;
	s2 =	simm.s32 @!p0 $0x1C08  }
0x172: {  	[timem:s3], [sflag:s2] =	dma.local @!p0 [hbm:s0], s1  }
0x173: {  	s0 =	simm.s32 @!p0 $0x8  }
0x174: {  	_ =	swait.ge @!p0 [sflag:s0], s1  }
0x175: {  	s1 =	ssub.s32 @!p0 $0x0, s1;
	[sflag:s0] =	ssyncset.done @!p0 $0x0  }
0x176: {  	[sflag:s0] =	ssyncadd.s32 @!p0 s1  }
0x177: {  	[bflag:$0x3] =	sbarrier.arrive $0xFFFF  }
0x178: {  	_ =	shalt  }

// kernel: kernel.8.cloned.1.call-start
scs
__scs_entry_jumppad:
0x0: {  	(pc) =	sbr.rel $0x88, $3  }
0x1: {  	(tag) =	ssettag $0x0;
	lr =	simm.s32 $0x1  }
0x2: {  	[smem:$0x3F9D] =	sst lr;
	_ =	strace $0xD0000000  }
0x3: {  	_ = 	snop  }
0x4: {  	_ = 	snop  }
0x5: {  	_ = 	snop  }
0x6: {  	_ = 	snop  }
0x7: {  	_ = 	snop  }
__scs_overlays_trampoline_lowered:
0x8: {  	[smem:$0x3FAC] =	sst s0  }
0x9: {  	[smem:$0x3FAD] =	sst s1  }
0xa: {  	[smem:$0x3FAE] =	sst s2  }
0xb: {  	[smem:$0x3FAF] =	sst s3  }
0xc: {  	[smem:$0x3FB0] =	sst s4  }
0xd: {  	[smem:$0x3FB1] =	sst s5  }
0xe: {  	[smem:$0x3FB2] =	sst s6  }
0xf: {  	[smem:$0x3FB3] =	sst s7  }
0x10: {  	[smem:$0x3FB4] =	sst s8  }
0x11: {  	[smem:$0x3FB5] =	sst s9;
	s0 =	simm.s32 @!p0 $0x0  }
0x12: {  	s1 =	sld [smem:$0x3F9B];
	s0 =	simm.s32 @p0 $0x1  }
0x13: {  	[smem:$0x3FB6] =	sst s0;
	s0 =	simm.s32 @!p1 $0x0  }
0x14: {  	s2 =	sld [smem:$0x3F9A];
	s0 =	simm.s32 @p1 $0x1  }
0x15: {  	[smem:$0x3FB7] =	sst s0;
	s0 =	simm.s32 @!p2 $0x0  }
0x16: {  	s3 =	sld [smem:$0x3FDB];
	s0 =	simm.s32 @p2 $0x1  }
0x17: {  	s4 =	simm.s32 $0x1BF5;
	[smem:$0x3FB9] =	sst s0  }
0x18: {  	s0 =	sld [smem:$0x3F9C];
	_ =	swait.ge [sflag:s4], $0x0  }
0x19: {  	s7 =	sld [smem:$0x3F9D]  }
0x1a: {  	s8 =	sadd.s32 $0xFFFFE003, lr  }
0x1b: {  	s9 =	sadd.s32 $0xFFFFFEF7, lr;
	s5 =	simm.s32 $0xFFFFFFFF;
	p2 =	slt.u32 s8, $0xFFFFF086  }
0x1c: {  	p1 =	slt.u32 s9, $0xF7A;
	s5 =	simm.s32 @!p2 $0x0  }
0x1d: {  	s5 =	simm.s32 @p1 $0x1;
	p0 =	seq.s32 s7, s2  }
0x1e: {  	s7 =	smul.u32 @!p0 $0xF7A, s2;
	p2 =	seq.s32 @!p0 s5, $0x0  }
0x1f: {  	s9 =	smul.u32 $0xF7A, s1;
	s8 =	simm.s32 @!p0 $0x1BF5;
	p2 =	por !p2, p0  }
0x20: {  	[sflag:s8] =	ssyncset.s32 @!p0 $0xFFFFF086;
	s6 =	sadd.s32 @!p0 s3, s7;
	s7 =	simm.s32 @!p0 $0x108  }
0x21: {  	s3 =	sadd.s32 s3, s9;
	s6 =	sadd.s32 @!p0 $0x88, s6;
	s7 =	simm.s32 @p2 $0x1082  }
0x22: {  	[simem:s7], [sflag:s8] =	dma.local @!p0 [hbm:s6], $0xF7A  }
0x23: {  	s9 =	sor.u32 $0xD0000000, s2;
	s6 =	simm.s32 $0x108;
	_ =	swait.ge @!p0 [sflag:s8], $0x0  }
0x24: {  	s3 =	sadd.s32 $0x88, s3;
	s6 =	simm.s32 @!p1 $0x1082;
	[sflag:s4] =	ssyncset.s32 $0xFFFFF086  }
0x25: {  	[simem:s6], [sflag:s4] =	dma.local [hbm:s3], $0xF7A  }
0x26: {  	[smem:$0x3F9D] =	sst s1;
	(tag) =	ssettag s2;
	_ =	strace s9  }
0x27: {  	s1 =	sld [smem:$0x3FAD]  }
0x28: {  	s2 =	sld [smem:$0x3FAE]  }
0x29: {  	s4 =	sld [smem:$0x3FB0]  }
0x2a: {  	p0 =	seq.s32 s5, $0x0;
	s5 =	sld [smem:$0x3FB1]  }
0x2b: {  	s6 =	sld [smem:$0x3FB2]  }
0x2c: {  	s7 =	sld [smem:$0x3FB3]  }
0x2d: {  	s3 =	simm.s32 $0x108;
	s8 =	sld [smem:$0x3FB4]  }
0x2e: {  	s3 =	simm.s32 @!p0 $0x1082;
	s9 =	sld [smem:$0x3FB5]  }
0x2f: {  	lr =	sadd.s32 s0, s3;
	s0 =	sld [smem:$0x3FAC]  }
0x30: {  	s3 =	sld [smem:$0x3FAF]  }
0x31: {  	[smem:$0x3FB8] =	sst s10  }
0x32: {  	s10 =	sld [smem:$0x3FB6];
	_ =	sdelay $0x3  }
0x33: {  	p0 =	seq.s32 s10, $0x1;
	s10 =	sld [smem:$0x3FB8];
	_ =	sdelay $0x3  }
0x34: {  	[smem:$0x3FB8] =	sst s10  }
0x35: {  	s10 =	sld [smem:$0x3FB7];
	_ =	sdelay $0x3  }
0x36: {  	p1 =	seq.s32 s10, $0x1;
	s10 =	sld [smem:$0x3FB8];
	_ =	sdelay $0x3  }
0x37: {  	[smem:$0x3FB8] =	sst s10  }
0x38: {  	s10 =	sld [smem:$0x3FB9]  }
0x39: {  	_ = 	snop;
	(pc) =	sbr.ind lr, $3  }
0x3a: {  	_ = 	snop  }
0x3b: {  	_ = 	snop  }
0x3c: {  	p2 =	seq.s32 s10, $0x1;
	s10 =	sld [smem:$0x3FB8]  }
0x3d: {  	_ =	shalt  }
0x3e: {  	_ =	shalt  }
0x3f: {  	_ =	shalt  }
0x40: {  	_ =	shalt  }
0x41: {  	_ =	shalt  }
0x42: {  	_ =	shalt  }
0x43: {  	_ =	shalt  }
0x44: {  	_ =	shalt  }
0x45: {  	_ =	shalt  }
0x46: {  	_ =	shalt  }
0x47: {  	_ =	shalt  }
0x48: {  	_ =	shalt  }
0x49: {  	_ =	shalt  }
0x4a: {  	_ =	shalt  }
0x4b: {  	_ =	shalt  }
0x4c: {  	_ =	shalt  }
0x4d: {  	_ =	shalt  }
0x4e: {  	_ =	shalt  }
0x4f: {  	_ =	shalt  }
0x50: {  	_ =	shalt  }
0x51: {  	_ =	shalt  }
0x52: {  	_ =	shalt  }
0x53: {  	_ =	shalt  }
0x54: {  	_ =	shalt  }
0x55: {  	_ =	shalt  }
0x56: {  	_ =	shalt  }
0x57: {  	_ =	shalt  }
0x58: {  	_ =	shalt  }
0x59: {  	_ =	shalt  }
0x5a: {  	_ =	shalt  }
0x5b: {  	_ =	shalt  }
0x5c: {  	_ =	shalt  }
0x5d: {  	_ =	shalt  }
0x5e: {  	_ =	shalt  }
0x5f: {  	_ =	shalt  }
0x60: {  	_ =	shalt  }
0x61: {  	_ =	shalt  }
0x62: {  	_ =	shalt  }
0x63: {  	_ =	shalt  }
0x64: {  	_ =	shalt  }
0x65: {  	_ =	shalt  }
0x66: {  	_ =	shalt  }
0x67: {  	_ =	shalt  }
0x68: {  	_ =	shalt  }
0x69: {  	_ =	shalt  }
0x6a: {  	_ =	shalt  }
0x6b: {  	_ =	shalt  }
0x6c: {  	_ =	shalt  }
0x6d: {  	_ =	shalt  }
0x6e: {  	_ =	shalt  }
0x6f: {  	_ =	shalt  }
0x70: {  	_ =	shalt  }
0x71: {  	_ =	shalt  }
0x72: {  	_ =	shalt  }
0x73: {  	_ =	shalt  }
0x74: {  	_ =	shalt  }
0x75: {  	_ =	shalt  }
0x76: {  	_ =	shalt  }
0x77: {  	_ =	shalt  }
0x78: {  	_ =	shalt  }
0x79: {  	_ =	shalt  }
0x7a: {  	_ =	shalt  }
0x7b: {  	_ =	shalt  }
0x7c: {  	_ =	shalt  }
0x7d: {  	_ =	shalt  }
0x7e: {  	_ =	shalt  }
0x7f: {  	_ =	shalt  }
0x80: {  	_ =	shalt  }
0x81: {  	_ =	shalt  }
0x82: {  	_ =	shalt  }
0x83: {  	_ =	shalt  }
0x84: {  	_ =	shalt  }
0x85: {  	_ =	shalt  }
0x86: {  	_ =	shalt  }
0x87: {  	_ =	shalt  }
.Lfunc_end0:
.L_simem_size_0:
called_computation.1_lowered:
.L_overlay_start_0:
0x88: {  	s2 =	sld [smem:$0x3FD9]  }
0x89: {  	s3 =	sld [smem:$0x3FFE];
	_ =	sdelay $0x1  }
0x8a: {  	s1 =	srdreg.scid  }
0x8b: {  	s0 =	sand.u32 $0x1, s1  }
0x8c: {  	s17 =	sshll.u32 s0, $0xA;
	s2 =	sadd.s32 s3, s2  }
0x8d: {  	s2 =	sadd.s32 s2, s17  }
0x8e: {  	[smem:$0x3FC4] =	sst s2  }
0x8f: {  	_ = 	snop  }
0x90: {  	s2 =	sld [smem:$0x3FD0];
	(tm) =	ssettm $0x1  }
0x91: {  	s18 =	sld [smem:$0x3FFB];
	_ =	sdelay $0x3  }
0x92: {  	_ =	strace s18  }
0x93: {  	s3 =	sld [smem:$0x3FFC];
	_ =	sdelay $0x3  }
0x94: {  	_ =	strace s3  }
0x95: {  	s3 =	sld [smem:$0x3FFD];
	_ =	sdelay $0x3  }
0x96: {  	_ =	strace s3  }
0x97: {  	_ =	strace $0x8FFFFFFF  }
0x98: {  	s19 =	sld [smem:$0x3FDB];
	_ =	sdelay $0x1  }
0x99: {  	s4 =	simm.s32 $_scs_section_size  }
0x9a: {  	s5 =	simm.s32 $_size__tile_overlayer_lowered;
	s6 =	simm.s32 $_tile_overlayer_lowered  }
0x9b: {  	s22 =	simm.s32 $0x1BFF;
	s21 =	sshll.u32 s6, $0x1;
	s3 =	sadd.s32 s4, s19  }
0x9c: {  	s7 =	simm.s32 $0x0;
	s20 =	sshll.u32 s5, $0x1;
	s5 =	sadd.s32 s21, s3  }
0x9d: {  	[timem:s7], [sflag:s22] =	dma.local [hbm:s5], s20  }
0x9e: {  	_ =	swait.ge [sflag:s22], s20  }
0x9f: {  	s4 =	ssub.s32 $0x0, s20;
	[sflag:s22] =	ssyncset.done $0x0  }
0xa0: {  	[sflag:s22] =	ssyncadd.s32 s4;
	_ =	sdelay $0x1  }
0xa1: {  	s23 =	simm.s32 $0x1B8B  }
0xa2: {  	_ =	swait.ge [sflag:s23], $0x1  }
0xa3: {  	[sflag:s23] =	ssyncset.done $0x0  }
0xa4: {  	s25 =	simm.s32 $0x1B8E;
	s24 =	sld [smem:$0x3FFE];
	[sflag:s23] =	ssyncadd.s32 $0xFFFFFFFF  }
0xa5: {  	s26 =	simm.s32 $execute0_lowered;
	[smem:$0x3FD2] =	sst s25  }
0xa6: {  	s5 =	sshll.u32 s26, $0x1;
	_ =	strace $0x80000049;
	[dreg:$0x1] =	wrdreg $0xFFFFFFFF  }
0xa7: {  	s28 =	simm.s32 $_size_execute0_lowered;
	s3 =	sadd.s32 s3, s5;
	[dreg:$0x0] =	wrdreg $0x0  }
0xa8: {  	s5 =	sshll.u32 s28, $0x1;
	[dreg:$0x2] =	wrdreg s3  }
0xa9: {  	[dreg:$0x3] =	wrdreg s5  }
0xaa: {  	[dreg:$0x4] =	wrdreg $0xC0  }
0xab: {  	_ =	task [dreg:s7], $0x5FFFF  }
0xac: {  	[dreg:$0x1] =	wrdreg $0xFFFFFFFF  }
0xad: {  	[dreg:$0x0] =	wrdreg $0x60  }
0xae: {  	[dreg:$0x2] =	wrdreg s24  }
0xaf: {  	[dreg:$0x3] =	wrdreg s2  }
0xb0: {  	[dreg:$0x4] =	wrdreg $0x23F00  }
0xb1: {  	[dreg:$0x5] =	wrdreg $0x9  }
0xb2: {  	_ =	task.clear_ibuf [dreg:s7], $0x6FFFF;
	_ =	strace $0x90000049  }
0xb3: {  	s29 =	simm.s32 $0x9;
	_ =	strace $0x8000004B  }
0xb4: {  	_ =	swait.ge [sflag:s29], $0x1  }
0xb5: {  	[sflag:s29] =	ssyncadd.s32 $0xFFFFFFFF  }
0xb6: {  	_ =	strace $0x9000004B  }
0xb7: {  	_ =	sfence  }
0xb8: {  	s30 =	sld [smem:$0x0];
	_ =	sdelay $0x2  }
0xb9: {  	s31 =	sshll.u32 s1, $0xD;
	s1 =	sshrl.u32 s1, $0x2  }
0xba: {  	s3 =	sand.u32 $0x4000, s31;
	s1 =	sadd.s32 s1, s30  }
0xbb: {  	s0 =	sor.u32 s3, s0;
	s1 =	sshll.u32 s1, $0x11  }
0xbc: {  	s0 =	sor.u32 s1, s0  }
0xbd: {  	s0 =	sadd.s32 $0x8F2B, s0  }
0xbe: {  	[sflag:s0] =	ssyncadd.remote.s32 $0x1  }
0xbf: {  	_ =	sfence.sel $0xFFFF  }
0xc0: {  	[dreg:$0x0] =	wrdreg $0xFFFFFFFF;
	(pc) =	sbr.abs _section_cstart, $3  }
0xc1: {  	[dreg:$0x1] =	wrdreg $0xFFFFFFFF  }
0xc2: {  	_ =	task.clear_ibuf [dreg:s7], $0x2FFFF;
	_ =	strace $0x9FFFFFFF  }
0xc3: {  	(tm) =	ssettm $0x7FFFFFFF  }
tec
execute0_lowered:
.L_overlay_start_1:
0x0: {  	(tag) =	ssettag $0x1  }
0x1: {  	s0 =	rddreg [dreg:$0x0]  }
0x2: {  	s14 =	rddreg [dreg:$0x1]  }
0x3: {  	s2 =	rddreg [dreg:$0x2];
	s3 =	simm.s32 $0x0;
	s1 =	srdreg.scid  }
0x4: {  	s9 =	stileid.u32;
	[smem:$0x7FF] =	sst s3  }
0x5: {  	s1 =	sand.u32 $0x1, s1;
	s4 =	sadd.s32 $0x4F7400, s0;
	s8 =	smul.u32 $0x2710, s9  }
0x6: {  	s0 =	sadd.s32 $0x1800, s0;
	_ =	strace $0x8000004A;
	s5 =	ssub.s32 $0x2, s1  }
0x7: {  	s7 =	sshll.u32 s1, $0x4;
	s1 =	smul.u32 $0x27100, s1;
	s6 =	sshrl.u32 s5, $0x1  }
0x8: {  	s16 =	sor.u32 s9, s7;
	s20 =	sadd.s32 s8, s2;
	s17 =	sadd.s32 $0x7D0, s8  }
0x9: {  	s18 =	sadd.s32 $0xFA0, s8;
	s11 =	sadd.s32 $0x1770, s8;
	s12 =	sadd.s32 $0x1F40, s8  }
0xa: {  	s5 =	ssub.s32 s5, s6;
	s10 =	sadd.s32 s17, s2;
	s21 =	smul.u32 $0x2710, s16  }
0xb: {  	s19 =	sadd.s32 s18, s2;
	s13 =	smul.u32 $0x27100, s16;
	[dreg:$0x4] =	wrdreg s20  }
0xc: {  	s15 =	sadd.s32 s11, s2;
	s22 =	sadd.s32 s12, s2;
	[dreg:$0x5] =	wrdreg s10  }
0xd: {  	s6 =	smul.u32 $0x4E20, s16;
	s8 =	sadd.s32 s8, s1;
	[dreg:$0x6] =	wrdreg s19  }
0xe: {  	s7 =	sadd.s32 s1, s17;
	s9 =	sadd.s32 s1, s18;
	[dreg:$0x7] =	wrdreg s15  }
0xf: {  	s11 =	sadd.s32 s1, s11;
	s1 =	sadd.s32 s1, s12;
	[dreg:$0x8] =	wrdreg s22  }
0x10: {  	s26 =	sshrl.u32 s8, $0x3;
	s7 =	sshrl.u32 s7, $0x3;
	s9 =	sshrl.u32 s9, $0x3  }
0x11: {  	s12 =	sadd.s32 $0x320, s8;
	s1 =	sshrl.u32 s1, $0x3;
	s17 =	sshll.u32 s8, $0x1  }
0x12: {  	s10 =	sshrl.u32 s21, $0x3;
	s13 =	sshrl.u32 s13, $0x3;
	s6 =	sadd.s32 s4, s6  }
0x13: {  	s7 =	sadd.s32 s0, s7;
	[dreg:$0x10] =	wrdreg s12;
	s18 =	sadd.s32 s4, s17  }
0x14: {  	s21 =	sadd.s32 $0x4B0, s8;
	s17 =	simm.s32 $0x50;
	s8 =	simm.s32 $0x0  }
0x15: {  	s15 =	sadd.s32 s14, s10;
	[dreg:$0xa] =	wrdreg s6;
	s23 =	sadd.s32 s4, s13  }
0x16: {  	s10 =	sadd.s32 s0, s26;
	[dreg:$0xe] =	wrdreg s7;
	s7 =	sshrl.u32 s11, $0x3  }
0x17: {  	s13 =	sshll.u32 s12, $0x1;
	s26 =	sadd.s32 $0x780, s18;
	[dreg:$0xd] =	wrdreg s10  }
0x18: {  	s28 =	sadd.s32 $0x820, s18;
	s24 =	sadd.s32 $0xA0, s23;
	[dreg:$0x9] =	wrdreg s15  }
0x19: {  	s29 =	sadd.s32 $0x8C0, s18;
	s25 =	sadd.s32 $0x140, s23;
	[dreg:$0xb] =	wrdreg s24  }
0x1a: {  	s30 =	sadd.s32 $0x5A0, s18;
	s10 =	sadd.s32 s0, s9;
	[dreg:$0xc] =	wrdreg s25  }
0x1b: {  	s31 =	sadd.s32 $0x500, s18;
	s7 =	sadd.s32 s0, s7;
	[dreg:$0xf] =	wrdreg s10  }
0x1c: {  	s11 =	sadd.s32 $0x320, s18;
	s0 =	sadd.s32 s0, s1;
	[dreg:$0x11] =	wrdreg s7  }
0x1d: {  	s12 =	simm.s32 $0x1C20;
	s16 =	sadd.s32 s13, s4;
	[dreg:$0x12] =	wrdreg s0  }
0x1e: {  	s19 =	sadd.s32 $0x1E0, s23;
	s22 =	sadd.s32 $0x280, s23;
	[dreg:$0x13] =	wrdreg s16  }
0x1f: {  	s23 =	smax.u32 s5, $0x1;
	s4 =	sadd.s32 $0x3C0, s18;
	[dreg:$0x14] =	wrdreg s19  }
0x20: {  	s5 =	simm.s32 $0x3;
	s9 =	simm.s32 $0x5;
	[dreg:$0x15] =	wrdreg s22  }
0x21: {  	s1 =	simm.s32 $0x6;
	[dreg:$0x16] =	wrdreg s23;
	s0 =	sshrl.u32 s21, $0x3  }
0x22: {  	s25 =	sadd.s32 $0x6E0, s18;
	s24 =	sadd.s32 $0x32, s15;
	s10 =	simm.s32 $0x1900  }
.Ltmp0:
0x23: {  	s15 =	simm.s32 $0x1A90;
	s16 =	simm.s32 $0x500;
	(pc) =	sbr.rel .LBB2_1-.Ltmp0, $4  }
0x24: {  	s19 =	simm.s32 $0xF00;
	s21 =	simm.s32 $0x1400;
	s22 =	simm.s32 $0x7  }
0x25: {  	s23 =	simm.s32 $0x1;
	s7 =	simm.s32 $0x4;
	s0 =	sadd.s32 s0, s14  }
0x26: {  	[dreg:$0x18] =	wrdreg s24;
	s14 =	simm.s32 $0x8;
	s24 =	simm.s32 $0x2  }
0x27: {  	v0 =	vimm.f32 $0.0e+00;
	[dreg:$0x17] =	wrdreg s0;
	s0 =	sadd.s32 $0x460, s18;
	s18 =	simm.s32 $0xA00  }
.LBB2_6:
0x28: {  	_ =	swait.ge [sflag:s23], $0x500  }
0x29: {  	[sflag:s23] =	ssyncset.done $0x0  }
0x2a: {  	[sflag:s23] =	ssyncadd.s32 $0xFFFFFB00  }
0x2b: {  	[spmem:s2] =	stream.indirect.scatter.add.f32 [tilespmem:s3], [sflag:$0x8], $0x10, s10, s17, $0xb8;
	[tilespmem:$0x4B00] =	vst v63  }
0x2c: {  	_ =	swait.ge [sflag:s14], $0x500  }
0x2d: {  	[sflag:s14] =	ssyncset.done $0x0  }
0x2e: {  	[sflag:s14] =	ssyncadd.s32 $0xFFFFFB00  }
0x2f: {  	_ =	swait.ge [sflag:s24], $0x500  }
0x30: {  	[sflag:s24] =	ssyncset.done $0x0  }
0x31: {  	s6 =	simm.s32 $0x1950;
	[sflag:s24] =	ssyncadd.s32 $0xFFFFFB00  }
0x32: {  	[spmem:s2] =	stream.indirect.scatter.add.f32 [tilespmem:s16], [sflag:$0x8], $0x10, s6, s17, $0xb8;
	[tilespmem:$0x4B00] =	vst v63  }
0x33: {  	_ =	swait.ge [sflag:s14], $0x500  }
0x34: {  	[sflag:s14] =	ssyncset.done $0x0  }
0x35: {  	[sflag:s14] =	ssyncadd.s32 $0xFFFFFB00  }
0x36: {  	_ =	swait.ge [sflag:s5], $0x500  }
0x37: {  	[sflag:s5] =	ssyncset.done $0x0  }
0x38: {  	s12 =	simm.s32 $0x19A0;
	[sflag:s5] =	ssyncadd.s32 $0xFFFFFB00  }
0x39: {  	[spmem:s2] =	stream.indirect.scatter.add.f32 [tilespmem:s18], [sflag:$0x8], $0x10, s12, s17, $0xb8;
	[tilespmem:$0x4B00] =	vst v63  }
0x3a: {  	_ =	swait.ge [sflag:s14], $0x500  }
0x3b: {  	[sflag:s14] =	ssyncset.done $0x0  }
0x3c: {  	[sflag:s14] =	ssyncadd.s32 $0xFFFFFB00  }
0x3d: {  	_ =	swait.ge [sflag:s7], $0x500  }
0x3e: {  	[sflag:s7] =	ssyncset.done $0x0  }
0x3f: {  	s13 =	simm.s32 $0x19F0;
	[sflag:s7] =	ssyncadd.s32 $0xFFFFFB00  }
0x40: {  	[spmem:s2] =	stream.indirect.scatter.add.f32 [tilespmem:s19], [sflag:$0x8], $0x10, s13, s17, $0xb8;
	[tilespmem:$0x4B00] =	vst v63  }
0x41: {  	_ =	swait.ge [sflag:s14], $0x500  }
0x42: {  	[sflag:s14] =	ssyncset.done $0x0  }
0x43: {  	[sflag:s14] =	ssyncadd.s32 $0xFFFFFB00  }
0x44: {  	_ =	swait.ge [sflag:s9], $0x500  }
0x45: {  	[sflag:s9] =	ssyncset.done $0x0  }
0x46: {  	s20 =	simm.s32 $0x1A40;
	[sflag:s9] =	ssyncadd.s32 $0xFFFFFB00  }
0x47: {  	[spmem:s2] =	stream.indirect.scatter.add.f32 [tilespmem:s21], [sflag:$0x8], $0x10, s20, s17, $0xb8;
	[tilespmem:$0x4B00] =	vst v63  }
0x48: {  	_ =	swait.ge [sflag:s14], $0x500  }
0x49: {  	[sflag:s14] =	ssyncset.done $0x0  }
0x4a: {  	[sflag:s14] =	ssyncadd.s32 $0xFFFFFB00  }
0x4b: {  	[bflag:$0x0] =	sbarrier.arrive $0xFFFF  }
0x4c: {  	s12 =	simm.s32 $0x1C20;
	s20 =	rddreg [dreg:$0x4]  }
0x4d: {  	[tilespmem:s12], [sflag:$0x8] =	stream.linear.gather [spmem:s20], $0x7D0, $0x38;
	[tilespmem:$0x4B00] =	vst v63  }
0x4e: {  	_ =	swait.ge [sflag:s14], $0x7D0  }
0x4f: {  	[sflag:s14] =	ssyncset.done $0x0  }
0x50: {  	s8 =	rddreg [dreg:$0xd];
	[sflag:s14] =	ssyncadd.s32 $0xFFFFF830  }
0x51: {  	[hbm4b:s8+s3] =	stream.linear.scatter [tilespmem:s12], [sflag:$0x8], $0x7D0, $0x38;
	[tilespmem:$0x4B00] =	vst v63  }
0x52: {  	_ =	swait.ge [sflag:s14], $0x7D0  }
0x53: {  	[sflag:s14] =	ssyncset.done $0x0  }
0x54: {  	s13 =	rddreg [dreg:$0x5];
	[sflag:s14] =	ssyncadd.s32 $0xFFFFF830  }
0x55: {  	[tilespmem:s12], [sflag:$0x8] =	stream.linear.gather [spmem:s13], $0x7D0, $0x38;
	[tilespmem:$0x4B00] =	vst v63  }
0x56: {  	_ =	swait.ge [sflag:s14], $0x7D0  }
0x57: {  	[sflag:s14] =	ssyncset.done $0x0  }
0x58: {  	s8 =	rddreg [dreg:$0xe];
	[sflag:s14] =	ssyncadd.s32 $0xFFFFF830  }
0x59: {  	[hbm4b:s8+s3] =	stream.linear.scatter [tilespmem:s12], [sflag:$0x8], $0x7D0, $0x38;
	[tilespmem:$0x4B00] =	vst v63  }
0x5a: {  	_ =	swait.ge [sflag:s14], $0x7D0  }
0x5b: {  	[sflag:s14] =	ssyncset.done $0x0  }
0x5c: {  	s13 =	rddreg [dreg:$0x6];
	[sflag:s14] =	ssyncadd.s32 $0xFFFFF830  }
0x5d: {  	[tilespmem:s12], [sflag:$0x8] =	stream.linear.gather [spmem:s13], $0x7D0, $0x38;
	[tilespmem:$0x4B00] =	vst v63  }
0x5e: {  	_ =	swait.ge [sflag:s14], $0x7D0  }
0x5f: {  	[sflag:s14] =	ssyncset.done $0x0  }
0x60: {  	s8 =	rddreg [dreg:$0xf];
	[sflag:s14] =	ssyncadd.s32 $0xFFFFF830  }
0x61: {  	[hbm4b:s8+s3] =	stream.linear.scatter [tilespmem:s12], [sflag:$0x8], $0x7D0, $0x38;
	[tilespmem:$0x4B00] =	vst v63  }
0x62: {  	_ =	swait.ge [sflag:s14], $0x7D0  }
0x63: {  	[sflag:s14] =	ssyncset.done $0x0  }
0x64: {  	s13 =	rddreg [dreg:$0x7];
	[sflag:s14] =	ssyncadd.s32 $0xFFFFF830  }
0x65: {  	[tilespmem:s12], [sflag:$0x8] =	stream.linear.gather [spmem:s13], $0x7D0, $0x38;
	[tilespmem:$0x4B00] =	vst v63  }
0x66: {  	_ =	swait.ge [sflag:s14], $0x7D0  }
0x67: {  	[sflag:s14] =	ssyncset.done $0x0  }
0x68: {  	s8 =	rddreg [dreg:$0x11];
	[sflag:s14] =	ssyncadd.s32 $0xFFFFF830  }
0x69: {  	[hbm4b:s8+s3] =	stream.linear.scatter [tilespmem:s12], [sflag:$0x8], $0x7D0, $0x38;
	[tilespmem:$0x4B00] =	vst v63  }
0x6a: {  	_ =	swait.ge [sflag:s14], $0x7D0  }
0x6b: {  	[sflag:s14] =	ssyncset.done $0x0  }
0x6c: {  	s13 =	rddreg [dreg:$0x8];
	[sflag:s14] =	ssyncadd.s32 $0xFFFFF830  }
0x6d: {  	[tilespmem:s12], [sflag:$0x8] =	stream.linear.gather [spmem:s13], $0x7D0, $0x38;
	[tilespmem:$0x4B00] =	vst v63  }
0x6e: {  	_ =	swait.ge [sflag:s14], $0x7D0  }
0x6f: {  	[sflag:s14] =	ssyncset.done $0x0  }
0x70: {  	s8 =	rddreg [dreg:$0x12];
	[sflag:s14] =	ssyncadd.s32 $0xFFFFF830  }
0x71: {  	[hbm4b:s8+s3] =	stream.linear.scatter [tilespmem:s12], [sflag:$0x8], $0x7D0, $0x38;
	[tilespmem:$0x4B00] =	vst v63  }
0x72: {  	_ =	swait.ge [sflag:s14], $0x7D0  }
0x73: {  	s8 =	rddreg [dreg:$0x19]  }
0x74: {  	s13 =	rddreg [dreg:$0x16];
	s8 =	sadd.s32 $0x1, s8  }
0x75: {  	p0 =	sne.s32 s8, s13  }
.Ltmp1:
0x76: {  	_ = 	snop;
	(pc) =	sbr.rel @!p0 .LBB2_7-.Ltmp1, $3  }
0x77: {  	_ =	sdelay $0x1  }
0x78: {  	[sflag:s14] =	ssyncset.done $0x0  }
0x79: {  	[sflag:s14] =	ssyncadd.s32 $0xFFFFF830  }
.LBB2_1:
0x7a: {  	[dreg:$0x19] =	wrdreg s8;
	s6 =	simm.s32 $0x40;
	s8 =	simm.s32 $0x0  }
.LBB2_2:
0x7b: {  	p0 =	sne.s32 s6, $0x1F00;
	[tilespmem:s8+$0x1C20] =	vst v0;
	s8 =	smov.u32 s6;
	s6 =	sadd.s32 $0x40, s6  }
.Ltmp2:
0x7c: {  	(pc) =	sbr.rel @p0 .LBB2_2-.Ltmp2, $2  }
0x7d: {  	_ =	sdelay $0x2  }
0x7e: {  	s8 =	sshra.s32 s8, $0x2  }
0x7f: {  	[tilespmem:s8+$0x1C20] =	vst v0  }
0x80: {  	[spmem:s20] =	stream.linear.scatter [tilespmem:s12], [sflag:$0x8], $0x7D0, $0x38;
	[tilespmem:$0x4B00] =	vst v63  }
0x81: {  	_ =	swait.ge [sflag:s14], $0x7D0  }
0x82: {  	[sflag:s14] =	ssyncset.done $0x0  }
0x83: {  	s6 =	rddreg [dreg:$0x5];
	[sflag:s14] =	ssyncadd.s32 $0xFFFFF830  }
0x84: {  	[spmem:s6] =	stream.linear.scatter [tilespmem:s12], [sflag:$0x8], $0x7D0, $0x38;
	[tilespmem:$0x4B00] =	vst v63  }
0x85: {  	_ =	swait.ge [sflag:s14], $0x7D0  }
0x86: {  	[sflag:s14] =	ssyncset.done $0x0  }
0x87: {  	s20 =	rddreg [dreg:$0x6];
	[sflag:s14] =	ssyncadd.s32 $0xFFFFF830  }
0x88: {  	[spmem:s20] =	stream.linear.scatter [tilespmem:s12], [sflag:$0x8], $0x7D0, $0x38;
	[tilespmem:$0x4B00] =	vst v63  }
0x89: {  	_ =	swait.ge [sflag:s14], $0x7D0  }
0x8a: {  	[sflag:s14] =	ssyncset.done $0x0  }
0x8b: {  	s8 =	rddreg [dreg:$0x7];
	[sflag:s14] =	ssyncadd.s32 $0xFFFFF830  }
0x8c: {  	[spmem:s8] =	stream.linear.scatter [tilespmem:s12], [sflag:$0x8], $0x7D0, $0x38;
	[tilespmem:$0x4B00] =	vst v63  }
0x8d: {  	_ =	swait.ge [sflag:s14], $0x7D0  }
0x8e: {  	[sflag:s14] =	ssyncset.done $0x0  }
0x8f: {  	s13 =	rddreg [dreg:$0x8];
	[sflag:s14] =	ssyncadd.s32 $0xFFFFF830  }
0x90: {  	[spmem:s13] =	stream.linear.scatter [tilespmem:s12], [sflag:$0x8], $0x7D0, $0x38;
	[tilespmem:$0x4B00] =	vst v63  }
0x91: {  	_ =	swait.ge [sflag:s14], $0x7D0  }
0x92: {  	[sflag:s14] =	ssyncset.done $0x0  }
0x93: {  	[sflag:s14] =	ssyncadd.s32 $0xFFFFF830  }
0x94: {  	[bflag:$0x0] =	sbarrier.arrive $0xFFFF  }
0x95: {  	s12 =	simm.s32 $0x0;
	s20 =	rddreg [dreg:$0x9]  }
0x96: {  	[tilespmem:s10], [sflag:$0x8] =	stream.linear.gather [hbm4b:s20+s12], $0x190, $0x38;
	[tilespmem:$0x4B00] =	vst v63  }
0x97: {  	_ =	swait.ge [sflag:s14], $0x190  }
0x98: {  	s8 =	rddreg [dreg:$0x18]  }
0x99: {  	[sflag:s14] =	ssyncset.done $0x0;
	s13 =	rddreg [dreg:$0xa]  }
0x9a: {  	s20 =	rddreg [dreg:$0xb];
	[sflag:s14] =	ssyncadd.s32 $0xFFFFFE70  }
0x9b: {  	[tilespmem:s15], [sflag:$0x7] =	stream.linear.gather [hbm4b:s8+s12], $0x190, $0x38;
	[tilespmem:$0x4B00] =	vst v63  }
0x9c: {  	s6 =	rddreg [dreg:$0x10]  }
0x9d: {  	[tilespmem:s12], [sflag:$0x1] =	stream.linear.gather [hbm4b:s13+s12], $0x500, $0x38;
	[tilespmem:$0x4B00] =	vst v63  }
0x9e: {  	s8 =	rddreg [dreg:$0xc]  }
0x9f: {  	[tilespmem:s16], [sflag:$0x2] =	stream.linear.gather [hbm4b:s20+s12], $0x500, $0x38;
	[tilespmem:$0x4B00] =	vst v63  }
0xa0: {  	s13 =	rddreg [dreg:$0x14]  }
0xa1: {  	[tilespmem:s18], [sflag:$0x3] =	stream.linear.gather [hbm4b:s8+s12], $0x500, $0x38;
	[tilespmem:$0x4B00] =	vst v63  }
0xa2: {  	s20 =	rddreg [dreg:$0x15]  }
0xa3: {  	[tilespmem:s19], [sflag:$0x4] =	stream.linear.gather [hbm4b:s13+s12], $0x500, $0x38;
	[tilespmem:$0x4B00] =	vst v63  }
0xa4: {  	s8 =	rddreg [dreg:$0x17]  }
0xa5: {  	[tilespmem:s21], [sflag:$0x5] =	stream.linear.gather [hbm4b:s20+s12], $0x500, $0x38;
	[tilespmem:$0x4B00] =	vst v63  }
.LBB2_4:
0xa6: {  	_ =	swait.ge [sflag:s22], $0x190  }
0xa7: {  	[sflag:s22] =	ssyncset.done $0x0  }
0xa8: {  	[sflag:s22] =	ssyncadd.s32 $0xFFFFFE70  }
0xa9: {  	_ =	swait.ge [sflag:s23], $0x500  }
0xaa: {  	[sflag:s23] =	ssyncset.done $0x0  }
0xab: {  	[sflag:s23] =	ssyncadd.s32 $0xFFFFFB00  }
0xac: {  	[spmem:s2] =	stream.indirect.scatter.add.f32 [tilespmem:s3], [sflag:$0x8], $0x10, s10, s17, $0xb8;
	[tilespmem:$0x4B00] =	vst v63  }
0xad: {  	_ =	swait.ge [sflag:s14], $0x500  }
0xae: {  	[sflag:s14] =	ssyncset.done $0x0  }
0xaf: {  	s13 =	sadd.s32 s12, s11;
	[sflag:s14] =	ssyncadd.s32 $0xFFFFFB00  }
0xb0: {  	[tilespmem:s3], [sflag:$0x1] =	stream.linear.gather [hbm4b:s13+s3], $0x500, $0x38;
	[tilespmem:$0x4B00] =	vst v63  }
0xb1: {  	_ =	swait.ge [sflag:s24], $0x500  }
0xb2: {  	[sflag:s24] =	ssyncset.done $0x0  }
0xb3: {  	s20 =	simm.s32 $0x1950;
	[sflag:s24] =	ssyncadd.s32 $0xFFFFFB00  }
0xb4: {  	[spmem:s2] =	stream.indirect.scatter.add.f32 [tilespmem:s16], [sflag:$0x8], $0x10, s20, s17, $0xb8;
	[tilespmem:$0x4B00] =	vst v63  }
0xb5: {  	_ =	swait.ge [sflag:s14], $0x500  }
0xb6: {  	[sflag:s14] =	ssyncset.done $0x0  }
0xb7: {  	s20 =	sadd.s32 s12, s4;
	[sflag:s14] =	ssyncadd.s32 $0xFFFFFB00  }
0xb8: {  	[tilespmem:s16], [sflag:$0x2] =	stream.linear.gather [hbm4b:s20+s3], $0x500, $0x38;
	[tilespmem:$0x4B00] =	vst v63  }
0xb9: {  	_ =	swait.ge [sflag:s5], $0x500  }
0xba: {  	[sflag:s5] =	ssyncset.done $0x0  }
0xbb: {  	s20 =	simm.s32 $0x19A0;
	[sflag:s5] =	ssyncadd.s32 $0xFFFFFB00  }
0xbc: {  	[spmem:s2] =	stream.indirect.scatter.add.f32 [tilespmem:s18], [sflag:$0x8], $0x10, s20, s17, $0xb8;
	[tilespmem:$0x4B00] =	vst v63  }
0xbd: {  	_ =	swait.ge [sflag:s14], $0x500  }
0xbe: {  	[sflag:s14] =	ssyncset.done $0x0  }
0xbf: {  	s20 =	sadd.s32 s12, s0;
	[sflag:s14] =	ssyncadd.s32 $0xFFFFFB00  }
0xc0: {  	[tilespmem:s18], [sflag:$0x3] =	stream.linear.gather [hbm4b:s20+s3], $0x500, $0x38;
	[tilespmem:$0x4B00] =	vst v63  }
0xc1: {  	_ =	swait.ge [sflag:s7], $0x500  }
0xc2: {  	[sflag:s7] =	ssyncset.done $0x0  }
0xc3: {  	s20 =	simm.s32 $0x19F0;
	[sflag:s7] =	ssyncadd.s32 $0xFFFFFB00  }
0xc4: {  	[spmem:s2] =	stream.indirect.scatter.add.f32 [tilespmem:s19], [sflag:$0x8], $0x10, s20, s17, $0xb8;
	[tilespmem:$0x4B00] =	vst v63  }
0xc5: {  	_ =	swait.ge [sflag:s14], $0x500  }
0xc6: {  	[sflag:s14] =	ssyncset.done $0x0  }
0xc7: {  	s20 =	sadd.s32 s12, s31;
	[sflag:s14] =	ssyncadd.s32 $0xFFFFFB00  }
0xc8: {  	[tilespmem:s19], [sflag:$0x4] =	stream.linear.gather [hbm4b:s20+s3], $0x500, $0x38;
	[tilespmem:$0x4B00] =	vst v63  }
0xc9: {  	_ =	swait.ge [sflag:s9], $0x500  }
0xca: {  	[sflag:s9] =	ssyncset.done $0x0  }
0xcb: {  	s20 =	simm.s32 $0x1A40;
	[sflag:s9] =	ssyncadd.s32 $0xFFFFFB00  }
0xcc: {  	[spmem:s2] =	stream.indirect.scatter.add.f32 [tilespmem:s21], [sflag:$0x8], $0x10, s20, s17, $0xb8;
	[tilespmem:$0x4B00] =	vst v63  }
0xcd: {  	_ =	swait.ge [sflag:s14], $0x500  }
0xce: {  	[sflag:s14] =	ssyncset.done $0x0  }
0xcf: {  	s20 =	sadd.s32 s12, s30;
	[sflag:s14] =	ssyncadd.s32 $0xFFFFFB00  }
0xd0: {  	[tilespmem:s21], [sflag:$0x5] =	stream.linear.gather [hbm4b:s20+s3], $0x500, $0x38;
	[tilespmem:$0x4B00] =	vst v63  }
0xd1: {  	s13 =	sshrl.u32 s6, $0x3;
	s20 =	rddreg [dreg:$0x1]  }
0xd2: {  	s13 =	sadd.s32 s20, s13  }
0xd3: {  	[tilespmem:s10], [sflag:$0x6] =	stream.linear.gather [hbm4b:s13+s3], $0x190, $0x38;
	[tilespmem:$0x4B00] =	vst v63  }
0xd4: {  	_ =	swait.ge [sflag:s1], $0x190  }
0xd5: {  	[sflag:s1] =	ssyncset.done $0x0  }
0xd6: {  	[sflag:s1] =	ssyncadd.s32 $0xFFFFFE70  }
0xd7: {  	_ =	swait.ge [sflag:s23], $0x500  }
0xd8: {  	[sflag:s23] =	ssyncset.done $0x0  }
0xd9: {  	[sflag:s23] =	ssyncadd.s32 $0xFFFFFB00  }
0xda: {  	[spmem:s2] =	stream.indirect.scatter.add.f32 [tilespmem:s3], [sflag:$0x8], $0x10, s15, s17, $0xb8;
	[tilespmem:$0x4B00] =	vst v63  }
0xdb: {  	_ =	swait.ge [sflag:s14], $0x500  }
0xdc: {  	[sflag:s14] =	ssyncset.done $0x0;
	s20 =	rddreg [dreg:$0x13]  }
0xdd: {  	[sflag:s14] =	ssyncadd.s32 $0xFFFFFB00;
	s13 =	sadd.s32 s12, s20  }
0xde: {  	[tilespmem:s3], [sflag:$0x1] =	stream.linear.gather [hbm4b:s13+s3], $0x500, $0x38;
	[tilespmem:$0x4B00] =	vst v63  }
0xdf: {  	_ =	swait.ge [sflag:s24], $0x500  }
0xe0: {  	[sflag:s24] =	ssyncset.done $0x0  }
0xe1: {  	s20 =	simm.s32 $0x1AE0;
	[sflag:s24] =	ssyncadd.s32 $0xFFFFFB00  }
0xe2: {  	[spmem:s2] =	stream.indirect.scatter.add.f32 [tilespmem:s16], [sflag:$0x8], $0x10, s20, s17, $0xb8;
	[tilespmem:$0x4B00] =	vst v63  }
0xe3: {  	_ =	swait.ge [sflag:s14], $0x500  }
0xe4: {  	[sflag:s14] =	ssyncset.done $0x0  }
0xe5: {  	s20 =	sadd.s32 s12, s25;
	[sflag:s14] =	ssyncadd.s32 $0xFFFFFB00  }
0xe6: {  	[tilespmem:s16], [sflag:$0x2] =	stream.linear.gather [hbm4b:s20+s3], $0x500, $0x38;
	[tilespmem:$0x4B00] =	vst v63  }
0xe7: {  	_ =	swait.ge [sflag:s5], $0x500  }
0xe8: {  	[sflag:s5] =	ssyncset.done $0x0  }
0xe9: {  	s20 =	simm.s32 $0x1B30;
	[sflag:s5] =	ssyncadd.s32 $0xFFFFFB00  }
0xea: {  	[spmem:s2] =	stream.indirect.scatter.add.f32 [tilespmem:s18], [sflag:$0x8], $0x10, s20, s17, $0xb8;
	[tilespmem:$0x4B00] =	vst v63  }
0xeb: {  	_ =	swait.ge [sflag:s14], $0x500  }
0xec: {  	[sflag:s14] =	ssyncset.done $0x0  }
0xed: {  	s20 =	sadd.s32 s12, s26;
	[sflag:s14] =	ssyncadd.s32 $0xFFFFFB00  }
0xee: {  	[tilespmem:s18], [sflag:$0x3] =	stream.linear.gather [hbm4b:s20+s3], $0x500, $0x38;
	[tilespmem:$0x4B00] =	vst v63  }
0xef: {  	_ =	swait.ge [sflag:s7], $0x500  }
0xf0: {  	[sflag:s7] =	ssyncset.done $0x0  }
0xf1: {  	s20 =	simm.s32 $0x1B80;
	[sflag:s7] =	ssyncadd.s32 $0xFFFFFB00  }
0xf2: {  	[spmem:s2] =	stream.indirect.scatter.add.f32 [tilespmem:s19], [sflag:$0x8], $0x10, s20, s17, $0xb8;
	[tilespmem:$0x4B00] =	vst v63  }
0xf3: {  	_ =	swait.ge [sflag:s14], $0x500  }
0xf4: {  	[sflag:s14] =	ssyncset.done $0x0  }
0xf5: {  	s20 =	sadd.s32 s12, s28;
	[sflag:s14] =	ssyncadd.s32 $0xFFFFFB00  }
0xf6: {  	[tilespmem:s19], [sflag:$0x4] =	stream.linear.gather [hbm4b:s20+s3], $0x500, $0x38;
	[tilespmem:$0x4B00] =	vst v63  }
0xf7: {  	_ =	swait.ge [sflag:s9], $0x500  }
0xf8: {  	[sflag:s9] =	ssyncset.done $0x0  }
0xf9: {  	p0 =	seq.s32 s12, $0x44C0;
	s20 =	simm.s32 $0x1BD0;
	[sflag:s9] =	ssyncadd.s32 $0xFFFFFB00  }
0xfa: {  	[spmem:s2] =	stream.indirect.scatter.add.f32 [tilespmem:s21], [sflag:$0x8], $0x10, s20, s17, $0xb8;
	[tilespmem:$0x4B00] =	vst v63  }
.Ltmp3:
0xfb: {  	_ = 	snop;
	(pc) =	sbr.rel @p0 .LBB2_6-.Ltmp3, $4  }
0xfc: {  	_ =	swait.ge [sflag:s14], $0x500  }
0xfd: {  	[sflag:s14] =	ssyncset.done $0x0  }
0xfe: {  	s20 =	sadd.s32 s12, s29;
	[sflag:s14] =	ssyncadd.s32 $0xFFFFFB00  }
0xff: {  	[tilespmem:s21], [sflag:$0x5] =	stream.linear.gather [hbm4b:s20+s3], $0x500, $0x38;
	[tilespmem:$0x4B00] =	vst v63  }
.Ltmp4:
0x100: {  	(pc) =	sbr.rel .LBB2_4-.Ltmp4, $3  }
0x101: {  	_ =	sdelay $0x1  }
0x102: {  	[tilespmem:s15], [sflag:$0x7] =	stream.linear.gather [hbm4b:s8+s3], $0x190, $0x38;
	[tilespmem:$0x4B00] =	vst v63  }
0x103: {  	s12 =	sadd.s32 $0x640, s12;
	s8 =	sadd.s32 $0x64, s8;
	s6 =	sadd.s32 $0x320, s6  }
.LBB2_7:
0x104: {  	_ =	sfence.sel $0x180000  }
0x105: {  	[bflag:$0x0] =	sbarrier.arrive $0xFFFF  }
0x106: {  	_ =	strace $0x9000004A  }
0x107: {  	s0 =	stileid.u32;
	[bflag:$0x2] =	sbarrier.arrive $0xFFFF  }
0x108: {  	p0 =	sne.s32 s0, $0x0;
	s0 =	rddreg [dreg:$0x3]  }
0x109: {  	s0 =	sadd.s32 @!p0 $0x100000, s0  }
0x10a: {  	[sflag:s0] =	ssyncadd.tile.s32 @!p0 $0x1;
	_ =	shalt  }
.Lfunc_end2:
_tile_overlayer_lowered:
.L_overlay_start_2:
0x10b: {  	(tag) =	ssettag $0x2  }
0x10c: {  	s0 =	rddreg [dreg:$0x0];
	s2 =	stileid.u32  }
0x10d: {  	s1 =	rddreg [dreg:$0x1];
	p0 =	sne.s32 s2, $0x0  }
0x10e: {  	s3 =	rddreg [dreg:$0x2];
	[bflag:$0x3] =	sbarrier.arrive $0xFFFF;
	s2 =	simm.s32 @!p0 $0x1C08  }
0x10f: {  	[timem:s3], [sflag:s2] =	dma.local @!p0 [hbm:s0], s1  }
0x110: {  	s0 =	simm.s32 @!p0 $0x8  }
0x111: {  	_ =	swait.ge @!p0 [sflag:s0], s1  }
0x112: {  	s1 =	ssub.s32 @!p0 $0x0, s1;
	[sflag:s0] =	ssyncset.done @!p0 $0x0  }
0x113: {  	[sflag:s0] =	ssyncadd.s32 @!p0 s1  }
0x114: {  	[bflag:$0x3] =	sbarrier.arrive $0xFFFF  }
0x115: {  	_ =	shalt  }

</sc_bundles>
